<compile_context>
chip_gen: v7x
topology: tpu7x:2x2x1
jax: 0.10.2.dev20260603
libtpu: 0.0.44.dev20260713+nightly
codegen_flags: <defaults>
</compile_context>

<pallas_src>
import jax
import jax.numpy as jnp
from jax import lax
from jax.experimental import pallas as pl
from jax.experimental.pallas import tpu as pltpu
from jax.experimental.pallas import tpu_sc as plsc

B, H, W, C = 8, 112, 112, 96
HO, WO = 224, 224
CW = 16
NCG = C // CW
NSUB = 16
HPT = H // NSUB
YPT = HO // NSUB
POS = HPT * W
NROW = POS // 8
CHUNK = HO * WO * CW
SLICE = CHUNK // NSUB
NZ = SLICE // 16
ROWW = WO * CW


NCHUNK = B // 2 * NCG


def _body(x_hbm, idx_hbm, zo_hbm, out_hbm,
          raw_val, raw_idx, svals, soffs, zeros, zo_v, chunk,
          sem_in, sem_sc, sem_fl):
    c = lax.axis_index("c")
    s = lax.axis_index("s")
    lane = lax.iota(jnp.int32, 16)
    h0 = s * HPT
    y0 = s * YPT

    @pl.loop(0, NZ // 16)
    def _zero_init(i):
        zeros[pl.ds(i * 16, 16)] = jnp.zeros((16,), jnp.float32)

    pltpu.sync_copy(zo_hbm, zo_v)
    zo = zo_v[...]

    def fire_loads(k, p):
        b = c * (B // 2) + k // NCG
        cg = k - (k // NCG) * NCG
        pltpu.async_copy(
            x_hbm.at[cg, b, pl.ds(h0, HPT), :], raw_val.at[p], sem_in)
        pltpu.async_copy(
            idx_hbm.at[cg, b, pl.ds(h0, HPT), :], raw_idx.at[p], sem_in)

    def wait_loads(p):
        pltpu.make_async_copy(
            x_hbm.at[0, 0, pl.ds(0, HPT), :], raw_val.at[p], sem_in).wait()
        pltpu.make_async_copy(
            idx_hbm.at[0, 0, pl.ds(0, HPT), :], raw_idx.at[p], sem_in).wait()

    fire_loads(0, 0)
    for z in range(16):
        pltpu.sync_copy(zeros, chunk.at[pl.ds(s * SLICE + z * NZ, NZ)])
    plsc.subcore_barrier()

    @pl.loop(0, NCHUNK)
    def _chunk_loop(k):
        b = c * (B // 2) + k // NCG
        cg = k - (k // NCG) * NCG
        p = k - (k // 2) * 2

        wait_loads(p)

        @pl.when(k < NCHUNK - 1)
        def _prefetch():
            fire_loads(k + 1, 1 - p)

        c5 = jnp.full((16,), 5, jnp.int32)
        c9 = jnp.full((16,), 9, jnp.int32)
        c511 = jnp.full((16,), 511, jnp.int32)
        c170 = jnp.full((16,), 170, jnp.int32)
        cmag = jnp.full((16,), 10923, jnp.int32)
        c15 = jnp.full((16,), 15, jnp.int32)
        c16 = jnp.full((16,), CW, jnp.int32)

        @pl.loop(0, HPT)
        def _h_loop(hh):
            @pl.loop(0, W // 8)
            def _w_loop(wb):
                row = hh * (W // 8) + wb
                for pp in range(8):
                    vi = raw_idx[p, hh, pl.ds((wb * 8 + pp) * CW, 16)]
                    vv = raw_val[p, hh, pl.ds((wb * 8 + pp) * CW, 16)]
                    a = lax.shift_right_logical(lax.add(vi, zo), c5)
                    b2 = lax.shift_right_logical(a, c9)
                    t = lax.add(lax.add(b2, b2), lax.bitwise_and(a, c511))
                    q = lax.add(
                        lax.mul(b2, c170),
                        lax.shift_right_logical(lax.mul(t, cmag), c15))
                    off = lax.add(lax.mul(q, c16), lane)
                    soffs[row, pl.ds(pp * 16, 16)] = off
                    svals[row, pl.ds(pp * 16, 16)] = vv
                pltpu.async_copy(svals.at[row], chunk.at[soffs.at[row]],
                                 sem_sc, add=True)

        @pl.loop(0, NROW)
        def _drain(r):
            pltpu.make_async_copy(svals.at[0], chunk.at[soffs.at[0]],
                                  sem_sc).wait()

        plsc.subcore_barrier()

        @pl.loop(0, YPT)
        def _flush_fire(yy):
            pltpu.async_copy(chunk.at[pl.ds((y0 + yy) * ROWW, ROWW)],
                             out_hbm.at[cg, b, y0 + yy, :], sem_fl)

        @pl.loop(0, YPT)
        def _flush_drain(yy):
            pltpu.make_async_copy(chunk.at[pl.ds(y0 * ROWW, ROWW)],
                                  out_hbm.at[cg, b, y0, :], sem_fl).wait()

        @pl.loop(0, 16)
        def _zero_fire(z):
            pltpu.async_copy(zeros, chunk.at[pl.ds(s * SLICE + z * NZ, NZ)],
                             sem_fl)

        @pl.loop(0, 16)
        def _zero_drain(z):
            pltpu.make_async_copy(zeros, chunk.at[pl.ds(s * SLICE, NZ)],
                                  sem_fl).wait()

        plsc.subcore_barrier()


@jax.jit
def _unpool(x, idx, zo16):
    x = (x.reshape(B, H, W, NCG, CW).transpose(3, 0, 1, 2, 4)
         .reshape(NCG, B, H, W * CW))
    idx = (idx.reshape(B, H, W, NCG, CW).transpose(3, 0, 1, 2, 4)
           .reshape(NCG, B, H, W * CW))
    fn = pl.kernel(
        _body,
        out_type=jax.ShapeDtypeStruct((NCG, B, HO, ROWW), jnp.float32),
        mesh=plsc.VectorSubcoreMesh(core_axis_name="c", subcore_axis_name="s"),
        compiler_params=pltpu.CompilerParams(use_tc_tiling_on_sc=False),
        scratch_types=[
            pltpu.VMEM((2, HPT, W * CW), jnp.float32),
            pltpu.VMEM((2, HPT, W * CW), jnp.int32),
            pltpu.VMEM((NROW, 128), jnp.float32),
            pltpu.VMEM((NROW, 128), jnp.int32),
            pltpu.VMEM((NZ,), jnp.float32),
            pltpu.VMEM((16,), jnp.int32),
            pltpu.VMEM_SHARED((CHUNK,), jnp.float32),
            pltpu.SemaphoreType.DMA,
            pltpu.SemaphoreType.DMA,
            pltpu.SemaphoreType.DMA,
        ],
    )
    out_t = fn(x, idx, zo16)
    return (out_t.reshape(NCG, B, HO, WO, CW)
            .transpose(1, 2, 3, 0, 4)
            .reshape(B, HO, WO, C))


def kernel(inputs, pooling_indices, output_shape):
    shape_arr = jnp.asarray(output_shape).astype(jnp.int32)
    zo = jnp.sum(shape_arr) - jnp.int32(B + HO + WO + C)
    zo16 = jnp.broadcast_to(zo, (16,)).astype(jnp.int32)
    return _unpool(inputs, pooling_indices.astype(jnp.int32), zo16)

# --- scband reference (transcript-rebuilt; emitter-appended) ---
"""Pipeline reference for scband-max-unpooling2-dmod-75591424410236 (READ-ONLY COPY).

The authoritative reference and input builder live on the scoring server;
editing this copy changes nothing except your own understanding.
"""

import jax, jax.numpy as jnp
import numpy as np


def setup_inputs(seed: int = 0) -> dict:
    key = jax.random.key(seed)
    k1, k2 = jax.random.split(key)
    B, H, W, C = 8, 112, 112, 96
    Hout, Wout = 224, 224
    inputs = jax.random.normal(k1, (B, H, W, C), dtype=jnp.float32)
    # Flat argmax-style indices into (Hout*Wout*C) space, as produced by
    # tf.nn.max_pool_with_argmax (per-batch flattened offsets).
    pooling_indices = jax.random.randint(
        k2, (B, H, W, C), 0, Hout * Wout * C, dtype=jnp.int32
    )
    output_shape = np.array([B, Hout, Wout, C], dtype=np.int64)
    return {
        "inputs": inputs,
        "pooling_indices": pooling_indices,
        "output_shape": output_shape,
    }


def reference(inputs, pooling_indices, output_shape):
    # Faithful translation of MaxUnpooling2DMod.max_unpool.
    B = inputs.shape[0]
    C = inputs.shape[3]
    Hout, Wout = 224, 224
    out_shape = (B, Hout, Wout, C)
    shape_arr = jnp.asarray(output_shape)
    zero_offset = (shape_arr - jnp.asarray(out_shape, dtype=shape_arr.dtype)).sum()
    idx = pooling_indices.astype(jnp.int32) + zero_offset.astype(jnp.int32)
    ones = jnp.ones_like(idx)
    batch_range = jnp.arange(B, dtype=jnp.int32).reshape(B, 1, 1, 1)
    b = ones * batch_range
    y = idx // (Wout * C)
    x = (idx // C) % Wout
    f = ones * jnp.arange(C, dtype=jnp.int32)
    n = inputs.size
    bi = b.reshape(n)
    yi = y.reshape(n)
    xi = x.reshape(n)
    fi = f.reshape(n)
    values = inputs.reshape(n)
    # tf.scatter_nd sums contributions for duplicate indices -> scatter-add.
    out = jnp.zeros(out_shape, dtype=inputs.dtype)
    out = out.at[bi, yi, xi, fi].add(values)
    return out

if __name__ == "__main__":
    import jax
    _d = setup_inputs()
    print(jax.jit(kernel)(*tuple(_d.values())))

</pallas_src>

<mosaic_0001>
#map = affine_map<(d0, d1) -> (0, 0, 0, 0)>
#map1 = affine_map<(d0, d1) -> (0)>
module attributes {stable_mosaic.version = 14 : i64} {
  func.func @_body(%arg0: i32, %arg1: i32, %arg2: memref<6x8x112x1792xf32, #tpu.memory_space<hbm>>, %arg3: memref<6x8x112x1792xi32, #tpu.memory_space<hbm>>, %arg4: memref<16xi32, #tpu.memory_space<hbm>>, %arg5: memref<6x8x224x3584xf32, #tpu.memory_space<hbm>>, %arg6: memref<2x7x1792xf32, #tpu.memory_space<vmem>>, %arg7: memref<2x7x1792xi32, #tpu.memory_space<vmem>>, %arg8: memref<98x128xf32, #tpu.memory_space<vmem>>, %arg9: memref<98x128xi32, #tpu.memory_space<vmem>>, %arg10: memref<3136xf32, #tpu.memory_space<vmem>>, %arg11: memref<16xi32, #tpu.memory_space<vmem>>, %arg12: memref<802816xf32, #tpu.memory_space<vmem_shared>>, %arg13: memref<!tpu.dma_semaphore, #tpu.memory_space<semaphore_mem>>, %arg14: memref<!tpu.dma_semaphore, #tpu.memory_space<semaphore_mem>>, %arg15: memref<!tpu.dma_semaphore, #tpu.memory_space<semaphore_mem>>) attributes {dimension_semantics = [#tpu.dimension_semantics<core_parallel>, #tpu.dimension_semantics<subcore_parallel>], iteration_bounds = array<i64: 2, 16>, scalar_prefetch = 0 : i64, scratch_operands = 10 : i64, tpu.core_type = #tpu.core_type<sc_vector_subcore>, window_params = [{transform_indices = #map}, {transform_indices = #map}, {transform_indices = #map1}, {transform_indices = #map}]} {
    %iota3A = tpu.iota {dimensions = array<i32: 0>} : vector<16xi32>
    %mul3A = arith.constant 7 : i32
    %mul3A_0 = arith.muli %arg1, %mul3A : i32
    %mul3A_1 = arith.constant 14 : i32
    %mul3A_2 = arith.muli %arg1, %mul3A_1 : i32
    %scan3A = arith.constant 0 : i32
    %scan3A_3 = arith.constant 196 : i32
    %scan3A_4 = arith.addi %scan3A, %scan3A_3 : i32
    %scan3A_5 = arith.constant 1 : i32
    scf.for %scan3A_112 = %scan3A to %scan3A_4 step %scan3A_5  : i32 {
      %mul3A_113 = arith.constant 1 : i32
      %mul3A_114 = arith.muli %scan3A_112, %mul3A_113 : i32
      %add3A_115 = arith.constant 0 : i32
      %add3A_116 = arith.addi %add3A_115, %mul3A_114 : i32
      %broadcast_in_dim3A = arith.constant 0.000000e+00 : f32
      %broadcast_in_dim3A_117 = vector.broadcast %broadcast_in_dim3A : f32 to vector<16xf32>
      %mul3A_118 = arith.constant 16 : i32
      %mul3A_119 = arith.muli %add3A_116, %mul3A_118 : i32
      %swap3A = arith.index_cast %mul3A_119 : i32 to index
      %swap3A_120 = tpu.vector_load %arg10[%swap3A] {strides = array<i32>} : memref<3136xf32, #tpu.memory_space<vmem>>, vector<16xf32>,
      %swap3A_121 = vector.shape_cast %swap3A_120 : vector<16xf32> to vector<16xf32>
      %swap3A_122 = vector.shape_cast %broadcast_in_dim3A_117 : vector<16xf32> to vector<16xf32>
      tpu.vector_store %arg10[%swap3A], %swap3A_122 {strides = array<i32>} : memref<3136xf32, #tpu.memory_space<vmem>>, vector<16xf32>,
    }
    %scan3A_6 = arith.constant 196 : i32
    "tpu.region"() ({
      %run_scoped3A = tpu.sem_alloc : memref<!tpu.dma_semaphore, #tpu.memory_space<semaphore_mem>>
      tpu.enqueue_dma source(%arg4 : memref<16xi32, #tpu.memory_space<hbm>>) target(%arg11 : memref<16xi32, #tpu.memory_space<vmem>>) target_semaphore(%run_scoped3A : memref<!tpu.dma_semaphore, #tpu.memory_space<semaphore_mem>>)
      tpu.wait_dma2 semaphore(%run_scoped3A : memref<!tpu.dma_semaphore, #tpu.memory_space<semaphore_mem>>) src(%arg4 : memref<16xi32, #tpu.memory_space<hbm>>) dst(%arg11 : memref<16xi32, #tpu.memory_space<vmem>>)
      tpu.yield
    }) : () -> ()
    %get3A = arith.constant 0 : index
    %get3A_7 = tpu.vector_load %arg11[%get3A] {strides = array<i32>} : memref<16xi32, #tpu.memory_space<vmem>>, vector<16xi32>,
    %get3A_8 = vector.shape_cast %get3A_7 : vector<16xi32> to vector<16xi32>
    %mul3A_9 = arith.constant 4 : i32
    %mul3A_10 = arith.muli %arg0, %mul3A_9 : i32
    %add3A = arith.constant 0 : i32
    %add3A_11 = arith.addi %mul3A_10, %add3A : i32
    %dma_start3A = arith.constant 0 : i32
    %dma_start3A_12 = arith.constant 0 : i32
    %dma_start3A_13 = arith.constant 0 : i32
    %dma_start3A_14 = arith.constant 0 : i32
    %dma_start3A_15 = tpu.memref_slice %arg6[%dma_start3A_12, %dma_start3A_13, %dma_start3A_14] : memref<2x7x1792xf32, #tpu.memory_space<vmem>> -> memref<1x7x1792xf32, #tpu.memory_space<vmem>>
    %dma_start3A_16 = tpu.memref_squeeze %dma_start3A_15 : memref<1x7x1792xf32, #tpu.memory_space<vmem>> -> memref<7x1792xf32, #tpu.memory_space<vmem>>
    %dma_start3A_17 = arith.constant 0 : i32
    %dma_start3A_18 = tpu.memref_slice %arg2[%dma_start3A, %add3A_11, %mul3A_0, %dma_start3A_17] : memref<6x8x112x1792xf32, #tpu.memory_space<hbm>> -> memref<1x1x7x1792xf32, #tpu.memory_space<hbm>>
    %dma_start3A_19 = tpu.memref_squeeze %dma_start3A_18 : memref<1x1x7x1792xf32, #tpu.memory_space<hbm>> -> memref<7x1792xf32, #tpu.memory_space<hbm>>
    %dma_start3A_20 = arith.constant 0 : i32
    %dma_start3A_21 = arith.constant 0 : i32
    %dma_start3A_22 = tpu.memref_slice %arg6[%dma_start3A_12, %dma_start3A_20, %dma_start3A_21] : memref<2x7x1792xf32, #tpu.memory_space<vmem>> -> memref<1x7x1792xf32, #tpu.memory_space<vmem>>
    %dma_start3A_23 = tpu.memref_squeeze %dma_start3A_22 : memref<1x7x1792xf32, #tpu.memory_space<vmem>> -> memref<7x1792xf32, #tpu.memory_space<vmem>>
    %dma_start3A_24 = arith.constant 0 : i32
    %dma_start3A_25 = tpu.memref_slice %arg2[%dma_start3A, %add3A_11, %mul3A_0, %dma_start3A_24] : memref<6x8x112x1792xf32, #tpu.memory_space<hbm>> -> memref<1x1x7x1792xf32, #tpu.memory_space<hbm>>
    %dma_start3A_26 = tpu.memref_squeeze %dma_start3A_25 : memref<1x1x7x1792xf32, #tpu.memory_space<hbm>> -> memref<7x1792xf32, #tpu.memory_space<hbm>>
    tpu.enqueue_dma source(%dma_start3A_26 : memref<7x1792xf32, #tpu.memory_space<hbm>>) target(%dma_start3A_23 : memref<7x1792xf32, #tpu.memory_space<vmem>>) target_semaphore(%arg13 : memref<!tpu.dma_semaphore, #tpu.memory_space<semaphore_mem>>)
    %dma_start3A_27 = arith.constant 0 : i32
    %dma_start3A_28 = arith.constant 0 : i32
    %dma_start3A_29 = arith.constant 0 : i32
    %dma_start3A_30 = arith.constant 0 : i32
    %dma_start3A_31 = tpu.memref_slice %arg7[%dma_start3A_28, %dma_start3A_29, %dma_start3A_30] : memref<2x7x1792xi32, #tpu.memory_space<vmem>> -> memref<1x7x1792xi32, #tpu.memory_space<vmem>>
    %dma_start3A_32 = tpu.memref_squeeze %dma_start3A_31 : memref<1x7x1792xi32, #tpu.memory_space<vmem>> -> memref<7x1792xi32, #tpu.memory_space<vmem>>
    %dma_start3A_33 = arith.constant 0 : i32
    %dma_start3A_34 = tpu.memref_slice %arg3[%dma_start3A_27, %add3A_11, %mul3A_0, %dma_start3A_33] : memref<6x8x112x1792xi32, #tpu.memory_space<hbm>> -> memref<1x1x7x1792xi32, #tpu.memory_space<hbm>>
    %dma_start3A_35 = tpu.memref_squeeze %dma_start3A_34 : memref<1x1x7x1792xi32, #tpu.memory_space<hbm>> -> memref<7x1792xi32, #tpu.memory_space<hbm>>
    %dma_start3A_36 = arith.constant 0 : i32
    %dma_start3A_37 = arith.constant 0 : i32
    %dma_start3A_38 = tpu.memref_slice %arg7[%dma_start3A_28, %dma_start3A_36, %dma_start3A_37] : memref<2x7x1792xi32, #tpu.memory_space<vmem>> -> memref<1x7x1792xi32, #tpu.memory_space<vmem>>
    %dma_start3A_39 = tpu.memref_squeeze %dma_start3A_38 : memref<1x7x1792xi32, #tpu.memory_space<vmem>> -> memref<7x1792xi32, #tpu.memory_space<vmem>>
    %dma_start3A_40 = arith.constant 0 : i32
    %dma_start3A_41 = tpu.memref_slice %arg3[%dma_start3A_27, %add3A_11, %mul3A_0, %dma_start3A_40] : memref<6x8x112x1792xi32, #tpu.memory_space<hbm>> -> memref<1x1x7x1792xi32, #tpu.memory_space<hbm>>
    %dma_start3A_42 = tpu.memref_squeeze %dma_start3A_41 : memref<1x1x7x1792xi32, #tpu.memory_space<hbm>> -> memref<7x1792xi32, #tpu.memory_space<hbm>>
    tpu.enqueue_dma source(%dma_start3A_42 : memref<7x1792xi32, #tpu.memory_space<hbm>>) target(%dma_start3A_39 : memref<7x1792xi32, #tpu.memory_space<vmem>>) target_semaphore(%arg13 : memref<!tpu.dma_semaphore, #tpu.memory_space<semaphore_mem>>)
    %mul3A_43 = arith.constant 50176 : i32
    %mul3A_44 = arith.muli %arg1, %mul3A_43 : i32
    %add3A_45 = arith.constant 0 : i32
    %add3A_46 = arith.addi %mul3A_44, %add3A_45 : i32
    "tpu.region"() ({
      %run_scoped3A = tpu.sem_alloc : memref<!tpu.dma_semaphore, #tpu.memory_space<semaphore_mem>>
      %dma_start3A_112 = tpu.memref_slice %arg12[%add3A_46] : memref<802816xf32, #tpu.memory_space<vmem_shared>> -> memref<3136xf32, #tpu.memory_space<vmem_shared>>
      %dma_start3A_113 = tpu.memref_slice %arg12[%add3A_46] : memref<802816xf32, #tpu.memory_space<vmem_shared>> -> memref<3136xf32, #tpu.memory_space<vmem_shared>>
      tpu.enqueue_dma source(%arg10 : memref<3136xf32, #tpu.memory_space<vmem>>) target(%dma_start3A_113 : memref<3136xf32, #tpu.memory_space<vmem_shared>>) target_semaphore(%run_scoped3A : memref<!tpu.dma_semaphore, #tpu.memory_space<semaphore_mem>>)
      %dma_wait3A = tpu.memref_slice %arg12[%add3A_46] : memref<802816xf32, #tpu.memory_space<vmem_shared>> -> memref<3136xf32, #tpu.memory_space<vmem_shared>>
      %dma_wait3A_114 = tpu.memref_slice %arg12[%add3A_46] : memref<802816xf32, #tpu.memory_space<vmem_shared>> -> memref<3136xf32, #tpu.memory_space<vmem_shared>>
      tpu.wait_dma2 semaphore(%run_scoped3A : memref<!tpu.dma_semaphore, #tpu.memory_space<semaphore_mem>>) src(%arg10 : memref<3136xf32, #tpu.memory_space<vmem>>) dst(%dma_wait3A_114 : memref<3136xf32, #tpu.memory_space<vmem_shared>>)
      tpu.yield
    }) : () -> ()
    %mul3A_47 = arith.constant 50176 : i32
    %mul3A_48 = arith.muli %arg1, %mul3A_47 : i32
    %add3A_49 = arith.constant 3136 : i32
    %add3A_50 = arith.addi %mul3A_48, %add3A_49 : i32
    "tpu.region"() ({
      %run_scoped3A = tpu.sem_alloc : memref<!tpu.dma_semaphore, #tpu.memory_space<semaphore_mem>>
      %dma_start3A_112 = tpu.memref_slice %arg12[%add3A_50] : memref<802816xf32, #tpu.memory_space<vmem_shared>> -> memref<3136xf32, #tpu.memory_space<vmem_shared>>
      %dma_start3A_113 = tpu.memref_slice %arg12[%add3A_50] : memref<802816xf32, #tpu.memory_space<vmem_shared>> -> memref<3136xf32, #tpu.memory_space<vmem_shared>>
      tpu.enqueue_dma source(%arg10 : memref<3136xf32, #tpu.memory_space<vmem>>) target(%dma_start3A_113 : memref<3136xf32, #tpu.memory_space<vmem_shared>>) target_semaphore(%run_scoped3A : memref<!tpu.dma_semaphore, #tpu.memory_space<semaphore_mem>>)
      %dma_wait3A = tpu.memref_slice %arg12[%add3A_50] : memref<802816xf32, #tpu.memory_space<vmem_shared>> -> memref<3136xf32, #tpu.memory_space<vmem_shared>>
      %dma_wait3A_114 = tpu.memref_slice %arg12[%add3A_50] : memref<802816xf32, #tpu.memory_space<vmem_shared>> -> memref<3136xf32, #tpu.memory_space<vmem_shared>>
      tpu.wait_dma2 semaphore(%run_scoped3A : memref<!tpu.dma_semaphore, #tpu.memory_space<semaphore_mem>>) src(%arg10 : memref<3136xf32, #tpu.memory_space<vmem>>) dst(%dma_wait3A_114 : memref<3136xf32, #tpu.memory_space<vmem_shared>>)
      tpu.yield
    }) : () -> ()
    %mul3A_51 = arith.constant 50176 : i32
    %mul3A_52 = arith.muli %arg1, %mul3A_51 : i32
    %add3A_53 = arith.constant 6272 : i32
    %add3A_54 = arith.addi %mul3A_52, %add3A_53 : i32
    "tpu.region"() ({
      %run_scoped3A = tpu.sem_alloc : memref<!tpu.dma_semaphore, #tpu.memory_space<semaphore_mem>>
      %dma_start3A_112 = tpu.memref_slice %arg12[%add3A_54] : memref<802816xf32, #tpu.memory_space<vmem_shared>> -> memref<3136xf32, #tpu.memory_space<vmem_shared>>
      %dma_start3A_113 = tpu.memref_slice %arg12[%add3A_54] : memref<802816xf32, #tpu.memory_space<vmem_shared>> -> memref<3136xf32, #tpu.memory_space<vmem_shared>>
      tpu.enqueue_dma source(%arg10 : memref<3136xf32, #tpu.memory_space<vmem>>) target(%dma_start3A_113 : memref<3136xf32, #tpu.memory_space<vmem_shared>>) target_semaphore(%run_scoped3A : memref<!tpu.dma_semaphore, #tpu.memory_space<semaphore_mem>>)
      %dma_wait3A = tpu.memref_slice %arg12[%add3A_54] : memref<802816xf32, #tpu.memory_space<vmem_shared>> -> memref<3136xf32, #tpu.memory_space<vmem_shared>>
      %dma_wait3A_114 = tpu.memref_slice %arg12[%add3A_54] : memref<802816xf32, #tpu.memory_space<vmem_shared>> -> memref<3136xf32, #tpu.memory_space<vmem_shared>>
      tpu.wait_dma2 semaphore(%run_scoped3A : memref<!tpu.dma_semaphore, #tpu.memory_space<semaphore_mem>>) src(%arg10 : memref<3136xf32, #tpu.memory_space<vmem>>) dst(%dma_wait3A_114 : memref<3136xf32, #tpu.memory_space<vmem_shared>>)
      tpu.yield
    }) : () -> ()
    %mul3A_55 = arith.constant 50176 : i32
    %mul3A_56 = arith.muli %arg1, %mul3A_55 : i32
    %add3A_57 = arith.constant 9408 : i32
    %add3A_58 = arith.addi %mul3A_56, %add3A_57 : i32
    "tpu.region"() ({
      %run_scoped3A = tpu.sem_alloc : memref<!tpu.dma_semaphore, #tpu.memory_space<semaphore_mem>>
      %dma_start3A_112 = tpu.memref_slice %arg12[%add3A_58] : memref<802816xf32, #tpu.memory_space<vmem_shared>> -> memref<3136xf32, #tpu.memory_space<vmem_shared>>
      %dma_start3A_113 = tpu.memref_slice %arg12[%add3A_58] : memref<802816xf32, #tpu.memory_space<vmem_shared>> -> memref<3136xf32, #tpu.memory_space<vmem_shared>>
      tpu.enqueue_dma source(%arg10 : memref<3136xf32, #tpu.memory_space<vmem>>) target(%dma_start3A_113 : memref<3136xf32, #tpu.memory_space<vmem_shared>>) target_semaphore(%run_scoped3A : memref<!tpu.dma_semaphore, #tpu.memory_space<semaphore_mem>>)
      %dma_wait3A = tpu.memref_slice %arg12[%add3A_58] : memref<802816xf32, #tpu.memory_space<vmem_shared>> -> memref<3136xf32, #tpu.memory_space<vmem_shared>>
      %dma_wait3A_114 = tpu.memref_slice %arg12[%add3A_58] : memref<802816xf32, #tpu.memory_space<vmem_shared>> -> memref<3136xf32, #tpu.memory_space<vmem_shared>>
      tpu.wait_dma2 semaphore(%run_scoped3A : memref<!tpu.dma_semaphore, #tpu.memory_space<semaphore_mem>>) src(%arg10 : memref<3136xf32, #tpu.memory_space<vmem>>) dst(%dma_wait3A_114 : memref<3136xf32, #tpu.memory_space<vmem_shared>>)
      tpu.yield
    }) : () -> ()
    %mul3A_59 = arith.constant 50176 : i32
    %mul3A_60 = arith.muli %arg1, %mul3A_59 : i32
    %add3A_61 = arith.constant 12544 : i32
    %add3A_62 = arith.addi %mul3A_60, %add3A_61 : i32
    "tpu.region"() ({
      %run_scoped3A = tpu.sem_alloc : memref<!tpu.dma_semaphore, #tpu.memory_space<semaphore_mem>>
      %dma_start3A_112 = tpu.memref_slice %arg12[%add3A_62] : memref<802816xf32, #tpu.memory_space<vmem_shared>> -> memref<3136xf32, #tpu.memory_space<vmem_shared>>
      %dma_start3A_113 = tpu.memref_slice %arg12[%add3A_62] : memref<802816xf32, #tpu.memory_space<vmem_shared>> -> memref<3136xf32, #tpu.memory_space<vmem_shared>>
      tpu.enqueue_dma source(%arg10 : memref<3136xf32, #tpu.memory_space<vmem>>) target(%dma_start3A_113 : memref<3136xf32, #tpu.memory_space<vmem_shared>>) target_semaphore(%run_scoped3A : memref<!tpu.dma_semaphore, #tpu.memory_space<semaphore_mem>>)
      %dma_wait3A = tpu.memref_slice %arg12[%add3A_62] : memref<802816xf32, #tpu.memory_space<vmem_shared>> -> memref<3136xf32, #tpu.memory_space<vmem_shared>>
      %dma_wait3A_114 = tpu.memref_slice %arg12[%add3A_62] : memref<802816xf32, #tpu.memory_space<vmem_shared>> -> memref<3136xf32, #tpu.memory_space<vmem_shared>>
      tpu.wait_dma2 semaphore(%run_scoped3A : memref<!tpu.dma_semaphore, #tpu.memory_space<semaphore_mem>>) src(%arg10 : memref<3136xf32, #tpu.memory_space<vmem>>) dst(%dma_wait3A_114 : memref<3136xf32, #tpu.memory_space<vmem_shared>>)
      tpu.yield
    }) : () -> ()
    %mul3A_63 = arith.constant 50176 : i32
    %mul3A_64 = arith.muli %arg1, %mul3A_63 : i32
    %add3A_65 = arith.constant 15680 : i32
    %add3A_66 = arith.addi %mul3A_64, %add3A_65 : i32
    "tpu.region"() ({
      %run_scoped3A = tpu.sem_alloc : memref<!tpu.dma_semaphore, #tpu.memory_space<semaphore_mem>>
      %dma_start3A_112 = tpu.memref_slice %arg12[%add3A_66] : memref<802816xf32, #tpu.memory_space<vmem_shared>> -> memref<3136xf32, #tpu.memory_space<vmem_shared>>
      %dma_start3A_113 = tpu.memref_slice %arg12[%add3A_66] : memref<802816xf32, #tpu.memory_space<vmem_shared>> -> memref<3136xf32, #tpu.memory_space<vmem_shared>>
      tpu.enqueue_dma source(%arg10 : memref<3136xf32, #tpu.memory_space<vmem>>) target(%dma_start3A_113 : memref<3136xf32, #tpu.memory_space<vmem_shared>>) target_semaphore(%run_scoped3A : memref<!tpu.dma_semaphore, #tpu.memory_space<semaphore_mem>>)
      %dma_wait3A = tpu.memref_slice %arg12[%add3A_66] : memref<802816xf32, #tpu.memory_space<vmem_shared>> -> memref<3136xf32, #tpu.memory_space<vmem_shared>>
      %dma_wait3A_114 = tpu.memref_slice %arg12[%add3A_66] : memref<802816xf32, #tpu.memory_space<vmem_shared>> -> memref<3136xf32, #tpu.memory_space<vmem_shared>>
      tpu.wait_dma2 semaphore(%run_scoped3A : memref<!tpu.dma_semaphore, #tpu.memory_space<semaphore_mem>>) src(%arg10 : memref<3136xf32, #tpu.memory_space<vmem>>) dst(%dma_wait3A_114 : memref<3136xf32, #tpu.memory_space<vmem_shared>>)
      tpu.yield
    }) : () -> ()
    %mul3A_67 = arith.constant 50176 : i32
    %mul3A_68 = arith.muli %arg1, %mul3A_67 : i32
    %add3A_69 = arith.constant 18816 : i32
    %add3A_70 = arith.addi %mul3A_68, %add3A_69 : i32
    "tpu.region"() ({
      %run_scoped3A = tpu.sem_alloc : memref<!tpu.dma_semaphore, #tpu.memory_space<semaphore_mem>>
      %dma_start3A_112 = tpu.memref_slice %arg12[%add3A_70] : memref<802816xf32, #tpu.memory_space<vmem_shared>> -> memref<3136xf32, #tpu.memory_space<vmem_shared>>
      %dma_start3A_113 = tpu.memref_slice %arg12[%add3A_70] : memref<802816xf32, #tpu.memory_space<vmem_shared>> -> memref<3136xf32, #tpu.memory_space<vmem_shared>>
      tpu.enqueue_dma source(%arg10 : memref<3136xf32, #tpu.memory_space<vmem>>) target(%dma_start3A_113 : memref<3136xf32, #tpu.memory_space<vmem_shared>>) target_semaphore(%run_scoped3A : memref<!tpu.dma_semaphore, #tpu.memory_space<semaphore_mem>>)
      %dma_wait3A = tpu.memref_slice %arg12[%add3A_70] : memref<802816xf32, #tpu.memory_space<vmem_shared>> -> memref<3136xf32, #tpu.memory_space<vmem_shared>>
      %dma_wait3A_114 = tpu.memref_slice %arg12[%add3A_70] : memref<802816xf32, #tpu.memory_space<vmem_shared>> -> memref<3136xf32, #tpu.memory_space<vmem_shared>>
      tpu.wait_dma2 semaphore(%run_scoped3A : memref<!tpu.dma_semaphore, #tpu.memory_space<semaphore_mem>>) src(%arg10 : memref<3136xf32, #tpu.memory_space<vmem>>) dst(%dma_wait3A_114 : memref<3136xf32, #tpu.memory_space<vmem_shared>>)
      tpu.yield
    }) : () -> ()
    %mul3A_71 = arith.constant 50176 : i32
    %mul3A_72 = arith.muli %arg1, %mul3A_71 : i32
    %add3A_73 = arith.constant 21952 : i32
    %add3A_74 = arith.addi %mul3A_72, %add3A_73 : i32
    "tpu.region"() ({
      %run_scoped3A = tpu.sem_alloc : memref<!tpu.dma_semaphore, #tpu.memory_space<semaphore_mem>>
      %dma_start3A_112 = tpu.memref_slice %arg12[%add3A_74] : memref<802816xf32, #tpu.memory_space<vmem_shared>> -> memref<3136xf32, #tpu.memory_space<vmem_shared>>
      %dma_start3A_113 = tpu.memref_slice %arg12[%add3A_74] : memref<802816xf32, #tpu.memory_space<vmem_shared>> -> memref<3136xf32, #tpu.memory_space<vmem_shared>>
      tpu.enqueue_dma source(%arg10 : memref<3136xf32, #tpu.memory_space<vmem>>) target(%dma_start3A_113 : memref<3136xf32, #tpu.memory_space<vmem_shared>>) target_semaphore(%run_scoped3A : memref<!tpu.dma_semaphore, #tpu.memory_space<semaphore_mem>>)
      %dma_wait3A = tpu.memref_slice %arg12[%add3A_74] : memref<802816xf32, #tpu.memory_space<vmem_shared>> -> memref<3136xf32, #tpu.memory_space<vmem_shared>>
      %dma_wait3A_114 = tpu.memref_slice %arg12[%add3A_74] : memref<802816xf32, #tpu.memory_space<vmem_shared>> -> memref<3136xf32, #tpu.memory_space<vmem_shared>>
      tpu.wait_dma2 semaphore(%run_scoped3A : memref<!tpu.dma_semaphore, #tpu.memory_space<semaphore_mem>>) src(%arg10 : memref<3136xf32, #tpu.memory_space<vmem>>) dst(%dma_wait3A_114 : memref<3136xf32, #tpu.memory_space<vmem_shared>>)
      tpu.yield
    }) : () -> ()
    %mul3A_75 = arith.constant 50176 : i32
    %mul3A_76 = arith.muli %arg1, %mul3A_75 : i32
    %add3A_77 = arith.constant 25088 : i32
    %add3A_78 = arith.addi %mul3A_76, %add3A_77 : i32
    "tpu.region"() ({
      %run_scoped3A = tpu.sem_alloc : memref<!tpu.dma_semaphore, #tpu.memory_space<semaphore_mem>>
      %dma_start3A_112 = tpu.memref_slice %arg12[%add3A_78] : memref<802816xf32, #tpu.memory_space<vmem_shared>> -> memref<3136xf32, #tpu.memory_space<vmem_shared>>
      %dma_start3A_113 = tpu.memref_slice %arg12[%add3A_78] : memref<802816xf32, #tpu.memory_space<vmem_shared>> -> memref<3136xf32, #tpu.memory_space<vmem_shared>>
      tpu.enqueue_dma source(%arg10 : memref<3136xf32, #tpu.memory_space<vmem>>) target(%dma_start3A_113 : memref<3136xf32, #tpu.memory_space<vmem_shared>>) target_semaphore(%run_scoped3A : memref<!tpu.dma_semaphore, #tpu.memory_space<semaphore_mem>>)
      %dma_wait3A = tpu.memref_slice %arg12[%add3A_78] : memref<802816xf32, #tpu.memory_space<vmem_shared>> -> memref<3136xf32, #tpu.memory_space<vmem_shared>>
      %dma_wait3A_114 = tpu.memref_slice %arg12[%add3A_78] : memref<802816xf32, #tpu.memory_space<vmem_shared>> -> memref<3136xf32, #tpu.memory_space<vmem_shared>>
      tpu.wait_dma2 semaphore(%run_scoped3A : memref<!tpu.dma_semaphore, #tpu.memory_space<semaphore_mem>>) src(%arg10 : memref<3136xf32, #tpu.memory_space<vmem>>) dst(%dma_wait3A_114 : memref<3136xf32, #tpu.memory_space<vmem_shared>>)
      tpu.yield
    }) : () -> ()
    %mul3A_79 = arith.constant 50176 : i32
    %mul3A_80 = arith.muli %arg1, %mul3A_79 : i32
    %add3A_81 = arith.constant 28224 : i32
    %add3A_82 = arith.addi %mul3A_80, %add3A_81 : i32
    "tpu.region"() ({
      %run_scoped3A = tpu.sem_alloc : memref<!tpu.dma_semaphore, #tpu.memory_space<semaphore_mem>>
      %dma_start3A_112 = tpu.memref_slice %arg12[%add3A_82] : memref<802816xf32, #tpu.memory_space<vmem_shared>> -> memref<3136xf32, #tpu.memory_space<vmem_shared>>
      %dma_start3A_113 = tpu.memref_slice %arg12[%add3A_82] : memref<802816xf32, #tpu.memory_space<vmem_shared>> -> memref<3136xf32, #tpu.memory_space<vmem_shared>>
      tpu.enqueue_dma source(%arg10 : memref<3136xf32, #tpu.memory_space<vmem>>) target(%dma_start3A_113 : memref<3136xf32, #tpu.memory_space<vmem_shared>>) target_semaphore(%run_scoped3A : memref<!tpu.dma_semaphore, #tpu.memory_space<semaphore_mem>>)
      %dma_wait3A = tpu.memref_slice %arg12[%add3A_82] : memref<802816xf32, #tpu.memory_space<vmem_shared>> -> memref<3136xf32, #tpu.memory_space<vmem_shared>>
      %dma_wait3A_114 = tpu.memref_slice %arg12[%add3A_82] : memref<802816xf32, #tpu.memory_space<vmem_shared>> -> memref<3136xf32, #tpu.memory_space<vmem_shared>>
      tpu.wait_dma2 semaphore(%run_scoped3A : memref<!tpu.dma_semaphore, #tpu.memory_space<semaphore_mem>>) src(%arg10 : memref<3136xf32, #tpu.memory_space<vmem>>) dst(%dma_wait3A_114 : memref<3136xf32, #tpu.memory_space<vmem_shared>>)
      tpu.yield
    }) : () -> ()
    %mul3A_83 = arith.constant 50176 : i32
    %mul3A_84 = arith.muli %arg1, %mul3A_83 : i32
    %add3A_85 = arith.constant 31360 : i32
    %add3A_86 = arith.addi %mul3A_84, %add3A_85 : i32
    "tpu.region"() ({
      %run_scoped3A = tpu.sem_alloc : memref<!tpu.dma_semaphore, #tpu.memory_space<semaphore_mem>>
      %dma_start3A_112 = tpu.memref_slice %arg12[%add3A_86] : memref<802816xf32, #tpu.memory_space<vmem_shared>> -> memref<3136xf32, #tpu.memory_space<vmem_shared>>
      %dma_start3A_113 = tpu.memref_slice %arg12[%add3A_86] : memref<802816xf32, #tpu.memory_space<vmem_shared>> -> memref<3136xf32, #tpu.memory_space<vmem_shared>>
      tpu.enqueue_dma source(%arg10 : memref<3136xf32, #tpu.memory_space<vmem>>) target(%dma_start3A_113 : memref<3136xf32, #tpu.memory_space<vmem_shared>>) target_semaphore(%run_scoped3A : memref<!tpu.dma_semaphore, #tpu.memory_space<semaphore_mem>>)
      %dma_wait3A = tpu.memref_slice %arg12[%add3A_86] : memref<802816xf32, #tpu.memory_space<vmem_shared>> -> memref<3136xf32, #tpu.memory_space<vmem_shared>>
      %dma_wait3A_114 = tpu.memref_slice %arg12[%add3A_86] : memref<802816xf32, #tpu.memory_space<vmem_shared>> -> memref<3136xf32, #tpu.memory_space<vmem_shared>>
      tpu.wait_dma2 semaphore(%run_scoped3A : memref<!tpu.dma_semaphore, #tpu.memory_space<semaphore_mem>>) src(%arg10 : memref<3136xf32, #tpu.memory_space<vmem>>) dst(%dma_wait3A_114 : memref<3136xf32, #tpu.memory_space<vmem_shared>>)
      tpu.yield
    }) : () -> ()
    %mul3A_87 = arith.constant 50176 : i32
    %mul3A_88 = arith.muli %arg1, %mul3A_87 : i32
    %add3A_89 = arith.constant 34496 : i32
    %add3A_90 = arith.addi %mul3A_88, %add3A_89 : i32
    "tpu.region"() ({
      %run_scoped3A = tpu.sem_alloc : memref<!tpu.dma_semaphore, #tpu.memory_space<semaphore_mem>>
      %dma_start3A_112 = tpu.memref_slice %arg12[%add3A_90] : memref<802816xf32, #tpu.memory_space<vmem_shared>> -> memref<3136xf32, #tpu.memory_space<vmem_shared>>
      %dma_start3A_113 = tpu.memref_slice %arg12[%add3A_90] : memref<802816xf32, #tpu.memory_space<vmem_shared>> -> memref<3136xf32, #tpu.memory_space<vmem_shared>>
      tpu.enqueue_dma source(%arg10 : memref<3136xf32, #tpu.memory_space<vmem>>) target(%dma_start3A_113 : memref<3136xf32, #tpu.memory_space<vmem_shared>>) target_semaphore(%run_scoped3A : memref<!tpu.dma_semaphore, #tpu.memory_space<semaphore_mem>>)
      %dma_wait3A = tpu.memref_slice %arg12[%add3A_90] : memref<802816xf32, #tpu.memory_space<vmem_shared>> -> memref<3136xf32, #tpu.memory_space<vmem_shared>>
      %dma_wait3A_114 = tpu.memref_slice %arg12[%add3A_90] : memref<802816xf32, #tpu.memory_space<vmem_shared>> -> memref<3136xf32, #tpu.memory_space<vmem_shared>>
      tpu.wait_dma2 semaphore(%run_scoped3A : memref<!tpu.dma_semaphore, #tpu.memory_space<semaphore_mem>>) src(%arg10 : memref<3136xf32, #tpu.memory_space<vmem>>) dst(%dma_wait3A_114 : memref<3136xf32, #tpu.memory_space<vmem_shared>>)
      tpu.yield
    }) : () -> ()
    %mul3A_91 = arith.constant 50176 : i32
    %mul3A_92 = arith.muli %arg1, %mul3A_91 : i32
    %add3A_93 = arith.constant 37632 : i32
    %add3A_94 = arith.addi %mul3A_92, %add3A_93 : i32
    "tpu.region"() ({
      %run_scoped3A = tpu.sem_alloc : memref<!tpu.dma_semaphore, #tpu.memory_space<semaphore_mem>>
      %dma_start3A_112 = tpu.memref_slice %arg12[%add3A_94] : memref<802816xf32, #tpu.memory_space<vmem_shared>> -> memref<3136xf32, #tpu.memory_space<vmem_shared>>
      %dma_start3A_113 = tpu.memref_slice %arg12[%add3A_94] : memref<802816xf32, #tpu.memory_space<vmem_shared>> -> memref<3136xf32, #tpu.memory_space<vmem_shared>>
      tpu.enqueue_dma source(%arg10 : memref<3136xf32, #tpu.memory_space<vmem>>) target(%dma_start3A_113 : memref<3136xf32, #tpu.memory_space<vmem_shared>>) target_semaphore(%run_scoped3A : memref<!tpu.dma_semaphore, #tpu.memory_space<semaphore_mem>>)
      %dma_wait3A = tpu.memref_slice %arg12[%add3A_94] : memref<802816xf32, #tpu.memory_space<vmem_shared>> -> memref<3136xf32, #tpu.memory_space<vmem_shared>>
      %dma_wait3A_114 = tpu.memref_slice %arg12[%add3A_94] : memref<802816xf32, #tpu.memory_space<vmem_shared>> -> memref<3136xf32, #tpu.memory_space<vmem_shared>>
      tpu.wait_dma2 semaphore(%run_scoped3A : memref<!tpu.dma_semaphore, #tpu.memory_space<semaphore_mem>>) src(%arg10 : memref<3136xf32, #tpu.memory_space<vmem>>) dst(%dma_wait3A_114 : memref<3136xf32, #tpu.memory_space<vmem_shared>>)
      tpu.yield
    }) : () -> ()
    %mul3A_95 = arith.constant 50176 : i32
    %mul3A_96 = arith.muli %arg1, %mul3A_95 : i32
    %add3A_97 = arith.constant 40768 : i32
    %add3A_98 = arith.addi %mul3A_96, %add3A_97 : i32
    "tpu.region"() ({
      %run_scoped3A = tpu.sem_alloc : memref<!tpu.dma_semaphore, #tpu.memory_space<semaphore_mem>>
      %dma_start3A_112 = tpu.memref_slice %arg12[%add3A_98] : memref<802816xf32, #tpu.memory_space<vmem_shared>> -> memref<3136xf32, #tpu.memory_space<vmem_shared>>
      %dma_start3A_113 = tpu.memref_slice %arg12[%add3A_98] : memref<802816xf32, #tpu.memory_space<vmem_shared>> -> memref<3136xf32, #tpu.memory_space<vmem_shared>>
      tpu.enqueue_dma source(%arg10 : memref<3136xf32, #tpu.memory_space<vmem>>) target(%dma_start3A_113 : memref<3136xf32, #tpu.memory_space<vmem_shared>>) target_semaphore(%run_scoped3A : memref<!tpu.dma_semaphore, #tpu.memory_space<semaphore_mem>>)
      %dma_wait3A = tpu.memref_slice %arg12[%add3A_98] : memref<802816xf32, #tpu.memory_space<vmem_shared>> -> memref<3136xf32, #tpu.memory_space<vmem_shared>>
      %dma_wait3A_114 = tpu.memref_slice %arg12[%add3A_98] : memref<802816xf32, #tpu.memory_space<vmem_shared>> -> memref<3136xf32, #tpu.memory_space<vmem_shared>>
      tpu.wait_dma2 semaphore(%run_scoped3A : memref<!tpu.dma_semaphore, #tpu.memory_space<semaphore_mem>>) src(%arg10 : memref<3136xf32, #tpu.memory_space<vmem>>) dst(%dma_wait3A_114 : memref<3136xf32, #tpu.memory_space<vmem_shared>>)
      tpu.yield
    }) : () -> ()
    %mul3A_99 = arith.constant 50176 : i32
    %mul3A_100 = arith.muli %arg1, %mul3A_99 : i32
    %add3A_101 = arith.constant 43904 : i32
    %add3A_102 = arith.addi %mul3A_100, %add3A_101 : i32
    "tpu.region"() ({
      %run_scoped3A = tpu.sem_alloc : memref<!tpu.dma_semaphore, #tpu.memory_space<semaphore_mem>>
      %dma_start3A_112 = tpu.memref_slice %arg12[%add3A_102] : memref<802816xf32, #tpu.memory_space<vmem_shared>> -> memref<3136xf32, #tpu.memory_space<vmem_shared>>
      %dma_start3A_113 = tpu.memref_slice %arg12[%add3A_102] : memref<802816xf32, #tpu.memory_space<vmem_shared>> -> memref<3136xf32, #tpu.memory_space<vmem_shared>>
      tpu.enqueue_dma source(%arg10 : memref<3136xf32, #tpu.memory_space<vmem>>) target(%dma_start3A_113 : memref<3136xf32, #tpu.memory_space<vmem_shared>>) target_semaphore(%run_scoped3A : memref<!tpu.dma_semaphore, #tpu.memory_space<semaphore_mem>>)
      %dma_wait3A = tpu.memref_slice %arg12[%add3A_102] : memref<802816xf32, #tpu.memory_space<vmem_shared>> -> memref<3136xf32, #tpu.memory_space<vmem_shared>>
      %dma_wait3A_114 = tpu.memref_slice %arg12[%add3A_102] : memref<802816xf32, #tpu.memory_space<vmem_shared>> -> memref<3136xf32, #tpu.memory_space<vmem_shared>>
      tpu.wait_dma2 semaphore(%run_scoped3A : memref<!tpu.dma_semaphore, #tpu.memory_space<semaphore_mem>>) src(%arg10 : memref<3136xf32, #tpu.memory_space<vmem>>) dst(%dma_wait3A_114 : memref<3136xf32, #tpu.memory_space<vmem_shared>>)
      tpu.yield
    }) : () -> ()
    %mul3A_103 = arith.constant 50176 : i32
    %mul3A_104 = arith.muli %arg1, %mul3A_103 : i32
    %add3A_105 = arith.constant 47040 : i32
    %add3A_106 = arith.addi %mul3A_104, %add3A_105 : i32
    "tpu.region"() ({
      %run_scoped3A = tpu.sem_alloc : memref<!tpu.dma_semaphore, #tpu.memory_space<semaphore_mem>>
      %dma_start3A_112 = tpu.memref_slice %arg12[%add3A_106] : memref<802816xf32, #tpu.memory_space<vmem_shared>> -> memref<3136xf32, #tpu.memory_space<vmem_shared>>
      %dma_start3A_113 = tpu.memref_slice %arg12[%add3A_106] : memref<802816xf32, #tpu.memory_space<vmem_shared>> -> memref<3136xf32, #tpu.memory_space<vmem_shared>>
      tpu.enqueue_dma source(%arg10 : memref<3136xf32, #tpu.memory_space<vmem>>) target(%dma_start3A_113 : memref<3136xf32, #tpu.memory_space<vmem_shared>>) target_semaphore(%run_scoped3A : memref<!tpu.dma_semaphore, #tpu.memory_space<semaphore_mem>>)
      %dma_wait3A = tpu.memref_slice %arg12[%add3A_106] : memref<802816xf32, #tpu.memory_space<vmem_shared>> -> memref<3136xf32, #tpu.memory_space<vmem_shared>>
      %dma_wait3A_114 = tpu.memref_slice %arg12[%add3A_106] : memref<802816xf32, #tpu.memory_space<vmem_shared>> -> memref<3136xf32, #tpu.memory_space<vmem_shared>>
      tpu.wait_dma2 semaphore(%run_scoped3A : memref<!tpu.dma_semaphore, #tpu.memory_space<semaphore_mem>>) src(%arg10 : memref<3136xf32, #tpu.memory_space<vmem>>) dst(%dma_wait3A_114 : memref<3136xf32, #tpu.memory_space<vmem_shared>>)
      tpu.yield
    }) : () -> ()
    %barrier3A = arith.constant 0 : index
    tpu.barrier barrier_id(%barrier3A)
    %scan3A_107 = arith.constant 0 : i32
    %scan3A_108 = arith.constant 24 : i32
    %scan3A_109 = arith.addi %scan3A_107, %scan3A_108 : i32
    %scan3A_110 = arith.constant 1 : i32
    scf.for %scan3A_112 = %scan3A_107 to %scan3A_109 step %scan3A_110  : i32 {
      %mul3A_113 = arith.constant 1 : i32
      %mul3A_114 = arith.muli %scan3A_112, %mul3A_113 : i32
      %add3A_115 = arith.constant 0 : i32
      %add3A_116 = arith.addi %add3A_115, %mul3A_114 : i32
      %mul3A_117 = arith.constant 4 : i32
      %mul3A_118 = arith.muli %arg0, %mul3A_117 : i32
      %jit3A = arith.constant 6 : i32
      %div3A = arith.divsi %add3A_116, %jit3A : i32
      %sign3A = arith.constant 0 : i32
      %sign3A_119 = arith.cmpi sgt, %add3A_116, %sign3A : i32
      %sign3A_120 = arith.extui %sign3A_119 : i1 to i32
      %sign3A_121 = arith.constant 0 : i32
      %sign3A_122 = arith.cmpi slt, %add3A_116, %sign3A_121 : i32
      %sign3A_123 = arith.extui %sign3A_122 : i1 to i32
      %sign3A_124 = arith.subi %sign3A_120, %sign3A_123 : i32
      %sign3A_125 = arith.constant 0 : i32
      %sign3A_126 = arith.cmpi sgt, %jit3A, %sign3A_125 : i32
      %sign3A_127 = arith.extui %sign3A_126 : i1 to i32
      %sign3A_128 = arith.constant 0 : i32
      %sign3A_129 = arith.cmpi slt, %jit3A, %sign3A_128 : i32
      %sign3A_130 = arith.extui %sign3A_129 : i1 to i32
      %sign3A_131 = arith.subi %sign3A_127, %sign3A_130 : i32
      %ne3A = arith.cmpi ne, %sign3A_124, %sign3A_131 : i32
      %rem3A = arith.remsi %add3A_116, %jit3A : i32
      %ne3A_132 = arith.constant 0 : i32
      %ne3A_133 = arith.cmpi ne, %rem3A, %ne3A_132 : i32
      %and3A = arith.andi %ne3A, %ne3A_133 : i1
      %sub3A = arith.constant 1 : i32
      %sub3A_134 = arith.subi %div3A, %sub3A : i32
      %select_n3A = arith.select %and3A, %sub3A_134, %div3A : i32
      %add3A_135 = arith.addi %mul3A_118, %select_n3A : i32
      %jit3A_136 = arith.constant 6 : i32
      %div3A_137 = arith.divsi %add3A_116, %jit3A_136 : i32
      %sign3A_138 = arith.constant 0 : i32
      %sign3A_139 = arith.cmpi sgt, %add3A_116, %sign3A_138 : i32
      %sign3A_140 = arith.extui %sign3A_139 : i1 to i32
      %sign3A_141 = arith.constant 0 : i32
      %sign3A_142 = arith.cmpi slt, %add3A_116, %sign3A_141 : i32
      %sign3A_143 = arith.extui %sign3A_142 : i1 to i32
      %sign3A_144 = arith.subi %sign3A_140, %sign3A_143 : i32
      %sign3A_145 = arith.constant 0 : i32
      %sign3A_146 = arith.cmpi sgt, %jit3A_136, %sign3A_145 : i32
      %sign3A_147 = arith.extui %sign3A_146 : i1 to i32
      %sign3A_148 = arith.constant 0 : i32
      %sign3A_149 = arith.cmpi slt, %jit3A_136, %sign3A_148 : i32
      %sign3A_150 = arith.extui %sign3A_149 : i1 to i32
      %sign3A_151 = arith.subi %sign3A_147, %sign3A_150 : i32
      %ne3A_152 = arith.cmpi ne, %sign3A_144, %sign3A_151 : i32
      %rem3A_153 = arith.remsi %add3A_116, %jit3A_136 : i32
      %ne3A_154 = arith.constant 0 : i32
      %ne3A_155 = arith.cmpi ne, %rem3A_153, %ne3A_154 : i32
      %and3A_156 = arith.andi %ne3A_152, %ne3A_155 : i1
      %sub3A_157 = arith.constant 1 : i32
      %sub3A_158 = arith.subi %div3A_137, %sub3A_157 : i32
      %select_n3A_159 = arith.select %and3A_156, %sub3A_158, %div3A_137 : i32
      %mul3A_160 = arith.constant 6 : i32
      %mul3A_161 = arith.muli %select_n3A_159, %mul3A_160 : i32
      %sub3A_162 = arith.subi %add3A_116, %mul3A_161 : i32
      %jit3A_163 = arith.constant 2 : i32
      %div3A_164 = arith.divsi %add3A_116, %jit3A_163 : i32
      %sign3A_165 = arith.constant 0 : i32
      %sign3A_166 = arith.cmpi sgt, %add3A_116, %sign3A_165 : i32
      %sign3A_167 = arith.extui %sign3A_166 : i1 to i32
      %sign3A_168 = arith.constant 0 : i32
      %sign3A_169 = arith.cmpi slt, %add3A_116, %sign3A_168 : i32
      %sign3A_170 = arith.extui %sign3A_169 : i1 to i32
      %sign3A_171 = arith.subi %sign3A_167, %sign3A_170 : i32
      %sign3A_172 = arith.constant 0 : i32
      %sign3A_173 = arith.cmpi sgt, %jit3A_163, %sign3A_172 : i32
      %sign3A_174 = arith.extui %sign3A_173 : i1 to i32
      %sign3A_175 = arith.constant 0 : i32
      %sign3A_176 = arith.cmpi slt, %jit3A_163, %sign3A_175 : i32
      %sign3A_177 = arith.extui %sign3A_176 : i1 to i32
      %sign3A_178 = arith.subi %sign3A_174, %sign3A_177 : i32
      %ne3A_179 = arith.cmpi ne, %sign3A_171, %sign3A_178 : i32
      %rem3A_180 = arith.remsi %add3A_116, %jit3A_163 : i32
      %ne3A_181 = arith.constant 0 : i32
      %ne3A_182 = arith.cmpi ne, %rem3A_180, %ne3A_181 : i32
      %and3A_183 = arith.andi %ne3A_179, %ne3A_182 : i1
      %sub3A_184 = arith.constant 1 : i32
      %sub3A_185 = arith.subi %div3A_164, %sub3A_184 : i32
      %select_n3A_186 = arith.select %and3A_183, %sub3A_185, %div3A_164 : i32
      %mul3A_187 = arith.constant 2 : i32
      %mul3A_188 = arith.muli %select_n3A_186, %mul3A_187 : i32
      %sub3A_189 = arith.subi %add3A_116, %mul3A_188 : i32
      %dma_wait3A = arith.constant 0 : i32
      %dma_wait3A_190 = arith.constant 0 : i32
      %dma_wait3A_191 = arith.constant 0 : i32
      %dma_wait3A_192 = arith.constant 0 : i32
      %dma_wait3A_193 = tpu.memref_slice %arg6[%sub3A_189, %dma_wait3A_191, %dma_wait3A_192] : memref<2x7x1792xf32, #tpu.memory_space<vmem>> -> memref<1x7x1792xf32, #tpu.memory_space<vmem>>
      %dma_wait3A_194 = tpu.memref_squeeze %dma_wait3A_193 : memref<1x7x1792xf32, #tpu.memory_space<vmem>> -> memref<7x1792xf32, #tpu.memory_space<vmem>>
      %dma_wait3A_195 = arith.constant 0 : i32
      %dma_wait3A_196 = arith.constant 0 : i32
      %dma_wait3A_197 = tpu.memref_slice %arg2[%dma_wait3A, %dma_wait3A_190, %dma_wait3A_195, %dma_wait3A_196] : memref<6x8x112x1792xf32, #tpu.memory_space<hbm>> -> memref<1x1x7x1792xf32, #tpu.memory_space<hbm>>
      %dma_wait3A_198 = tpu.memref_squeeze %dma_wait3A_197 : memref<1x1x7x1792xf32, #tpu.memory_space<hbm>> -> memref<7x1792xf32, #tpu.memory_space<hbm>>
      %dma_wait3A_199 = arith.constant 0 : i32
      %dma_wait3A_200 = arith.constant 0 : i32
      %dma_wait3A_201 = tpu.memref_slice %arg6[%sub3A_189, %dma_wait3A_199, %dma_wait3A_200] : memref<2x7x1792xf32, #tpu.memory_space<vmem>> -> memref<1x7x1792xf32, #tpu.memory_space<vmem>>
      %dma_wait3A_202 = tpu.memref_squeeze %dma_wait3A_201 : memref<1x7x1792xf32, #tpu.memory_space<vmem>> -> memref<7x1792xf32, #tpu.memory_space<vmem>>
      %dma_wait3A_203 = arith.constant 0 : i32
      %dma_wait3A_204 = arith.constant 0 : i32
      %dma_wait3A_205 = tpu.memref_slice %arg2[%dma_wait3A, %dma_wait3A_190, %dma_wait3A_203, %dma_wait3A_204] : memref<6x8x112x1792xf32, #tpu.memory_space<hbm>> -> memref<1x1x7x1792xf32, #tpu.memory_space<hbm>>
      %dma_wait3A_206 = tpu.memref_squeeze %dma_wait3A_205 : memref<1x1x7x1792xf32, #tpu.memory_space<hbm>> -> memref<7x1792xf32, #tpu.memory_space<hbm>>
      tpu.wait_dma2 semaphore(%arg13 : memref<!tpu.dma_semaphore, #tpu.memory_space<semaphore_mem>>) src(%dma_wait3A_206 : memref<7x1792xf32, #tpu.memory_space<hbm>>) dst(%dma_wait3A_202 : memref<7x1792xf32, #tpu.memory_space<vmem>>)
      %dma_wait3A_207 = arith.constant 0 : i32
      %dma_wait3A_208 = arith.constant 0 : i32
      %dma_wait3A_209 = arith.constant 0 : i32
      %dma_wait3A_210 = arith.constant 0 : i32
      %dma_wait3A_211 = tpu.memref_slice %arg7[%sub3A_189, %dma_wait3A_209, %dma_wait3A_210] : memref<2x7x1792xi32, #tpu.memory_space<vmem>> -> memref<1x7x1792xi32, #tpu.memory_space<vmem>>
      %dma_wait3A_212 = tpu.memref_squeeze %dma_wait3A_211 : memref<1x7x1792xi32, #tpu.memory_space<vmem>> -> memref<7x1792xi32, #tpu.memory_space<vmem>>
      %dma_wait3A_213 = arith.constant 0 : i32
      %dma_wait3A_214 = arith.constant 0 : i32
      %dma_wait3A_215 = tpu.memref_slice %arg3[%dma_wait3A_207, %dma_wait3A_208, %dma_wait3A_213, %dma_wait3A_214] : memref<6x8x112x1792xi32, #tpu.memory_space<hbm>> -> memref<1x1x7x1792xi32, #tpu.memory_space<hbm>>
      %dma_wait3A_216 = tpu.memref_squeeze %dma_wait3A_215 : memref<1x1x7x1792xi32, #tpu.memory_space<hbm>> -> memref<7x1792xi32, #tpu.memory_space<hbm>>
      %dma_wait3A_217 = arith.constant 0 : i32
      %dma_wait3A_218 = arith.constant 0 : i32
      %dma_wait3A_219 = tpu.memref_slice %arg7[%sub3A_189, %dma_wait3A_217, %dma_wait3A_218] : memref<2x7x1792xi32, #tpu.memory_space<vmem>> -> memref<1x7x1792xi32, #tpu.memory_space<vmem>>
      %dma_wait3A_220 = tpu.memref_squeeze %dma_wait3A_219 : memref<1x7x1792xi32, #tpu.memory_space<vmem>> -> memref<7x1792xi32, #tpu.memory_space<vmem>>
      %dma_wait3A_221 = arith.constant 0 : i32
      %dma_wait3A_222 = arith.constant 0 : i32
      %dma_wait3A_223 = tpu.memref_slice %arg3[%dma_wait3A_207, %dma_wait3A_208, %dma_wait3A_221, %dma_wait3A_222] : memref<6x8x112x1792xi32, #tpu.memory_space<hbm>> -> memref<1x1x7x1792xi32, #tpu.memory_space<hbm>>
      %dma_wait3A_224 = tpu.memref_squeeze %dma_wait3A_223 : memref<1x1x7x1792xi32, #tpu.memory_space<hbm>> -> memref<7x1792xi32, #tpu.memory_space<hbm>>
      tpu.wait_dma2 semaphore(%arg13 : memref<!tpu.dma_semaphore, #tpu.memory_space<semaphore_mem>>) src(%dma_wait3A_224 : memref<7x1792xi32, #tpu.memory_space<hbm>>) dst(%dma_wait3A_220 : memref<7x1792xi32, #tpu.memory_space<vmem>>)
      %lt3A = arith.constant 23 : i32
      %lt3A_225 = arith.cmpi slt, %add3A_116, %lt3A : i32
      %convert_element_type3A = arith.extui %lt3A_225 : i1 to i32
      %cond3A = arith.constant 0 : i32
      %cond3A_226 = arith.cmpi ne, %convert_element_type3A, %cond3A : i32
      scf.if %cond3A_226 {
        %add3A_272 = arith.constant 1 : i32
        %add3A_273 = arith.addi %add3A_116, %add3A_272 : i32
        %sub3A_274 = arith.constant 1 : i32
        %sub3A_275 = arith.subi %sub3A_274, %sub3A_189 : i32
        %mul3A_276 = arith.constant 4 : i32
        %mul3A_277 = arith.muli %arg0, %mul3A_276 : i32
        %jit3A_278 = arith.constant 6 : i32
        %div3A_279 = arith.divsi %add3A_273, %jit3A_278 : i32
        %sign3A_280 = arith.constant 0 : i32
        %sign3A_281 = arith.cmpi sgt, %add3A_273, %sign3A_280 : i32
        %sign3A_282 = arith.extui %sign3A_281 : i1 to i32
        %sign3A_283 = arith.constant 0 : i32
        %sign3A_284 = arith.cmpi slt, %add3A_273, %sign3A_283 : i32
        %sign3A_285 = arith.extui %sign3A_284 : i1 to i32
        %sign3A_286 = arith.subi %sign3A_282, %sign3A_285 : i32
        %sign3A_287 = arith.constant 0 : i32
        %sign3A_288 = arith.cmpi sgt, %jit3A_278, %sign3A_287 : i32
        %sign3A_289 = arith.extui %sign3A_288 : i1 to i32
        %sign3A_290 = arith.constant 0 : i32
        %sign3A_291 = arith.cmpi slt, %jit3A_278, %sign3A_290 : i32
        %sign3A_292 = arith.extui %sign3A_291 : i1 to i32
        %sign3A_293 = arith.subi %sign3A_289, %sign3A_292 : i32
        %ne3A_294 = arith.cmpi ne, %sign3A_286, %sign3A_293 : i32
        %rem3A_295 = arith.remsi %add3A_273, %jit3A_278 : i32
        %ne3A_296 = arith.constant 0 : i32
        %ne3A_297 = arith.cmpi ne, %rem3A_295, %ne3A_296 : i32
        %and3A_298 = arith.andi %ne3A_294, %ne3A_297 : i1
        %sub3A_299 = arith.constant 1 : i32
        %sub3A_300 = arith.subi %div3A_279, %sub3A_299 : i32
        %select_n3A_301 = arith.select %and3A_298, %sub3A_300, %div3A_279 : i32
        %add3A_302 = arith.addi %mul3A_277, %select_n3A_301 : i32
        %jit3A_303 = arith.constant 6 : i32
        %div3A_304 = arith.divsi %add3A_273, %jit3A_303 : i32
        %sign3A_305 = arith.constant 0 : i32
        %sign3A_306 = arith.cmpi sgt, %add3A_273, %sign3A_305 : i32
        %sign3A_307 = arith.extui %sign3A_306 : i1 to i32
        %sign3A_308 = arith.constant 0 : i32
        %sign3A_309 = arith.cmpi slt, %add3A_273, %sign3A_308 : i32
        %sign3A_310 = arith.extui %sign3A_309 : i1 to i32
        %sign3A_311 = arith.subi %sign3A_307, %sign3A_310 : i32
        %sign3A_312 = arith.constant 0 : i32
        %sign3A_313 = arith.cmpi sgt, %jit3A_303, %sign3A_312 : i32
        %sign3A_314 = arith.extui %sign3A_313 : i1 to i32
        %sign3A_315 = arith.constant 0 : i32
        %sign3A_316 = arith.cmpi slt, %jit3A_303, %sign3A_315 : i32
        %sign3A_317 = arith.extui %sign3A_316 : i1 to i32
        %sign3A_318 = arith.subi %sign3A_314, %sign3A_317 : i32
        %ne3A_319 = arith.cmpi ne, %sign3A_311, %sign3A_318 : i32
        %rem3A_320 = arith.remsi %add3A_273, %jit3A_303 : i32
        %ne3A_321 = arith.constant 0 : i32
        %ne3A_322 = arith.cmpi ne, %rem3A_320, %ne3A_321 : i32
        %and3A_323 = arith.andi %ne3A_319, %ne3A_322 : i1
        %sub3A_324 = arith.constant 1 : i32
        %sub3A_325 = arith.subi %div3A_304, %sub3A_324 : i32
        %select_n3A_326 = arith.select %and3A_323, %sub3A_325, %div3A_304 : i32
        %mul3A_327 = arith.constant 6 : i32
        %mul3A_328 = arith.muli %select_n3A_326, %mul3A_327 : i32
        %sub3A_329 = arith.subi %add3A_273, %mul3A_328 : i32
        %dma_start3A_330 = arith.constant 0 : i32
        %dma_start3A_331 = arith.constant 0 : i32
        %dma_start3A_332 = tpu.memref_slice %arg6[%sub3A_275, %dma_start3A_330, %dma_start3A_331] : memref<2x7x1792xf32, #tpu.memory_space<vmem>> -> memref<1x7x1792xf32, #tpu.memory_space<vmem>>
        %dma_start3A_333 = tpu.memref_squeeze %dma_start3A_332 : memref<1x7x1792xf32, #tpu.memory_space<vmem>> -> memref<7x1792xf32, #tpu.memory_space<vmem>>
        %dma_start3A_334 = arith.constant 0 : i32
        %dma_start3A_335 = tpu.memref_slice %arg2[%sub3A_329, %add3A_302, %mul3A_0, %dma_start3A_334] : memref<6x8x112x1792xf32, #tpu.memory_space<hbm>> -> memref<1x1x7x1792xf32, #tpu.memory_space<hbm>>
        %dma_start3A_336 = tpu.memref_squeeze %dma_start3A_335 : memref<1x1x7x1792xf32, #tpu.memory_space<hbm>> -> memref<7x1792xf32, #tpu.memory_space<hbm>>
        %dma_start3A_337 = arith.constant 0 : i32
        %dma_start3A_338 = arith.constant 0 : i32
        %dma_start3A_339 = tpu.memref_slice %arg6[%sub3A_275, %dma_start3A_337, %dma_start3A_338] : memref<2x7x1792xf32, #tpu.memory_space<vmem>> -> memref<1x7x1792xf32, #tpu.memory_space<vmem>>
        %dma_start3A_340 = tpu.memref_squeeze %dma_start3A_339 : memref<1x7x1792xf32, #tpu.memory_space<vmem>> -> memref<7x1792xf32, #tpu.memory_space<vmem>>
        %dma_start3A_341 = arith.constant 0 : i32
        %dma_start3A_342 = tpu.memref_slice %arg2[%sub3A_329, %add3A_302, %mul3A_0, %dma_start3A_341] : memref<6x8x112x1792xf32, #tpu.memory_space<hbm>> -> memref<1x1x7x1792xf32, #tpu.memory_space<hbm>>
        %dma_start3A_343 = tpu.memref_squeeze %dma_start3A_342 : memref<1x1x7x1792xf32, #tpu.memory_space<hbm>> -> memref<7x1792xf32, #tpu.memory_space<hbm>>
        tpu.enqueue_dma source(%dma_start3A_343 : memref<7x1792xf32, #tpu.memory_space<hbm>>) target(%dma_start3A_340 : memref<7x1792xf32, #tpu.memory_space<vmem>>) target_semaphore(%arg13 : memref<!tpu.dma_semaphore, #tpu.memory_space<semaphore_mem>>)
        %dma_start3A_344 = arith.constant 0 : i32
        %dma_start3A_345 = arith.constant 0 : i32
        %dma_start3A_346 = tpu.memref_slice %arg7[%sub3A_275, %dma_start3A_344, %dma_start3A_345] : memref<2x7x1792xi32, #tpu.memory_space<vmem>> -> memref<1x7x1792xi32, #tpu.memory_space<vmem>>
        %dma_start3A_347 = tpu.memref_squeeze %dma_start3A_346 : memref<1x7x1792xi32, #tpu.memory_space<vmem>> -> memref<7x1792xi32, #tpu.memory_space<vmem>>
        %dma_start3A_348 = arith.constant 0 : i32
        %dma_start3A_349 = tpu.memref_slice %arg3[%sub3A_329, %add3A_302, %mul3A_0, %dma_start3A_348] : memref<6x8x112x1792xi32, #tpu.memory_space<hbm>> -> memref<1x1x7x1792xi32, #tpu.memory_space<hbm>>
        %dma_start3A_350 = tpu.memref_squeeze %dma_start3A_349 : memref<1x1x7x1792xi32, #tpu.memory_space<hbm>> -> memref<7x1792xi32, #tpu.memory_space<hbm>>
        %dma_start3A_351 = arith.constant 0 : i32
        %dma_start3A_352 = arith.constant 0 : i32
        %dma_start3A_353 = tpu.memref_slice %arg7[%sub3A_275, %dma_start3A_351, %dma_start3A_352] : memref<2x7x1792xi32, #tpu.memory_space<vmem>> -> memref<1x7x1792xi32, #tpu.memory_space<vmem>>
        %dma_start3A_354 = tpu.memref_squeeze %dma_start3A_353 : memref<1x7x1792xi32, #tpu.memory_space<vmem>> -> memref<7x1792xi32, #tpu.memory_space<vmem>>
        %dma_start3A_355 = arith.constant 0 : i32
        %dma_start3A_356 = tpu.memref_slice %arg3[%sub3A_329, %add3A_302, %mul3A_0, %dma_start3A_355] : memref<6x8x112x1792xi32, #tpu.memory_space<hbm>> -> memref<1x1x7x1792xi32, #tpu.memory_space<hbm>>
        %dma_start3A_357 = tpu.memref_squeeze %dma_start3A_356 : memref<1x1x7x1792xi32, #tpu.memory_space<hbm>> -> memref<7x1792xi32, #tpu.memory_space<hbm>>
        tpu.enqueue_dma source(%dma_start3A_357 : memref<7x1792xi32, #tpu.memory_space<hbm>>) target(%dma_start3A_354 : memref<7x1792xi32, #tpu.memory_space<vmem>>) target_semaphore(%arg13 : memref<!tpu.dma_semaphore, #tpu.memory_space<semaphore_mem>>)
      } else {
      }
      %broadcast_in_dim3A = arith.constant 5 : i32
      %broadcast_in_dim3A_227 = vector.broadcast %broadcast_in_dim3A : i32 to vector<16xi32>
      %broadcast_in_dim3A_228 = arith.constant 9 : i32
      %broadcast_in_dim3A_229 = vector.broadcast %broadcast_in_dim3A_228 : i32 to vector<16xi32>
      %broadcast_in_dim3A_230 = arith.constant 511 : i32
      %broadcast_in_dim3A_231 = vector.broadcast %broadcast_in_dim3A_230 : i32 to vector<16xi32>
      %broadcast_in_dim3A_232 = arith.constant 170 : i32
      %broadcast_in_dim3A_233 = vector.broadcast %broadcast_in_dim3A_232 : i32 to vector<16xi32>
      %broadcast_in_dim3A_234 = arith.constant 10923 : i32
      %broadcast_in_dim3A_235 = vector.broadcast %broadcast_in_dim3A_234 : i32 to vector<16xi32>
      %broadcast_in_dim3A_236 = arith.constant 15 : i32
      %broadcast_in_dim3A_237 = vector.broadcast %broadcast_in_dim3A_236 : i32 to vector<16xi32>
      %broadcast_in_dim3A_238 = arith.constant 16 : i32
      %broadcast_in_dim3A_239 = vector.broadcast %broadcast_in_dim3A_238 : i32 to vector<16xi32>
      %scan3A_240 = arith.constant 0 : i32
      %scan3A_241 = arith.constant 7 : i32
      %scan3A_242 = arith.addi %scan3A_240, %scan3A_241 : i32
      %scan3A_243 = arith.constant 1 : i32
      scf.for %scan3A_272 = %scan3A_240 to %scan3A_242 step %scan3A_243  : i32 {
        %mul3A_273 = arith.constant 1 : i32
        %mul3A_274 = arith.muli %scan3A_272, %mul3A_273 : i32
        %add3A_275 = arith.constant 0 : i32
        %add3A_276 = arith.addi %add3A_275, %mul3A_274 : i32
        %scan3A_277 = arith.constant 0 : i32
        %scan3A_278 = arith.constant 14 : i32
        %scan3A_279 = arith.addi %scan3A_277, %scan3A_278 : i32
        %scan3A_280 = arith.constant 1 : i32
        scf.for %scan3A_282 = %scan3A_277 to %scan3A_279 step %scan3A_280  : i32 {
          %mul3A_283 = arith.constant 1 : i32
          %mul3A_284 = arith.muli %scan3A_282, %mul3A_283 : i32
          %add3A_285 = arith.constant 0 : i32
          %add3A_286 = arith.addi %add3A_285, %mul3A_284 : i32
          %mul3A_287 = arith.constant 14 : i32
          %mul3A_288 = arith.muli %add3A_276, %mul3A_287 : i32
          %add3A_289 = arith.addi %mul3A_288, %add3A_286 : i32
          %mul3A_290 = arith.constant 8 : i32
          %mul3A_291 = arith.muli %add3A_286, %mul3A_290 : i32
          %add3A_292 = arith.constant 0 : i32
          %add3A_293 = arith.addi %mul3A_291, %add3A_292 : i32
          %mul3A_294 = arith.constant 16 : i32
          %mul3A_295 = arith.muli %add3A_293, %mul3A_294 : i32
          %get3A_296 = arith.index_cast %sub3A_189 : i32 to index
          %get3A_297 = arith.index_cast %add3A_276 : i32 to index
          %get3A_298 = arith.index_cast %mul3A_295 : i32 to index
          %get3A_299 = tpu.vector_load %arg7[%get3A_296, %get3A_297, %get3A_298] {strides = array<i32>} : memref<2x7x1792xi32, #tpu.memory_space<vmem>>, vector<1x1x16xi32>,
          %get3A_300 = vector.shape_cast %get3A_299 : vector<1x1x16xi32> to vector<16xi32>
          %mul3A_301 = arith.constant 8 : i32
          %mul3A_302 = arith.muli %add3A_286, %mul3A_301 : i32
          %add3A_303 = arith.constant 0 : i32
          %add3A_304 = arith.addi %mul3A_302, %add3A_303 : i32
          %mul3A_305 = arith.constant 16 : i32
          %mul3A_306 = arith.muli %add3A_304, %mul3A_305 : i32
          %get3A_307 = arith.index_cast %sub3A_189 : i32 to index
          %get3A_308 = arith.index_cast %add3A_276 : i32 to index
          %get3A_309 = arith.index_cast %mul3A_306 : i32 to index
          %get3A_310 = tpu.vector_load %arg6[%get3A_307, %get3A_308, %get3A_309] {strides = array<i32>} : memref<2x7x1792xf32, #tpu.memory_space<vmem>>, vector<1x1x16xf32>,
          %get3A_311 = vector.shape_cast %get3A_310 : vector<1x1x16xf32> to vector<16xf32>
          %add3A_312 = arith.addi %get3A_300, %get3A_8 : vector<16xi32>
          %shift_right_logical3A = arith.shrui %add3A_312, %broadcast_in_dim3A_227 : vector<16xi32>
          %shift_right_logical3A_313 = arith.shrui %shift_right_logical3A, %broadcast_in_dim3A_229 : vector<16xi32>
          %add3A_314 = arith.addi %shift_right_logical3A_313, %shift_right_logical3A_313 : vector<16xi32>
          %and3A_315 = arith.andi %shift_right_logical3A, %broadcast_in_dim3A_231 : vector<16xi32>
          %add3A_316 = arith.addi %add3A_314, %and3A_315 : vector<16xi32>
          %mul3A_317 = arith.muli %shift_right_logical3A_313, %broadcast_in_dim3A_233 : vector<16xi32>
          %mul3A_318 = arith.muli %add3A_316, %broadcast_in_dim3A_235 : vector<16xi32>
          %shift_right_logical3A_319 = arith.shrui %mul3A_318, %broadcast_in_dim3A_237 : vector<16xi32>
          %add3A_320 = arith.addi %mul3A_317, %shift_right_logical3A_319 : vector<16xi32>
          %mul3A_321 = arith.muli %add3A_320, %broadcast_in_dim3A_239 : vector<16xi32>
          %add3A_322 = arith.addi %mul3A_321, %iota3A : vector<16xi32>
          %swap3A = arith.index_cast %add3A_289 : i32 to index
          %swap3A_323 = arith.constant 0 : index
          %swap3A_324 = tpu.vector_load %arg9[%swap3A, %swap3A_323] {strides = array<i32>} : memref<98x128xi32, #tpu.memory_space<vmem>>, vector<1x16xi32>,
          %swap3A_325 = vector.shape_cast %swap3A_324 : vector<1x16xi32> to vector<16xi32>
          %swap3A_326 = vector.shape_cast %add3A_322 : vector<16xi32> to vector<1x16xi32>
          tpu.vector_store %arg9[%swap3A, %swap3A_323], %swap3A_326 {strides = array<i32>} : memref<98x128xi32, #tpu.memory_space<vmem>>, vector<1x16xi32>,
          %swap3A_327 = arith.index_cast %add3A_289 : i32 to index
          %swap3A_328 = arith.constant 0 : index
          %swap3A_329 = tpu.vector_load %arg8[%swap3A_327, %swap3A_328] {strides = array<i32>} : memref<98x128xf32, #tpu.memory_space<vmem>>, vector<1x16xf32>,
          %swap3A_330 = vector.shape_cast %swap3A_329 : vector<1x16xf32> to vector<16xf32>
          %swap3A_331 = vector.shape_cast %get3A_311 : vector<16xf32> to vector<1x16xf32>
          tpu.vector_store %arg8[%swap3A_327, %swap3A_328], %swap3A_331 {strides = array<i32>} : memref<98x128xf32, #tpu.memory_space<vmem>>, vector<1x16xf32>,
          %mul3A_332 = arith.constant 8 : i32
          %mul3A_333 = arith.muli %add3A_286, %mul3A_332 : i32
          %add3A_334 = arith.constant 1 : i32
          %add3A_335 = arith.addi %mul3A_333, %add3A_334 : i32
          %mul3A_336 = arith.constant 16 : i32
          %mul3A_337 = arith.muli %add3A_335, %mul3A_336 : i32
          %get3A_338 = arith.index_cast %sub3A_189 : i32 to index
          %get3A_339 = arith.index_cast %add3A_276 : i32 to index
          %get3A_340 = arith.index_cast %mul3A_337 : i32 to index
          %get3A_341 = tpu.vector_load %arg7[%get3A_338, %get3A_339, %get3A_340] {strides = array<i32>} : memref<2x7x1792xi32, #tpu.memory_space<vmem>>, vector<1x1x16xi32>,
          %get3A_342 = vector.shape_cast %get3A_341 : vector<1x1x16xi32> to vector<16xi32>
          %mul3A_343 = arith.constant 8 : i32
          %mul3A_344 = arith.muli %add3A_286, %mul3A_343 : i32
          %add3A_345 = arith.constant 1 : i32
          %add3A_346 = arith.addi %mul3A_344, %add3A_345 : i32
          %mul3A_347 = arith.constant 16 : i32
          %mul3A_348 = arith.muli %add3A_346, %mul3A_347 : i32
          %get3A_349 = arith.index_cast %sub3A_189 : i32 to index
          %get3A_350 = arith.index_cast %add3A_276 : i32 to index
          %get3A_351 = arith.index_cast %mul3A_348 : i32 to index
          %get3A_352 = tpu.vector_load %arg6[%get3A_349, %get3A_350, %get3A_351] {strides = array<i32>} : memref<2x7x1792xf32, #tpu.memory_space<vmem>>, vector<1x1x16xf32>,
          %get3A_353 = vector.shape_cast %get3A_352 : vector<1x1x16xf32> to vector<16xf32>
          %add3A_354 = arith.addi %get3A_342, %get3A_8 : vector<16xi32>
          %shift_right_logical3A_355 = arith.shrui %add3A_354, %broadcast_in_dim3A_227 : vector<16xi32>
          %shift_right_logical3A_356 = arith.shrui %shift_right_logical3A_355, %broadcast_in_dim3A_229 : vector<16xi32>
          %add3A_357 = arith.addi %shift_right_logical3A_356, %shift_right_logical3A_356 : vector<16xi32>
          %and3A_358 = arith.andi %shift_right_logical3A_355, %broadcast_in_dim3A_231 : vector<16xi32>
          %add3A_359 = arith.addi %add3A_357, %and3A_358 : vector<16xi32>
          %mul3A_360 = arith.muli %shift_right_logical3A_356, %broadcast_in_dim3A_233 : vector<16xi32>
          %mul3A_361 = arith.muli %add3A_359, %broadcast_in_dim3A_235 : vector<16xi32>
          %shift_right_logical3A_362 = arith.shrui %mul3A_361, %broadcast_in_dim3A_237 : vector<16xi32>
          %add3A_363 = arith.addi %mul3A_360, %shift_right_logical3A_362 : vector<16xi32>
          %mul3A_364 = arith.muli %add3A_363, %broadcast_in_dim3A_239 : vector<16xi32>
          %add3A_365 = arith.addi %mul3A_364, %iota3A : vector<16xi32>
          %swap3A_366 = arith.index_cast %add3A_289 : i32 to index
          %swap3A_367 = arith.constant 16 : index
          %swap3A_368 = tpu.vector_load %arg9[%swap3A_366, %swap3A_367] {strides = array<i32>} : memref<98x128xi32, #tpu.memory_space<vmem>>, vector<1x16xi32>,
          %swap3A_369 = vector.shape_cast %swap3A_368 : vector<1x16xi32> to vector<16xi32>
          %swap3A_370 = vector.shape_cast %add3A_365 : vector<16xi32> to vector<1x16xi32>
          tpu.vector_store %arg9[%swap3A_366, %swap3A_367], %swap3A_370 {strides = array<i32>} : memref<98x128xi32, #tpu.memory_space<vmem>>, vector<1x16xi32>,
          %swap3A_371 = arith.index_cast %add3A_289 : i32 to index
          %swap3A_372 = arith.constant 16 : index
          %swap3A_373 = tpu.vector_load %arg8[%swap3A_371, %swap3A_372] {strides = array<i32>} : memref<98x128xf32, #tpu.memory_space<vmem>>, vector<1x16xf32>,
          %swap3A_374 = vector.shape_cast %swap3A_373 : vector<1x16xf32> to vector<16xf32>
          %swap3A_375 = vector.shape_cast %get3A_353 : vector<16xf32> to vector<1x16xf32>
          tpu.vector_store %arg8[%swap3A_371, %swap3A_372], %swap3A_375 {strides = array<i32>} : memref<98x128xf32, #tpu.memory_space<vmem>>, vector<1x16xf32>,
          %mul3A_376 = arith.constant 8 : i32
          %mul3A_377 = arith.muli %add3A_286, %mul3A_376 : i32
          %add3A_378 = arith.constant 2 : i32
          %add3A_379 = arith.addi %mul3A_377, %add3A_378 : i32
          %mul3A_380 = arith.constant 16 : i32
          %mul3A_381 = arith.muli %add3A_379, %mul3A_380 : i32
          %get3A_382 = arith.index_cast %sub3A_189 : i32 to index
          %get3A_383 = arith.index_cast %add3A_276 : i32 to index
          %get3A_384 = arith.index_cast %mul3A_381 : i32 to index
          %get3A_385 = tpu.vector_load %arg7[%get3A_382, %get3A_383, %get3A_384] {strides = array<i32>} : memref<2x7x1792xi32, #tpu.memory_space<vmem>>, vector<1x1x16xi32>,
          %get3A_386 = vector.shape_cast %get3A_385 : vector<1x1x16xi32> to vector<16xi32>
          %mul3A_387 = arith.constant 8 : i32
          %mul3A_388 = arith.muli %add3A_286, %mul3A_387 : i32
          %add3A_389 = arith.constant 2 : i32
          %add3A_390 = arith.addi %mul3A_388, %add3A_389 : i32
          %mul3A_391 = arith.constant 16 : i32
          %mul3A_392 = arith.muli %add3A_390, %mul3A_391 : i32
          %get3A_393 = arith.index_cast %sub3A_189 : i32 to index
          %get3A_394 = arith.index_cast %add3A_276 : i32 to index
          %get3A_395 = arith.index_cast %mul3A_392 : i32 to index
          %get3A_396 = tpu.vector_load %arg6[%get3A_393, %get3A_394, %get3A_395] {strides = array<i32>} : memref<2x7x1792xf32, #tpu.memory_space<vmem>>, vector<1x1x16xf32>,
          %get3A_397 = vector.shape_cast %get3A_396 : vector<1x1x16xf32> to vector<16xf32>
          %add3A_398 = arith.addi %get3A_386, %get3A_8 : vector<16xi32>
          %shift_right_logical3A_399 = arith.shrui %add3A_398, %broadcast_in_dim3A_227 : vector<16xi32>
          %shift_right_logical3A_400 = arith.shrui %shift_right_logical3A_399, %broadcast_in_dim3A_229 : vector<16xi32>
          %add3A_401 = arith.addi %shift_right_logical3A_400, %shift_right_logical3A_400 : vector<16xi32>
          %and3A_402 = arith.andi %shift_right_logical3A_399, %broadcast_in_dim3A_231 : vector<16xi32>
          %add3A_403 = arith.addi %add3A_401, %and3A_402 : vector<16xi32>
          %mul3A_404 = arith.muli %shift_right_logical3A_400, %broadcast_in_dim3A_233 : vector<16xi32>
          %mul3A_405 = arith.muli %add3A_403, %broadcast_in_dim3A_235 : vector<16xi32>
          %shift_right_logical3A_406 = arith.shrui %mul3A_405, %broadcast_in_dim3A_237 : vector<16xi32>
          %add3A_407 = arith.addi %mul3A_404, %shift_right_logical3A_406 : vector<16xi32>
          %mul3A_408 = arith.muli %add3A_407, %broadcast_in_dim3A_239 : vector<16xi32>
          %add3A_409 = arith.addi %mul3A_408, %iota3A : vector<16xi32>
          %swap3A_410 = arith.index_cast %add3A_289 : i32 to index
          %swap3A_411 = arith.constant 32 : index
          %swap3A_412 = tpu.vector_load %arg9[%swap3A_410, %swap3A_411] {strides = array<i32>} : memref<98x128xi32, #tpu.memory_space<vmem>>, vector<1x16xi32>,
          %swap3A_413 = vector.shape_cast %swap3A_412 : vector<1x16xi32> to vector<16xi32>
          %swap3A_414 = vector.shape_cast %add3A_409 : vector<16xi32> to vector<1x16xi32>
          tpu.vector_store %arg9[%swap3A_410, %swap3A_411], %swap3A_414 {strides = array<i32>} : memref<98x128xi32, #tpu.memory_space<vmem>>, vector<1x16xi32>,
          %swap3A_415 = arith.index_cast %add3A_289 : i32 to index
          %swap3A_416 = arith.constant 32 : index
          %swap3A_417 = tpu.vector_load %arg8[%swap3A_415, %swap3A_416] {strides = array<i32>} : memref<98x128xf32, #tpu.memory_space<vmem>>, vector<1x16xf32>,
          %swap3A_418 = vector.shape_cast %swap3A_417 : vector<1x16xf32> to vector<16xf32>
          %swap3A_419 = vector.shape_cast %get3A_397 : vector<16xf32> to vector<1x16xf32>
          tpu.vector_store %arg8[%swap3A_415, %swap3A_416], %swap3A_419 {strides = array<i32>} : memref<98x128xf32, #tpu.memory_space<vmem>>, vector<1x16xf32>,
          %mul3A_420 = arith.constant 8 : i32
          %mul3A_421 = arith.muli %add3A_286, %mul3A_420 : i32
          %add3A_422 = arith.constant 3 : i32
          %add3A_423 = arith.addi %mul3A_421, %add3A_422 : i32
          %mul3A_424 = arith.constant 16 : i32
          %mul3A_425 = arith.muli %add3A_423, %mul3A_424 : i32
          %get3A_426 = arith.index_cast %sub3A_189 : i32 to index
          %get3A_427 = arith.index_cast %add3A_276 : i32 to index
          %get3A_428 = arith.index_cast %mul3A_425 : i32 to index
          %get3A_429 = tpu.vector_load %arg7[%get3A_426, %get3A_427, %get3A_428] {strides = array<i32>} : memref<2x7x1792xi32, #tpu.memory_space<vmem>>, vector<1x1x16xi32>,
          %get3A_430 = vector.shape_cast %get3A_429 : vector<1x1x16xi32> to vector<16xi32>
          %mul3A_431 = arith.constant 8 : i32
          %mul3A_432 = arith.muli %add3A_286, %mul3A_431 : i32
          %add3A_433 = arith.constant 3 : i32
          %add3A_434 = arith.addi %mul3A_432, %add3A_433 : i32
          %mul3A_435 = arith.constant 16 : i32
          %mul3A_436 = arith.muli %add3A_434, %mul3A_435 : i32
          %get3A_437 = arith.index_cast %sub3A_189 : i32 to index
          %get3A_438 = arith.index_cast %add3A_276 : i32 to index
          %get3A_439 = arith.index_cast %mul3A_436 : i32 to index
          %get3A_440 = tpu.vector_load %arg6[%get3A_437, %get3A_438, %get3A_439] {strides = array<i32>} : memref<2x7x1792xf32, #tpu.memory_space<vmem>>, vector<1x1x16xf32>,
          %get3A_441 = vector.shape_cast %get3A_440 : vector<1x1x16xf32> to vector<16xf32>
          %add3A_442 = arith.addi %get3A_430, %get3A_8 : vector<16xi32>
          %shift_right_logical3A_443 = arith.shrui %add3A_442, %broadcast_in_dim3A_227 : vector<16xi32>
          %shift_right_logical3A_444 = arith.shrui %shift_right_logical3A_443, %broadcast_in_dim3A_229 : vector<16xi32>
          %add3A_445 = arith.addi %shift_right_logical3A_444, %shift_right_logical3A_444 : vector<16xi32>
          %and3A_446 = arith.andi %shift_right_logical3A_443, %broadcast_in_dim3A_231 : vector<16xi32>
          %add3A_447 = arith.addi %add3A_445, %and3A_446 : vector<16xi32>
          %mul3A_448 = arith.muli %shift_right_logical3A_444, %broadcast_in_dim3A_233 : vector<16xi32>
          %mul3A_449 = arith.muli %add3A_447, %broadcast_in_dim3A_235 : vector<16xi32>
          %shift_right_logical3A_450 = arith.shrui %mul3A_449, %broadcast_in_dim3A_237 : vector<16xi32>
          %add3A_451 = arith.addi %mul3A_448, %shift_right_logical3A_450 : vector<16xi32>
          %mul3A_452 = arith.muli %add3A_451, %broadcast_in_dim3A_239 : vector<16xi32>
          %add3A_453 = arith.addi %mul3A_452, %iota3A : vector<16xi32>
          %swap3A_454 = arith.index_cast %add3A_289 : i32 to index
          %swap3A_455 = arith.constant 48 : index
          %swap3A_456 = tpu.vector_load %arg9[%swap3A_454, %swap3A_455] {strides = array<i32>} : memref<98x128xi32, #tpu.memory_space<vmem>>, vector<1x16xi32>,
          %swap3A_457 = vector.shape_cast %swap3A_456 : vector<1x16xi32> to vector<16xi32>
          %swap3A_458 = vector.shape_cast %add3A_453 : vector<16xi32> to vector<1x16xi32>
          tpu.vector_store %arg9[%swap3A_454, %swap3A_455], %swap3A_458 {strides = array<i32>} : memref<98x128xi32, #tpu.memory_space<vmem>>, vector<1x16xi32>,
          %swap3A_459 = arith.index_cast %add3A_289 : i32 to index
          %swap3A_460 = arith.constant 48 : index
          %swap3A_461 = tpu.vector_load %arg8[%swap3A_459, %swap3A_460] {strides = array<i32>} : memref<98x128xf32, #tpu.memory_space<vmem>>, vector<1x16xf32>,
          %swap3A_462 = vector.shape_cast %swap3A_461 : vector<1x16xf32> to vector<16xf32>
          %swap3A_463 = vector.shape_cast %get3A_441 : vector<16xf32> to vector<1x16xf32>
          tpu.vector_store %arg8[%swap3A_459, %swap3A_460], %swap3A_463 {strides = array<i32>} : memref<98x128xf32, #tpu.memory_space<vmem>>, vector<1x16xf32>,
          %mul3A_464 = arith.constant 8 : i32
          %mul3A_465 = arith.muli %add3A_286, %mul3A_464 : i32
          %add3A_466 = arith.constant 4 : i32
          %add3A_467 = arith.addi %mul3A_465, %add3A_466 : i32
          %mul3A_468 = arith.constant 16 : i32
          %mul3A_469 = arith.muli %add3A_467, %mul3A_468 : i32
          %get3A_470 = arith.index_cast %sub3A_189 : i32 to index
          %get3A_471 = arith.index_cast %add3A_276 : i32 to index
          %get3A_472 = arith.index_cast %mul3A_469 : i32 to index
          %get3A_473 = tpu.vector_load %arg7[%get3A_470, %get3A_471, %get3A_472] {strides = array<i32>} : memref<2x7x1792xi32, #tpu.memory_space<vmem>>, vector<1x1x16xi32>,
          %get3A_474 = vector.shape_cast %get3A_473 : vector<1x1x16xi32> to vector<16xi32>
          %mul3A_475 = arith.constant 8 : i32
          %mul3A_476 = arith.muli %add3A_286, %mul3A_475 : i32
          %add3A_477 = arith.constant 4 : i32
          %add3A_478 = arith.addi %mul3A_476, %add3A_477 : i32
          %mul3A_479 = arith.constant 16 : i32
          %mul3A_480 = arith.muli %add3A_478, %mul3A_479 : i32
          %get3A_481 = arith.index_cast %sub3A_189 : i32 to index
          %get3A_482 = arith.index_cast %add3A_276 : i32 to index
          %get3A_483 = arith.index_cast %mul3A_480 : i32 to index
          %get3A_484 = tpu.vector_load %arg6[%get3A_481, %get3A_482, %get3A_483] {strides = array<i32>} : memref<2x7x1792xf32, #tpu.memory_space<vmem>>, vector<1x1x16xf32>,
          %get3A_485 = vector.shape_cast %get3A_484 : vector<1x1x16xf32> to vector<16xf32>
          %add3A_486 = arith.addi %get3A_474, %get3A_8 : vector<16xi32>
          %shift_right_logical3A_487 = arith.shrui %add3A_486, %broadcast_in_dim3A_227 : vector<16xi32>
          %shift_right_logical3A_488 = arith.shrui %shift_right_logical3A_487, %broadcast_in_dim3A_229 : vector<16xi32>
          %add3A_489 = arith.addi %shift_right_logical3A_488, %shift_right_logical3A_488 : vector<16xi32>
          %and3A_490 = arith.andi %shift_right_logical3A_487, %broadcast_in_dim3A_231 : vector<16xi32>
          %add3A_491 = arith.addi %add3A_489, %and3A_490 : vector<16xi32>
          %mul3A_492 = arith.muli %shift_right_logical3A_488, %broadcast_in_dim3A_233 : vector<16xi32>
          %mul3A_493 = arith.muli %add3A_491, %broadcast_in_dim3A_235 : vector<16xi32>
          %shift_right_logical3A_494 = arith.shrui %mul3A_493, %broadcast_in_dim3A_237 : vector<16xi32>
          %add3A_495 = arith.addi %mul3A_492, %shift_right_logical3A_494 : vector<16xi32>
          %mul3A_496 = arith.muli %add3A_495, %broadcast_in_dim3A_239 : vector<16xi32>
          %add3A_497 = arith.addi %mul3A_496, %iota3A : vector<16xi32>
          %swap3A_498 = arith.index_cast %add3A_289 : i32 to index
          %swap3A_499 = arith.constant 64 : index
          %swap3A_500 = tpu.vector_load %arg9[%swap3A_498, %swap3A_499] {strides = array<i32>} : memref<98x128xi32, #tpu.memory_space<vmem>>, vector<1x16xi32>,
          %swap3A_501 = vector.shape_cast %swap3A_500 : vector<1x16xi32> to vector<16xi32>
          %swap3A_502 = vector.shape_cast %add3A_497 : vector<16xi32> to vector<1x16xi32>
          tpu.vector_store %arg9[%swap3A_498, %swap3A_499], %swap3A_502 {strides = array<i32>} : memref<98x128xi32, #tpu.memory_space<vmem>>, vector<1x16xi32>,
          %swap3A_503 = arith.index_cast %add3A_289 : i32 to index
          %swap3A_504 = arith.constant 64 : index
          %swap3A_505 = tpu.vector_load %arg8[%swap3A_503, %swap3A_504] {strides = array<i32>} : memref<98x128xf32, #tpu.memory_space<vmem>>, vector<1x16xf32>,
          %swap3A_506 = vector.shape_cast %swap3A_505 : vector<1x16xf32> to vector<16xf32>
          %swap3A_507 = vector.shape_cast %get3A_485 : vector<16xf32> to vector<1x16xf32>
          tpu.vector_store %arg8[%swap3A_503, %swap3A_504], %swap3A_507 {strides = array<i32>} : memref<98x128xf32, #tpu.memory_space<vmem>>, vector<1x16xf32>,
          %mul3A_508 = arith.constant 8 : i32
          %mul3A_509 = arith.muli %add3A_286, %mul3A_508 : i32
          %add3A_510 = arith.constant 5 : i32
          %add3A_511 = arith.addi %mul3A_509, %add3A_510 : i32
          %mul3A_512 = arith.constant 16 : i32
          %mul3A_513 = arith.muli %add3A_511, %mul3A_512 : i32
          %get3A_514 = arith.index_cast %sub3A_189 : i32 to index
          %get3A_515 = arith.index_cast %add3A_276 : i32 to index
          %get3A_516 = arith.index_cast %mul3A_513 : i32 to index
          %get3A_517 = tpu.vector_load %arg7[%get3A_514, %get3A_515, %get3A_516] {strides = array<i32>} : memref<2x7x1792xi32, #tpu.memory_space<vmem>>, vector<1x1x16xi32>,
          %get3A_518 = vector.shape_cast %get3A_517 : vector<1x1x16xi32> to vector<16xi32>
          %mul3A_519 = arith.constant 8 : i32
          %mul3A_520 = arith.muli %add3A_286, %mul3A_519 : i32
          %add3A_521 = arith.constant 5 : i32
          %add3A_522 = arith.addi %mul3A_520, %add3A_521 : i32
          %mul3A_523 = arith.constant 16 : i32
          %mul3A_524 = arith.muli %add3A_522, %mul3A_523 : i32
          %get3A_525 = arith.index_cast %sub3A_189 : i32 to index
          %get3A_526 = arith.index_cast %add3A_276 : i32 to index
          %get3A_527 = arith.index_cast %mul3A_524 : i32 to index
          %get3A_528 = tpu.vector_load %arg6[%get3A_525, %get3A_526, %get3A_527] {strides = array<i32>} : memref<2x7x1792xf32, #tpu.memory_space<vmem>>, vector<1x1x16xf32>,
          %get3A_529 = vector.shape_cast %get3A_528 : vector<1x1x16xf32> to vector<16xf32>
          %add3A_530 = arith.addi %get3A_518, %get3A_8 : vector<16xi32>
          %shift_right_logical3A_531 = arith.shrui %add3A_530, %broadcast_in_dim3A_227 : vector<16xi32>
          %shift_right_logical3A_532 = arith.shrui %shift_right_logical3A_531, %broadcast_in_dim3A_229 : vector<16xi32>
          %add3A_533 = arith.addi %shift_right_logical3A_532, %shift_right_logical3A_532 : vector<16xi32>
          %and3A_534 = arith.andi %shift_right_logical3A_531, %broadcast_in_dim3A_231 : vector<16xi32>
          %add3A_535 = arith.addi %add3A_533, %and3A_534 : vector<16xi32>
          %mul3A_536 = arith.muli %shift_right_logical3A_532, %broadcast_in_dim3A_233 : vector<16xi32>
          %mul3A_537 = arith.muli %add3A_535, %broadcast_in_dim3A_235 : vector<16xi32>
          %shift_right_logical3A_538 = arith.shrui %mul3A_537, %broadcast_in_dim3A_237 : vector<16xi32>
          %add3A_539 = arith.addi %mul3A_536, %shift_right_logical3A_538 : vector<16xi32>
          %mul3A_540 = arith.muli %add3A_539, %broadcast_in_dim3A_239 : vector<16xi32>
          %add3A_541 = arith.addi %mul3A_540, %iota3A : vector<16xi32>
          %swap3A_542 = arith.index_cast %add3A_289 : i32 to index
          %swap3A_543 = arith.constant 80 : index
          %swap3A_544 = tpu.vector_load %arg9[%swap3A_542, %swap3A_543] {strides = array<i32>} : memref<98x128xi32, #tpu.memory_space<vmem>>, vector<1x16xi32>,
          %swap3A_545 = vector.shape_cast %swap3A_544 : vector<1x16xi32> to vector<16xi32>
          %swap3A_546 = vector.shape_cast %add3A_541 : vector<16xi32> to vector<1x16xi32>
          tpu.vector_store %arg9[%swap3A_542, %swap3A_543], %swap3A_546 {strides = array<i32>} : memref<98x128xi32, #tpu.memory_space<vmem>>, vector<1x16xi32>,
          %swap3A_547 = arith.index_cast %add3A_289 : i32 to index
          %swap3A_548 = arith.constant 80 : index
          %swap3A_549 = tpu.vector_load %arg8[%swap3A_547, %swap3A_548] {strides = array<i32>} : memref<98x128xf32, #tpu.memory_space<vmem>>, vector<1x16xf32>,
          %swap3A_550 = vector.shape_cast %swap3A_549 : vector<1x16xf32> to vector<16xf32>
          %swap3A_551 = vector.shape_cast %get3A_529 : vector<16xf32> to vector<1x16xf32>
          tpu.vector_store %arg8[%swap3A_547, %swap3A_548], %swap3A_551 {strides = array<i32>} : memref<98x128xf32, #tpu.memory_space<vmem>>, vector<1x16xf32>,
          %mul3A_552 = arith.constant 8 : i32
          %mul3A_553 = arith.muli %add3A_286, %mul3A_552 : i32
          %add3A_554 = arith.constant 6 : i32
          %add3A_555 = arith.addi %mul3A_553, %add3A_554 : i32
          %mul3A_556 = arith.constant 16 : i32
          %mul3A_557 = arith.muli %add3A_555, %mul3A_556 : i32
          %get3A_558 = arith.index_cast %sub3A_189 : i32 to index
          %get3A_559 = arith.index_cast %add3A_276 : i32 to index
          %get3A_560 = arith.index_cast %mul3A_557 : i32 to index
          %get3A_561 = tpu.vector_load %arg7[%get3A_558, %get3A_559, %get3A_560] {strides = array<i32>} : memref<2x7x1792xi32, #tpu.memory_space<vmem>>, vector<1x1x16xi32>,
          %get3A_562 = vector.shape_cast %get3A_561 : vector<1x1x16xi32> to vector<16xi32>
          %mul3A_563 = arith.constant 8 : i32
          %mul3A_564 = arith.muli %add3A_286, %mul3A_563 : i32
          %add3A_565 = arith.constant 6 : i32
          %add3A_566 = arith.addi %mul3A_564, %add3A_565 : i32
          %mul3A_567 = arith.constant 16 : i32
          %mul3A_568 = arith.muli %add3A_566, %mul3A_567 : i32
          %get3A_569 = arith.index_cast %sub3A_189 : i32 to index
          %get3A_570 = arith.index_cast %add3A_276 : i32 to index
          %get3A_571 = arith.index_cast %mul3A_568 : i32 to index
          %get3A_572 = tpu.vector_load %arg6[%get3A_569, %get3A_570, %get3A_571] {strides = array<i32>} : memref<2x7x1792xf32, #tpu.memory_space<vmem>>, vector<1x1x16xf32>,
          %get3A_573 = vector.shape_cast %get3A_572 : vector<1x1x16xf32> to vector<16xf32>
          %add3A_574 = arith.addi %get3A_562, %get3A_8 : vector<16xi32>
          %shift_right_logical3A_575 = arith.shrui %add3A_574, %broadcast_in_dim3A_227 : vector<16xi32>
          %shift_right_logical3A_576 = arith.shrui %shift_right_logical3A_575, %broadcast_in_dim3A_229 : vector<16xi32>
          %add3A_577 = arith.addi %shift_right_logical3A_576, %shift_right_logical3A_576 : vector<16xi32>
          %and3A_578 = arith.andi %shift_right_logical3A_575, %broadcast_in_dim3A_231 : vector<16xi32>
          %add3A_579 = arith.addi %add3A_577, %and3A_578 : vector<16xi32>
          %mul3A_580 = arith.muli %shift_right_logical3A_576, %broadcast_in_dim3A_233 : vector<16xi32>
          %mul3A_581 = arith.muli %add3A_579, %broadcast_in_dim3A_235 : vector<16xi32>
          %shift_right_logical3A_582 = arith.shrui %mul3A_581, %broadcast_in_dim3A_237 : vector<16xi32>
          %add3A_583 = arith.addi %mul3A_580, %shift_right_logical3A_582 : vector<16xi32>
          %mul3A_584 = arith.muli %add3A_583, %broadcast_in_dim3A_239 : vector<16xi32>
          %add3A_585 = arith.addi %mul3A_584, %iota3A : vector<16xi32>
          %swap3A_586 = arith.index_cast %add3A_289 : i32 to index
          %swap3A_587 = arith.constant 96 : index
          %swap3A_588 = tpu.vector_load %arg9[%swap3A_586, %swap3A_587] {strides = array<i32>} : memref<98x128xi32, #tpu.memory_space<vmem>>, vector<1x16xi32>,
          %swap3A_589 = vector.shape_cast %swap3A_588 : vector<1x16xi32> to vector<16xi32>
          %swap3A_590 = vector.shape_cast %add3A_585 : vector<16xi32> to vector<1x16xi32>
          tpu.vector_store %arg9[%swap3A_586, %swap3A_587], %swap3A_590 {strides = array<i32>} : memref<98x128xi32, #tpu.memory_space<vmem>>, vector<1x16xi32>,
          %swap3A_591 = arith.index_cast %add3A_289 : i32 to index
          %swap3A_592 = arith.constant 96 : index
          %swap3A_593 = tpu.vector_load %arg8[%swap3A_591, %swap3A_592] {strides = array<i32>} : memref<98x128xf32, #tpu.memory_space<vmem>>, vector<1x16xf32>,
          %swap3A_594 = vector.shape_cast %swap3A_593 : vector<1x16xf32> to vector<16xf32>
          %swap3A_595 = vector.shape_cast %get3A_573 : vector<16xf32> to vector<1x16xf32>
          tpu.vector_store %arg8[%swap3A_591, %swap3A_592], %swap3A_595 {strides = array<i32>} : memref<98x128xf32, #tpu.memory_space<vmem>>, vector<1x16xf32>,
          %mul3A_596 = arith.constant 8 : i32
          %mul3A_597 = arith.muli %add3A_286, %mul3A_596 : i32
          %add3A_598 = arith.constant 7 : i32
          %add3A_599 = arith.addi %mul3A_597, %add3A_598 : i32
          %mul3A_600 = arith.constant 16 : i32
          %mul3A_601 = arith.muli %add3A_599, %mul3A_600 : i32
          %get3A_602 = arith.index_cast %sub3A_189 : i32 to index
          %get3A_603 = arith.index_cast %add3A_276 : i32 to index
          %get3A_604 = arith.index_cast %mul3A_601 : i32 to index
          %get3A_605 = tpu.vector_load %arg7[%get3A_602, %get3A_603, %get3A_604] {strides = array<i32>} : memref<2x7x1792xi32, #tpu.memory_space<vmem>>, vector<1x1x16xi32>,
          %get3A_606 = vector.shape_cast %get3A_605 : vector<1x1x16xi32> to vector<16xi32>
          %mul3A_607 = arith.constant 8 : i32
          %mul3A_608 = arith.muli %add3A_286, %mul3A_607 : i32
          %add3A_609 = arith.constant 7 : i32
          %add3A_610 = arith.addi %mul3A_608, %add3A_609 : i32
          %mul3A_611 = arith.constant 16 : i32
          %mul3A_612 = arith.muli %add3A_610, %mul3A_611 : i32
          %get3A_613 = arith.index_cast %sub3A_189 : i32 to index
          %get3A_614 = arith.index_cast %add3A_276 : i32 to index
          %get3A_615 = arith.index_cast %mul3A_612 : i32 to index
          %get3A_616 = tpu.vector_load %arg6[%get3A_613, %get3A_614, %get3A_615] {strides = array<i32>} : memref<2x7x1792xf32, #tpu.memory_space<vmem>>, vector<1x1x16xf32>,
          %get3A_617 = vector.shape_cast %get3A_616 : vector<1x1x16xf32> to vector<16xf32>
          %add3A_618 = arith.addi %get3A_606, %get3A_8 : vector<16xi32>
          %shift_right_logical3A_619 = arith.shrui %add3A_618, %broadcast_in_dim3A_227 : vector<16xi32>
          %shift_right_logical3A_620 = arith.shrui %shift_right_logical3A_619, %broadcast_in_dim3A_229 : vector<16xi32>
          %add3A_621 = arith.addi %shift_right_logical3A_620, %shift_right_logical3A_620 : vector<16xi32>
          %and3A_622 = arith.andi %shift_right_logical3A_619, %broadcast_in_dim3A_231 : vector<16xi32>
          %add3A_623 = arith.addi %add3A_621, %and3A_622 : vector<16xi32>
          %mul3A_624 = arith.muli %shift_right_logical3A_620, %broadcast_in_dim3A_233 : vector<16xi32>
          %mul3A_625 = arith.muli %add3A_623, %broadcast_in_dim3A_235 : vector<16xi32>
          %shift_right_logical3A_626 = arith.shrui %mul3A_625, %broadcast_in_dim3A_237 : vector<16xi32>
          %add3A_627 = arith.addi %mul3A_624, %shift_right_logical3A_626 : vector<16xi32>
          %mul3A_628 = arith.muli %add3A_627, %broadcast_in_dim3A_239 : vector<16xi32>
          %add3A_629 = arith.addi %mul3A_628, %iota3A : vector<16xi32>
          %swap3A_630 = arith.index_cast %add3A_289 : i32 to index
          %swap3A_631 = arith.constant 112 : index
          %swap3A_632 = tpu.vector_load %arg9[%swap3A_630, %swap3A_631] {strides = array<i32>} : memref<98x128xi32, #tpu.memory_space<vmem>>, vector<1x16xi32>,
          %swap3A_633 = vector.shape_cast %swap3A_632 : vector<1x16xi32> to vector<16xi32>
          %swap3A_634 = vector.shape_cast %add3A_629 : vector<16xi32> to vector<1x16xi32>
          tpu.vector_store %arg9[%swap3A_630, %swap3A_631], %swap3A_634 {strides = array<i32>} : memref<98x128xi32, #tpu.memory_space<vmem>>, vector<1x16xi32>,
          %swap3A_635 = arith.index_cast %add3A_289 : i32 to index
          %swap3A_636 = arith.constant 112 : index
          %swap3A_637 = tpu.vector_load %arg8[%swap3A_635, %swap3A_636] {strides = array<i32>} : memref<98x128xf32, #tpu.memory_space<vmem>>, vector<1x16xf32>,
          %swap3A_638 = vector.shape_cast %swap3A_637 : vector<1x16xf32> to vector<16xf32>
          %swap3A_639 = vector.shape_cast %get3A_617 : vector<16xf32> to vector<1x16xf32>
          tpu.vector_store %arg8[%swap3A_635, %swap3A_636], %swap3A_639 {strides = array<i32>} : memref<98x128xf32, #tpu.memory_space<vmem>>, vector<1x16xf32>,
          %dma_start3A_640 = arith.constant 0 : i32
          %dma_start3A_641 = tpu.memref_slice %arg8[%add3A_289, %dma_start3A_640] : memref<98x128xf32, #tpu.memory_space<vmem>> -> memref<1x128xf32, #tpu.memory_space<vmem>>
          %dma_start3A_642 = tpu.memref_squeeze %dma_start3A_641 : memref<1x128xf32, #tpu.memory_space<vmem>> -> memref<128xf32, #tpu.memory_space<vmem>>
          %dma_start3A_643 = arith.constant 0 : i32
          %dma_start3A_644 = tpu.memref_slice %arg9[%add3A_289, %dma_start3A_643] : memref<98x128xi32, #tpu.memory_space<vmem>> -> memref<1x128xi32, #tpu.memory_space<vmem>>
          %dma_start3A_645 = tpu.memref_squeeze %dma_start3A_644 : memref<1x128xi32, #tpu.memory_space<vmem>> -> memref<128xi32, #tpu.memory_space<vmem>>
          %dma_start3A_646 = arith.constant 0 : i32
          %dma_start3A_647 = tpu.memref_slice %arg12[%dma_start3A_646] : memref<802816xf32, #tpu.memory_space<vmem_shared>> -> memref<802816xf32, #tpu.memory_space<vmem_shared>>
          tpu.enqueue_indirect_dma source(%dma_start3A_642 : memref<128xf32, #tpu.memory_space<vmem>>) target(%dma_start3A_647 : memref<802816xf32, #tpu.memory_space<vmem_shared>>) offsets(%dma_start3A_645 : memref<128xi32, #tpu.memory_space<vmem>>) semaphore(%arg14 : memref<!tpu.dma_semaphore, #tpu.memory_space<semaphore_mem>>) {add = true}
        }
        %scan3A_281 = arith.constant 14 : i32
      }
      %scan3A_244 = arith.constant 7 : i32
      %scan3A_245 = arith.constant 0 : i32
      %scan3A_246 = arith.constant 98 : i32
      %scan3A_247 = arith.addi %scan3A_245, %scan3A_246 : i32
      %scan3A_248 = arith.constant 1 : i32
      scf.for %scan3A_272 = %scan3A_245 to %scan3A_247 step %scan3A_248  : i32 {
        %mul3A_273 = arith.constant 1 : i32
        %mul3A_274 = arith.muli %scan3A_272, %mul3A_273 : i32
        %add3A_275 = arith.constant 0 : i32
        %add3A_276 = arith.addi %add3A_275, %mul3A_274 : i32
        %dma_wait3A_277 = arith.constant 0 : i32
        %dma_wait3A_278 = arith.constant 0 : i32
        %dma_wait3A_279 = arith.constant 0 : i32
        %dma_wait3A_280 = tpu.memref_slice %arg8[%dma_wait3A_277, %dma_wait3A_279] : memref<98x128xf32, #tpu.memory_space<vmem>> -> memref<1x128xf32, #tpu.memory_space<vmem>>
        %dma_wait3A_281 = tpu.memref_squeeze %dma_wait3A_280 : memref<1x128xf32, #tpu.memory_space<vmem>> -> memref<128xf32, #tpu.memory_space<vmem>>
        %dma_wait3A_282 = arith.constant 0 : i32
        %dma_wait3A_283 = tpu.memref_slice %arg9[%dma_wait3A_278, %dma_wait3A_282] : memref<98x128xi32, #tpu.memory_space<vmem>> -> memref<1x128xi32, #tpu.memory_space<vmem>>
        %dma_wait3A_284 = tpu.memref_squeeze %dma_wait3A_283 : memref<1x128xi32, #tpu.memory_space<vmem>> -> memref<128xi32, #tpu.memory_space<vmem>>
        %dma_wait3A_285 = arith.constant 0 : i32
        %dma_wait3A_286 = tpu.memref_slice %arg12[%dma_wait3A_285] : memref<802816xf32, #tpu.memory_space<vmem_shared>> -> memref<802816xf32, #tpu.memory_space<vmem_shared>>
        tpu.wait_indirect_dma semaphore(%arg14 : memref<!tpu.dma_semaphore, #tpu.memory_space<semaphore_mem>>) src(%dma_wait3A_281 : memref<128xf32, #tpu.memory_space<vmem>>) dst(%dma_wait3A_286 : memref<802816xf32, #tpu.memory_space<vmem_shared>>)
      }
      %scan3A_249 = arith.constant 98 : i32
      %barrier3A_250 = arith.constant 0 : index
      tpu.barrier barrier_id(%barrier3A_250)
      %scan3A_251 = arith.constant 0 : i32
      %scan3A_252 = arith.constant 14 : i32
      %scan3A_253 = arith.addi %scan3A_251, %scan3A_252 : i32
      %scan3A_254 = arith.constant 1 : i32
      scf.for %scan3A_272 = %scan3A_251 to %scan3A_253 step %scan3A_254  : i32 {
        %mul3A_273 = arith.constant 1 : i32
        %mul3A_274 = arith.muli %scan3A_272, %mul3A_273 : i32
        %add3A_275 = arith.constant 0 : i32
        %add3A_276 = arith.addi %add3A_275, %mul3A_274 : i32
        %add3A_277 = arith.addi %mul3A_2, %add3A_276 : i32
        %mul3A_278 = arith.constant 3584 : i32
        %mul3A_279 = arith.muli %add3A_277, %mul3A_278 : i32
        %add3A_280 = arith.addi %mul3A_2, %add3A_276 : i32
        %dma_start3A_281 = arith.constant 0 : i32
        %dma_start3A_282 = tpu.memref_slice %arg5[%sub3A_162, %add3A_135, %add3A_280, %dma_start3A_281] : memref<6x8x224x3584xf32, #tpu.memory_space<hbm>> -> memref<1x1x1x3584xf32, #tpu.memory_space<hbm>>
        %dma_start3A_283 = tpu.memref_squeeze %dma_start3A_282 : memref<1x1x1x3584xf32, #tpu.memory_space<hbm>> -> memref<3584xf32, #tpu.memory_space<hbm>>
        %dma_start3A_284 = tpu.memref_slice %arg12[%mul3A_279] : memref<802816xf32, #tpu.memory_space<vmem_shared>> -> memref<3584xf32, #tpu.memory_space<vmem_shared>>
        tpu.enqueue_dma source(%dma_start3A_284 : memref<3584xf32, #tpu.memory_space<vmem_shared>>) target(%dma_start3A_283 : memref<3584xf32, #tpu.memory_space<hbm>>) target_semaphore(%arg15 : memref<!tpu.dma_semaphore, #tpu.memory_space<semaphore_mem>>)
      }
      %scan3A_255 = arith.constant 14 : i32
      %scan3A_256 = arith.constant 0 : i32
      %scan3A_257 = arith.constant 14 : i32
      %scan3A_258 = arith.addi %scan3A_256, %scan3A_257 : i32
      %scan3A_259 = arith.constant 1 : i32
      scf.for %scan3A_272 = %scan3A_256 to %scan3A_258 step %scan3A_259  : i32 {
        %mul3A_273 = arith.constant 1 : i32
        %mul3A_274 = arith.muli %scan3A_272, %mul3A_273 : i32
        %add3A_275 = arith.constant 0 : i32
        %add3A_276 = arith.addi %add3A_275, %mul3A_274 : i32
        %mul3A_277 = arith.constant 3584 : i32
        %mul3A_278 = arith.muli %mul3A_2, %mul3A_277 : i32
        %dma_wait3A_279 = arith.constant 0 : i32
        %dma_wait3A_280 = tpu.memref_slice %arg5[%sub3A_162, %add3A_135, %mul3A_2, %dma_wait3A_279] : memref<6x8x224x3584xf32, #tpu.memory_space<hbm>> -> memref<1x1x1x3584xf32, #tpu.memory_space<hbm>>
        %dma_wait3A_281 = tpu.memref_squeeze %dma_wait3A_280 : memref<1x1x1x3584xf32, #tpu.memory_space<hbm>> -> memref<3584xf32, #tpu.memory_space<hbm>>
        %dma_wait3A_282 = tpu.memref_slice %arg12[%mul3A_278] : memref<802816xf32, #tpu.memory_space<vmem_shared>> -> memref<3584xf32, #tpu.memory_space<vmem_shared>>
        tpu.wait_dma2 semaphore(%arg15 : memref<!tpu.dma_semaphore, #tpu.memory_space<semaphore_mem>>) src(%dma_wait3A_282 : memref<3584xf32, #tpu.memory_space<vmem_shared>>) dst(%dma_wait3A_281 : memref<3584xf32, #tpu.memory_space<hbm>>)
      }
      %scan3A_260 = arith.constant 14 : i32
      %scan3A_261 = arith.constant 0 : i32
      %scan3A_262 = arith.constant 16 : i32
      %scan3A_263 = arith.addi %scan3A_261, %scan3A_262 : i32
      %scan3A_264 = arith.constant 1 : i32
      scf.for %scan3A_272 = %scan3A_261 to %scan3A_263 step %scan3A_264  : i32 {
        %mul3A_273 = arith.constant 1 : i32
        %mul3A_274 = arith.muli %scan3A_272, %mul3A_273 : i32
        %add3A_275 = arith.constant 0 : i32
        %add3A_276 = arith.addi %add3A_275, %mul3A_274 : i32
        %mul3A_277 = arith.constant 50176 : i32
        %mul3A_278 = arith.muli %arg1, %mul3A_277 : i32
        %mul3A_279 = arith.constant 3136 : i32
        %mul3A_280 = arith.muli %add3A_276, %mul3A_279 : i32
        %add3A_281 = arith.addi %mul3A_278, %mul3A_280 : i32
        %dma_start3A_282 = tpu.memref_slice %arg12[%add3A_281] : memref<802816xf32, #tpu.memory_space<vmem_shared>> -> memref<3136xf32, #tpu.memory_space<vmem_shared>>
        %dma_start3A_283 = tpu.memref_slice %arg12[%add3A_281] : memref<802816xf32, #tpu.memory_space<vmem_shared>> -> memref<3136xf32, #tpu.memory_space<vmem_shared>>
        tpu.enqueue_dma source(%arg10 : memref<3136xf32, #tpu.memory_space<vmem>>) target(%dma_start3A_283 : memref<3136xf32, #tpu.memory_space<vmem_shared>>) target_semaphore(%arg15 : memref<!tpu.dma_semaphore, #tpu.memory_space<semaphore_mem>>)
      }
      %scan3A_265 = arith.constant 16 : i32
      %scan3A_266 = arith.constant 0 : i32
      %scan3A_267 = arith.constant 16 : i32
      %scan3A_268 = arith.addi %scan3A_266, %scan3A_267 : i32
      %scan3A_269 = arith.constant 1 : i32
      scf.for %scan3A_272 = %scan3A_266 to %scan3A_268 step %scan3A_269  : i32 {
        %mul3A_273 = arith.constant 1 : i32
        %mul3A_274 = arith.muli %scan3A_272, %mul3A_273 : i32
        %add3A_275 = arith.constant 0 : i32
        %add3A_276 = arith.addi %add3A_275, %mul3A_274 : i32
        %mul3A_277 = arith.constant 50176 : i32
        %mul3A_278 = arith.muli %arg1, %mul3A_277 : i32
        %dma_wait3A_279 = tpu.memref_slice %arg12[%mul3A_278] : memref<802816xf32, #tpu.memory_space<vmem_shared>> -> memref<3136xf32, #tpu.memory_space<vmem_shared>>
        %dma_wait3A_280 = tpu.memref_slice %arg12[%mul3A_278] : memref<802816xf32, #tpu.memory_space<vmem_shared>> -> memref<3136xf32, #tpu.memory_space<vmem_shared>>
        tpu.wait_dma2 semaphore(%arg15 : memref<!tpu.dma_semaphore, #tpu.memory_space<semaphore_mem>>) src(%arg10 : memref<3136xf32, #tpu.memory_space<vmem>>) dst(%dma_wait3A_280 : memref<3136xf32, #tpu.memory_space<vmem_shared>>)
      }
      %scan3A_270 = arith.constant 16 : i32
      %barrier3A_271 = arith.constant 0 : index
      tpu.barrier barrier_id(%barrier3A_271)
    }
    %scan3A_111 = arith.constant 24 : i32
    return
  }
}

</mosaic_0001>

<sc_bundles>
// kernel: _unpool.3.cloned.1.call-start
scs
__scs_entry_jumppad:
0x0: {  	(pc) =	sbr.rel $0x88, $3  }
0x1: {  	(tag) =	ssettag $0x0;
	lr =	simm.s32 $0x1  }
0x2: {  	[smem:$0x3F9E] =	sst lr;
	_ =	strace $0xD0000000  }
0x3: {  	_ = 	snop  }
0x4: {  	_ = 	snop  }
0x5: {  	_ = 	snop  }
0x6: {  	_ = 	snop  }
0x7: {  	_ = 	snop  }
__scs_overlays_trampoline_lowered:
0x8: {  	[smem:$0x3FAD] =	sst s0  }
0x9: {  	[smem:$0x3FAE] =	sst s1  }
0xa: {  	[smem:$0x3FAF] =	sst s2  }
0xb: {  	[smem:$0x3FB0] =	sst s3  }
0xc: {  	[smem:$0x3FB1] =	sst s4  }
0xd: {  	[smem:$0x3FB2] =	sst s5  }
0xe: {  	[smem:$0x3FB3] =	sst s6  }
0xf: {  	[smem:$0x3FB4] =	sst s7  }
0x10: {  	[smem:$0x3FB5] =	sst s8  }
0x11: {  	[smem:$0x3FB6] =	sst s9;
	s0 =	simm.s32 @!p0 $0x0  }
0x12: {  	s1 =	sld [smem:$0x3F9C];
	s0 =	simm.s32 @p0 $0x1  }
0x13: {  	[smem:$0x3FB7] =	sst s0;
	s0 =	simm.s32 @!p1 $0x0  }
0x14: {  	s2 =	sld [smem:$0x3F9B];
	s0 =	simm.s32 @p1 $0x1  }
0x15: {  	[smem:$0x3FB8] =	sst s0;
	s0 =	simm.s32 @!p2 $0x0  }
0x16: {  	s3 =	sld [smem:$0x3FDB];
	s0 =	simm.s32 @p2 $0x1  }
0x17: {  	s4 =	simm.s32 $0x1BF5;
	[smem:$0x3FBA] =	sst s0  }
0x18: {  	s0 =	sld [smem:$0x3F9D];
	_ =	swait.ge [sflag:s4], $0x0  }
0x19: {  	s7 =	sld [smem:$0x3F9E]  }
0x1a: {  	s8 =	sadd.s32 $0xFFFFE003, lr  }
0x1b: {  	s9 =	sadd.s32 $0xFFFFFEF7, lr;
	s5 =	simm.s32 $0xFFFFFFFF;
	p2 =	slt.u32 s8, $0xFFFFF086  }
0x1c: {  	p1 =	slt.u32 s9, $0xF7A;
	s5 =	simm.s32 @!p2 $0x0  }
0x1d: {  	s5 =	simm.s32 @p1 $0x1;
	p0 =	seq.s32 s7, s2  }
0x1e: {  	s7 =	smul.u32 @!p0 $0xF7A, s2;
	p2 =	seq.s32 @!p0 s5, $0x0  }
0x1f: {  	s9 =	smul.u32 $0xF7A, s1;
	s8 =	simm.s32 @!p0 $0x1BF5;
	p2 =	por !p2, p0  }
0x20: {  	[sflag:s8] =	ssyncset.s32 @!p0 $0xFFFFF086;
	s6 =	sadd.s32 @!p0 s3, s7;
	s7 =	simm.s32 @!p0 $0x108  }
0x21: {  	s3 =	sadd.s32 s3, s9;
	s6 =	sadd.s32 @!p0 $0x88, s6;
	s7 =	simm.s32 @p2 $0x1082  }
0x22: {  	[simem:s7], [sflag:s8] =	dma.local @!p0 [hbm:s6], $0xF7A  }
0x23: {  	s9 =	sor.u32 $0xD0000000, s2;
	s6 =	simm.s32 $0x108;
	_ =	swait.ge @!p0 [sflag:s8], $0x0  }
0x24: {  	s3 =	sadd.s32 $0x88, s3;
	s6 =	simm.s32 @!p1 $0x1082;
	[sflag:s4] =	ssyncset.s32 $0xFFFFF086  }
0x25: {  	[simem:s6], [sflag:s4] =	dma.local [hbm:s3], $0xF7A  }
0x26: {  	[smem:$0x3F9E] =	sst s1;
	(tag) =	ssettag s2;
	_ =	strace s9  }
0x27: {  	s1 =	sld [smem:$0x3FAE]  }
0x28: {  	s2 =	sld [smem:$0x3FAF]  }
0x29: {  	s4 =	sld [smem:$0x3FB1]  }
0x2a: {  	p0 =	seq.s32 s5, $0x0;
	s5 =	sld [smem:$0x3FB2]  }
0x2b: {  	s6 =	sld [smem:$0x3FB3]  }
0x2c: {  	s7 =	sld [smem:$0x3FB4]  }
0x2d: {  	s3 =	simm.s32 $0x108;
	s8 =	sld [smem:$0x3FB5]  }
0x2e: {  	s3 =	simm.s32 @!p0 $0x1082;
	s9 =	sld [smem:$0x3FB6]  }
0x2f: {  	lr =	sadd.s32 s0, s3;
	s0 =	sld [smem:$0x3FAD]  }
0x30: {  	s3 =	sld [smem:$0x3FB0]  }
0x31: {  	[smem:$0x3FB9] =	sst s10  }
0x32: {  	s10 =	sld [smem:$0x3FB7];
	_ =	sdelay $0x3  }
0x33: {  	p0 =	seq.s32 s10, $0x1;
	s10 =	sld [smem:$0x3FB9];
	_ =	sdelay $0x3  }
0x34: {  	[smem:$0x3FB9] =	sst s10  }
0x35: {  	s10 =	sld [smem:$0x3FB8];
	_ =	sdelay $0x3  }
0x36: {  	p1 =	seq.s32 s10, $0x1;
	s10 =	sld [smem:$0x3FB9];
	_ =	sdelay $0x3  }
0x37: {  	[smem:$0x3FB9] =	sst s10  }
0x38: {  	s10 =	sld [smem:$0x3FBA]  }
0x39: {  	_ = 	snop;
	(pc) =	sbr.ind lr, $3  }
0x3a: {  	_ = 	snop  }
0x3b: {  	_ = 	snop  }
0x3c: {  	p2 =	seq.s32 s10, $0x1;
	s10 =	sld [smem:$0x3FB9]  }
0x3d: {  	_ =	shalt  }
0x3e: {  	_ =	shalt  }
0x3f: {  	_ =	shalt  }
0x40: {  	_ =	shalt  }
0x41: {  	_ =	shalt  }
0x42: {  	_ =	shalt  }
0x43: {  	_ =	shalt  }
0x44: {  	_ =	shalt  }
0x45: {  	_ =	shalt  }
0x46: {  	_ =	shalt  }
0x47: {  	_ =	shalt  }
0x48: {  	_ =	shalt  }
0x49: {  	_ =	shalt  }
0x4a: {  	_ =	shalt  }
0x4b: {  	_ =	shalt  }
0x4c: {  	_ =	shalt  }
0x4d: {  	_ =	shalt  }
0x4e: {  	_ =	shalt  }
0x4f: {  	_ =	shalt  }
0x50: {  	_ =	shalt  }
0x51: {  	_ =	shalt  }
0x52: {  	_ =	shalt  }
0x53: {  	_ =	shalt  }
0x54: {  	_ =	shalt  }
0x55: {  	_ =	shalt  }
0x56: {  	_ =	shalt  }
0x57: {  	_ =	shalt  }
0x58: {  	_ =	shalt  }
0x59: {  	_ =	shalt  }
0x5a: {  	_ =	shalt  }
0x5b: {  	_ =	shalt  }
0x5c: {  	_ =	shalt  }
0x5d: {  	_ =	shalt  }
0x5e: {  	_ =	shalt  }
0x5f: {  	_ =	shalt  }
0x60: {  	_ =	shalt  }
0x61: {  	_ =	shalt  }
0x62: {  	_ =	shalt  }
0x63: {  	_ =	shalt  }
0x64: {  	_ =	shalt  }
0x65: {  	_ =	shalt  }
0x66: {  	_ =	shalt  }
0x67: {  	_ =	shalt  }
0x68: {  	_ =	shalt  }
0x69: {  	_ =	shalt  }
0x6a: {  	_ =	shalt  }
0x6b: {  	_ =	shalt  }
0x6c: {  	_ =	shalt  }
0x6d: {  	_ =	shalt  }
0x6e: {  	_ =	shalt  }
0x6f: {  	_ =	shalt  }
0x70: {  	_ =	shalt  }
0x71: {  	_ =	shalt  }
0x72: {  	_ =	shalt  }
0x73: {  	_ =	shalt  }
0x74: {  	_ =	shalt  }
0x75: {  	_ =	shalt  }
0x76: {  	_ =	shalt  }
0x77: {  	_ =	shalt  }
0x78: {  	_ =	shalt  }
0x79: {  	_ =	shalt  }
0x7a: {  	_ =	shalt  }
0x7b: {  	_ =	shalt  }
0x7c: {  	_ =	shalt  }
0x7d: {  	_ =	shalt  }
0x7e: {  	_ =	shalt  }
0x7f: {  	_ =	shalt  }
0x80: {  	_ =	shalt  }
0x81: {  	_ =	shalt  }
0x82: {  	_ =	shalt  }
0x83: {  	_ =	shalt  }
0x84: {  	_ =	shalt  }
0x85: {  	_ =	shalt  }
0x86: {  	_ =	shalt  }
0x87: {  	_ =	shalt  }
.Lfunc_end0:
.L_simem_size_0:
called_computation.6_lowered:
.L_overlay_start_0:
0x88: {  	s2 =	sld [smem:$0x3FD9]  }
0x89: {  	s3 =	sld [smem:$0x3FFE];
	_ =	sdelay $0x1  }
0x8a: {  	s1 =	srdreg.scid  }
0x8b: {  	s0 =	sand.u32 $0x1, s1  }
0x8c: {  	s17 =	sshll.u32 s0, $0xA;
	s2 =	sadd.s32 s3, s2  }
0x8d: {  	s2 =	sadd.s32 s2, s17  }
0x8e: {  	[smem:$0x3FC5] =	sst s2  }
0x8f: {  	_ = 	snop  }
0x90: {  	s2 =	sld [smem:$0x3FC7]  }
0x91: {  	s18 =	sld [smem:$0x3FD0];
	(tm) =	ssettm $0x1  }
0x92: {  	s4 =	sld [smem:$0x3FFB];
	_ =	sdelay $0x3  }
0x93: {  	_ =	strace s4  }
0x94: {  	s4 =	sld [smem:$0x3FFC];
	_ =	sdelay $0x3  }
0x95: {  	_ =	strace s4  }
0x96: {  	s4 =	sld [smem:$0x3FFD];
	_ =	sdelay $0x3  }
0x97: {  	_ =	strace s4  }
0x98: {  	_ =	strace $0x8FFFFFFF  }
0x99: {  	s19 =	sld [smem:$0x3FDB];
	_ =	sdelay $0x1  }
0x9a: {  	s5 =	simm.s32 $_scs_section_size  }
0x9b: {  	s6 =	simm.s32 $_size__tile_overlayer_lowered;
	s7 =	simm.s32 $_tile_overlayer_lowered  }
0x9c: {  	s22 =	simm.s32 $0x1BFF;
	s21 =	sshll.u32 s7, $0x1;
	s4 =	sadd.s32 s5, s19  }
0x9d: {  	s8 =	simm.s32 $0x0;
	s20 =	sshll.u32 s6, $0x1;
	s6 =	sadd.s32 s21, s4  }
0x9e: {  	[timem:s8], [sflag:s22] =	dma.local [hbm:s6], s20  }
0x9f: {  	_ =	swait.ge [sflag:s22], s20  }
0xa0: {  	s5 =	ssub.s32 $0x0, s20;
	[sflag:s22] =	ssyncset.done $0x0  }
0xa1: {  	[sflag:s22] =	ssyncadd.s32 s5;
	_ =	sdelay $0x1  }
0xa2: {  	s23 =	simm.s32 $0x1B8B  }
0xa3: {  	_ =	swait.ge [sflag:s23], $0x1  }
0xa4: {  	[sflag:s23] =	ssyncset.done $0x0  }
0xa5: {  	s25 =	simm.s32 $0x1B8E;
	s24 =	sld [smem:$0x3FFE];
	[sflag:s23] =	ssyncadd.s32 $0xFFFFFFFF  }
0xa6: {  	s26 =	simm.s32 $execute0_lowered;
	[smem:$0x3FD2] =	sst s25  }
0xa7: {  	s6 =	sshll.u32 s26, $0x1;
	_ =	strace $0x80000052;
	[dreg:$0x1] =	wrdreg $0xFFFFFFFF  }
0xa8: {  	s28 =	simm.s32 $_size_execute0_lowered;
	s4 =	sadd.s32 s4, s6;
	[dreg:$0x0] =	wrdreg $0x0  }
0xa9: {  	s6 =	sshll.u32 s28, $0x1;
	[dreg:$0x2] =	wrdreg s4  }
0xaa: {  	[dreg:$0x3] =	wrdreg s6  }
0xab: {  	[dreg:$0x4] =	wrdreg $0xC0  }
0xac: {  	_ =	task [dreg:s8], $0x5FFFF  }
0xad: {  	[dreg:$0x1] =	wrdreg $0xFFFFFFFF  }
0xae: {  	[dreg:$0x0] =	wrdreg $0x60  }
0xaf: {  	[dreg:$0x2] =	wrdreg s24  }
0xb0: {  	[dreg:$0x3] =	wrdreg s18  }
0xb1: {  	[dreg:$0x4] =	wrdreg s2  }
0xb2: {  	[dreg:$0x5] =	wrdreg $0x132500  }
0xb3: {  	[dreg:$0x6] =	wrdreg $0x9  }
0xb4: {  	_ =	task.clear_ibuf [dreg:s8], $0x7FFFF;
	_ =	strace $0x90000052  }
0xb5: {  	s29 =	simm.s32 $0x9;
	_ =	strace $0x80000054  }
0xb6: {  	_ =	swait.ge [sflag:s29], $0x1  }
0xb7: {  	[sflag:s29] =	ssyncadd.s32 $0xFFFFFFFF  }
0xb8: {  	_ =	strace $0x90000054  }
0xb9: {  	_ =	sfence  }
0xba: {  	s30 =	sld [smem:$0x0];
	_ =	sdelay $0x2  }
0xbb: {  	s31 =	sshll.u32 s1, $0xD;
	s1 =	sshrl.u32 s1, $0x2  }
0xbc: {  	s3 =	sand.u32 $0x4000, s31;
	s1 =	sadd.s32 s1, s30  }
0xbd: {  	s0 =	sor.u32 s3, s0;
	s1 =	sshll.u32 s1, $0x11  }
0xbe: {  	s0 =	sor.u32 s1, s0  }
0xbf: {  	s0 =	sadd.s32 $0x8F2B, s0  }
0xc0: {  	[sflag:s0] =	ssyncadd.remote.s32 $0x1  }
0xc1: {  	_ =	sfence.sel $0xFFFF  }
0xc2: {  	[dreg:$0x0] =	wrdreg $0xFFFFFFFF;
	(pc) =	sbr.abs _section_cstart, $3  }
0xc3: {  	[dreg:$0x1] =	wrdreg $0xFFFFFFFF  }
0xc4: {  	_ =	task.clear_ibuf [dreg:s8], $0x2FFFF;
	_ =	strace $0x9FFFFFFF  }
0xc5: {  	(tm) =	ssettm $0x7FFFFFFF  }
tec
execute0_lowered:
.L_overlay_start_1:
0x0: {  	(tag) =	ssettag $0x1  }
0x1: {  	s0 =	rddreg [dreg:$0x0]  }
0x2: {  	s5 =	rddreg [dreg:$0x1]  }
0x3: {  	s4 =	rddreg [dreg:$0x3];
	s6 =	stileid.u32  }
0x4: {  	s7 =	simm.s32 $0x0;
	s1 =	srdreg.scid;
	s9 =	smul.u32 $0x3100, s6  }
0x5: {  	[smem:$0x7FF] =	sst s7;
	s10 =	sadd.s32 $0x1C00, s0;
	s12 =	smul.u32 $0x31000, s6  }
0x6: {  	s6 =	smul.u32 $0xC400, s6;
	_ =	strace $0x80000053;
	[dreg:$0x7] =	wrdreg s10  }
0x7: {  	s1 =	sand.u32 $0x1, s1;
	s8 =	sadd.s32 $0x127C00, s0;
	[dreg:$0x6] =	wrdreg s9  }
0x8: {  	s2 =	ssub.s32 $0x2, s1;
	s15 =	sadd.s32 $0xE00, s6;
	[dreg:$0x8] =	wrdreg s6  }
0x9: {  	s3 =	smul.u32 $0xC4000, s1;
	s17 =	sadd.s32 $0x1C00, s6;
	[dreg:$0xc] =	wrdreg s15  }
0xa: {  	s26 =	sshrl.u32 s2, $0x1;
	s18 =	sadd.s32 $0x2A00, s6;
	[dreg:$0xd] =	wrdreg s17  }
0xb: {  	s14 =	sshrl.u32 s12, $0x2;
	s19 =	sadd.s32 $0x3800, s6;
	[dreg:$0xe] =	wrdreg s18  }
0xc: {  	s12 =	sadd.s32 $0x5400, s6;
	s0 =	ssub.s32 s2, s26;
	[dreg:$0xf] =	wrdreg s19  }
0xd: {  	s11 =	sadd.s32 s9, s3;
	[dreg:$0x11] =	wrdreg s12;
	s26 =	sadd.s32 $0x6200, s6  }
0xe: {  	s25 =	sadd.s32 s12, s4;
	s12 =	sadd.s32 $0x7E00, s6;
	[dreg:$0x17] =	wrdreg s26  }
0xf: {  	s3 =	sadd.s32 s18, s4;
	s18 =	sadd.s32 $0xB600, s6;
	[dreg:$0x1c] =	wrdreg s12  }
0x10: {  	s31 =	simm.s32 $0x12600;
	s0 =	smax.u32 s0, $0x1;
	[smem:$0x7F6] =	sst s18  }
0x11: {  	s16 =	sadd.s32 s6, s4;
	s22 =	sshrl.u32 s3, $0x3;
	[dreg:$0xb] =	wrdreg s0  }
0x12: {  	s13 =	sshrl.u32 s11, $0x3;
	s11 =	sadd.s32 $0x4600, s6;
	[dreg:$0x15] =	wrdreg s22  }
0x13: {  	s9 =	sshll.u32 s1, $0x2;
	s3 =	sshrl.u32 s25, $0x3;
	[dreg:$0x10] =	wrdreg s11  }
0x14: {  	s2 =	sadd.s32 s10, s13;
	s1 =	sadd.s32 s5, s13;
	[dreg:$0x19] =	wrdreg s3  }
0x15: {  	s10 =	sadd.s32 s14, s4;
	s5 =	sadd.s32 s19, s4;
	[dreg:$0x9] =	wrdreg s2  }
0x16: {  	s0 =	sshrl.u32 s16, $0x3;
	s24 =	sadd.s32 s11, s4;
	[dreg:$0xa] =	wrdreg s1  }
0x17: {  	s11 =	sadd.s32 $0x7000, s6;
	s13 =	sadd.s32 $0x8C00, s6;
	[dreg:$0x12] =	wrdreg s0  }
0x18: {  	s16 =	sadd.s32 $0x9A00, s6;
	s1 =	sadd.s32 s15, s4;
	[dreg:$0x1b] =	wrdreg s11  }
0x19: {  	s2 =	sadd.s32 s17, s4;
	s23 =	sshrl.u32 s5, $0x3;
	[dreg:$0x1d] =	wrdreg s13  }
0x1a: {  	s0 =	sshrl.u32 s24, $0x3;
	s5 =	sadd.s32 s26, s4;
	[smem:$0x7F2] =	sst s16  }
0x1b: {  	s15 =	sadd.s32 s13, s4;
	s17 =	sadd.s32 $0xA800, s6;
	[dreg:$0x16] =	wrdreg s23  }
0x1c: {  	s22 =	sadd.s32 $0x1880, s10;
	s24 =	sadd.s32 $0x3100, s10;
	[dreg:$0x18] =	wrdreg s0  }
0x1d: {  	s25 =	sadd.s32 $0x3D40, s10;
	s26 =	sadd.s32 $0x4980, s10;
	[smem:$0x7F3] =	sst s17  }
0x1e: {  	s28 =	sadd.s32 $0x9F40, s10;
	s29 =	sadd.s32 $0xAB80, s10;
	[smem:$0x7F9] =	sst s22  }
0x1f: {  	s30 =	sadd.s32 $0xB7C0, s10;
	s20 =	sshrl.u32 s1, $0x3;
	[smem:$0x7FB] =	sst s24  }
0x20: {  	s21 =	sshrl.u32 s2, $0x3;
	s0 =	sshrl.u32 s5, $0x3;
	[smem:$0x7FC] =	sst s25  }
0x21: {  	s1 =	sadd.s32 s12, s4;
	s23 =	sadd.s32 $0x24C0, s10;
	[smem:$0x7FD] =	sst s26  }
0x22: {  	s22 =	sadd.s32 $0x6200, s10;
	s24 =	sadd.s32 $0x7A80, s10;
	[dreg:$0x13] =	wrdreg s20  }
0x23: {  	s25 =	sadd.s32 $0x86C0, s10;
	s26 =	sadd.s32 $0x9300, s10;
	[dreg:$0x14] =	wrdreg s21  }
0x24: {  	s2 =	simm.s32 $0x80;
	s12 =	simm.s32 $0x3;
	[dreg:$0x1a] =	wrdreg s0  }
0x25: {  	s0 =	sadd.s32 s11, s4;
	s14 =	sshrl.u32 s1, $0x3;
	[smem:$0x7FA] =	sst s23  }
0x26: {  	s1 =	sadd.s32 s17, s4;
	s21 =	sadd.s32 $0xC40, s10;
	[dreg:$0x1f] =	wrdreg s14  }
0x27: {  	s20 =	sadd.s32 s18, s4;
	s0 =	sshrl.u32 s0, $0x3;
	[smem:$0x7F8] =	sst s21  }
0x28: {  	s23 =	sadd.s32 $0x6E40, s10;
	[dreg:$0x1e] =	wrdreg s0;
	s0 =	sshrl.u32 s15, $0x3  }
0x29: {  	s19 =	sshrl.u32 s1, $0x3;
	[smem:$0x7F1] =	sst s0;
	s0 =	sadd.s32 s16, s4  }
0x2a: {  	s11 =	simm.s32 $0x2;
	[smem:$0x7F5] =	sst s19;
	s0 =	sshrl.u32 s0, $0x3  }
0x2b: {  	s21 =	sadd.s32 $0x55C0, s10;
	[smem:$0x7F4] =	sst s0;
	s0 =	sshrl.u32 s20, $0x3  }
0x2c: {  	v0 =	vimm.f32 $0.0e+00;
	v1 =	vlaneseq.u32;
	s20 =	smov.u32 s10;
	[smem:$0x7F7] =	sst s0;
	s0 =	simm.s32 $0x1  }
.LBB2_1:
0x2d: {  	[dreg:$0x5] =	wrdreg s7;
	s1 =	simm.s32 $0x40;
	s3 =	simm.s32 $0x0  }
.LBB2_2:
0x2e: {  	p0 =	sne.s32 s1, $0x30C0;
	[tilespmem:s3+$0x12600] =	vst v0;
	s3 =	smov.u32 s1;
	s1 =	sadd.s32 $0x40, s1  }
.Ltmp0:
0x2f: {  	(pc) =	sbr.rel @p0 .LBB2_2-.Ltmp0, $2  }
0x30: {  	_ =	sdelay $0x2  }
0x31: {  	s3 =	sshra.s32 s3, $0x2  }
0x32: {  	s14 =	simm.s32 $0x0  }
0x33: {  	[tilespmem:s3+$0x12600] =	vst v0;
	s1 =	rddreg [dreg:$0x2];
	s5 =	simm.s32 $0x13240;
	s6 =	simm.s32 $0x4  }
0x34: {  	[tilespmem:s5], [sflag:$0x4] =	stream.linear.gather [hbm4b:s1+s14], $0x10, $0x38;
	[tilespmem:$0x1F650] =	vst v63  }
0x35: {  	_ =	swait.ge [sflag:s6], $0x10  }
0x36: {  	[sflag:s6] =	ssyncset.done $0x0  }
0x37: {  	s7 =	rddreg [dreg:$0x9];
	[sflag:s6] =	ssyncadd.s32 $0xFFFFFFF0  }
0x38: {  	v2 =	vld [tilespmem:$0x13240];
	[tilespmem:s14], [sflag:$0x1] =	stream.linear.gather [hbm4b:s7+s14], $0x3100, $0x38  }
0x39: {  	s5 =	simm.s32 $0x6200;
	s10 =	rddreg [dreg:$0xa]  }
0x3a: {  	[tilespmem:s5], [sflag:$0x1] =	stream.linear.gather [hbm4b:s10+s14], $0x3100, $0x38;
	[tilespmem:$0x1F650] =	vst v63  }
0x3b: {  	_ = 	snop  }
0x3c: {  	[spmem:s20] =	stream.linear.scatter [tilespmem:s31], [sflag:$0x4], $0xC40, $0x38;
	[tilespmem:$0x1F650] =	vst v63  }
0x3d: {  	_ =	swait.ge [sflag:s6], $0xC40  }
0x3e: {  	s13 =	sld [smem:$0x7F8]  }
0x3f: {  	[sflag:s6] =	ssyncset.done $0x0  }
0x40: {  	[sflag:s6] =	ssyncadd.s32 $0xFFFFF3C0  }
0x41: {  	[spmem:s13] =	stream.linear.scatter [tilespmem:s31], [sflag:$0x4], $0xC40, $0x38;
	[tilespmem:$0x1F650] =	vst v63  }
0x42: {  	_ =	swait.ge [sflag:s6], $0xC40  }
0x43: {  	s15 =	sld [smem:$0x7F9]  }
0x44: {  	[sflag:s6] =	ssyncset.done $0x0  }
0x45: {  	[sflag:s6] =	ssyncadd.s32 $0xFFFFF3C0  }
0x46: {  	[spmem:s15] =	stream.linear.scatter [tilespmem:s31], [sflag:$0x4], $0xC40, $0x38;
	[tilespmem:$0x1F650] =	vst v63  }
0x47: {  	_ =	swait.ge [sflag:s6], $0xC40  }
0x48: {  	s16 =	sld [smem:$0x7FA]  }
0x49: {  	[sflag:s6] =	ssyncset.done $0x0  }
0x4a: {  	[sflag:s6] =	ssyncadd.s32 $0xFFFFF3C0  }
0x4b: {  	[spmem:s16] =	stream.linear.scatter [tilespmem:s31], [sflag:$0x4], $0xC40, $0x38;
	[tilespmem:$0x1F650] =	vst v63  }
0x4c: {  	_ =	swait.ge [sflag:s6], $0xC40  }
0x4d: {  	s17 =	sld [smem:$0x7FB]  }
0x4e: {  	[sflag:s6] =	ssyncset.done $0x0  }
0x4f: {  	[sflag:s6] =	ssyncadd.s32 $0xFFFFF3C0  }
0x50: {  	[spmem:s17] =	stream.linear.scatter [tilespmem:s31], [sflag:$0x4], $0xC40, $0x38;
	[tilespmem:$0x1F650] =	vst v63  }
0x51: {  	_ =	swait.ge [sflag:s6], $0xC40  }
0x52: {  	s18 =	sld [smem:$0x7FC]  }
0x53: {  	[sflag:s6] =	ssyncset.done $0x0  }
0x54: {  	[sflag:s6] =	ssyncadd.s32 $0xFFFFF3C0  }
0x55: {  	[spmem:s18] =	stream.linear.scatter [tilespmem:s31], [sflag:$0x4], $0xC40, $0x38;
	[tilespmem:$0x1F650] =	vst v63  }
0x56: {  	_ =	swait.ge [sflag:s6], $0xC40  }
0x57: {  	s19 =	sld [smem:$0x7FD]  }
0x58: {  	[sflag:s6] =	ssyncset.done $0x0  }
0x59: {  	[sflag:s6] =	ssyncadd.s32 $0xFFFFF3C0  }
0x5a: {  	[spmem:s19] =	stream.linear.scatter [tilespmem:s31], [sflag:$0x4], $0xC40, $0x38;
	[tilespmem:$0x1F650] =	vst v63  }
0x5b: {  	_ =	swait.ge [sflag:s6], $0xC40  }
0x5c: {  	[sflag:s6] =	ssyncset.done $0x0  }
0x5d: {  	[sflag:s6] =	ssyncadd.s32 $0xFFFFF3C0  }
0x5e: {  	[spmem:s21] =	stream.linear.scatter [tilespmem:s31], [sflag:$0x4], $0xC40, $0x38;
	[tilespmem:$0x1F650] =	vst v63  }
0x5f: {  	_ =	swait.ge [sflag:s6], $0xC40  }
0x60: {  	[sflag:s6] =	ssyncset.done $0x0  }
0x61: {  	[sflag:s6] =	ssyncadd.s32 $0xFFFFF3C0  }
0x62: {  	[spmem:s22] =	stream.linear.scatter [tilespmem:s31], [sflag:$0x4], $0xC40, $0x38;
	[tilespmem:$0x1F650] =	vst v63  }
0x63: {  	_ =	swait.ge [sflag:s6], $0xC40  }
0x64: {  	[sflag:s6] =	ssyncset.done $0x0  }
0x65: {  	[sflag:s6] =	ssyncadd.s32 $0xFFFFF3C0  }
0x66: {  	[spmem:s23] =	stream.linear.scatter [tilespmem:s31], [sflag:$0x4], $0xC40, $0x38;
	[tilespmem:$0x1F650] =	vst v63  }
0x67: {  	_ =	swait.ge [sflag:s6], $0xC40  }
0x68: {  	[sflag:s6] =	ssyncset.done $0x0  }
0x69: {  	[sflag:s6] =	ssyncadd.s32 $0xFFFFF3C0  }
0x6a: {  	[spmem:s24] =	stream.linear.scatter [tilespmem:s31], [sflag:$0x4], $0xC40, $0x38;
	[tilespmem:$0x1F650] =	vst v63  }
0x6b: {  	_ =	swait.ge [sflag:s6], $0xC40  }
0x6c: {  	[sflag:s6] =	ssyncset.done $0x0  }
0x6d: {  	[sflag:s6] =	ssyncadd.s32 $0xFFFFF3C0  }
0x6e: {  	[spmem:s25] =	stream.linear.scatter [tilespmem:s31], [sflag:$0x4], $0xC40, $0x38;
	[tilespmem:$0x1F650] =	vst v63  }
0x6f: {  	_ =	swait.ge [sflag:s6], $0xC40  }
0x70: {  	[sflag:s6] =	ssyncset.done $0x0  }
0x71: {  	[sflag:s6] =	ssyncadd.s32 $0xFFFFF3C0  }
0x72: {  	[spmem:s26] =	stream.linear.scatter [tilespmem:s31], [sflag:$0x4], $0xC40, $0x38;
	[tilespmem:$0x1F650] =	vst v63  }
0x73: {  	_ =	swait.ge [sflag:s6], $0xC40  }
0x74: {  	[sflag:s6] =	ssyncset.done $0x0  }
0x75: {  	[sflag:s6] =	ssyncadd.s32 $0xFFFFF3C0  }
0x76: {  	[spmem:s28] =	stream.linear.scatter [tilespmem:s31], [sflag:$0x4], $0xC40, $0x38;
	[tilespmem:$0x1F650] =	vst v63  }
0x77: {  	_ =	swait.ge [sflag:s6], $0xC40  }
0x78: {  	[sflag:s6] =	ssyncset.done $0x0  }
0x79: {  	[sflag:s6] =	ssyncadd.s32 $0xFFFFF3C0  }
0x7a: {  	[spmem:s29] =	stream.linear.scatter [tilespmem:s31], [sflag:$0x4], $0xC40, $0x38;
	[tilespmem:$0x1F650] =	vst v63  }
0x7b: {  	_ =	swait.ge [sflag:s6], $0xC40  }
0x7c: {  	[sflag:s6] =	ssyncset.done $0x0  }
0x7d: {  	[sflag:s6] =	ssyncadd.s32 $0xFFFFF3C0  }
0x7e: {  	[spmem:s30] =	stream.linear.scatter [tilespmem:s31], [sflag:$0x4], $0xC40, $0x38;
	[tilespmem:$0x1F650] =	vst v63  }
0x7f: {  	_ =	swait.ge [sflag:s6], $0xC40  }
0x80: {  	[sflag:s6] =	ssyncset.done $0x0  }
0x81: {  	[sflag:s6] =	ssyncadd.s32 $0xFFFFF3C0  }
0x82: {  	p0 =	por $0x0, $0x0;
	[bflag:$0x0] =	sbarrier.arrive $0xFFFF  }
.LBB2_4:
0x83: {  	p1 =	seq.s32 s14, $0x17  }
0x84: {  	s1 =	sadd.s32 @!p1 $0x1, s14  }
0x85: {  	s5 =	smul.u32 @!p1 $0xAB, s1  }
0x86: {  	s3 =	simm.s32 $0x1;
	s6 =	smul.u32 $0xAB, s14  }
0x87: {  	_ =	swait.ge [sflag:s0], $0x3100;
	s3 =	simm.s32 @!p0 $0x0;
	s5 =	sshrl.u32 @!p1 s5, $0xA  }
0x88: {  	[sflag:s0] =	ssyncset.done $0x0;
	s3 =	smul.u32 $0xC400, s3;
	s7 =	sand.u32 @!p1 $0x3F, s5  }
0x89: {  	s13 =	rddreg [dreg:$0x6];
	s6 =	sshrl.u32 s6, $0xA;
	s10 =	smul.u32 @!p1 $0xFFFFFFFA, s7  }
0x8a: {  	[sflag:s0] =	ssyncadd.s32 $0xFFFFCF00;
	s18 =	sand.u32 $0x3F, s6;
	s7 =	sadd.s32 @!p1 s7, s9  }
0x8b: {  	s6 =	sand.u32 $0x1, s14;
	s7 =	smul.u32 @!p1 $0x31000, s7;
	s1 =	sadd.s32 @!p1 s1, s10  }
0x8c: {  	_ =	swait.ge [sflag:s0], $0x3100;
	s3 =	sshrl.u32 s3, $0x2;
	s1 =	smul.u32 @!p1 $0x188000, s1  }
0x8d: {  	s6 =	sxor.u32 @!p1 $0x1, s6;
	s19 =	smul.u32 $0xFFFFFFFA, s18;
	s7 =	sadd.s32 @!p1 s13, s7  }
0x8e: {  	[sflag:s0] =	ssyncset.done $0x0;
	s6 =	smul.u32 @!p1 $0x3100, s6;
	s1 =	sadd.s32 @!p1 s1, s7  }
0x8f: {  	[sflag:s0] =	ssyncadd.s32 $0xFFFFCF00;
	s7 =	rddreg [dreg:$0x7];
	s1 =	sshrl.u32 @!p1 s1, $0x3  }
0x90: {  	s15 =	rddreg [dreg:$0x1];
	s13 =	simm.s32 @!p1 $0x0;
	s7 =	sadd.s32 @!p1 s7, s1  }
0x91: {  	[tilespmem:s6], [sflag:$0x1] =	stream.linear.gather @!p1 [hbm4b:s7+s13], $0x3100, $0x38;
	[tilespmem:$0x1F650] =	vst v63  }
0x92: {  	s5 =	sor.u32 $0x40, s3;
	s1 =	sadd.s32 @!p1 s15, s1;
	s6 =	sadd.s32 @!p1 $0x6200, s6  }
0x93: {  	[tilespmem:s6], [sflag:$0x1] =	stream.linear.gather @!p1 [hbm4b:s1+s13], $0x3100, $0x38;
	[tilespmem:$0x1F650] =	vst v63  }
0x94: {  	s15 =	simm.s32 $0xF500;
	s7 =	simm.s32 $0xC400;
	s6 =	sadd.s32 $0x6240, s3  }
0x95: {  	s1 =	sadd.s32 s18, s9;
	s3 =	sadd.s32 s14, s19;
	s13 =	simm.s32 $0x0  }
.LBB2_5:
0x96: {  	v6 =	vmov s6;
	_ =	sdelay $0x3  }
0x97: {  	s18 =	simm.s32 $0x0  }
0x98: {  	v3 =	vld.idx.msk [tilespmem:v6+s18+$0xFFFFFFC0 ss:$0x1], $0xffff;
	_ =	sdelay $0x4  }
0x99: {  	v4 =	vadd.s32 v2, v3  }
0x9a: {  	v3 =	vmov s5;
	v5 =	vshrl.u32 v4, $0x5;
	v4 =	vshrl.u32 v4, $0xE  }
0x9b: {  	v7 =	vshll.u32 v4, $0x1;
	v5 =	vand.u32 $0x1FF, v5  }
0x9c: {  	v5 =	vadd.s32 v5, v7  }
0x9d: {  	v7 =	vmul.u32 $0x2AAB, v5  }
0x9e: {  	v8 =	vmul.u32 $0xAA, v4;
	v5 =	vmov s15  }
0x9f: {  	v4 =	vmov s7;
	v9 =	vld.idx.msk [tilespmem:v3+s18+$0xFFFFFFC0 ss:$0x1], $0xffff;
	v7 =	vshrl.u32 v7, $0xF  }
0xa0: {  	v7 =	vadd.s32 v8, v7  }
0xa1: {  	v7 =	vshll.u32 v7, $0x4  }
0xa2: {  	v7 =	vor.u32 v1, v7  }
0xa3: {  	[tilespmem:v5+s18+$0x0 ss:$0x1] =	vst.idx.msk $0xffff, v7  }
0xa4: {  	[tilespmem:v4+s18+$0x0 ss:$0x1] =	vst.idx.msk $0xffff, v9  }
0xa5: {  	v7 =	vld.idx.msk [tilespmem:v6+s18+$0xFFFFFFD0 ss:$0x1], $0xffff;
	_ =	sdelay $0x4  }
0xa6: {  	v7 =	vadd.s32 v2, v7  }
0xa7: {  	v8 =	vshrl.u32 v7, $0x5;
	v7 =	vshrl.u32 v7, $0xE  }
0xa8: {  	v50 =	vshll.u32 v7, $0x1;
	v8 =	vand.u32 $0x1FF, v8  }
0xa9: {  	v8 =	vadd.s32 v8, v50  }
0xaa: {  	v8 =	vmul.u32 $0x2AAB, v8  }
0xab: {  	v7 =	vmul.u32 $0xAA, v7  }
0xac: {  	v51 =	vld.idx.msk [tilespmem:v3+s18+$0xFFFFFFD0 ss:$0x1], $0xffff;
	v8 =	vshrl.u32 v8, $0xF  }
0xad: {  	v7 =	vadd.s32 v7, v8  }
0xae: {  	v7 =	vshll.u32 v7, $0x4  }
0xaf: {  	v7 =	vor.u32 v1, v7  }
0xb0: {  	[tilespmem:v5+s18+$0x10 ss:$0x1] =	vst.idx.msk $0xffff, v7  }
0xb1: {  	[tilespmem:v4+s18+$0x10 ss:$0x1] =	vst.idx.msk $0xffff, v51  }
0xb2: {  	v7 =	vld.idx.msk [tilespmem:v6+s18+$0xFFFFFFE0 ss:$0x1], $0xffff;
	_ =	sdelay $0x4  }
0xb3: {  	v7 =	vadd.s32 v2, v7  }
0xb4: {  	v8 =	vshrl.u32 v7, $0x5;
	v7 =	vshrl.u32 v7, $0xE  }
0xb5: {  	v52 =	vshll.u32 v7, $0x1;
	v8 =	vand.u32 $0x1FF, v8  }
0xb6: {  	v8 =	vadd.s32 v8, v52  }
0xb7: {  	v8 =	vmul.u32 $0x2AAB, v8  }
0xb8: {  	v7 =	vmul.u32 $0xAA, v7  }
0xb9: {  	v53 =	vld.idx.msk [tilespmem:v3+s18+$0xFFFFFFE0 ss:$0x1], $0xffff;
	v8 =	vshrl.u32 v8, $0xF  }
0xba: {  	v7 =	vadd.s32 v7, v8  }
0xbb: {  	v7 =	vshll.u32 v7, $0x4  }
0xbc: {  	v7 =	vor.u32 v1, v7  }
0xbd: {  	[tilespmem:v5+s18+$0x20 ss:$0x1] =	vst.idx.msk $0xffff, v7  }
0xbe: {  	[tilespmem:v4+s18+$0x20 ss:$0x1] =	vst.idx.msk $0xffff, v53  }
0xbf: {  	v7 =	vld.idx.msk [tilespmem:v6+s18+$0xFFFFFFF0 ss:$0x1], $0xffff;
	_ =	sdelay $0x4  }
0xc0: {  	v7 =	vadd.s32 v2, v7  }
0xc1: {  	v8 =	vshrl.u32 v7, $0x5;
	v7 =	vshrl.u32 v7, $0xE  }
0xc2: {  	v54 =	vshll.u32 v7, $0x1;
	v8 =	vand.u32 $0x1FF, v8  }
0xc3: {  	v8 =	vadd.s32 v8, v54  }
0xc4: {  	v8 =	vmul.u32 $0x2AAB, v8  }
0xc5: {  	v7 =	vmul.u32 $0xAA, v7  }
0xc6: {  	v55 =	vld.idx.msk [tilespmem:v3+s18+$0xFFFFFFF0 ss:$0x1], $0xffff;
	v8 =	vshrl.u32 v8, $0xF  }
0xc7: {  	v7 =	vadd.s32 v7, v8  }
0xc8: {  	v7 =	vshll.u32 v7, $0x4  }
0xc9: {  	v7 =	vor.u32 v1, v7  }
0xca: {  	[tilespmem:v5+s18+$0x30 ss:$0x1] =	vst.idx.msk $0xffff, v7  }
0xcb: {  	[tilespmem:v4+s18+$0x30 ss:$0x1] =	vst.idx.msk $0xffff, v55  }
0xcc: {  	v7 =	vld.idx.msk [tilespmem:v6+s18+$0x0 ss:$0x1], $0xffff;
	_ =	sdelay $0x4  }
0xcd: {  	v7 =	vadd.s32 v2, v7  }
0xce: {  	v8 =	vshrl.u32 v7, $0x5;
	v7 =	vshrl.u32 v7, $0xE  }
0xcf: {  	v56 =	vshll.u32 v7, $0x1;
	v8 =	vand.u32 $0x1FF, v8  }
0xd0: {  	v8 =	vadd.s32 v8, v56  }
0xd1: {  	v8 =	vmul.u32 $0x2AAB, v8  }
0xd2: {  	v7 =	vmul.u32 $0xAA, v7  }
0xd3: {  	v57 =	vld.idx.msk [tilespmem:v3+s18+$0x0 ss:$0x1], $0xffff;
	v8 =	vshrl.u32 v8, $0xF  }
0xd4: {  	v7 =	vadd.s32 v7, v8  }
0xd5: {  	v7 =	vshll.u32 v7, $0x4  }
0xd6: {  	v7 =	vor.u32 v1, v7  }
0xd7: {  	[tilespmem:v5+s18+$0x40 ss:$0x1] =	vst.idx.msk $0xffff, v7  }
0xd8: {  	[tilespmem:v4+s18+$0x40 ss:$0x1] =	vst.idx.msk $0xffff, v57  }
0xd9: {  	v7 =	vld.idx.msk [tilespmem:v6+s18+$0x10 ss:$0x1], $0xffff;
	_ =	sdelay $0x4  }
0xda: {  	v7 =	vadd.s32 v2, v7  }
0xdb: {  	v8 =	vshrl.u32 v7, $0x5;
	v7 =	vshrl.u32 v7, $0xE  }
0xdc: {  	v58 =	vshll.u32 v7, $0x1;
	v8 =	vand.u32 $0x1FF, v8  }
0xdd: {  	v8 =	vadd.s32 v8, v58  }
0xde: {  	v8 =	vmul.u32 $0x2AAB, v8  }
0xdf: {  	v7 =	vmul.u32 $0xAA, v7  }
0xe0: {  	v59 =	vld.idx.msk [tilespmem:v3+s18+$0x10 ss:$0x1], $0xffff;
	v8 =	vshrl.u32 v8, $0xF  }
0xe1: {  	v7 =	vadd.s32 v7, v8  }
0xe2: {  	v7 =	vshll.u32 v7, $0x4  }
0xe3: {  	v7 =	vor.u32 v1, v7  }
0xe4: {  	[tilespmem:v5+s18+$0x50 ss:$0x1] =	vst.idx.msk $0xffff, v7  }
0xe5: {  	[tilespmem:v4+s18+$0x50 ss:$0x1] =	vst.idx.msk $0xffff, v59  }
0xe6: {  	v7 =	vld.idx.msk [tilespmem:v6+s18+$0x20 ss:$0x1], $0xffff;
	_ =	sdelay $0x4  }
0xe7: {  	v7 =	vadd.s32 v2, v7  }
0xe8: {  	v8 =	vshrl.u32 v7, $0x5;
	v7 =	vshrl.u32 v7, $0xE  }
0xe9: {  	v60 =	vshll.u32 v7, $0x1;
	v8 =	vand.u32 $0x1FF, v8  }
0xea: {  	v8 =	vadd.s32 v8, v60  }
0xeb: {  	v8 =	vmul.u32 $0x2AAB, v8  }
0xec: {  	v7 =	vmul.u32 $0xAA, v7  }
0xed: {  	v61 =	vld.idx.msk [tilespmem:v3+s18+$0x20 ss:$0x1], $0xffff;
	v8 =	vshrl.u32 v8, $0xF  }
0xee: {  	v7 =	vadd.s32 v7, v8  }
0xef: {  	v7 =	vshll.u32 v7, $0x4  }
0xf0: {  	v7 =	vor.u32 v1, v7  }
0xf1: {  	[tilespmem:v5+s18+$0x60 ss:$0x1] =	vst.idx.msk $0xffff, v7  }
0xf2: {  	[tilespmem:v4+s18+$0x60 ss:$0x1] =	vst.idx.msk $0xffff, v61  }
0xf3: {  	v7 =	vld.idx.msk [tilespmem:v6+s18+$0x30 ss:$0x1], $0xffff;
	_ =	sdelay $0x4  }
0xf4: {  	v7 =	vadd.s32 v2, v7  }
0xf5: {  	v8 =	vshrl.u32 v7, $0x5;
	v7 =	vshrl.u32 v7, $0xE  }
0xf6: {  	v62 =	vshll.u32 v7, $0x1;
	v8 =	vand.u32 $0x1FF, v8  }
0xf7: {  	v8 =	vadd.s32 v8, v62  }
0xf8: {  	v8 =	vmul.u32 $0x2AAB, v8  }
0xf9: {  	v7 =	vmul.u32 $0xAA, v7  }
0xfa: {  	v63 =	vld.idx.msk [tilespmem:v3+s18+$0x30 ss:$0x1], $0xffff;
	v8 =	vshrl.u32 v8, $0xF  }
0xfb: {  	v7 =	vadd.s32 v7, v8  }
0xfc: {  	v7 =	vshll.u32 v7, $0x4  }
0xfd: {  	v7 =	vor.u32 v1, v7  }
0xfe: {  	s16 =	simm.s32 $0x80;
	[tilespmem:v5+s18+$0x70 ss:$0x1] =	vst.idx.msk $0xffff, v7  }
0xff: {  	s17 =	simm.s32 $0x400;
	s10 =	sadd.s32 $0x0, s15;
	s19 =	sadd.s32 $0x0, s7;
	[tilespmem:v4+s18+$0x70 ss:$0x1] =	vst.idx.msk $0xffff, v63  }
.LBB2_6:
0x100: {  	[spmem:s4] =	stream.indirect.scatter.add.f32 [tilespmem:s19], [sflag:$0x2], $0x1, s10, s2, $0xb8;
	[tilespmem:$0x1F650] =	vst v63  }
0x101: {  	s18 =	sshra.s32 s17, $0x2;
	p1 =	sne.s32 s17, $0x1A00;
	s17 =	sadd.s32 $0x200, s17;
	v7 =	vld.idx.msk [tilespmem:v6+s16+$0xFFFFFFC0 ss:$0x1], $0xffff  }
0x102: {  	_ =	sdelay $0x4  }
0x103: {  	v7 =	vadd.s32 v2, v7  }
0x104: {  	v8 =	vshrl.u32 v7, $0x5;
	v7 =	vshrl.u32 v7, $0xE  }
0x105: {  	v9 =	vshll.u32 v7, $0x1;
	v8 =	vand.u32 $0x1FF, v8  }
0x106: {  	v8 =	vadd.s32 v8, v9  }
0x107: {  	v8 =	vmul.u32 $0x2AAB, v8  }
0x108: {  	v7 =	vmul.u32 $0xAA, v7;
	v9 =	vld.idx.msk [tilespmem:v3+s16+$0xFFFFFFC0 ss:$0x1], $0xffff  }
0x109: {  	v8 =	vshrl.u32 v8, $0xF  }
0x10a: {  	v7 =	vadd.s32 v7, v8  }
0x10b: {  	v7 =	vshll.u32 v7, $0x4  }
0x10c: {  	v7 =	vor.u32 v1, v7  }
0x10d: {  	[tilespmem:v5+s16+$0x0 ss:$0x1] =	vst.idx.msk $0xffff, v7  }
0x10e: {  	[tilespmem:v4+s16+$0x0 ss:$0x1] =	vst.idx.msk $0xffff, v9  }
0x10f: {  	v7 =	vld.idx.msk [tilespmem:v6+s16+$0xFFFFFFD0 ss:$0x1], $0xffff;
	_ =	sdelay $0x5  }
0x110: {  	v7 =	vadd.s32 v2, v7  }
0x111: {  	v8 =	vshrl.u32 v7, $0x5;
	v7 =	vshrl.u32 v7, $0xE  }
0x112: {  	v9 =	vshll.u32 v7, $0x1;
	v8 =	vand.u32 $0x1FF, v8  }
0x113: {  	v8 =	vadd.s32 v8, v9  }
0x114: {  	v8 =	vmul.u32 $0x2AAB, v8  }
0x115: {  	v7 =	vmul.u32 $0xAA, v7;
	v9 =	vld.idx.msk [tilespmem:v3+s16+$0xFFFFFFD0 ss:$0x1], $0xffff  }
0x116: {  	v8 =	vshrl.u32 v8, $0xF  }
0x117: {  	v7 =	vadd.s32 v7, v8  }
0x118: {  	v7 =	vshll.u32 v7, $0x4  }
0x119: {  	v7 =	vor.u32 v1, v7  }
0x11a: {  	[tilespmem:v5+s16+$0x10 ss:$0x1] =	vst.idx.msk $0xffff, v7  }
0x11b: {  	[tilespmem:v4+s16+$0x10 ss:$0x1] =	vst.idx.msk $0xffff, v9  }
0x11c: {  	v7 =	vld.idx.msk [tilespmem:v6+s16+$0xFFFFFFE0 ss:$0x1], $0xffff;
	_ =	sdelay $0x5  }
0x11d: {  	v7 =	vadd.s32 v2, v7  }
0x11e: {  	v8 =	vshrl.u32 v7, $0x5;
	v7 =	vshrl.u32 v7, $0xE  }
0x11f: {  	v9 =	vshll.u32 v7, $0x1;
	v8 =	vand.u32 $0x1FF, v8  }
0x120: {  	v8 =	vadd.s32 v8, v9  }
0x121: {  	v8 =	vmul.u32 $0x2AAB, v8  }
0x122: {  	v7 =	vmul.u32 $0xAA, v7;
	v9 =	vld.idx.msk [tilespmem:v3+s16+$0xFFFFFFE0 ss:$0x1], $0xffff  }
0x123: {  	v8 =	vshrl.u32 v8, $0xF  }
0x124: {  	v7 =	vadd.s32 v7, v8  }
0x125: {  	v7 =	vshll.u32 v7, $0x4  }
0x126: {  	v7 =	vor.u32 v1, v7  }
0x127: {  	[tilespmem:v5+s16+$0x20 ss:$0x1] =	vst.idx.msk $0xffff, v7  }
0x128: {  	[tilespmem:v4+s16+$0x20 ss:$0x1] =	vst.idx.msk $0xffff, v9  }
0x129: {  	v7 =	vld.idx.msk [tilespmem:v6+s16+$0xFFFFFFF0 ss:$0x1], $0xffff;
	_ =	sdelay $0x5  }
0x12a: {  	v7 =	vadd.s32 v2, v7  }
0x12b: {  	v8 =	vshrl.u32 v7, $0x5;
	v7 =	vshrl.u32 v7, $0xE  }
0x12c: {  	v9 =	vshll.u32 v7, $0x1;
	v8 =	vand.u32 $0x1FF, v8  }
0x12d: {  	v8 =	vadd.s32 v8, v9  }
0x12e: {  	v8 =	vmul.u32 $0x2AAB, v8  }
0x12f: {  	v7 =	vmul.u32 $0xAA, v7;
	v9 =	vld.idx.msk [tilespmem:v3+s16+$0xFFFFFFF0 ss:$0x1], $0xffff  }
0x130: {  	v8 =	vshrl.u32 v8, $0xF  }
0x131: {  	v7 =	vadd.s32 v7, v8  }
0x132: {  	v7 =	vshll.u32 v7, $0x4  }
0x133: {  	v7 =	vor.u32 v1, v7  }
0x134: {  	[tilespmem:v5+s16+$0x30 ss:$0x1] =	vst.idx.msk $0xffff, v7  }
0x135: {  	[tilespmem:v4+s16+$0x30 ss:$0x1] =	vst.idx.msk $0xffff, v9  }
0x136: {  	v7 =	vld.idx.msk [tilespmem:v6+s16+$0x0 ss:$0x1], $0xffff;
	_ =	sdelay $0x5  }
0x137: {  	v7 =	vadd.s32 v2, v7  }
0x138: {  	v8 =	vshrl.u32 v7, $0x5;
	v7 =	vshrl.u32 v7, $0xE  }
0x139: {  	v9 =	vshll.u32 v7, $0x1;
	v8 =	vand.u32 $0x1FF, v8  }
0x13a: {  	v8 =	vadd.s32 v8, v9  }
0x13b: {  	v8 =	vmul.u32 $0x2AAB, v8  }
0x13c: {  	v7 =	vmul.u32 $0xAA, v7;
	v9 =	vld.idx.msk [tilespmem:v3+s16+$0x0 ss:$0x1], $0xffff  }
0x13d: {  	v8 =	vshrl.u32 v8, $0xF  }
0x13e: {  	v7 =	vadd.s32 v7, v8  }
0x13f: {  	v7 =	vshll.u32 v7, $0x4  }
0x140: {  	v7 =	vor.u32 v1, v7  }
0x141: {  	[tilespmem:v5+s16+$0x40 ss:$0x1] =	vst.idx.msk $0xffff, v7  }
0x142: {  	[tilespmem:v4+s16+$0x40 ss:$0x1] =	vst.idx.msk $0xffff, v9  }
0x143: {  	v7 =	vld.idx.msk [tilespmem:v6+s16+$0x10 ss:$0x1], $0xffff  }
0x144: {  	v8 =	vld.idx.msk [tilespmem:v3+s16+$0x10 ss:$0x1], $0xffff;
	_ =	sdelay $0x4  }
0x145: {  	v7 =	vadd.s32 v2, v7  }
0x146: {  	v9 =	vshrl.u32 v7, $0x5;
	v7 =	vshrl.u32 v7, $0xE  }
0x147: {  	v10 =	vshll.u32 v7, $0x1;
	v9 =	vand.u32 $0x1FF, v9  }
0x148: {  	v9 =	vadd.s32 v9, v10  }
0x149: {  	v9 =	vmul.u32 $0x2AAB, v9  }
0x14a: {  	v7 =	vmul.u32 $0xAA, v7  }
0x14b: {  	v9 =	vshrl.u32 v9, $0xF  }
0x14c: {  	v7 =	vadd.s32 v7, v9  }
0x14d: {  	v7 =	vshll.u32 v7, $0x4  }
0x14e: {  	v7 =	vor.u32 v1, v7  }
0x14f: {  	[tilespmem:v5+s16+$0x50 ss:$0x1] =	vst.idx.msk $0xffff, v7  }
0x150: {  	[tilespmem:v4+s16+$0x50 ss:$0x1] =	vst.idx.msk $0xffff, v8  }
0x151: {  	v7 =	vld.idx.msk [tilespmem:v6+s16+$0x20 ss:$0x1], $0xffff  }
0x152: {  	v8 =	vld.idx.msk [tilespmem:v3+s16+$0x20 ss:$0x1], $0xffff;
	_ =	sdelay $0x4  }
0x153: {  	v7 =	vadd.s32 v2, v7  }
0x154: {  	v9 =	vshrl.u32 v7, $0x5;
	v7 =	vshrl.u32 v7, $0xE  }
0x155: {  	v10 =	vshll.u32 v7, $0x1;
	v9 =	vand.u32 $0x1FF, v9  }
0x156: {  	v9 =	vadd.s32 v9, v10  }
0x157: {  	v9 =	vmul.u32 $0x2AAB, v9  }
0x158: {  	v7 =	vmul.u32 $0xAA, v7  }
0x159: {  	v9 =	vshrl.u32 v9, $0xF  }
0x15a: {  	v7 =	vadd.s32 v7, v9  }
0x15b: {  	v7 =	vshll.u32 v7, $0x4  }
0x15c: {  	v7 =	vor.u32 v1, v7  }
0x15d: {  	[tilespmem:v5+s16+$0x60 ss:$0x1] =	vst.idx.msk $0xffff, v7  }
0x15e: {  	[tilespmem:v4+s16+$0x60 ss:$0x1] =	vst.idx.msk $0xffff, v8  }
0x15f: {  	v7 =	vld.idx.msk [tilespmem:v6+s16+$0x30 ss:$0x1], $0xffff  }
0x160: {  	v8 =	vld.idx.msk [tilespmem:v3+s16+$0x30 ss:$0x1], $0xffff;
	_ =	sdelay $0x4  }
0x161: {  	v7 =	vadd.s32 v2, v7  }
0x162: {  	v9 =	vshrl.u32 v7, $0x5;
	v7 =	vshrl.u32 v7, $0xE  }
0x163: {  	v10 =	vshll.u32 v7, $0x1;
	v9 =	vand.u32 $0x1FF, v9  }
0x164: {  	v9 =	vadd.s32 v9, v10  }
0x165: {  	v9 =	vmul.u32 $0x2AAB, v9  }
0x166: {  	v7 =	vmul.u32 $0xAA, v7  }
0x167: {  	v9 =	vshrl.u32 v9, $0xF  }
.Ltmp1:
0x168: {  	v7 =	vadd.s32 v7, v9;
	(pc) =	sbr.rel @p1 .LBB2_6-.Ltmp1, $4  }
0x169: {  	v7 =	vshll.u32 v7, $0x4  }
0x16a: {  	v7 =	vor.u32 v1, v7  }
0x16b: {  	[tilespmem:v5+s16+$0x70 ss:$0x1] =	vst.idx.msk $0xffff, v7  }
0x16c: {  	s10 =	sadd.s32 s16, s15;
	s19 =	sadd.s32 s16, s7;
	[tilespmem:v4+s16+$0x70 ss:$0x1] =	vst.idx.msk $0xffff, v8;
	s16 =	smov.u32 s18  }
0x16d: {  	_ =	sdelay $0x2  }
0x16e: {  	[spmem:s4] =	stream.indirect.scatter.add.f32 [tilespmem:s19], [sflag:$0x2], $0x1, s10, s2, $0xb8;
	[tilespmem:$0x1F650] =	vst v63  }
0x16f: {  	v7 =	vld.idx.msk [tilespmem:v6+s16+$0xFFFFFFC0 ss:$0x1], $0xffff;
	_ =	sdelay $0x4  }
0x170: {  	v7 =	vadd.s32 v2, v7  }
0x171: {  	v8 =	vshrl.u32 v7, $0x5;
	v7 =	vshrl.u32 v7, $0xE  }
0x172: {  	v9 =	vshll.u32 v7, $0x1;
	v8 =	vand.u32 $0x1FF, v8  }
0x173: {  	v8 =	vadd.s32 v8, v9  }
0x174: {  	v8 =	vmul.u32 $0x2AAB, v8  }
0x175: {  	v7 =	vmul.u32 $0xAA, v7  }
0x176: {  	v42 =	vld.idx.msk [tilespmem:v3+s16+$0xFFFFFFC0 ss:$0x1], $0xffff;
	v8 =	vshrl.u32 v8, $0xF  }
0x177: {  	v7 =	vadd.s32 v7, v8  }
0x178: {  	v7 =	vshll.u32 v7, $0x4  }
0x179: {  	v7 =	vor.u32 v1, v7  }
0x17a: {  	[tilespmem:v5+s16+$0x0 ss:$0x1] =	vst.idx.msk $0xffff, v7  }
0x17b: {  	[tilespmem:v4+s16+$0x0 ss:$0x1] =	vst.idx.msk $0xffff, v42  }
0x17c: {  	v7 =	vld.idx.msk [tilespmem:v6+s16+$0xFFFFFFD0 ss:$0x1], $0xffff;
	_ =	sdelay $0x4  }
0x17d: {  	v7 =	vadd.s32 v2, v7  }
0x17e: {  	v43 =	vshrl.u32 v7, $0x5;
	v7 =	vshrl.u32 v7, $0xE  }
0x17f: {  	v44 =	vshll.u32 v7, $0x1;
	v8 =	vand.u32 $0x1FF, v43  }
0x180: {  	v8 =	vadd.s32 v8, v44  }
0x181: {  	v8 =	vmul.u32 $0x2AAB, v8  }
0x182: {  	v7 =	vmul.u32 $0xAA, v7  }
0x183: {  	v45 =	vld.idx.msk [tilespmem:v3+s16+$0xFFFFFFD0 ss:$0x1], $0xffff;
	v8 =	vshrl.u32 v8, $0xF  }
0x184: {  	v7 =	vadd.s32 v7, v8  }
0x185: {  	v7 =	vshll.u32 v7, $0x4  }
0x186: {  	v7 =	vor.u32 v1, v7  }
0x187: {  	[tilespmem:v5+s16+$0x10 ss:$0x1] =	vst.idx.msk $0xffff, v7  }
0x188: {  	[tilespmem:v4+s16+$0x10 ss:$0x1] =	vst.idx.msk $0xffff, v45  }
0x189: {  	v7 =	vld.idx.msk [tilespmem:v6+s16+$0xFFFFFFE0 ss:$0x1], $0xffff;
	_ =	sdelay $0x4  }
0x18a: {  	v7 =	vadd.s32 v2, v7  }
0x18b: {  	v46 =	vshrl.u32 v7, $0x5;
	v7 =	vshrl.u32 v7, $0xE  }
0x18c: {  	v47 =	vshll.u32 v7, $0x1;
	v8 =	vand.u32 $0x1FF, v46  }
0x18d: {  	v8 =	vadd.s32 v8, v47  }
0x18e: {  	v8 =	vmul.u32 $0x2AAB, v8  }
0x18f: {  	v7 =	vmul.u32 $0xAA, v7  }
0x190: {  	v48 =	vld.idx.msk [tilespmem:v3+s16+$0xFFFFFFE0 ss:$0x1], $0xffff;
	v8 =	vshrl.u32 v8, $0xF  }
0x191: {  	v7 =	vadd.s32 v7, v8  }
0x192: {  	v7 =	vshll.u32 v7, $0x4  }
0x193: {  	v7 =	vor.u32 v1, v7  }
0x194: {  	[tilespmem:v5+s16+$0x20 ss:$0x1] =	vst.idx.msk $0xffff, v7  }
0x195: {  	[tilespmem:v4+s16+$0x20 ss:$0x1] =	vst.idx.msk $0xffff, v48  }
0x196: {  	v7 =	vld.idx.msk [tilespmem:v6+s16+$0xFFFFFFF0 ss:$0x1], $0xffff;
	_ =	sdelay $0x4  }
0x197: {  	v7 =	vadd.s32 v2, v7  }
0x198: {  	v49 =	vshrl.u32 v7, $0x5;
	v7 =	vshrl.u32 v7, $0xE  }
0x199: {  	v50 =	vshll.u32 v7, $0x1;
	v8 =	vand.u32 $0x1FF, v49  }
0x19a: {  	v8 =	vadd.s32 v8, v50  }
0x19b: {  	v8 =	vmul.u32 $0x2AAB, v8  }
0x19c: {  	v7 =	vmul.u32 $0xAA, v7  }
0x19d: {  	v51 =	vld.idx.msk [tilespmem:v3+s16+$0xFFFFFFF0 ss:$0x1], $0xffff;
	v8 =	vshrl.u32 v8, $0xF  }
0x19e: {  	v7 =	vadd.s32 v7, v8  }
0x19f: {  	v7 =	vshll.u32 v7, $0x4  }
0x1a0: {  	v7 =	vor.u32 v1, v7  }
0x1a1: {  	[tilespmem:v5+s16+$0x30 ss:$0x1] =	vst.idx.msk $0xffff, v7  }
0x1a2: {  	[tilespmem:v4+s16+$0x30 ss:$0x1] =	vst.idx.msk $0xffff, v51  }
0x1a3: {  	v7 =	vld.idx.msk [tilespmem:v6+s16+$0x0 ss:$0x1], $0xffff;
	_ =	sdelay $0x4  }
0x1a4: {  	v7 =	vadd.s32 v2, v7  }
0x1a5: {  	v52 =	vshrl.u32 v7, $0x5;
	v7 =	vshrl.u32 v7, $0xE  }
0x1a6: {  	v53 =	vshll.u32 v7, $0x1;
	v8 =	vand.u32 $0x1FF, v52  }
0x1a7: {  	v8 =	vadd.s32 v8, v53  }
0x1a8: {  	v8 =	vmul.u32 $0x2AAB, v8  }
0x1a9: {  	v7 =	vmul.u32 $0xAA, v7  }
0x1aa: {  	v54 =	vld.idx.msk [tilespmem:v3+s16+$0x0 ss:$0x1], $0xffff;
	v8 =	vshrl.u32 v8, $0xF  }
0x1ab: {  	v7 =	vadd.s32 v7, v8  }
0x1ac: {  	v7 =	vshll.u32 v7, $0x4  }
0x1ad: {  	v7 =	vor.u32 v1, v7  }
0x1ae: {  	[tilespmem:v5+s16+$0x40 ss:$0x1] =	vst.idx.msk $0xffff, v7  }
0x1af: {  	[tilespmem:v4+s16+$0x40 ss:$0x1] =	vst.idx.msk $0xffff, v54  }
0x1b0: {  	v7 =	vld.idx.msk [tilespmem:v6+s16+$0x10 ss:$0x1], $0xffff;
	_ =	sdelay $0x4  }
0x1b1: {  	v7 =	vadd.s32 v2, v7  }
0x1b2: {  	v55 =	vshrl.u32 v7, $0x5;
	v7 =	vshrl.u32 v7, $0xE  }
0x1b3: {  	v56 =	vshll.u32 v7, $0x1;
	v8 =	vand.u32 $0x1FF, v55  }
0x1b4: {  	v8 =	vadd.s32 v8, v56  }
0x1b5: {  	v8 =	vmul.u32 $0x2AAB, v8  }
0x1b6: {  	v7 =	vmul.u32 $0xAA, v7  }
0x1b7: {  	v57 =	vld.idx.msk [tilespmem:v3+s16+$0x10 ss:$0x1], $0xffff;
	v8 =	vshrl.u32 v8, $0xF  }
0x1b8: {  	v7 =	vadd.s32 v7, v8  }
0x1b9: {  	v7 =	vshll.u32 v7, $0x4  }
0x1ba: {  	v7 =	vor.u32 v1, v7  }
0x1bb: {  	[tilespmem:v5+s16+$0x50 ss:$0x1] =	vst.idx.msk $0xffff, v7  }
0x1bc: {  	[tilespmem:v4+s16+$0x50 ss:$0x1] =	vst.idx.msk $0xffff, v57  }
0x1bd: {  	v7 =	vld.idx.msk [tilespmem:v6+s16+$0x20 ss:$0x1], $0xffff;
	_ =	sdelay $0x4  }
0x1be: {  	v7 =	vadd.s32 v2, v7  }
0x1bf: {  	v58 =	vshrl.u32 v7, $0x5;
	v7 =	vshrl.u32 v7, $0xE  }
0x1c0: {  	v59 =	vshll.u32 v7, $0x1;
	v8 =	vand.u32 $0x1FF, v58  }
0x1c1: {  	v8 =	vadd.s32 v8, v59  }
0x1c2: {  	v8 =	vmul.u32 $0x2AAB, v8  }
0x1c3: {  	v7 =	vmul.u32 $0xAA, v7  }
0x1c4: {  	v60 =	vld.idx.msk [tilespmem:v3+s16+$0x20 ss:$0x1], $0xffff;
	v8 =	vshrl.u32 v8, $0xF  }
0x1c5: {  	v7 =	vadd.s32 v7, v8  }
0x1c6: {  	v7 =	vshll.u32 v7, $0x4  }
0x1c7: {  	v7 =	vor.u32 v1, v7  }
0x1c8: {  	[tilespmem:v5+s16+$0x60 ss:$0x1] =	vst.idx.msk $0xffff, v7  }
0x1c9: {  	[tilespmem:v4+s16+$0x60 ss:$0x1] =	vst.idx.msk $0xffff, v60  }
0x1ca: {  	v61 =	vld.idx.msk [tilespmem:v6+s16+$0x30 ss:$0x1], $0xffff;
	_ =	sdelay $0x4  }
0x1cb: {  	v6 =	vadd.s32 v2, v61  }
0x1cc: {  	v62 =	vshrl.u32 v6, $0x5;
	v6 =	vshrl.u32 v6, $0xE  }
0x1cd: {  	v63 =	vshll.u32 v6, $0x1;
	v7 =	vand.u32 $0x1FF, v62  }
0x1ce: {  	v7 =	vadd.s32 v7, v63  }
0x1cf: {  	v7 =	vmul.u32 $0x2AAB, v7  }
0x1d0: {  	v6 =	vmul.u32 $0xAA, v6  }
0x1d1: {  	s13 =	sadd.s32 $0x1, s13;
	v3 =	vld.idx.msk [tilespmem:v3+s16+$0x30 ss:$0x1], $0xffff;
	v7 =	vshrl.u32 v7, $0xF  }
0x1d2: {  	p1 =	sne.s32 s13, $0x7;
	v6 =	vadd.s32 v6, v7  }
.Ltmp2:
0x1d3: {  	v6 =	vshll.u32 v6, $0x4;
	(pc) =	sbr.rel @p1 .LBB2_5-.Ltmp2, $4  }
0x1d4: {  	v6 =	vor.u32 v1, v6  }
0x1d5: {  	s19 =	sadd.s32 s16, s15;
	s17 =	sadd.s32 s16, s7;
	s7 =	sadd.s32 $0x700, s7;
	[tilespmem:v5+s16+$0x70 ss:$0x1] =	vst.idx.msk $0xffff, v6  }
0x1d6: {  	s15 =	sadd.s32 $0x700, s15;
	s5 =	sadd.s32 $0x700, s5;
	s6 =	sadd.s32 $0x700, s6;
	[tilespmem:v4+s16+$0x70 ss:$0x1] =	vst.idx.msk $0xffff, v3  }
0x1d7: {  	[spmem:s4] =	stream.indirect.scatter.add.f32 [tilespmem:s17], [sflag:$0x2], $0x1, s19, s2, $0xb8;
	[tilespmem:$0x1F650] =	vst v63  }
0x1d8: {  	_ =	swait.ge [sflag:s11], $0x80  }
0x1d9: {  	s5 =	simm.s32 $0x61;
	[sflag:s11] =	ssyncset.done $0x0  }
.LBB2_9:
0x1da: {  	p1 =	sne.s32 s5, $0x1;
	s5 =	sadd.s32 $0xFFFFFFFF, s5;
	[sflag:s11] =	ssyncadd.s32 $0xFFFFFF80  }
.Ltmp3:
0x1db: {  	(pc) =	sbr.rel @p1 .LBB2_9-.Ltmp3, $3  }
0x1dc: {  	_ =	sdelay $0x1  }
0x1dd: {  	_ =	swait.ge [sflag:s11], $0x80  }
0x1de: {  	[sflag:s11] =	ssyncset.done $0x0  }
0x1df: {  	s3 =	smul.u32 $0x620000, s3  }
0x1e0: {  	s1 =	smul.u32 $0xC4000, s1;
	_ =	sdelay $0x1  }
0x1e1: {  	s7 =	rddreg [dreg:$0x8];
	s1 =	sadd.s32 s1, s3  }
0x1e2: {  	[sflag:s11] =	ssyncadd.s32 $0xFFFFFF80;
	s5 =	stileid.u32;
	s3 =	sadd.s32 s7, s1  }
0x1e3: {  	s5 =	sshll.u32 s5, $0x6;
	[bflag:$0x0] =	sbarrier.arrive $0xFFFF;
	s3 =	sshrl.u32 s3, $0x3  }
0x1e4: {  	s5 =	sor.u32 $0x1C03, s5;
	s6 =	rddreg [dreg:$0x12];
	s3 =	sadd.s32 s8, s3  }
0x1e5: {  	[hbm:s3], [sflag:s5] =	dma.local [spmem:s6], $0x1C0  }
0x1e6: {  	s3 =	rddreg [dreg:$0xc]  }
0x1e7: {  	s3 =	sadd.s32 s3, s1  }
0x1e8: {  	s3 =	sshrl.u32 s3, $0x3  }
0x1e9: {  	s6 =	rddreg [dreg:$0x13];
	s3 =	sadd.s32 s8, s3  }
0x1ea: {  	[hbm:s3], [sflag:s5] =	dma.local [spmem:s6], $0x1C0  }
0x1eb: {  	s3 =	rddreg [dreg:$0xd]  }
0x1ec: {  	s3 =	sadd.s32 s3, s1  }
0x1ed: {  	s3 =	sshrl.u32 s3, $0x3  }
0x1ee: {  	s6 =	rddreg [dreg:$0x14];
	s3 =	sadd.s32 s8, s3  }
0x1ef: {  	[hbm:s3], [sflag:s5] =	dma.local [spmem:s6], $0x1C0  }
0x1f0: {  	s3 =	rddreg [dreg:$0xe]  }
0x1f1: {  	s3 =	sadd.s32 s3, s1  }
0x1f2: {  	s3 =	sshrl.u32 s3, $0x3  }
0x1f3: {  	s6 =	rddreg [dreg:$0x15];
	s3 =	sadd.s32 s8, s3  }
0x1f4: {  	[hbm:s3], [sflag:s5] =	dma.local [spmem:s6], $0x1C0  }
0x1f5: {  	s3 =	rddreg [dreg:$0xf]  }
0x1f6: {  	s3 =	sadd.s32 s3, s1  }
0x1f7: {  	s3 =	sshrl.u32 s3, $0x3  }
0x1f8: {  	s6 =	rddreg [dreg:$0x16];
	s3 =	sadd.s32 s8, s3  }
0x1f9: {  	[hbm:s3], [sflag:s5] =	dma.local [spmem:s6], $0x1C0  }
0x1fa: {  	s3 =	rddreg [dreg:$0x10]  }
0x1fb: {  	s3 =	sadd.s32 s3, s1  }
0x1fc: {  	s3 =	sshrl.u32 s3, $0x3  }
0x1fd: {  	s6 =	rddreg [dreg:$0x18];
	s3 =	sadd.s32 s8, s3  }
0x1fe: {  	[hbm:s3], [sflag:s5] =	dma.local [spmem:s6], $0x1C0  }
0x1ff: {  	s3 =	rddreg [dreg:$0x11]  }
0x200: {  	s3 =	sadd.s32 s3, s1  }
0x201: {  	s3 =	sshrl.u32 s3, $0x3  }
0x202: {  	s6 =	rddreg [dreg:$0x19];
	s3 =	sadd.s32 s8, s3  }
0x203: {  	[hbm:s3], [sflag:s5] =	dma.local [spmem:s6], $0x1C0  }
0x204: {  	s3 =	rddreg [dreg:$0x17]  }
0x205: {  	s3 =	sadd.s32 s3, s1  }
0x206: {  	s3 =	sshrl.u32 s3, $0x3  }
0x207: {  	s6 =	rddreg [dreg:$0x1a];
	s3 =	sadd.s32 s8, s3  }
0x208: {  	[hbm:s3], [sflag:s5] =	dma.local [spmem:s6], $0x1C0  }
0x209: {  	s3 =	rddreg [dreg:$0x1b]  }
0x20a: {  	s3 =	sadd.s32 s3, s1  }
0x20b: {  	s3 =	sshrl.u32 s3, $0x3  }
0x20c: {  	s6 =	rddreg [dreg:$0x1e];
	s3 =	sadd.s32 s8, s3  }
0x20d: {  	[hbm:s3], [sflag:s5] =	dma.local [spmem:s6], $0x1C0  }
0x20e: {  	s3 =	rddreg [dreg:$0x1c]  }
0x20f: {  	s3 =	sadd.s32 s3, s1  }
0x210: {  	s3 =	sshrl.u32 s3, $0x3  }
0x211: {  	s6 =	rddreg [dreg:$0x1f];
	s3 =	sadd.s32 s8, s3  }
0x212: {  	[hbm:s3], [sflag:s5] =	dma.local [spmem:s6], $0x1C0  }
0x213: {  	s3 =	rddreg [dreg:$0x1d]  }
0x214: {  	s6 =	sld [smem:$0x7F1];
	s3 =	sadd.s32 s3, s1  }
0x215: {  	s3 =	sshrl.u32 s3, $0x3  }
0x216: {  	s3 =	sadd.s32 s8, s3  }
0x217: {  	[hbm:s3], [sflag:s5] =	dma.local [spmem:s6], $0x1C0  }
0x218: {  	s3 =	sld [smem:$0x7F2];
	_ =	sdelay $0x2  }
0x219: {  	s6 =	sld [smem:$0x7F4];
	s3 =	sadd.s32 s3, s1  }
0x21a: {  	s3 =	sshrl.u32 s3, $0x3  }
0x21b: {  	s3 =	sadd.s32 s8, s3  }
0x21c: {  	[hbm:s3], [sflag:s5] =	dma.local [spmem:s6], $0x1C0  }
0x21d: {  	s3 =	sld [smem:$0x7F3];
	_ =	sdelay $0x2  }
0x21e: {  	s6 =	sld [smem:$0x7F5];
	s3 =	sadd.s32 s3, s1  }
0x21f: {  	s3 =	sshrl.u32 s3, $0x3  }
0x220: {  	s3 =	sadd.s32 s8, s3  }
0x221: {  	[hbm:s3], [sflag:s5] =	dma.local [spmem:s6], $0x1C0  }
0x222: {  	s3 =	sld [smem:$0x7F6];
	_ =	sdelay $0x2  }
0x223: {  	s10 =	sld [smem:$0x7F7];
	s1 =	sadd.s32 s3, s1  }
0x224: {  	s1 =	sshrl.u32 s1, $0x3  }
0x225: {  	s1 =	sadd.s32 s8, s1  }
0x226: {  	[hbm:s1], [sflag:s5] =	dma.local [spmem:s10], $0x1C0  }
0x227: {  	_ =	swait.ge [sflag:s12], $0x1C0  }
0x228: {  	[sflag:s12] =	ssyncset.done $0x0  }
0x229: {  	[sflag:s12] =	ssyncadd.s32 $0xFFFFFE40  }
0x22a: {  	_ =	swait.ge [sflag:s12], $0x1C0  }
0x22b: {  	[sflag:s12] =	ssyncset.done $0x0  }
0x22c: {  	[sflag:s12] =	ssyncadd.s32 $0xFFFFFE40  }
0x22d: {  	_ =	swait.ge [sflag:s12], $0x1C0  }
0x22e: {  	[sflag:s12] =	ssyncset.done $0x0  }
0x22f: {  	[sflag:s12] =	ssyncadd.s32 $0xFFFFFE40  }
0x230: {  	_ =	swait.ge [sflag:s12], $0x1C0  }
0x231: {  	[sflag:s12] =	ssyncset.done $0x0  }
0x232: {  	[sflag:s12] =	ssyncadd.s32 $0xFFFFFE40  }
0x233: {  	_ =	swait.ge [sflag:s12], $0x1C0  }
0x234: {  	[sflag:s12] =	ssyncset.done $0x0  }
0x235: {  	[sflag:s12] =	ssyncadd.s32 $0xFFFFFE40  }
0x236: {  	_ =	swait.ge [sflag:s12], $0x1C0  }
0x237: {  	[sflag:s12] =	ssyncset.done $0x0  }
0x238: {  	[sflag:s12] =	ssyncadd.s32 $0xFFFFFE40  }
0x239: {  	_ =	swait.ge [sflag:s12], $0x1C0  }
0x23a: {  	[sflag:s12] =	ssyncset.done $0x0  }
0x23b: {  	[sflag:s12] =	ssyncadd.s32 $0xFFFFFE40  }
0x23c: {  	_ =	swait.ge [sflag:s12], $0x1C0  }
0x23d: {  	[sflag:s12] =	ssyncset.done $0x0  }
0x23e: {  	[sflag:s12] =	ssyncadd.s32 $0xFFFFFE40  }
0x23f: {  	_ =	swait.ge [sflag:s12], $0x1C0  }
0x240: {  	[sflag:s12] =	ssyncset.done $0x0  }
0x241: {  	[sflag:s12] =	ssyncadd.s32 $0xFFFFFE40  }
0x242: {  	_ =	swait.ge [sflag:s12], $0x1C0  }
0x243: {  	[sflag:s12] =	ssyncset.done $0x0  }
0x244: {  	[sflag:s12] =	ssyncadd.s32 $0xFFFFFE40  }
0x245: {  	_ =	swait.ge [sflag:s12], $0x1C0  }
0x246: {  	[sflag:s12] =	ssyncset.done $0x0  }
0x247: {  	[sflag:s12] =	ssyncadd.s32 $0xFFFFFE40  }
0x248: {  	_ =	swait.ge [sflag:s12], $0x1C0  }
0x249: {  	[sflag:s12] =	ssyncset.done $0x0  }
0x24a: {  	[sflag:s12] =	ssyncadd.s32 $0xFFFFFE40  }
0x24b: {  	_ =	swait.ge [sflag:s12], $0x1C0  }
0x24c: {  	[sflag:s12] =	ssyncset.done $0x0  }
0x24d: {  	[sflag:s12] =	ssyncadd.s32 $0xFFFFFE40  }
0x24e: {  	_ =	swait.ge [sflag:s12], $0x1C0  }
0x24f: {  	[sflag:s12] =	ssyncset.done $0x0  }
0x250: {  	s13 =	sld [smem:$0x7F8];
	[sflag:s12] =	ssyncadd.s32 $0xFFFFFE40  }
0x251: {  	[spmem:s20] =	stream.linear.scatter [tilespmem:s31], [sflag:$0x3], $0xC40, $0x38;
	[tilespmem:$0x1F650] =	vst v63  }
0x252: {  	s15 =	sld [smem:$0x7F9]  }
0x253: {  	[spmem:s13] =	stream.linear.scatter [tilespmem:s31], [sflag:$0x3], $0xC40, $0x38;
	[tilespmem:$0x1F650] =	vst v63  }
0x254: {  	s16 =	sld [smem:$0x7FA]  }
0x255: {  	[spmem:s15] =	stream.linear.scatter [tilespmem:s31], [sflag:$0x3], $0xC40, $0x38;
	[tilespmem:$0x1F650] =	vst v63  }
0x256: {  	s17 =	sld [smem:$0x7FB]  }
0x257: {  	[spmem:s16] =	stream.linear.scatter [tilespmem:s31], [sflag:$0x3], $0xC40, $0x38;
	[tilespmem:$0x1F650] =	vst v63  }
0x258: {  	s18 =	sld [smem:$0x7FC]  }
0x259: {  	[spmem:s17] =	stream.linear.scatter [tilespmem:s31], [sflag:$0x3], $0xC40, $0x38;
	[tilespmem:$0x1F650] =	vst v63  }
0x25a: {  	s19 =	sld [smem:$0x7FD]  }
0x25b: {  	[spmem:s18] =	stream.linear.scatter [tilespmem:s31], [sflag:$0x3], $0xC40, $0x38;
	[tilespmem:$0x1F650] =	vst v63  }
0x25c: {  	_ = 	snop  }
0x25d: {  	[spmem:s19] =	stream.linear.scatter [tilespmem:s31], [sflag:$0x3], $0xC40, $0x38;
	[tilespmem:$0x1F650] =	vst v63  }
0x25e: {  	_ = 	snop  }
0x25f: {  	[spmem:s21] =	stream.linear.scatter [tilespmem:s31], [sflag:$0x3], $0xC40, $0x38;
	[tilespmem:$0x1F650] =	vst v63  }
0x260: {  	_ = 	snop  }
0x261: {  	[spmem:s22] =	stream.linear.scatter [tilespmem:s31], [sflag:$0x3], $0xC40, $0x38;
	[tilespmem:$0x1F650] =	vst v63  }
0x262: {  	_ = 	snop  }
0x263: {  	[spmem:s23] =	stream.linear.scatter [tilespmem:s31], [sflag:$0x3], $0xC40, $0x38;
	[tilespmem:$0x1F650] =	vst v63  }
0x264: {  	_ = 	snop  }
0x265: {  	[spmem:s24] =	stream.linear.scatter [tilespmem:s31], [sflag:$0x3], $0xC40, $0x38;
	[tilespmem:$0x1F650] =	vst v63  }
0x266: {  	_ = 	snop  }
0x267: {  	[spmem:s25] =	stream.linear.scatter [tilespmem:s31], [sflag:$0x3], $0xC40, $0x38;
	[tilespmem:$0x1F650] =	vst v63  }
0x268: {  	_ = 	snop  }
0x269: {  	[spmem:s26] =	stream.linear.scatter [tilespmem:s31], [sflag:$0x3], $0xC40, $0x38;
	[tilespmem:$0x1F650] =	vst v63  }
0x26a: {  	_ = 	snop  }
0x26b: {  	[spmem:s28] =	stream.linear.scatter [tilespmem:s31], [sflag:$0x3], $0xC40, $0x38;
	[tilespmem:$0x1F650] =	vst v63  }
0x26c: {  	_ = 	snop  }
0x26d: {  	[spmem:s29] =	stream.linear.scatter [tilespmem:s31], [sflag:$0x3], $0xC40, $0x38;
	[tilespmem:$0x1F650] =	vst v63  }
0x26e: {  	_ = 	snop  }
0x26f: {  	[spmem:s30] =	stream.linear.scatter [tilespmem:s31], [sflag:$0x3], $0xC40, $0x38;
	[tilespmem:$0x1F650] =	vst v63  }
0x270: {  	_ =	swait.ge [sflag:s12], $0xC40  }
0x271: {  	[sflag:s12] =	ssyncset.done $0x0  }
0x272: {  	[sflag:s12] =	ssyncadd.s32 $0xFFFFF3C0  }
0x273: {  	_ =	swait.ge [sflag:s12], $0xC40  }
0x274: {  	[sflag:s12] =	ssyncset.done $0x0  }
0x275: {  	[sflag:s12] =	ssyncadd.s32 $0xFFFFF3C0  }
0x276: {  	_ =	swait.ge [sflag:s12], $0xC40  }
0x277: {  	[sflag:s12] =	ssyncset.done $0x0  }
0x278: {  	[sflag:s12] =	ssyncadd.s32 $0xFFFFF3C0  }
0x279: {  	_ =	swait.ge [sflag:s12], $0xC40  }
0x27a: {  	[sflag:s12] =	ssyncset.done $0x0  }
0x27b: {  	[sflag:s12] =	ssyncadd.s32 $0xFFFFF3C0  }
0x27c: {  	_ =	swait.ge [sflag:s12], $0xC40  }
0x27d: {  	[sflag:s12] =	ssyncset.done $0x0  }
0x27e: {  	[sflag:s12] =	ssyncadd.s32 $0xFFFFF3C0  }
0x27f: {  	_ =	swait.ge [sflag:s12], $0xC40  }
0x280: {  	[sflag:s12] =	ssyncset.done $0x0  }
0x281: {  	[sflag:s12] =	ssyncadd.s32 $0xFFFFF3C0  }
0x282: {  	_ =	swait.ge [sflag:s12], $0xC40  }
0x283: {  	[sflag:s12] =	ssyncset.done $0x0  }
0x284: {  	[sflag:s12] =	ssyncadd.s32 $0xFFFFF3C0  }
0x285: {  	_ =	swait.ge [sflag:s12], $0xC40  }
0x286: {  	[sflag:s12] =	ssyncset.done $0x0  }
0x287: {  	[sflag:s12] =	ssyncadd.s32 $0xFFFFF3C0  }
0x288: {  	_ =	swait.ge [sflag:s12], $0xC40  }
0x289: {  	[sflag:s12] =	ssyncset.done $0x0  }
0x28a: {  	[sflag:s12] =	ssyncadd.s32 $0xFFFFF3C0  }
0x28b: {  	_ =	swait.ge [sflag:s12], $0xC40  }
0x28c: {  	[sflag:s12] =	ssyncset.done $0x0  }
0x28d: {  	[sflag:s12] =	ssyncadd.s32 $0xFFFFF3C0  }
0x28e: {  	_ =	swait.ge [sflag:s12], $0xC40  }
0x28f: {  	[sflag:s12] =	ssyncset.done $0x0  }
0x290: {  	[sflag:s12] =	ssyncadd.s32 $0xFFFFF3C0  }
0x291: {  	_ =	swait.ge [sflag:s12], $0xC40  }
0x292: {  	[sflag:s12] =	ssyncset.done $0x0  }
0x293: {  	[sflag:s12] =	ssyncadd.s32 $0xFFFFF3C0  }
0x294: {  	_ =	swait.ge [sflag:s12], $0xC40  }
0x295: {  	[sflag:s12] =	ssyncset.done $0x0  }
0x296: {  	[sflag:s12] =	ssyncadd.s32 $0xFFFFF3C0  }
0x297: {  	_ =	swait.ge [sflag:s12], $0xC40  }
0x298: {  	[sflag:s12] =	ssyncset.done $0x0  }
0x299: {  	[sflag:s12] =	ssyncadd.s32 $0xFFFFF3C0  }
0x29a: {  	_ =	swait.ge [sflag:s12], $0xC40  }
0x29b: {  	s14 =	sadd.s32 $0x1, s14;
	[sflag:s12] =	ssyncset.done $0x0  }
0x29c: {  	p1 =	sne.s32 s14, $0x18;
	[sflag:s12] =	ssyncadd.s32 $0xFFFFF3C0  }
.Ltmp4:
0x29d: {  	_ =	swait.ge [sflag:s12], $0xC40;
	(pc) =	sbr.rel @p1 .LBB2_4-.Ltmp4, $4  }
0x29e: {  	[sflag:s12] =	ssyncset.done $0x0  }
0x29f: {  	[sflag:s12] =	ssyncadd.s32 $0xFFFFF3C0  }
0x2a0: {  	[bflag:$0x0] =	sbarrier.arrive $0xFFFF  }
0x2a1: {  	p0 =	por !p0, !p0  }
0x2a2: {  	s7 =	rddreg [dreg:$0x5]  }
0x2a3: {  	s1 =	rddreg [dreg:$0xb];
	s7 =	sadd.s32 $0x1, s7  }
0x2a4: {  	p0 =	sne.s32 s7, s1  }
.Ltmp5:
0x2a5: {  	_ = 	snop;
	(pc) =	sbr.rel @p0 .LBB2_1-.Ltmp5, $1  }
0x2a6: {  	_ =	sdelay $0x3  }
0x2a7: {  	_ =	sfence.sel $0x180000  }
0x2a8: {  	[bflag:$0x0] =	sbarrier.arrive $0xFFFF  }
0x2a9: {  	_ =	strace $0x90000053  }
0x2aa: {  	s0 =	stileid.u32;
	[bflag:$0x2] =	sbarrier.arrive $0xFFFF  }
0x2ab: {  	p0 =	sne.s32 s0, $0x0;
	s0 =	rddreg [dreg:$0x4]  }
0x2ac: {  	s0 =	sadd.s32 @!p0 $0x100000, s0  }
0x2ad: {  	[sflag:s0] =	ssyncadd.tile.s32 @!p0 $0x1;
	_ =	shalt  }
.Lfunc_end2:
_tile_overlayer_lowered:
.L_overlay_start_2:
0x2ae: {  	(tag) =	ssettag $0x2  }
0x2af: {  	s0 =	rddreg [dreg:$0x0];
	s2 =	stileid.u32  }
0x2b0: {  	s1 =	rddreg [dreg:$0x1];
	p0 =	sne.s32 s2, $0x0  }
0x2b1: {  	s3 =	rddreg [dreg:$0x2];
	[bflag:$0x3] =	sbarrier.arrive $0xFFFF;
	s2 =	simm.s32 @!p0 $0x1C04  }
0x2b2: {  	[timem:s3], [sflag:s2] =	dma.local @!p0 [hbm:s0], s1  }
0x2b3: {  	s0 =	simm.s32 @!p0 $0x4  }
0x2b4: {  	_ =	swait.ge @!p0 [sflag:s0], s1  }
0x2b5: {  	s1 =	ssub.s32 @!p0 $0x0, s1;
	[sflag:s0] =	ssyncset.done @!p0 $0x0  }
0x2b6: {  	[sflag:s0] =	ssyncadd.s32 @!p0 s1  }
0x2b7: {  	[bflag:$0x3] =	sbarrier.arrive $0xFFFF  }
0x2b8: {  	_ =	shalt  }

// kernel: sparse-core-data-format-call.1.cloned.1.call-start
scs
called_computation.1_lowered:
.L_overlay_start_0:
0x0: {  	s2 =	sld [smem:$0x3FD9]  }
0x1: {  	s3 =	sld [smem:$0x3FFE];
	_ =	sdelay $0x1  }
0x2: {  	s1 =	srdreg.scid  }
0x3: {  	s0 =	sand.u32 $0x1, s1  }
0x4: {  	s18 =	sshll.u32 s0, $0xA;
	s2 =	sadd.s32 s3, s2  }
0x5: {  	s2 =	sadd.s32 s2, s18  }
0x6: {  	[smem:$0x3FC5] =	sst s2  }
0x7: {  	_ = 	snop  }
0x8: {  	s2 =	sld [smem:$0x3FD0];
	(tm) =	ssettm $0x1  }
0x9: {  	s19 =	sld [smem:$0x3FFB];
	_ =	sdelay $0x3  }
0xa: {  	_ =	strace s19  }
0xb: {  	s3 =	sld [smem:$0x3FFC];
	_ =	sdelay $0x3  }
0xc: {  	_ =	strace s3  }
0xd: {  	s3 =	sld [smem:$0x3FFD];
	_ =	sdelay $0x3  }
0xe: {  	_ =	strace s3  }
0xf: {  	_ =	strace $0x8FFFFFFF  }
0x10: {  	s20 =	sld [smem:$0x3FDB];
	_ =	sdelay $0x1  }
0x11: {  	s4 =	simm.s32 $_scs_section_size  }
0x12: {  	s5 =	simm.s32 $_size__tile_overlayer_lowered;
	s6 =	simm.s32 $_tile_overlayer_lowered  }
0x13: {  	s23 =	simm.s32 $0x1BFF;
	s22 =	sshll.u32 s6, $0x1;
	s3 =	sadd.s32 s4, s20  }
0x14: {  	s7 =	simm.s32 $0x0;
	s21 =	sshll.u32 s5, $0x1;
	s5 =	sadd.s32 s22, s3  }
0x15: {  	[timem:s7], [sflag:s23] =	dma.local [hbm:s5], s21  }
0x16: {  	_ =	swait.ge [sflag:s23], s21  }
0x17: {  	s4 =	ssub.s32 $0x0, s21;
	[sflag:s23] =	ssyncset.done $0x0  }
0x18: {  	[sflag:s23] =	ssyncadd.s32 s4;
	_ =	sdelay $0x1  }
0x19: {  	s24 =	simm.s32 $0x1B8B  }
0x1a: {  	_ =	swait.ge [sflag:s24], $0x1  }
0x1b: {  	[sflag:s24] =	ssyncset.done $0x0  }
0x1c: {  	s26 =	simm.s32 $0x1B8E;
	s25 =	sld [smem:$0x3FFE];
	[sflag:s24] =	ssyncadd.s32 $0xFFFFFFFF  }
0x1d: {  	s27 =	simm.s32 $execute0_lowered;
	[smem:$0x3FD2] =	sst s26  }
0x1e: {  	s5 =	sshll.u32 s27, $0x1;
	_ =	strace $0x80000055;
	[dreg:$0x1] =	wrdreg $0xFFFFFFFF  }
0x1f: {  	s28 =	simm.s32 $_size_execute0_lowered;
	s3 =	sadd.s32 s3, s5;
	[dreg:$0x0] =	wrdreg $0x0  }
0x20: {  	s5 =	sshll.u32 s28, $0x1;
	[dreg:$0x2] =	wrdreg s3  }
0x21: {  	[dreg:$0x3] =	wrdreg s5  }
0x22: {  	[dreg:$0x4] =	wrdreg $0xC0  }
0x23: {  	_ =	task [dreg:s7], $0x5FFFF  }
0x24: {  	[dreg:$0x1] =	wrdreg $0xFFFFFFFF  }
0x25: {  	[dreg:$0x0] =	wrdreg $0x60  }
0x26: {  	[dreg:$0x2] =	wrdreg s2  }
0x27: {  	[dreg:$0x3] =	wrdreg s25  }
0x28: {  	[dreg:$0x4] =	wrdreg $0x9  }
0x29: {  	_ =	task.clear_ibuf [dreg:s7], $0x5FFFF;
	_ =	strace $0x90000055  }
0x2a: {  	s29 =	simm.s32 $0x9;
	_ =	strace $0x80000057  }
0x2b: {  	_ =	swait.ge [sflag:s29], $0x1  }
0x2c: {  	[sflag:s29] =	ssyncadd.s32 $0xFFFFFFFF  }
0x2d: {  	_ =	strace $0x90000057  }
0x2e: {  	_ =	sfence  }
0x2f: {  	s30 =	sld [smem:$0x0];
	_ =	sdelay $0x2  }
0x30: {  	s31 =	sshll.u32 s1, $0xD;
	s1 =	sshrl.u32 s1, $0x2  }
0x31: {  	s3 =	sand.u32 $0x4000, s31;
	s1 =	sadd.s32 s1, s30  }
0x32: {  	s0 =	sor.u32 s3, s0;
	s1 =	sshll.u32 s1, $0x11  }
0x33: {  	s0 =	sor.u32 s1, s0  }
0x34: {  	s0 =	sadd.s32 $0x8F2B, s0  }
0x35: {  	[sflag:s0] =	ssyncadd.remote.s32 $0x1  }
0x36: {  	_ =	sfence.sel $0xFFFF  }
0x37: {  	[dreg:$0x0] =	wrdreg $0xFFFFFFFF;
	(pc) =	sbr.abs _section_cstart, $3  }
0x38: {  	[dreg:$0x1] =	wrdreg $0xFFFFFFFF  }
0x39: {  	_ =	task.clear_ibuf [dreg:s7], $0x2FFFF;
	_ =	strace $0x9FFFFFFF  }
0x3a: {  	(tm) =	ssettm $0x7FFFFFFF  }
0x3b: {  	_ =	shalt  }
tec
execute0_lowered:
.L_overlay_start_1:
0x0: {  	(tag) =	ssettag $0x1  }
0x1: {  	s1 =	rddreg [dreg:$0x0]  }
0x2: {  	s0 =	srdreg.scid;
	s3 =	rddreg [dreg:$0x1]  }
0x3: {  	s9 =	simm.s32 $0x2;
	s20 =	simm.s32 $0x0;
	p0 =	por $0x0, $0x0  }
0x4: {  	s10 =	simm.s32 $0x7000;
	s11 =	simm.s32 $0x800;
	s17 =	simm.s32 $0x0  }
0x5: {  	s18 =	simm.s32 $0x0;
	s19 =	simm.s32 $0x0;
	s0 =	sshll.u32 s0, $0x7  }
0x6: {  	s15 =	simm.s32 $0x0;
	s16 =	simm.s32 $0x0;
	s2 =	sand.u32 $0x80, s0  }
0x7: {  	s0 =	rddreg [dreg:$0x2];
	_ =	strace $0x80000056;
	s4 =	ssub.s32 $0xE00, s2  }
0x8: {  	s5 =	sshrl.u32 s4, $0x7;
	s6 =	sshrl.u32 s4, $0x8;
	s4 =	sadd.s32 $0x1C00, s3  }
.Ltmp0:
0x9: {  	s3 =	stileid.u32;
	s5 =	sand.u32 $0x1, s5;
	(pc) =	sbr.rel .LBB1_1-.Ltmp0, $4  }
0xa: {  	s12 =	smov.u32 s2;
	s8 =	sshll.u32 s3, $0x4;
	s7 =	sadd.s32 s6, s5  }
0xb: {  	s6 =	simm.s32 $0x1;
	s8 =	sand.u32 $0x80, s8;
	s7 =	smul.u32 $0x6, s7  }
0xc: {  	s5 =	sand.u32 $0x7, s3;
	[sflag:s6] =	ssyncpa.u1 $0x0;
	s13 =	smov.u32 s8  }
0xd: {  	s14 =	smov.u32 s5;
	[sflag:s9] =	ssyncpa.u1 $0x0;
	s9 =	sor.u32 $0x1, s7  }
.LBB1_6:
0xe: {  	s26 =	sshll.u32 s20, $0x8;
	s27 =	sshll.u32 s17, $0x3  }
0xf: {  	s20 =	sshll.u32 s20, $0x7;
	v5 =	vld [tilespmem:s24+$0xFFFFFFD0];
	[tilespmem:s23+$0x2040 ss:$0x81] =	vst.msk $0xffff, v3;
	s26 =	sand.u32 $0xFFFFF800, s26;
	s27 =	sand.u32 $0xFFFFFC00, s27  }
0x10: {  	v58 =	vld [tilespmem:s24+$0xFFFFFFE0];
	[tilespmem:s23+$0x2850 ss:$0x81] =	vst.msk $0xffff, v4;
	s30 =	sand.u32 $0x300, s20;
	s26 =	sadd.s32 s27, s26  }
0x11: {  	s25 =	sshra.s32 s25, $0x2;
	v59 =	vld [tilespmem:s24+$0xFFFFFFF0];
	[tilespmem:s23+$0x3060 ss:$0x81] =	vst.msk $0xffff, v2;
	s26 =	sor.u32 s30, s26  }
0x12: {  	[tilespmem:s23+$0x0 ss:$0x81] =	vst.msk $0xffff, v0;
	v60 =	vld [tilespmem:s24+$0x0];
	s22 =	sadd.s32 s25, s22;
	s26 =	sshrl.u32 s26, $0x8  }
0x13: {  	v61 =	vld [tilespmem:s24+$0x10];
	[tilespmem:s22+$0x3870 ss:$0x81] =	vst.msk $0xffff, v1;
	s31 =	smulhi.u32 $0x924925, s26  }
0x14: {  	v62 =	vld [tilespmem:s24+$0x20];
	s19 =	smul.u32 $0xE0000, s19;
	s29 =	sand.u32 $0x78, s17;
	[tilespmem:s22+$0x810 ss:$0x81] =	vst.msk $0xffff, v5  }
0x15: {  	v63 =	vld [tilespmem:s24+$0xFFFFFFC0];
	s18 =	smul.u32 $0x1C000, s18;
	s20 =	sand.u32 $0x80, s20;
	[tilespmem:s22+$0x1020 ss:$0x81] =	vst.msk $0xffff, v58;
	s28 =	sshrl.u32 s31, $0x3  }
0x16: {  	s20 =	sor.u32 s29, s20;
	[tilespmem:s22+$0x1830 ss:$0x81] =	vst.msk $0xffff, v59;
	s23 =	smul.u32 $0xE00, s28  }
0x17: {  	s19 =	sadd.s32 s4, s19;
	s20 =	sshrl.u32 s20, $0x3;
	[tilespmem:s22+$0x2040 ss:$0x81] =	vst.msk $0xffff, v60  }
0x18: {  	s18 =	sadd.s32 s18, s19;
	s30 =	sand.u32 $0x7, s17;
	[tilespmem:s22+$0x2850 ss:$0x81] =	vst.msk $0xffff, v61;
	s23 =	ssub.s32 s26, s23  }
0x19: {  	s18 =	sadd.s32 s20, s18;
	s17 =	sshll.u32 s30, $0x12;
	[tilespmem:s22+$0x3060 ss:$0x81] =	vst.msk $0xffff, v62;
	s31 =	sshll.u32 s23, $0x5  }
0x1a: {  	[tilespmem:s22+$0x0 ss:$0x81] =	vst.msk $0xffff, v63;
	s17 =	sor.u32 $0x400, s17;
	s18 =	sadd.s32 s31, s18  }
0x1b: {  	[hbm4b:s18+s17] =	stream.strided.scatter [tilespmem:s21], [sflag:$0x2], $0x4000, s11, s17, $0x20;
	[tilespmem:$0x10100] =	vst v63  }
.LBB1_7:
0x1c: {  	s21 =	sadd.s32 $0x100, s12  }
0x1d: {  	s17 =	sadd.s32 $0x100, s13;
	s22 =	smov.u32 s13;
	p2 =	sgt.s32 s21, $0xDFF  }
0x1e: {  	s22 =	smov.u32 @p2 s17  }
0x1f: {  	s23 =	smov.u32 s14;
	s17 =	sadd.s32 $0x8, s14;
	p3 =	sgt.s32 s22, $0xDF  }
0x20: {  	s23 =	smov.u32 @p3 s17  }
0x21: {  	s17 =	simm.s32 $0x1;
	p4 =	sgt.s32 s23, $0x7  }
0x22: {  	s17 =	simm.s32 @!p4 $0x0  }
0x23: {  	p1 =	slt.u32 s16, $0x2;
	s25 =	sadd.s32 s17, s15  }
0x24: {  	s20 =	smov.u32 s12;
	s21 =	smov.u32 @p2 s2;
	p2 =	sgt.s32 s25, $0x5  }
0x25: {  	s24 =	simm.s32 @!p1 $0x2;
	s25 =	simm.s32 @p2 $0x0;
	p2 =	sne.s32 s16, s9  }
.Ltmp1:
0x26: {  	s18 =	smov.u32 s14;
	_ =	swait.ge @!p1 [sflag:s24], $0x4000;
	(pc) =	sbr.rel @!p2 .LBB1_8-.Ltmp1, $4  }
0x27: {  	s19 =	smov.u32 s15;
	p0 =	por !p0, !p0;
	[sflag:s24] =	ssyncset.done @!p1 $0x0  }
0x28: {  	s12 =	smov.u32 s21;
	s22 =	smov.u32 @p3 s8;
	[sflag:s24] =	ssyncadd.s32 @!p1 $0xFFFFC000  }
0x29: {  	s23 =	smov.u32 @p4 s5;
	s17 =	smov.u32 s13;
	s13 =	smov.u32 s22  }
0x2a: {  	s14 =	smov.u32 s23;
	s16 =	sadd.s32 $0x1, s16;
	s15 =	smov.u32 s25  }
.LBB1_1:
0x2b: {  	p1 =	sge.u32 s16, s7  }
.Ltmp2:
0x2c: {  	_ = 	snop;
	(pc) =	sbr.rel @p1 .LBB1_3-.Ltmp2, $1  }
0x2d: {  	_ =	sdelay $0x3  }
0x2e: {  	s21 =	sshrl.u32 s13, $0x3;
	s22 =	sshll.u32 s12, $0x3;
	s23 =	sshll.u32 s13, $0x7  }
0x2f: {  	s24 =	sxor.u32 $0xFFFFFFFF, s16;
	p1 =	sgt.s32 s15, $0x5;
	s27 =	sshra.s32 s15, $0x1F  }
0x30: {  	s31 =	sshra.s32 s13, $0x1F;
	s21 =	smul.u32 $0x7000, s21;
	s22 =	sand.u32 $0xFFFFFC00, s22  }
0x31: {  	s26 =	sand.u32 $0x380, s23;
	s23 =	sand.u32 s27, s15;
	s27 =	sshra.s32 s14, $0x1F  }
0x32: {  	s30 =	sand.u32 s27, s14;
	s21 =	sadd.s32 s21, s22;
	s22 =	smov.u32 s15  }
0x33: {  	s27 =	sand.u32 s31, s13;
	s31 =	sshra.s32 s12, $0x1F;
	s22 =	simm.s32 @!p1 $0x5  }
0x34: {  	s21 =	sor.u32 s26, s21;
	s26 =	sand.u32 $0x7F, s12;
	s22 =	ssub.s32 s22, s23  }
0x35: {  	s25 =	sshrl.u32 s21, $0x9;
	s23 =	sshll.u32 s24, $0xE;
	s28 =	sadd.s32 $0xFFFFFFFB, s22  }
0x36: {  	s25 =	smulhi.u32 $0x24924925, s25;
	s22 =	ssub.s32 $0x6, s22;
	p1 =	sgt.s32 s28, $0x0  }
0x37: {  	s24 =	smov.u32 s14;
	s22 =	simm.s32 @p1 $0x0;
	p1 =	sgt.s32 s14, $0x7  }
0x38: {  	s21 =	sor.u32 s26, s21;
	s29 =	smul.u32 $0xE00, s25;
	s24 =	simm.s32 @!p1 $0x7  }
0x39: {  	s26 =	smov.u32 s13;
	p1 =	sgt.s32 s13, $0x60;
	s24 =	ssub.s32 s24, s30  }
0x3a: {  	s21 =	ssub.s32 s21, s29;
	s26 =	simm.s32 @!p1 $0x60;
	s28 =	sadd.s32 $0xFFFFFFF9, s24  }
0x3b: {  	s24 =	ssub.s32 $0x8, s24;
	s26 =	ssub.s32 s26, s27;
	p1 =	sgt.s32 s28, $0x0  }
0x3c: {  	s29 =	smulhi.u32 $0x124924A, s25;
	s30 =	sadd.s32 $0xFFFFFFA0, s26;
	s24 =	simm.s32 @p1 $0x0  }
0x3d: {  	p1 =	sgt.s32 s30, $0x7F;
	s22 =	smul.u32 s22, s24;
	s24 =	ssub.s32 $0xE0, s26  }
0x3e: {  	s26 =	smov.u32 s12;
	s24 =	simm.s32 @p1 $0x0;
	p1 =	sgt.s32 s12, $0xD80  }
0x3f: {  	s27 =	smul.u32 $0xE0, s29;
	s28 =	sand.u32 s31, s12;
	s26 =	simm.s32 @!p1 $0xD80  }
0x40: {  	s23 =	sand.u32 $0x4000, s23;
	s31 =	smul.u32 $0x18800, s14;
	s29 =	ssub.s32 s26, s28  }
0x41: {  	s30 =	smul.u32 $0xC4000, s15;
	s25 =	ssub.s32 s25, s27;
	s26 =	sadd.s32 $0xFFFFF280, s29  }
0x42: {  	s22 =	smul.u32 s24, s22;
	s24 =	ssub.s32 $0xE00, s29;
	p1 =	sgt.s32 s26, $0x7F  }
0x43: {  	s25 =	smul.u32 $0x1C0, s25;
	s27 =	sadd.s32 s1, s30;
	s24 =	simm.s32 @p1 $0x0  }
0x44: {  	s28 =	sadd.s32 s31, s27;
	s29 =	sand.u32 $0x7, s21;
	s22 =	smul.u32 s24, s22  }
0x45: {  	s21 =	sshrl.u32 s21, $0x3;
	s30 =	sshll.u32 s29, $0x12;
	s24 =	sadd.s32 s25, s28  }
0x46: {  	s31 =	sor.u32 $0x400, s30;
	s21 =	sadd.s32 s21, s24;
	s22 =	sand.u32 $0x3FFFFFFF, s22  }
0x47: {  	[tilespmem:s23], [sflag:$0x1] =	stream.strided.gather [hbm4b:s21+s31], s22, s10, s31, $0x38;
	[tilespmem:$0x10100] =	vst v63  }
.LBB1_3:
0x48: {  	s21 =	sadd.s32 $0xFFFFFFFF, s16  }
0x49: {  	p1 =	sge.u32 s21, s7  }
.Ltmp3:
0x4a: {  	_ = 	snop;
	(pc) =	sbr.rel @p1 .LBB1_7-.Ltmp3, $1  }
0x4b: {  	_ =	sdelay $0x3  }
0x4c: {  	p1 =	sgt.s32 s19, $0x5;
	s21 =	smov.u32 s19;
	s22 =	sshra.s32 s19, $0x1F  }
0x4d: {  	s23 =	smov.u32 s18;
	s24 =	sshra.s32 s18, $0x1F;
	s25 =	sshra.s32 s17, $0x1F  }
0x4e: {  	s21 =	simm.s32 @!p1 $0x5;
	s22 =	sand.u32 s22, s19;
	p1 =	sgt.s32 s18, $0x7  }
0x4f: {  	s30 =	sand.u32 s24, s18;
	s21 =	ssub.s32 s21, s22;
	s23 =	simm.s32 @!p1 $0x7  }
0x50: {  	s27 =	sshra.s32 s20, $0x1F;
	s31 =	sadd.s32 $0xFFFFFFFB, s21;
	s22 =	ssub.s32 s23, s30  }
0x51: {  	s21 =	ssub.s32 $0x6, s21;
	p1 =	sgt.s32 s31, $0x0;
	s23 =	sadd.s32 $0xFFFFFFF9, s22  }
0x52: {  	s22 =	ssub.s32 $0x8, s22;
	s21 =	simm.s32 @p1 $0x0;
	p1 =	sgt.s32 s23, $0x0  }
0x53: {  	s23 =	smov.u32 s17;
	s22 =	simm.s32 @p1 $0x0;
	p1 =	sgt.s32 s17, $0x60  }
0x54: {  	s26 =	sand.u32 s25, s17;
	s21 =	smul.u32 s21, s22;
	s23 =	simm.s32 @!p1 $0x60  }
0x55: {  	p1 =	sgt.s32 s20, $0xD80;
	s22 =	ssub.s32 s23, s26;
	s23 =	smov.u32 s20  }
0x56: {  	s24 =	sand.u32 s27, s20;
	s25 =	sadd.s32 $0xFFFFFFA0, s22;
	s23 =	simm.s32 @!p1 $0xD80  }
0x57: {  	s22 =	ssub.s32 $0xE0, s22;
	p1 =	sgt.s32 s25, $0x7F;
	s23 =	ssub.s32 s23, s24  }
0x58: {  	s22 =	simm.s32 @p1 $0x0;
	s24 =	sadd.s32 $0xFFFFF280, s23  }
0x59: {  	s21 =	smul.u32 s22, s21;
	p1 =	sgt.s32 s24, $0x7F;
	s22 =	ssub.s32 $0xE00, s23  }
0x5a: {  	s22 =	simm.s32 @p1 $0x0  }
0x5b: {  	s21 =	smul.u32 s22, s21;
	_ =	sdelay $0x1  }
0x5c: {  	s22 =	simm.s32 $0x1;
	s21 =	sand.u32 $0x3FFFFFFF, s21  }
0x5d: {  	s22 =	simm.s32 @!p0 $0x0;
	_ =	swait.ge [sflag:s6], s21  }
0x5e: {  	s28 =	sshll.u32 s22, $0xE;
	s21 =	ssub.s32 $0x0, s21;
	[sflag:s6] =	ssyncset.done $0x0  }
0x5f: {  	s29 =	sor.u32 $0x40, s28;
	[sflag:s6] =	ssyncadd.s32 s21  }
0x60: {  	s30 =	smul.u32 $0x10200, s22;
	v0 =	vld [tilespmem:s29+$0x30]  }
0x61: {  	v1 =	vld [tilespmem:s29+$0xFFFFFFD0]  }
0x62: {  	s21 =	sshrl.u32 s30, $0x2;
	v5 =	vld [tilespmem:s29+$0xFFFFFFE0]  }
0x63: {  	s22 =	sor.u32 $0x8000, s21;
	v6 =	vld [tilespmem:s29+$0xFFFFFFF0]  }
0x64: {  	s31 =	sand.u32 $0x1, s16;
	v3 =	vld [tilespmem:s29+$0x0];
	s23 =	sadd.s32 $0x0, s22  }
0x65: {  	s21 =	smul.u32 $0x10200, s31;
	v4 =	vld [tilespmem:s29+$0x10];
	[tilespmem:s23+$0x3870 ss:$0x81] =	vst.msk $0xffff, v0  }
0x66: {  	v2 =	vld [tilespmem:s29+$0x20];
	[tilespmem:s23+$0x810 ss:$0x81] =	vst.msk $0xffff, v1  }
0x67: {  	s24 =	sadd.s32 $0x80, s29;
	s21 =	sshrl.u32 s21, $0x2;
	v0 =	vld [tilespmem:s29+$0xFFFFFFC0];
	[tilespmem:s23+$0x1020 ss:$0x81] =	vst.msk $0xffff, v5  }
0x68: {  	s26 =	simm.s32 $0x8;
	s25 =	simm.s32 $0x4;
	s21 =	sor.u32 $0x8000, s21;
	v1 =	vld [tilespmem:s24+$0x30];
	[tilespmem:s23+$0x1830 ss:$0x81] =	vst.msk $0xffff, v6  }
.LBB1_5:
0x69: {  	p1 =	sne.s32 s26, $0x1FC;
	v5 =	vld [tilespmem:s24+$0xFFFFFFD0];
	[tilespmem:s23+$0x2040 ss:$0x81] =	vst.msk $0xffff, v3  }
0x6a: {  	v6 =	vld [tilespmem:s24+$0xFFFFFFE0];
	[tilespmem:s23+$0x2850 ss:$0x81] =	vst.msk $0xffff, v4  }
0x6b: {  	s27 =	sshra.s32 s25, $0x2;
	s25 =	smov.u32 s26;
	v7 =	vld [tilespmem:s24+$0xFFFFFFF0];
	[tilespmem:s23+$0x3060 ss:$0x81] =	vst.msk $0xffff, v2  }
.Ltmp4:
0x6c: {  	v3 =	vld [tilespmem:s24+$0x0];
	[tilespmem:s23+$0x0 ss:$0x81] =	vst.msk $0xffff, v0;
	s23 =	sadd.s32 s27, s22;
	(pc) =	sbr.rel @p1 .LBB1_5-.Ltmp4, $4  }
0x6d: {  	v4 =	vld [tilespmem:s24+$0x10];
	[tilespmem:s23+$0x3870 ss:$0x81] =	vst.msk $0xffff, v1  }
0x6e: {  	[tilespmem:s23+$0x810 ss:$0x81] =	vst.msk $0xffff, v5;
	v2 =	vld [tilespmem:s24+$0x20]  }
0x6f: {  	v0 =	vld [tilespmem:s24+$0xFFFFFFC0];
	[tilespmem:s23+$0x1020 ss:$0x81] =	vst.msk $0xffff, v6;
	s24 =	sadd.s32 $0x80, s24  }
0x70: {  	s26 =	sadd.s32 $0x4, s26;
	v1 =	vld [tilespmem:s24+$0x30];
	[tilespmem:s23+$0x1830 ss:$0x81] =	vst.msk $0xffff, v7  }
.Ltmp5:
0x71: {  	_ = 	snop;
	(pc) =	sbr.rel .LBB1_6-.Ltmp5, $1  }
0x72: {  	_ =	sdelay $0x3  }
.LBB1_8:
0x73: {  	_ =	sfence.sel $0x180000  }
0x74: {  	s1 =	simm.s32 $0x1;
	[bflag:$0x0] =	sbarrier.arrive $0xFFFF  }
0x75: {  	s31 =	simm.s32 $0x2;
	[sflag:s1] =	ssyncpa.u1 $0x1  }
0x76: {  	[sflag:s31] =	ssyncpa.u1 $0x1  }
0x77: {  	p0 =	sne.s32 s3, $0x0;
	_ =	strace $0x90000056  }
0x78: {  	s0 =	sadd.s32 @!p0 $0x100000, s0;
	[bflag:$0x2] =	sbarrier.arrive $0xFFFF  }
0x79: {  	[sflag:s0] =	ssyncadd.tile.s32 @!p0 $0x1;
	_ =	shalt  }
.Lfunc_end1:
_tile_overlayer_lowered:
.L_overlay_start_2:
0x7a: {  	(tag) =	ssettag $0x2  }
0x7b: {  	s0 =	rddreg [dreg:$0x0];
	s2 =	stileid.u32  }
0x7c: {  	s1 =	rddreg [dreg:$0x1];
	p0 =	sne.s32 s2, $0x0  }
0x7d: {  	s3 =	rddreg [dreg:$0x2];
	[bflag:$0x3] =	sbarrier.arrive $0xFFFF;
	s2 =	simm.s32 @!p0 $0x1C01  }
0x7e: {  	[timem:s3], [sflag:s2] =	dma.local @!p0 [hbm:s0], s1  }
0x7f: {  	s0 =	simm.s32 @!p0 $0x1  }
0x80: {  	_ =	swait.ge @!p0 [sflag:s0], s1  }
0x81: {  	s1 =	ssub.s32 @!p0 $0x0, s1;
	[sflag:s0] =	ssyncset.done @!p0 $0x0  }
0x82: {  	[sflag:s0] =	ssyncadd.s32 @!p0 s1  }
0x83: {  	[bflag:$0x3] =	sbarrier.arrive $0xFFFF  }
0x84: {  	_ =	shalt  }

// kernel: sparse-core-data-format-call.2.cloned.1.call-start
scs
called_computation.2_lowered:
.L_overlay_start_0:
0x0: {  	s2 =	sld [smem:$0x3FD9]  }
0x1: {  	s3 =	sld [smem:$0x3FFE];
	_ =	sdelay $0x1  }
0x2: {  	s1 =	srdreg.scid  }
0x3: {  	s0 =	sand.u32 $0x1, s1  }
0x4: {  	s18 =	sshll.u32 s0, $0xA;
	s2 =	sadd.s32 s3, s2  }
0x5: {  	s2 =	sadd.s32 s2, s18  }
0x6: {  	[smem:$0x3FC5] =	sst s2  }
0x7: {  	_ = 	snop  }
0x8: {  	s19 =	sld [smem:$0x3FD0];
	(tm) =	ssettm $0x1  }
0x9: {  	s20 =	sld [smem:$0x3FFB];
	_ =	sdelay $0x3  }
0xa: {  	_ =	strace s20  }
0xb: {  	s2 =	sld [smem:$0x3FFC];
	_ =	sdelay $0x3  }
0xc: {  	_ =	strace s2  }
0xd: {  	s2 =	sld [smem:$0x3FFD];
	_ =	sdelay $0x3  }
0xe: {  	_ =	strace s2  }
0xf: {  	_ =	strace $0x8FFFFFFF  }
0x10: {  	s21 =	sld [smem:$0x3FDB];
	_ =	sdelay $0x1  }
0x11: {  	s4 =	simm.s32 $_scs_section_size  }
0x12: {  	s5 =	simm.s32 $_size__tile_overlayer_lowered;
	s6 =	simm.s32 $_tile_overlayer_lowered  }
0x13: {  	s7 =	simm.s32 $0x1BFF;
	s22 =	sshll.u32 s6, $0x1;
	s4 =	sadd.s32 s4, s21  }
0x14: {  	s23 =	simm.s32 $0x0;
	s5 =	sshll.u32 s5, $0x1;
	s6 =	sadd.s32 s22, s4  }
0x15: {  	[timem:s23], [sflag:s7] =	dma.local [hbm:s6], s5  }
0x16: {  	_ =	swait.ge [sflag:s7], s5  }
0x17: {  	s5 =	ssub.s32 $0x0, s5;
	[sflag:s7] =	ssyncset.done $0x0  }
0x18: {  	[sflag:s7] =	ssyncadd.s32 s5;
	_ =	sdelay $0x1  }
0x19: {  	s24 =	simm.s32 $0x1B8B  }
0x1a: {  	_ =	swait.ge [sflag:s24], $0x1  }
0x1b: {  	[sflag:s24] =	ssyncset.done $0x0  }
0x1c: {  	[sflag:s24] =	ssyncadd.s32 $0xFFFFFFFF  }
0x1d: {  	s5 =	sld [smem:$0x0]  }
0x1e: {  	s6 =	sand.u32 $0xFFFFFFFE, s1  }
0x1f: {  	p0 =	sne.s32 s1, s6  }
0x20: {  	s6 =	sshll.u32 @p0 s6, $0xE  }
0x21: {  	s6 =	sadd.s32 @p0 $0x11B8D, s6;
	s7 =	sshll.u32 @p0 s5, $0x11  }
0x22: {  	s6 =	sor.u32 @p0 s7, s6  }
0x23: {  	[sflag:s6] =	ssyncadd.remote.s32 @p0 $0x1;
	_ =	sdelay $0x1  }
0x24: {  	s6 =	simm.s32 @p0 $0x1B8D  }
0x25: {  	_ =	swait.eq @p0 [sflag:s6], $0x1  }
0x26: {  	[sflag:s6] =	ssyncadd.s32 @p0 $0xFFFFFFFF  }
0x27: {  	s7 =	sshll.u32 @!p0 s1, $0xE  }
0x28: {  	s7 =	sor.u32 @!p0 $0x4000, s7;
	s6 =	simm.s32 @!p0 $0x1B8D  }
0x29: {  	s5 =	sshll.u32 @!p0 s5, $0x11;
	s7 =	sadd.s32 @!p0 $0x11B8D, s7;
	_ =	swait.eq @!p0 [sflag:s6], $0x1  }
0x2a: {  	s5 =	sor.u32 @!p0 s5, s7;
	[sflag:s6] =	ssyncadd.s32 @!p0 $0xFFFFFFFF  }
0x2b: {  	s26 =	simm.s32 $0x1B8E;
	s25 =	sld [smem:$0x3FFE];
	[sflag:s5] =	ssyncadd.remote.s32 @!p0 $0x1  }
0x2c: {  	s27 =	simm.s32 $execute0_lowered;
	[smem:$0x3FD2] =	sst s26  }
0x2d: {  	s6 =	sshll.u32 s27, $0x1;
	_ =	strace $0x8000004F;
	[dreg:$0x1] =	wrdreg $0xFFFFFFFF  }
0x2e: {  	s28 =	simm.s32 $_size_execute0_lowered;
	s4 =	sadd.s32 s4, s6;
	[dreg:$0x0] =	wrdreg $0x0  }
0x2f: {  	s6 =	sshll.u32 s28, $0x1;
	[dreg:$0x2] =	wrdreg s4  }
0x30: {  	[dreg:$0x3] =	wrdreg s6  }
0x31: {  	[dreg:$0x4] =	wrdreg $0xC0  }
0x32: {  	_ =	task [dreg:s23], $0x5FFFF  }
0x33: {  	[dreg:$0x1] =	wrdreg $0xFFFFFFFF  }
0x34: {  	[dreg:$0x0] =	wrdreg $0x60  }
0x35: {  	[dreg:$0x2] =	wrdreg s19  }
0x36: {  	[dreg:$0x3] =	wrdreg s25  }
0x37: {  	[dreg:$0x4] =	wrdreg $0x9  }
0x38: {  	_ =	task.clear_ibuf [dreg:s23], $0x5FFFF;
	_ =	strace $0x9000004F  }
0x39: {  	s29 =	simm.s32 $0x9;
	_ =	strace $0x80000051  }
0x3a: {  	_ =	swait.ge [sflag:s29], $0x1  }
0x3b: {  	[sflag:s29] =	ssyncadd.s32 $0xFFFFFFFF  }
0x3c: {  	_ =	strace $0x90000051  }
0x3d: {  	_ =	sfence  }
0x3e: {  	s30 =	sld [smem:$0x0];
	_ =	sdelay $0x2  }
0x3f: {  	s31 =	sshll.u32 s1, $0xD;
	s1 =	sshrl.u32 s1, $0x2  }
0x40: {  	s4 =	sand.u32 $0x4000, s31;
	s1 =	sadd.s32 s1, s30  }
0x41: {  	s0 =	sor.u32 s4, s0;
	s1 =	sshll.u32 s1, $0x11  }
0x42: {  	s0 =	sor.u32 s1, s0  }
0x43: {  	s0 =	sadd.s32 $0x8F2B, s0  }
0x44: {  	[sflag:s0] =	ssyncadd.remote.s32 $0x1  }
0x45: {  	_ =	sfence.sel $0xFFFF  }
0x46: {  	[dreg:$0x0] =	wrdreg $0xFFFFFFFF;
	(pc) =	sbr.abs _section_cstart, $3  }
0x47: {  	[dreg:$0x1] =	wrdreg $0xFFFFFFFF  }
0x48: {  	_ =	task.clear_ibuf [dreg:s23], $0x2FFFF;
	_ =	strace $0x9FFFFFFF  }
0x49: {  	(tm) =	ssettm $0x7FFFFFFF  }
tec
execute0_lowered:
.L_overlay_start_1:
0x0: {  	(tag) =	ssettag $0x1  }
0x1: {  	s0 =	stileid.u32;
	s3 =	rddreg [dreg:$0x0]  }
0x2: {  	s1 =	srdreg.scid;
	s5 =	rddreg [dreg:$0x1];
	s6 =	simm.s32 $0x1  }
0x3: {  	s8 =	simm.s32 $0x2;
	s2 =	sshll.u32 s0, $0x4;
	s1 =	sshll.u32 s1, $0x8  }
0x4: {  	s17 =	simm.s32 $0x0;
	s9 =	simm.s32 $0x3800;
	s1 =	sor.u32 s2, s1  }
0x5: {  	s18 =	simm.s32 $0x0;
	s19 =	simm.s32 $0x0;
	s2 =	sand.u32 $0x180, s1  }
0x6: {  	s10 =	simm.s32 $0x0;
	s11 =	simm.s32 $0x0;
	s4 =	ssub.s32 $0x700, s2  }
0x7: {  	s12 =	simm.s32 $0x0;
	s15 =	simm.s32 $0x0;
	s31 =	sand.u32 $0x180, s4  }
0x8: {  	s16 =	simm.s32 $0x0;
	s7 =	sand.u32 $0x7, s0;
	p0 =	sne.s32 s31, $0x0  }
.Ltmp0:
0x9: {  	s4 =	sshrl.u32 s4, $0x9;
	s6 =	simm.s32 @!p0 $0x0;
	(pc) =	sbr.rel .LBB1_1-.Ltmp0, $4  }
0xa: {  	s1 =	rddreg [dreg:$0x2];
	_ =	strace $0x80000050;
	s6 =	sadd.s32 s6, s4  }
0xb: {  	s4 =	sadd.s32 $0x277C00, s5;
	s5 =	simm.s32 $0x1;
	s6 =	smul.u32 $0x6, s6  }
0xc: {  	s14 =	smov.u32 s7;
	s13 =	smov.u32 s2;
	[sflag:s5] =	ssyncpa.u1 $0x0  }
0xd: {  	p0 =	por $0x0, $0x0;
	[sflag:s8] =	ssyncpa.u1 $0x0;
	s8 =	sor.u32 $0x1, s6  }
.LBB1_4:
0xe: {  	s25 =	sshll.u32 s10, $0x3;
	[tilespmem:s22+$0x2040 ss:$0x81] =	vst.msk $0xffff, v4  }
0xf: {  	s24 =	sshra.s32 s24, $0x2;
	s30 =	sand.u32 $0x7F, s10;
	p1 =	sgt.s32 s12, $0x5;
	[tilespmem:s22+$0x2850 ss:$0x81] =	vst.msk $0xffff, v3  }
0x10: {  	s27 =	sshra.s32 s12, $0x1F;
	s29 =	sshra.s32 s11, $0x1F;
	[tilespmem:s22+$0x3060 ss:$0x81] =	vst.msk $0xffff, v2;
	s25 =	sand.u32 $0xFFFFFC00, s25  }
0x11: {  	[tilespmem:s22+$0x0 ss:$0x81] =	vst.msk $0xffff, v1;
	s22 =	smov.u32 s10;
	s23 =	sadd.s32 s24, s23;
	s26 =	sshrl.u32 s25, $0x8  }
0x12: {  	s24 =	sor.u32 s30, s25;
	s25 =	smov.u32 s12;
	s26 =	smulhi.u32 $0x24924925, s26  }
0x13: {  	s27 =	sand.u32 s27, s12;
	s25 =	simm.s32 @!p1 $0x5;
	p1 =	sgt.s32 s11, $0x7  }
0x14: {  	s25 =	ssub.s32 s25, s27;
	s27 =	smov.u32 s11;
	s28 =	smulhi.u32 $0x2492493, s26  }
0x15: {  	s29 =	sand.u32 s29, s11;
	s30 =	smul.u32 $0x700, s26;
	s27 =	simm.s32 @!p1 $0x7  }
0x16: {  	v5 =	vld [tilespmem:s21+$0xFFFFFFD0];
	s31 =	sadd.s32 $0xFFFFFFFB, s25;
	s25 =	ssub.s32 $0x6, s25;
	s27 =	ssub.s32 s27, s29  }
0x17: {  	v58 =	vld [tilespmem:s21+$0xFFFFFFE0];
	p1 =	sgt.s32 s31, $0x0;
	s25 =	smul.u32 $0x70, s25;
	s31 =	sadd.s32 $0xFFFFFFF9, s27  }
0x18: {  	v59 =	vld [tilespmem:s21+$0xFFFFFFF0];
	s28 =	smul.u32 $0x70, s28;
	s27 =	ssub.s32 $0x8, s27;
	p2 =	sgt.s32 s31, $0x0  }
0x19: {  	v60 =	vld [tilespmem:s21+$0x0];
	s31 =	sshra.s32 s10, $0x1F;
	s27 =	simm.s32 @p2 $0x0;
	p2 =	sgt.s32 s10, $0x680  }
0x1a: {  	v61 =	vld [tilespmem:s21+$0x10];
	[tilespmem:s23+$0x3870 ss:$0x81] =	vst.msk $0xffff, v0;
	s24 =	ssub.s32 s24, s30;
	s29 =	sand.u32 s31, s10;
	s22 =	simm.s32 @!p2 $0x680  }
0x1b: {  	v62 =	vld [tilespmem:s21+$0x20];
	[tilespmem:s23+$0x810 ss:$0x81] =	vst.msk $0xffff, v5;
	s30 =	smul.u32 $0x31000, s12;
	s25 =	simm.s32 @p1 $0x0;
	s22 =	ssub.s32 s22, s29  }
0x1c: {  	v63 =	vld [tilespmem:s21+$0xFFFFFFC0];
	[tilespmem:s23+$0x1020 ss:$0x81] =	vst.msk $0xffff, v58;
	s28 =	ssub.s32 s26, s28;
	s31 =	smul.u32 $0x6200, s11;
	s29 =	sadd.s32 $0xFFFFF980, s22  }
0x1d: {  	[tilespmem:s23+$0x1830 ss:$0x81] =	vst.msk $0xffff, v59;
	s25 =	smul.u32 s27, s25;
	s22 =	ssub.s32 $0x700, s22;
	p1 =	sgt.s32 s29, $0x7F  }
0x1e: {  	[tilespmem:s23+$0x2040 ss:$0x81] =	vst.msk $0xffff, v60;
	s21 =	smul.u32 $0xE0, s28;
	s27 =	sadd.s32 s4, s30;
	s22 =	simm.s32 @p1 $0x0  }
0x1f: {  	[tilespmem:s23+$0x2850 ss:$0x81] =	vst.msk $0xffff, v61;
	s28 =	sadd.s32 s31, s27;
	s29 =	sand.u32 $0x7, s24;
	s22 =	smul.u32 s22, s25  }
0x20: {  	[tilespmem:s23+$0x3060 ss:$0x81] =	vst.msk $0xffff, v62;
	s21 =	sadd.s32 s21, s28;
	s24 =	sshrl.u32 s24, $0x3;
	s30 =	sshll.u32 s29, $0x12  }
0x21: {  	[tilespmem:s23+$0x0 ss:$0x81] =	vst.msk $0xffff, v63;
	s21 =	sadd.s32 s24, s21;
	s31 =	sor.u32 $0x400, s30;
	s22 =	sand.u32 $0x3FFFFFF0, s22  }
0x22: {  	[hbm4b:s21+s31] =	stream.strided.scatter [tilespmem:s20], [sflag:$0x2], s22, s9, s31, $0x20;
	[tilespmem:$0x10100] =	vst v63  }
.LBB1_5:
0x23: {  	p1 =	slt.u32 s16, $0x2  }
0x24: {  	p2 =	sgt.s32 @!p1 s19, $0x5  }
0x25: {  	s20 =	smov.u32 s19;
	s21 =	sshra.s32 @!p1 s19, $0x1F;
	p2 =	por !p2, p1  }
0x26: {  	s22 =	sshra.s32 @!p1 s18, $0x1F;
	s20 =	simm.s32 @p2 $0x5;
	p2 =	sgt.s32 @!p1 s18, $0x7  }
0x27: {  	s19 =	sand.u32 @!p1 s21, s19;
	s21 =	smov.u32 s18;
	p2 =	por !p2, p1  }
0x28: {  	s18 =	sand.u32 @!p1 s22, s18;
	s19 =	ssub.s32 @!p1 s20, s19;
	s21 =	simm.s32 @p2 $0x7  }
0x29: {  	p3 =	sgt.s32 @!p1 s17, $0x680;
	s20 =	sadd.s32 @!p1 $0xFFFFFFFB, s19;
	s18 =	ssub.s32 @!p1 s21, s18  }
0x2a: {  	p3 =	por !p3, p1;
	p2 =	sgt.s32 @!p1 s20, $0x0;
	s20 =	sadd.s32 @!p1 $0xFFFFFFF9, s18  }
0x2b: {  	s21 =	sshra.s32 @!p1 s17, $0x1F;
	p4 =	sgt.s32 @!p1 s20, $0x0;
	s20 =	smov.u32 s17  }
0x2c: {  	s19 =	ssub.s32 @!p1 $0x6, s19;
	s17 =	sand.u32 @!p1 s21, s17;
	s20 =	simm.s32 @p3 $0x680  }
0x2d: {  	s19 =	smul.u32 @!p1 $0x70, s19;
	s18 =	ssub.s32 @!p1 $0x8, s18;
	s17 =	ssub.s32 @!p1 s20, s17  }
0x2e: {  	p2 =	por !p2, p1;
	p3 =	por !p4, p1;
	s20 =	sadd.s32 @!p1 $0xFFFFF980, s17  }
0x2f: {  	s19 =	simm.s32 @!p2 $0x0;
	s18 =	simm.s32 @!p3 $0x0;
	p3 =	sgt.s32 @!p1 s20, $0x7F  }
0x30: {  	s17 =	ssub.s32 @!p1 $0x700, s17;
	s18 =	smul.u32 @!p1 s18, s19;
	p2 =	por !p3, p1  }
0x31: {  	s21 =	smov.u32 s14;
	s20 =	sadd.s32 $0x200, s13;
	s17 =	simm.s32 @!p2 $0x0  }
0x32: {  	p2 =	sgt.s32 s20, $0x6FF;
	s17 =	smul.u32 @!p1 s17, s18;
	s18 =	sadd.s32 $0x8, s14  }
0x33: {  	s21 =	smov.u32 @p2 s18  }
0x34: {  	s18 =	simm.s32 $0x1;
	p3 =	sgt.s32 s21, $0x7  }
0x35: {  	s18 =	simm.s32 @!p3 $0x0  }
0x36: {  	p0 =	por !p0, !p0;
	s22 =	simm.s32 @!p1 $0x2;
	s24 =	sadd.s32 s18, s15  }
0x37: {  	s19 =	smov.u32 s12;
	s20 =	smov.u32 @p2 s2;
	p2 =	sgt.s32 s24, $0x5  }
0x38: {  	s17 =	sand.u32 @!p1 $0x3FFFFFF0, s17;
	s24 =	simm.s32 @p2 $0x0;
	p2 =	sne.s32 s16, s8  }
.Ltmp1:
0x39: {  	s12 =	smov.u32 s15;
	_ =	swait.ge @!p1 [sflag:s22], s17;
	(pc) =	sbr.rel @!p2 .LBB1_6-.Ltmp1, $4  }
0x3a: {  	s23 =	ssub.s32 @!p1 $0x0, s17;
	s21 =	smov.u32 @p3 s7;
	s17 =	smov.u32 s10  }
0x3b: {  	s10 =	smov.u32 s13;
	s13 =	smov.u32 s20;
	[sflag:s22] =	ssyncset.done @!p1 $0x0  }
0x3c: {  	s18 =	smov.u32 s11;
	s11 =	smov.u32 s14;
	s14 =	smov.u32 s21  }
0x3d: {  	[sflag:s22] =	ssyncadd.s32 @!p1 s23;
	s16 =	sadd.s32 $0x1, s16;
	s15 =	smov.u32 s24  }
.LBB1_1:
0x3e: {  	p1 =	sge.u32 s16, s6  }
0x3f: {  	s20 =	sand.u32 @!p1 $0x1FFFFFF, s13  }
0x40: {  	s21 =	smulhi.u32 @!p1 $0x2492493, s20;
	_ =	sdelay $0x1  }
0x41: {  	s22 =	smul.u32 @!p1 $0x38000, s15;
	s21 =	sshrl.u32 @!p1 s21, $0x4  }
0x42: {  	s21 =	smul.u32 @!p1 $0x700, s21  }
0x43: {  	s31 =	sadd.s32 $0xFFFFFFFF, s16;
	s23 =	smul.u32 @!p1 $0x7000, s14  }
0x44: {  	s22 =	sadd.s32 @!p1 s3, s22;
	s20 =	ssub.s32 @!p1 s20, s21;
	s21 =	sxor.u32 @!p1 $0xFFFFFFFF, s16  }
0x45: {  	s22 =	sadd.s32 @!p1 s23, s22;
	s21 =	sshll.u32 @!p1 s21, $0xE;
	s20 =	sshll.u32 @!p1 s20, $0x4  }
0x46: {  	s21 =	sand.u32 @!p1 $0x4000, s21;
	s20 =	sadd.s32 @!p1 s20, s22;
	s22 =	simm.s32 @!p1 $0x0  }
0x47: {  	[tilespmem:s21], [sflag:$0x1] =	stream.linear.gather @!p1 [hbm4b:s20+s22], $0x4000, $0x38;
	[tilespmem:$0x10100] =	vst v63  }
0x48: {  	p1 =	sge.u32 s31, s6  }
.Ltmp2:
0x49: {  	_ = 	snop;
	(pc) =	sbr.rel @p1 .LBB1_5-.Ltmp2, $1  }
0x4a: {  	_ =	sdelay $0x3  }
0x4b: {  	s20 =	simm.s32 $0x1  }
0x4c: {  	_ =	swait.ge [sflag:s5], $0x4000;
	s20 =	simm.s32 @!p0 $0x0  }
0x4d: {  	[sflag:s5] =	ssyncset.done $0x0;
	s21 =	sshll.u32 s20, $0xE  }
0x4e: {  	[sflag:s5] =	ssyncadd.s32 $0xFFFFC000;
	s21 =	sor.u32 $0x40, s21  }
0x4f: {  	s20 =	smul.u32 $0x10200, s20;
	v0 =	vld [tilespmem:s21+$0x30]  }
0x50: {  	v1 =	vld [tilespmem:s21+$0xFFFFFFD0]  }
0x51: {  	s20 =	sshrl.u32 s20, $0x2;
	v5 =	vld [tilespmem:s21+$0xFFFFFFE0]  }
0x52: {  	v6 =	vld [tilespmem:s21+$0xFFFFFFF0];
	s23 =	sor.u32 $0x8000, s20  }
0x53: {  	s31 =	sand.u32 $0x1, s16;
	v4 =	vld [tilespmem:s21+$0x0];
	s22 =	sadd.s32 $0x0, s23  }
0x54: {  	v3 =	vld [tilespmem:s21+$0x10];
	s20 =	smul.u32 $0x10200, s31;
	[tilespmem:s22+$0x3870 ss:$0x81] =	vst.msk $0xffff, v0  }
0x55: {  	v2 =	vld [tilespmem:s21+$0x20];
	[tilespmem:s22+$0x810 ss:$0x81] =	vst.msk $0xffff, v1  }
0x56: {  	s20 =	sshrl.u32 s20, $0x2;
	v1 =	vld [tilespmem:s21+$0xFFFFFFC0];
	[tilespmem:s22+$0x1020 ss:$0x81] =	vst.msk $0xffff, v5;
	s21 =	sadd.s32 $0x80, s21  }
0x57: {  	s24 =	simm.s32 $0x4;
	s25 =	simm.s32 $0x8;
	s20 =	sor.u32 $0x8000, s20;
	[tilespmem:s22+$0x1830 ss:$0x81] =	vst.msk $0xffff, v6;
	v0 =	vld [tilespmem:s21+$0x30]  }
.LBB1_3:
0x58: {  	p1 =	sne.s32 s25, $0x1FC;
	v5 =	vld [tilespmem:s21+$0xFFFFFFD0];
	[tilespmem:s22+$0x2040 ss:$0x81] =	vst.msk $0xffff, v4  }
0x59: {  	v6 =	vld [tilespmem:s21+$0xFFFFFFE0];
	[tilespmem:s22+$0x2850 ss:$0x81] =	vst.msk $0xffff, v3  }
0x5a: {  	s26 =	sshra.s32 s24, $0x2;
	s24 =	smov.u32 s25;
	v7 =	vld [tilespmem:s21+$0xFFFFFFF0];
	[tilespmem:s22+$0x3060 ss:$0x81] =	vst.msk $0xffff, v2  }
.Ltmp3:
0x5b: {  	v4 =	vld [tilespmem:s21+$0x0];
	[tilespmem:s22+$0x0 ss:$0x81] =	vst.msk $0xffff, v1;
	s22 =	sadd.s32 s26, s23;
	(pc) =	sbr.rel @p1 .LBB1_3-.Ltmp3, $4  }
0x5c: {  	v3 =	vld [tilespmem:s21+$0x10];
	[tilespmem:s22+$0x3870 ss:$0x81] =	vst.msk $0xffff, v0  }
0x5d: {  	[tilespmem:s22+$0x810 ss:$0x81] =	vst.msk $0xffff, v5;
	v2 =	vld [tilespmem:s21+$0x20]  }
0x5e: {  	v1 =	vld [tilespmem:s21+$0xFFFFFFC0];
	[tilespmem:s22+$0x1020 ss:$0x81] =	vst.msk $0xffff, v6;
	s21 =	sadd.s32 $0x80, s21  }
0x5f: {  	s25 =	sadd.s32 $0x4, s25;
	v0 =	vld [tilespmem:s21+$0x30];
	[tilespmem:s22+$0x1830 ss:$0x81] =	vst.msk $0xffff, v7  }
.Ltmp4:
0x60: {  	_ = 	snop;
	(pc) =	sbr.rel .LBB1_4-.Ltmp4, $1  }
0x61: {  	_ =	sdelay $0x3  }
.LBB1_6:
0x62: {  	_ =	sfence.sel $0x180000  }
0x63: {  	s2 =	simm.s32 $0x1;
	[bflag:$0x0] =	sbarrier.arrive $0xFFFF  }
0x64: {  	s31 =	simm.s32 $0x2;
	[sflag:s2] =	ssyncpa.u1 $0x1  }
0x65: {  	[sflag:s31] =	ssyncpa.u1 $0x1  }
0x66: {  	p0 =	sne.s32 s0, $0x0;
	_ =	strace $0x90000050  }
0x67: {  	s0 =	sadd.s32 @!p0 $0x100000, s1;
	[bflag:$0x2] =	sbarrier.arrive $0xFFFF  }
0x68: {  	[sflag:s0] =	ssyncadd.tile.s32 @!p0 $0x1;
	_ =	shalt  }
.Lfunc_end1:
_tile_overlayer_lowered:
.L_overlay_start_2:
0x69: {  	(tag) =	ssettag $0x2  }
0x6a: {  	s0 =	rddreg [dreg:$0x0];
	s2 =	stileid.u32  }
0x6b: {  	s1 =	rddreg [dreg:$0x1];
	p0 =	sne.s32 s2, $0x0  }
0x6c: {  	s3 =	rddreg [dreg:$0x2];
	[bflag:$0x3] =	sbarrier.arrive $0xFFFF;
	s2 =	simm.s32 @!p0 $0x1C01  }
0x6d: {  	[timem:s3], [sflag:s2] =	dma.local @!p0 [hbm:s0], s1  }
0x6e: {  	s0 =	simm.s32 @!p0 $0x1  }
0x6f: {  	_ =	swait.ge @!p0 [sflag:s0], s1  }
0x70: {  	s1 =	ssub.s32 @!p0 $0x0, s1;
	[sflag:s0] =	ssyncset.done @!p0 $0x0  }
0x71: {  	[sflag:s0] =	ssyncadd.s32 @!p0 s1  }
0x72: {  	[bflag:$0x3] =	sbarrier.arrive $0xFFFF  }
0x73: {  	_ =	shalt  }

// kernel: sparse-core-data-format-call.3.cloned.1.call-start
scs
called_computation.3_lowered:
.L_overlay_start_0:
0x0: {  	s2 =	sld [smem:$0x3FD9]  }
0x1: {  	s3 =	sld [smem:$0x3FFE];
	_ =	sdelay $0x1  }
0x2: {  	s1 =	srdreg.scid  }
0x3: {  	s0 =	sand.u32 $0x1, s1  }
0x4: {  	s19 =	sshll.u32 s0, $0xA;
	s2 =	sadd.s32 s3, s2  }
0x5: {  	s2 =	sadd.s32 s2, s19  }
0x6: {  	[smem:$0x3FC5] =	sst s2  }
0x7: {  	_ = 	snop  }
0x8: {  	s20 =	sld [smem:$0x3FC8]  }
0x9: {  	s4 =	sld [smem:$0x3FD0];
	(tm) =	ssettm $0x1  }
0xa: {  	s21 =	sld [smem:$0x3FFB];
	_ =	sdelay $0x3  }
0xb: {  	_ =	strace s21  }
0xc: {  	s2 =	sld [smem:$0x3FFC];
	_ =	sdelay $0x3  }
0xd: {  	_ =	strace s2  }
0xe: {  	s2 =	sld [smem:$0x3FFD];
	_ =	sdelay $0x3  }
0xf: {  	_ =	strace s2  }
0x10: {  	_ =	strace $0x8FFFFFFF  }
0x11: {  	s22 =	sld [smem:$0x3FDB];
	_ =	sdelay $0x1  }
0x12: {  	s5 =	simm.s32 $_scs_section_size  }
0x13: {  	s6 =	simm.s32 $_size__tile_overlayer_lowered;
	s7 =	simm.s32 $_tile_overlayer_lowered  }
0x14: {  	s8 =	simm.s32 $0x1BFF;
	s23 =	sshll.u32 s7, $0x1;
	s5 =	sadd.s32 s5, s22  }
0x15: {  	s24 =	simm.s32 $0x0;
	s6 =	sshll.u32 s6, $0x1;
	s7 =	sadd.s32 s23, s5  }
0x16: {  	[timem:s24], [sflag:s8] =	dma.local [hbm:s7], s6  }
0x17: {  	_ =	swait.ge [sflag:s8], s6  }
0x18: {  	s6 =	ssub.s32 $0x0, s6;
	[sflag:s8] =	ssyncset.done $0x0  }
0x19: {  	[sflag:s8] =	ssyncadd.s32 s6;
	_ =	sdelay $0x1  }
0x1a: {  	s25 =	simm.s32 $0x1B8B  }
0x1b: {  	_ =	swait.ge [sflag:s25], $0x1  }
0x1c: {  	[sflag:s25] =	ssyncset.done $0x0  }
0x1d: {  	[sflag:s25] =	ssyncadd.s32 $0xFFFFFFFF  }
0x1e: {  	s6 =	sld [smem:$0x0]  }
0x1f: {  	s7 =	sand.u32 $0xFFFFFFFE, s1  }
0x20: {  	p0 =	sne.s32 s1, s7  }
0x21: {  	s7 =	sshll.u32 @p0 s7, $0xE  }
0x22: {  	s7 =	sadd.s32 @p0 $0x11B8D, s7;
	s8 =	sshll.u32 @p0 s6, $0x11  }
0x23: {  	s7 =	sor.u32 @p0 s8, s7  }
0x24: {  	[sflag:s7] =	ssyncadd.remote.s32 @p0 $0x1;
	_ =	sdelay $0x1  }
0x25: {  	s7 =	simm.s32 @p0 $0x1B8D  }
0x26: {  	_ =	swait.eq @p0 [sflag:s7], $0x1  }
0x27: {  	[sflag:s7] =	ssyncadd.s32 @p0 $0xFFFFFFFF  }
0x28: {  	s8 =	sshll.u32 @!p0 s1, $0xE  }
0x29: {  	s8 =	sor.u32 @!p0 $0x4000, s8;
	s7 =	simm.s32 @!p0 $0x1B8D  }
0x2a: {  	s6 =	sshll.u32 @!p0 s6, $0x11;
	s8 =	sadd.s32 @!p0 $0x11B8D, s8;
	_ =	swait.eq @!p0 [sflag:s7], $0x1  }
0x2b: {  	s6 =	sor.u32 @!p0 s6, s8;
	[sflag:s7] =	ssyncadd.s32 @!p0 $0xFFFFFFFF  }
0x2c: {  	s26 =	simm.s32 $0x1B8E;
	[sflag:s6] =	ssyncadd.remote.s32 @!p0 $0x1  }
0x2d: {  	s27 =	simm.s32 $execute0_lowered;
	[smem:$0x3FD2] =	sst s26  }
0x2e: {  	s6 =	sshll.u32 s27, $0x1;
	_ =	strace $0x80000049;
	[dreg:$0x1] =	wrdreg $0xFFFFFFFF  }
0x2f: {  	s28 =	simm.s32 $_size_execute0_lowered;
	s5 =	sadd.s32 s5, s6;
	[dreg:$0x0] =	wrdreg $0x0  }
0x30: {  	s6 =	sshll.u32 s28, $0x1;
	[dreg:$0x2] =	wrdreg s5  }
0x31: {  	[dreg:$0x3] =	wrdreg s6  }
0x32: {  	[dreg:$0x4] =	wrdreg $0xC0  }
0x33: {  	_ =	task [dreg:s24], $0x5FFFF  }
0x34: {  	[dreg:$0x1] =	wrdreg $0xFFFFFFFF  }
0x35: {  	[dreg:$0x0] =	wrdreg $0x60  }
0x36: {  	[dreg:$0x2] =	wrdreg s20  }
0x37: {  	[dreg:$0x3] =	wrdreg s4  }
0x38: {  	[dreg:$0x4] =	wrdreg $0x9  }
0x39: {  	_ =	task.clear_ibuf [dreg:s24], $0x5FFFF;
	_ =	strace $0x90000049  }
0x3a: {  	s29 =	simm.s32 $0x9;
	_ =	strace $0x8000004B  }
0x3b: {  	_ =	swait.ge [sflag:s29], $0x1  }
0x3c: {  	[sflag:s29] =	ssyncadd.s32 $0xFFFFFFFF  }
0x3d: {  	_ =	strace $0x9000004B  }
0x3e: {  	_ =	sfence  }
0x3f: {  	s30 =	sld [smem:$0x0];
	_ =	sdelay $0x2  }
0x40: {  	s31 =	sshll.u32 s1, $0xD;
	s1 =	sshrl.u32 s1, $0x2  }
0x41: {  	s4 =	sand.u32 $0x4000, s31;
	s1 =	sadd.s32 s1, s30  }
0x42: {  	s0 =	sor.u32 s4, s0;
	s1 =	sshll.u32 s1, $0x11  }
0x43: {  	s0 =	sor.u32 s1, s0  }
0x44: {  	s0 =	sadd.s32 $0x8F2B, s0  }
0x45: {  	[sflag:s0] =	ssyncadd.remote.s32 $0x1  }
0x46: {  	_ =	sfence.sel $0xFFFF  }
0x47: {  	[dreg:$0x0] =	wrdreg $0xFFFFFFFF;
	(pc) =	sbr.abs _section_cstart, $3  }
0x48: {  	[dreg:$0x1] =	wrdreg $0xFFFFFFFF  }
0x49: {  	_ =	task.clear_ibuf [dreg:s24], $0x2FFFF;
	_ =	strace $0x9FFFFFFF  }
0x4a: {  	(tm) =	ssettm $0x7FFFFFFF  }
0x4b: {  	_ =	shalt  }
tec
execute0_lowered:
.L_overlay_start_1:
0x0: {  	(tag) =	ssettag $0x1  }
0x1: {  	s7 =	rddreg [dreg:$0x0];
	s0 =	srdreg.scid  }
0x2: {  	_ =	strace $0x8000004A;
	s2 =	stileid.u32;
	s1 =	simm.s32 $0x1  }
0x3: {  	s31 =	simm.s32 $0x2;
	s19 =	simm.s32 $0x0;
	s22 =	simm.s32 $0x0  }
0x4: {  	s20 =	simm.s32 $0x0;
	s21 =	simm.s32 $0x0;
	s11 =	simm.s32 $0x0  }
0x5: {  	s12 =	simm.s32 $0x0;
	s13 =	simm.s32 $0x0;
	s18 =	simm.s32 $0x0  }
.Ltmp0:
0x6: {  	s14 =	simm.s32 $0x0;
	s0 =	sshll.u32 s0, $0x4;
	(pc) =	sbr.rel .LBB1_1-.Ltmp0, $4  }
0x7: {  	s15 =	simm.s32 $0x0;
	s10 =	simm.s32 $0x0;
	s0 =	sand.u32 $0x10, s0  }
0x8: {  	[sflag:s1] =	ssyncpa.u1 $0x0;
	s8 =	sand.u32 $0x7, s2;
	s0 =	sor.u32 s2, s0  }
0x9: {  	[sflag:s31] =	ssyncpa.u1 $0x0;
	[dreg:$0x3] =	wrdreg s8;
	s9 =	sshrl.u32 s0, $0x3  }
0xa: {  	s16 =	smov.u32 s8;
	s17 =	smov.u32 s9;
	[dreg:$0x4] =	wrdreg s9  }
.LBB1_11:
0xb: {  	s13 =	rddreg [dreg:$0x7]  }
0xc: {  	s1 =	rddreg [dreg:$0xe]  }
0xd: {  	s22 =	rddreg [dreg:$0xf]  }
0xe: {  	s11 =	rddreg [dreg:$0x5]  }
0xf: {  	s4 =	rddreg [dreg:$0x10]  }
0x10: {  	s24 =	rddreg [dreg:$0x11]  }
0x11: {  	s18 =	rddreg [dreg:$0x9]  }
0x12: {  	s12 =	rddreg [dreg:$0x6]  }
0x13: {  	s5 =	rddreg [dreg:$0x1]  }
0x14: {  	s29 =	rddreg [dreg:$0x12]  }
0x15: {  	s7 =	rddreg [dreg:$0x0]  }
0x16: {  	s8 =	rddreg [dreg:$0x3];
	p0 =	sgt.s32 s13, $0x0;
	s0 =	smov.u32 s13  }
0x17: {  	s9 =	rddreg [dreg:$0x4];
	s0 =	simm.s32 @!p0 $0x0  }
0x18: {  	s31 =	simm.s32 $0x800;
	s17 =	rddreg [dreg:$0x8];
	s0 =	sadd.s32 s0, s1  }
0x19: {  	s19 =	rddreg [dreg:$0xa];
	p0 =	sgt.s32 s0, $0x7F;
	s0 =	ssub.s32 $0x80, s0  }
0x1a: {  	s20 =	rddreg [dreg:$0xb];
	s25 =	smul.u32 $0x7000, s18;
	s0 =	simm.s32 @p0 $0x0  }
0x1b: {  	s21 =	rddreg [dreg:$0xc];
	s23 =	sshll.u32 s11, $0x7;
	s0 =	smul.u32 s0, s22  }
0x1c: {  	s2 =	sshll.u32 s13, $0x3;
	s26 =	smul.u32 $0x38000, s12;
	s27 =	sshrl.u32 s13, $0x3  }
0x1d: {  	s3 =	sand.u32 $0x400, s23;
	s2 =	sand.u32 $0x400, s2;
	s0 =	smul.u32 s4, s0  }
0x1e: {  	s28 =	sand.u32 $0x7, s13;
	s2 =	sadd.s32 s2, s3;
	s1 =	sand.u32 $0x380, s23  }
0x1f: {  	s3 =	sshll.u32 s28, $0x12;
	s1 =	sor.u32 s1, s2;
	s0 =	smul.u32 s24, s0  }
0x20: {  	s2 =	sadd.s32 s5, s25;
	s30 =	sor.u32 $0x80, s3;
	s1 =	sshrl.u32 s1, $0x3  }
0x21: {  	s2 =	sadd.s32 s26, s2;
	s4 =	sand.u32 $0xF, s27;
	s0 =	smul.u32 $0x70, s0  }
0x22: {  	s1 =	sand.u32 $0xF0, s1;
	s22 =	rddreg [dreg:$0xd];
	s2 =	sadd.s32 s4, s2  }
0x23: {  	s4 =	sor.u32 $0x8000, s29;
	s1 =	sadd.s32 s1, s2;
	s0 =	sand.u32 $0x3FFFFFF0, s0  }
0x24: {  	[hbm4b:s1+s30] =	stream.strided.scatter [tilespmem:s4], [sflag:$0x2], s0, s31, s30, $0x20;
	[tilespmem:$0x10100] =	vst v63  }
.LBB1_12:
0x25: {  	p0 =	slt.u32 s10, $0x2  }
0x26: {  	s0 =	smov.u32 s22;
	p1 =	sgt.s32 @!p0 s22, $0x5  }
0x27: {  	s1 =	sshra.s32 @!p0 s22, $0x1F;
	s2 =	sshra.s32 @!p0 s21, $0x1F;
	p3 =	sgt.s32 @!p0 s19, $0xF  }
0x28: {  	s4 =	ssub.s32 @!p0 $0x0, s20;
	p1 =	por !p1, p0;
	s1 =	sand.u32 @!p0 s1, s22  }
0x29: {  	s2 =	sand.u32 @!p0 s2, s21;
	p3 =	por !p3, p0;
	s0 =	simm.s32 @p1 $0x5  }
0x2a: {  	s4 =	smin.u32 @!p0 s20, s4;
	p1 =	sgt.s32 @!p0 s21, $0x7;
	s0 =	ssub.s32 @!p0 s0, s1  }
0x2b: {  	p1 =	por !p1, p0;
	s1 =	smov.u32 s21;
	s3 =	sadd.s32 @!p0 $0xFFFFFFFB, s0  }
0x2c: {  	s1 =	simm.s32 @p1 $0x7;
	s0 =	ssub.s32 @!p0 $0x6, s0;
	p1 =	sgt.s32 @!p0 s3, $0x0  }
0x2d: {  	s1 =	ssub.s32 @!p0 s1, s2;
	s3 =	sshra.s32 @!p0 s19, $0x1F;
	p1 =	por !p1, p0  }
0x2e: {  	s2 =	sadd.s32 @!p0 $0xFFFFFFF9, s1;
	s1 =	ssub.s32 @!p0 $0x8, s1;
	s3 =	sand.u32 @!p0 s3, s19  }
0x2f: {  	p2 =	sgt.s32 @!p0 s2, $0x0;
	s2 =	smov.u32 s19;
	s1 =	smul.u32 @!p0 $0x70, s1  }
0x30: {  	s2 =	simm.s32 @p3 $0xF;
	p3 =	sgt.s32 @!p0 s4, $0x7F;
	p2 =	por !p2, p0  }
0x31: {  	s2 =	ssub.s32 @!p0 s2, s3;
	s3 =	ssub.s32 @!p0 $0x80, s4;
	p3 =	por !p3, p0  }
0x32: {  	s1 =	simm.s32 @!p2 $0x0;
	s4 =	sadd.s32 @!p0 $0xFFFFFFF1, s2;
	s3 =	simm.s32 @!p3 $0x0  }
0x33: {  	s0 =	simm.s32 @!p1 $0x0;
	p1 =	sgt.s32 @!p0 s4, $0x0;
	s1 =	smul.u32 @!p0 s3, s1  }
0x34: {  	s3 =	sadd.s32 $0x4, s17;
	p2 =	por !p1, p0  }
0x35: {  	p1 =	sgt.s32 s3, $0xF;
	s0 =	smul.u32 @!p0 s0, s1;
	s1 =	simm.s32 $0x1  }
0x36: {  	s5 =	sadd.s32 $0x8, s16;
	s2 =	ssub.s32 @!p0 $0x10, s2;
	s1 =	simm.s32 @!p1 $0x0  }
0x37: {  	s4 =	smov.u32 s15;
	s2 =	simm.s32 @!p2 $0x0;
	s1 =	sadd.s32 s1, s14  }
0x38: {  	s0 =	smul.u32 @!p0 s2, s0;
	s2 =	sadd.s32 $0x80, s15;
	p3 =	sgt.s32 s1, $0x5  }
0x39: {  	s6 =	smov.u32 s16;
	s10 =	sadd.s32 $0x1, s10;
	s4 =	smov.u32 @p3 s2  }
0x3a: {  	s22 =	smov.u32 s12;
	s20 =	smov.u32 s13;
	p2 =	sgt.s32 s4, $0x6F  }
0x3b: {  	s12 =	smov.u32 s14;
	s13 =	smov.u32 s15;
	s6 =	smov.u32 @p2 s5  }
0x3c: {  	s21 =	smov.u32 s18;
	s3 =	smov.u32 @p1 s9;
	p1 =	sgt.s32 s6, $0x7  }
0x3d: {  	s18 =	smov.u32 s16;
	s6 =	smov.u32 @p1 s8;
	p1 =	sne.s32 s10, $0x1A  }
.Ltmp1:
0x3e: {  	s19 =	smov.u32 s11;
	s11 =	smov.u32 s17;
	(pc) =	sbr.rel @!p1 .LBB1_13-.Ltmp1, $4  }
0x3f: {  	s17 =	smov.u32 s3;
	s0 =	sand.u32 @!p0 $0x3FFFFFF0, s0;
	s2 =	simm.s32 @!p0 $0x2  }
0x40: {  	s1 =	simm.s32 @p3 $0x0;
	_ =	swait.ge @!p0 [sflag:s2], s0;
	s0 =	ssub.s32 @!p0 $0x0, s0  }
0x41: {  	s14 =	smov.u32 s1;
	[sflag:s2] =	ssyncset.done @!p0 $0x0;
	s4 =	simm.s32 @p2 $0x0  }
0x42: {  	[sflag:s2] =	ssyncadd.s32 @!p0 s0;
	s15 =	smov.u32 s4;
	s16 =	smov.u32 s6  }
.LBB1_1:
0x43: {  	p0 =	sgt.u32 s10, $0x17;
	s0 =	smov.u32 s15;
	s2 =	smov.u32 s16  }
0x44: {  	s4 =	smov.u32 s17;
	p1 =	sgt.s32 @!p0 s16, $0x7;
	p2 =	sgt.s32 @!p0 s15, $0xFFFFFFF0  }
0x45: {  	s1 =	sshra.s32 @!p0 s15, $0x1F;
	s3 =	sshra.s32 @!p0 s16, $0x1F;
	p1 =	por !p1, p0  }
0x46: {  	p2 =	por !p2, p0;
	s1 =	sand.u32 @!p0 s1, s15;
	s3 =	sand.u32 @!p0 s3, s16  }
0x47: {  	s0 =	simm.s32 @p2 $0xFFFFFFF0;
	s2 =	simm.s32 @p1 $0x7;
	p2 =	sgt.s32 @!p0 s14, $0x5  }
0x48: {  	s0 =	ssub.s32 @!p0 s0, s1;
	s1 =	ssub.s32 @!p0 s2, s3;
	p2 =	por !p2, p0  }
0x49: {  	s3 =	sshra.s32 @!p0 s14, $0x1F;
	s2 =	sadd.s32 @!p0 $0x10, s0;
	s1 =	sadd.s32 @!p0 $0xFFFFFFF9, s1  }
0x4a: {  	s0 =	ssub.s32 @!p0 $0x70, s0;
	p1 =	sgt.s32 @!p0 s2, $0x7F;
	s2 =	smov.u32 s14  }
0x4b: {  	s3 =	sand.u32 @!p0 s3, s14;
	p1 =	por !p1, p0;
	s2 =	simm.s32 @p2 $0x5  }
0x4c: {  	p2 =	sgt.s32 @!p0 s1, $0x0;
	s1 =	sshll.u32 @!p0 s1, $0x7;
	s0 =	simm.s32 @!p1 $0x0  }
0x4d: {  	s2 =	ssub.s32 @!p0 s2, s3;
	p1 =	sgt.s32 @!p0 s17, $0xF;
	s1 =	ssub.s32 @!p0 $0x80, s1  }
0x4e: {  	p2 =	por !p2, p0;
	s3 =	sadd.s32 @!p0 $0xFFFFFFFB, s2;
	p1 =	por !p1, p0  }
0x4f: {  	s4 =	simm.s32 @p1 $0xF;
	p1 =	sgt.s32 @!p0 s3, $0x0;
	s3 =	sshra.s32 @!p0 s17, $0x1F  }
0x50: {  	s2 =	ssub.s32 @!p0 $0x6, s2;
	s1 =	simm.s32 @!p2 $0x0;
	s3 =	sand.u32 @!p0 s3, s17  }
0x51: {  	s0 =	smul.u32 @!p0 s0, s1;
	p1 =	por !p1, p0;
	s3 =	ssub.s32 @!p0 s4, s3  }
0x52: {  	s2 =	simm.s32 @!p1 $0x0;
	s1 =	sadd.s32 @!p0 $0xFFFFFFF1, s3  }
0x53: {  	s4 =	sxor.u32 @!p0 $0xFFFFFFFF, s10;
	s0 =	smul.u32 @!p0 s2, s0;
	p1 =	sgt.s32 @!p0 s1, $0x0  }
0x54: {  	s2 =	smul.u32 @!p0 $0x2A000, s16;
	s1 =	ssub.s32 @!p0 $0x10, s3;
	p1 =	por !p1, p0  }
0x55: {  	s3 =	sshll.u32 @!p0 s4, $0xE;
	s4 =	smul.u32 @!p0 $0x600, s15;
	s1 =	simm.s32 @!p1 $0x0  }
0x56: {  	s5 =	sshll.u32 @!p0 s17, $0x4;
	s0 =	smul.u32 @!p0 s1, s0;
	s1 =	sadd.s32 @!p0 s7, s2  }
0x57: {  	s3 =	sand.u32 @!p0 $0x4000, s3;
	s2 =	sshll.u32 @!p0 s14, $0x8;
	s1 =	sadd.s32 @!p0 s4, s1  }
0x58: {  	s4 =	sand.u32 @!p0 $0xF0, s5;
	s0 =	sand.u32 @!p0 $0x3FFFFF80, s0;
	s1 =	sadd.s32 @!p0 s2, s1  }
0x59: {  	s2 =	simm.s32 @!p0 $0x80;
	s1 =	sadd.s32 @!p0 s4, s1;
	s4 =	simm.s32 @!p0 $0x3000  }
0x5a: {  	[tilespmem:s3], [sflag:$0x1] =	stream.strided.gather @!p0 [hbm4b:s1+s2], s0, s4, s2, $0x38;
	[tilespmem:$0x10100] =	vst v63  }
0x5b: {  	p0 =	seq.s32 s10, $0x0  }
0x5c: {  	p1 =	seq.s32 @!p0 s10, $0x19  }
0x5d: {  	p0 =	por p0, p1  }
.Ltmp2:
0x5e: {  	_ = 	snop;
	(pc) =	sbr.rel @p0 .LBB1_12-.Ltmp2, $1  }
0x5f: {  	_ =	sdelay $0x3  }
0x60: {  	[dreg:$0xd] =	wrdreg s22  }
0x61: {  	[dreg:$0xc] =	wrdreg s21  }
0x62: {  	[dreg:$0xb] =	wrdreg s20  }
0x63: {  	[dreg:$0xa] =	wrdreg s19  }
0x64: {  	[dreg:$0x8] =	wrdreg s17;
	p0 =	sgt.s32 s18, $0x7;
	s0 =	smov.u32 s18  }
0x65: {  	s1 =	sshra.s32 s18, $0x1F;
	s2 =	ssub.s32 $0x0, s13;
	s3 =	sshra.s32 s13, $0x1F  }
0x66: {  	p1 =	sgt.s32 s13, $0xFFFFFFF0;
	p2 =	sgt.s32 s12, $0x5;
	[dreg:$0x9] =	wrdreg s18  }
0x67: {  	s9 =	sshra.s32 s12, $0x1F;
	s21 =	sshra.s32 s11, $0x1F;
	[dreg:$0x7] =	wrdreg s13  }
0x68: {  	s0 =	simm.s32 @!p0 $0x7;
	s1 =	sand.u32 s1, s18;
	s4 =	sand.u32 s2, s3  }
0x69: {  	s2 =	smov.u32 s12;
	s3 =	sand.u32 s9, s12;
	s22 =	sand.u32 s21, s11  }
0x6a: {  	s0 =	ssub.s32 s0, s1;
	s2 =	simm.s32 @!p2 $0x5;
	[dreg:$0xe] =	wrdreg s4  }
0x6b: {  	s1 =	sadd.s32 $0xFFFFFFF9, s0;
	s5 =	ssub.s32 $0x8, s0;
	s19 =	ssub.s32 s2, s3  }
0x6c: {  	s2 =	sadd.s32 $0x80, s13;
	p0 =	sgt.s32 s1, $0x0;
	s1 =	smov.u32 s13  }
0x6d: {  	s3 =	sadd.s32 $0xFFFFFFFB, s19;
	s1 =	simm.s32 @!p1 $0xFFFFFFF0;
	s5 =	simm.s32 @p0 $0x0  }
0x6e: {  	p0 =	sgt.s32 s3, $0x0;
	p1 =	sgt.s32 s11, $0xF;
	s3 =	smov.u32 s11  }
0x6f: {  	s6 =	ssub.s32 $0x6, s19;
	s17 =	sadd.s32 s4, s1;
	s3 =	simm.s32 @!p1 $0xF  }
0x70: {  	s6 =	simm.s32 @p0 $0x0;
	s20 =	sadd.s32 $0x10, s17;
	s1 =	ssub.s32 s3, s22  }
0x71: {  	s0 =	ssub.s32 $0x70, s17;
	s24 =	smul.u32 s5, s6;
	s23 =	sadd.s32 $0xFFFFFFF1, s1  }
0x72: {  	s4 =	ssub.s32 $0x10, s1;
	s1 =	sadd.s32 $0x1, s18;
	p0 =	sgt.s32 s23, $0x0  }
0x73: {  	p1 =	sgt.s32 s20, $0x7F;
	s4 =	simm.s32 @p0 $0x0;
	p0 =	slt.s32 s1, $0x8  }
0x74: {  	s0 =	simm.s32 @p1 $0x0;
	s1 =	simm.s32 @!p0 $0x8;
	p0 =	slt.s32 s2, $0x70  }
0x75: {  	s26 =	ssub.s32 s1, s18;
	s2 =	simm.s32 @!p0 $0x70;
	s1 =	sadd.s32 $0x1, s12  }
0x76: {  	s27 =	ssub.s32 s2, s13;
	p1 =	slt.s32 s1, $0x6;
	p0 =	slt.s32 s26, $0x1  }
0x77: {  	s2 =	sadd.s32 $0x1, s11;
	s1 =	simm.s32 @!p1 $0x6;
	p1 =	slt.s32 @!p0 s27, $0x1  }
0x78: {  	p2 =	slt.s32 s2, $0x10;
	s28 =	ssub.s32 s1, s12;
	p1 =	por p0, p1  }
0x79: {  	s0 =	smul.u32 s0, s24;
	s2 =	simm.s32 @!p2 $0x10;
	p2 =	slt.s32 @!p1 s28, $0x1  }
0x7a: {  	[dreg:$0x6] =	wrdreg s12;
	s29 =	ssub.s32 s2, s11;
	p1 =	por p1, p2  }
0x7b: {  	[dreg:$0x5] =	wrdreg s11;
	s0 =	smul.u32 s4, s0;
	p2 =	slt.s32 @!p1 s29, $0x1  }
0x7c: {  	s30 =	simm.s32 $0x1;
	[dreg:$0xf] =	wrdreg s5;
	p1 =	por p1, p2  }
.Ltmp3:
0x7d: {  	[dreg:$0x10] =	wrdreg s6;
	s0 =	sshll.u32 s0, $0x7;
	(pc) =	sbr.rel @p1 .LBB1_11-.Ltmp3, $4  }
0x7e: {  	[dreg:$0x11] =	wrdreg s4;
	s25 =	sand.u32 $0x3FFFFF80, s0;
	s0 =	sand.u32 $0x1, s10  }
0x7f: {  	_ =	swait.ge [sflag:s30], s25;
	s31 =	smul.u32 $0x4080, s0  }
0x80: {  	s1 =	ssub.s32 $0x0, s25;
	[sflag:s30] =	ssyncset.done $0x0  }
0x81: {  	[sflag:s30] =	ssyncadd.s32 s1;
	[dreg:$0x12] =	wrdreg s31  }
0x82: {  	s30 =	sshll.u32 @!p0 s0, $0xE;
	s0 =	rddreg [dreg:$0x12]  }
0x83: {  	s31 =	sor.u32 @!p0 $0x8000, s0;
	s0 =	simm.s32 $0x0  }
.LBB1_4:
0x84: {  	s1 =	sshll.u32 s0, $0x10  }
0x85: {  	s1 =	sshra.s32 s1, $0x2  }
0x86: {  	s3 =	simm.s32 $0x0;
	s1 =	sadd.s32 s1, s30  }
.LBB1_5:
0x87: {  	s7 =	sand.u32 $0x7F, s3;
	s2 =	simm.s32 $0x0;
	s4 =	simm.s32 $0x0  }
.LBB1_6:
0x88: {  	s5 =	sadd.s32 s3, s4  }
0x89: {  	s5 =	sshll.u32 s5, $0x9  }
0x8a: {  	s5 =	sshra.s32 s5, $0x2  }
0x8b: {  	s5 =	sadd.s32 s5, s1  }
0x8c: {  	v0 =	vmov s5;
	_ =	sdelay $0x1  }
0x8d: {  	s6 =	sadd.s32 s0, s4  }
0x8e: {  	s25 =	smul.u32 $0x10200, s6  }
0x8f: {  	s6 =	sand.u32 $0x380, s2  }
0x90: {  	p0 =	sne.s32 s29, $0x1;
	s5 =	sshra.s32 s25, $0x2;
	v2 =	vld.idx.msk [tilespmem:v0+s6+$0x60 ss:$0x1], $0xffff  }
.Ltmp4:
0x91: {  	s8 =	sand.u32 $0x7, s2;
	s5 =	sadd.s32 s5, s31;
	v1 =	vld.idx.msk [tilespmem:v0+s6+$0x0 ss:$0x1], $0xffff;
	(pc) =	sbr.rel @!p0 .LBB1_8-.Ltmp4, $4  }
0x92: {  	s9 =	simm.s32 $0x1;
	s17 =	simm.s32 $0x80;
	s24 =	sadd.s32 s7, s5;
	v3 =	vld.idx.msk [tilespmem:v0+s6+$0x10 ss:$0x1], $0xffff  }
0x93: {  	s18 =	smul.u32 $0x81, s8;
	s23 =	sadd.s32 $0x810, s24;
	s25 =	sadd.s32 $0x1020, s24;
	v4 =	vld.idx.msk [tilespmem:v0+s6+$0x20 ss:$0x1], $0xffff  }
0x94: {  	s21 =	sadd.s32 $0x1830, s24;
	s22 =	sadd.s32 $0x2040, s24;
	s8 =	sadd.s32 $0x3060, s24;
	v5 =	vld.idx.msk [tilespmem:v0+s6+$0x30 ss:$0x1], $0xffff  }
0x95: {  	s5 =	sadd.s32 $0x2850, s24;
	s13 =	sadd.s32 s18, s24;
	s19 =	sadd.s32 s18, s8;
	v6 =	vld.idx.msk [tilespmem:v0+s6+$0x40 ss:$0x1], $0xffff  }
.LBB1_7:
0x96: {  	s20 =	sadd.s32 s18, s23  }
0x97: {  	v7 =	vld.idx.msk [tilespmem:v0+s6+$0x50 ss:$0x1], $0xffff;
	s6 =	sand.u32 $0x380, s17;
	[tilespmem:s19+$0x0 ss:$0x81] =	vst.msk $0xffff, v2;
	s19 =	smov.u32 s9;
	s9 =	sadd.s32 $0x1, s9  }
0x98: {  	s11 =	sadd.s32 s18, s21;
	v2 =	vld.idx.msk [tilespmem:v0+s6+$0x60 ss:$0x1], $0xffff;
	p0 =	sne.s32 s29, s9;
	[tilespmem:s13+$0x0 ss:$0x81] =	vst.msk $0xffff, v1;
	s13 =	sadd.s32 s18, s25  }
.Ltmp5:
0x99: {  	s12 =	sadd.s32 s18, s5;
	v1 =	vld.idx.msk [tilespmem:v0+s6+$0x0 ss:$0x1], $0xffff;
	[tilespmem:s20+$0x0 ss:$0x81] =	vst.msk $0xffff, v3;
	s20 =	sadd.s32 s18, s22;
	(pc) =	sbr.rel @p0 .LBB1_7-.Ltmp5, $4  }
0x9a: {  	s18 =	sand.u32 $0x7, s19;
	v3 =	vld.idx.msk [tilespmem:v0+s6+$0x10 ss:$0x1], $0xffff;
	[tilespmem:s13+$0x0 ss:$0x81] =	vst.msk $0xffff, v4  }
0x9b: {  	s18 =	smul.u32 $0x81, s18;
	v4 =	vld.idx.msk [tilespmem:v0+s6+$0x20 ss:$0x1], $0xffff;
	[tilespmem:s11+$0x0 ss:$0x81] =	vst.msk $0xffff, v5  }
0x9c: {  	v5 =	vld.idx.msk [tilespmem:v0+s6+$0x30 ss:$0x1], $0xffff;
	[tilespmem:s20+$0x0 ss:$0x81] =	vst.msk $0xffff, v6  }
0x9d: {  	s17 =	sadd.s32 $0x80, s17;
	s13 =	sadd.s32 s18, s24;
	s19 =	sadd.s32 s18, s8;
	v6 =	vld.idx.msk [tilespmem:v0+s6+$0x40 ss:$0x1], $0xffff;
	[tilespmem:s12+$0x0 ss:$0x81] =	vst.msk $0xffff, v7  }
.LBB1_8:
0x9e: {  	_ =	sdelay $0x2  }
0x9f: {  	[tilespmem:s19+$0x0 ss:$0x81] =	vst.msk $0xffff, v2;
	s4 =	sadd.s32 $0x1, s4  }
0xa0: {  	s8 =	sadd.s32 s18, s23;
	v0 =	vld.idx.msk [tilespmem:v0+s6+$0x50 ss:$0x1], $0xffff;
	[tilespmem:s13+$0x0 ss:$0x81] =	vst.msk $0xffff, v1;
	p0 =	sne.s32 s4, s28  }
.Ltmp6:
0xa1: {  	s23 =	sadd.s32 s18, s25;
	[tilespmem:s8+$0x0 ss:$0x81] =	vst.msk $0xffff, v3;
	(pc) =	sbr.rel @p0 .LBB1_6-.Ltmp6, $4  }
0xa2: {  	s24 =	sadd.s32 s18, s21;
	[tilespmem:s23+$0x0 ss:$0x81] =	vst.msk $0xffff, v4  }
0xa3: {  	s25 =	sadd.s32 s18, s22;
	[tilespmem:s24+$0x0 ss:$0x81] =	vst.msk $0xffff, v5  }
0xa4: {  	s5 =	sadd.s32 s18, s5;
	[tilespmem:s25+$0x0 ss:$0x81] =	vst.msk $0xffff, v6  }
0xa5: {  	[tilespmem:s5+$0x0 ss:$0x81] =	vst.msk $0xffff, v0  }
0xa6: {  	s3 =	sadd.s32 $0x1, s3  }
0xa7: {  	p0 =	sne.s32 s3, s27  }
.Ltmp7:
0xa8: {  	_ = 	snop;
	(pc) =	sbr.rel @p0 .LBB1_5-.Ltmp7, $1  }
0xa9: {  	_ =	sdelay $0x3  }
0xaa: {  	s0 =	sadd.s32 $0x1, s0  }
0xab: {  	p0 =	sne.s32 s0, s26  }
.Ltmp8:
0xac: {  	_ = 	snop;
	(pc) =	sbr.rel @p0 .LBB1_4-.Ltmp8, $4  }
.Ltmp9:
0xad: {  	_ = 	snop;
	(pc) =	sbr.rel @!p0 .LBB1_11-.Ltmp9, $4  }
0xae: {  	_ = 	snop  }
0xaf: {  	_ = 	snop  }
0xb0: {  	_ = 	snop  }
0xb1: {  	_ = 	snop  }
.LBB1_13:
0xb2: {  	_ =	sfence.sel $0x180000  }
0xb3: {  	s0 =	simm.s32 $0x1;
	[bflag:$0x0] =	sbarrier.arrive $0xFFFF  }
0xb4: {  	s30 =	simm.s32 $0x2;
	[sflag:s0] =	ssyncpa.u1 $0x1  }
0xb5: {  	[sflag:s30] =	ssyncpa.u1 $0x1  }
0xb6: {  	_ =	strace $0x9000004A  }
0xb7: {  	s31 =	stileid.u32;
	[bflag:$0x2] =	sbarrier.arrive $0xFFFF  }
0xb8: {  	p0 =	sne.s32 s31, $0x0;
	s0 =	rddreg [dreg:$0x2]  }
0xb9: {  	s0 =	sadd.s32 @!p0 $0x100000, s0  }
0xba: {  	[sflag:s0] =	ssyncadd.tile.s32 @!p0 $0x1;
	_ =	shalt  }
.Lfunc_end1:
_tile_overlayer_lowered:
.L_overlay_start_2:
0xbb: {  	(tag) =	ssettag $0x2  }
0xbc: {  	s0 =	rddreg [dreg:$0x0];
	s2 =	stileid.u32  }
0xbd: {  	s1 =	rddreg [dreg:$0x1];
	p0 =	sne.s32 s2, $0x0  }
0xbe: {  	s3 =	rddreg [dreg:$0x2];
	[bflag:$0x3] =	sbarrier.arrive $0xFFFF;
	s2 =	simm.s32 @!p0 $0x1C01  }
0xbf: {  	[timem:s3], [sflag:s2] =	dma.local @!p0 [hbm:s0], s1  }
0xc0: {  	s0 =	simm.s32 @!p0 $0x1  }
0xc1: {  	_ =	swait.ge @!p0 [sflag:s0], s1  }
0xc2: {  	s1 =	ssub.s32 @!p0 $0x0, s1;
	[sflag:s0] =	ssyncset.done @!p0 $0x0  }
0xc3: {  	[sflag:s0] =	ssyncadd.s32 @!p0 s1  }
0xc4: {  	[bflag:$0x3] =	sbarrier.arrive $0xFFFF  }
0xc5: {  	_ =	shalt  }

// kernel: sparse-core-data-format-call.4.cloned.1.call-start
scs
called_computation.4_lowered:
.L_overlay_start_0:
0x0: {  	s2 =	sld [smem:$0x3FD9]  }
0x1: {  	s3 =	sld [smem:$0x3FFE];
	_ =	sdelay $0x1  }
0x2: {  	s1 =	srdreg.scid  }
0x3: {  	s0 =	sand.u32 $0x1, s1  }
0x4: {  	s18 =	sshll.u32 s0, $0xA;
	s2 =	sadd.s32 s3, s2  }
0x5: {  	s2 =	sadd.s32 s2, s18  }
0x6: {  	[smem:$0x3FC5] =	sst s2  }
0x7: {  	_ = 	snop  }
0x8: {  	(tm) =	ssettm $0x1  }
0x9: {  	s19 =	sld [smem:$0x3FFB];
	_ =	sdelay $0x3  }
0xa: {  	_ =	strace s19  }
0xb: {  	s2 =	sld [smem:$0x3FFC];
	_ =	sdelay $0x3  }
0xc: {  	_ =	strace s2  }
0xd: {  	s2 =	sld [smem:$0x3FFD];
	_ =	sdelay $0x3  }
0xe: {  	_ =	strace s2  }
0xf: {  	_ =	strace $0x8FFFFFFF  }
0x10: {  	s20 =	sld [smem:$0x3FDB];
	_ =	sdelay $0x1  }
0x11: {  	s21 =	simm.s32 $_scs_section_size  }
0x12: {  	s4 =	simm.s32 $_size__tile_overlayer_lowered;
	s5 =	simm.s32 $_tile_overlayer_lowered  }
0x13: {  	s6 =	simm.s32 $0x1BFF;
	s22 =	sshll.u32 s5, $0x1;
	s3 =	sadd.s32 s21, s20  }
0x14: {  	s23 =	simm.s32 $0x0;
	s4 =	sshll.u32 s4, $0x1;
	s5 =	sadd.s32 s22, s3  }
0x15: {  	[timem:s23], [sflag:s6] =	dma.local [hbm:s5], s4  }
0x16: {  	_ =	swait.ge [sflag:s6], s4  }
0x17: {  	s4 =	ssub.s32 $0x0, s4;
	[sflag:s6] =	ssyncset.done $0x0  }
0x18: {  	[sflag:s6] =	ssyncadd.s32 s4;
	_ =	sdelay $0x1  }
0x19: {  	s24 =	simm.s32 $0x1B8B  }
0x1a: {  	_ =	swait.ge [sflag:s24], $0x1  }
0x1b: {  	[sflag:s24] =	ssyncset.done $0x0  }
0x1c: {  	[sflag:s24] =	ssyncadd.s32 $0xFFFFFFFF  }
0x1d: {  	s4 =	sld [smem:$0x0]  }
0x1e: {  	s5 =	sand.u32 $0xFFFFFFFE, s1  }
0x1f: {  	p0 =	sne.s32 s1, s5  }
0x20: {  	s5 =	sshll.u32 @p0 s5, $0xE  }
0x21: {  	s5 =	sadd.s32 @p0 $0x11B8D, s5;
	s6 =	sshll.u32 @p0 s4, $0x11  }
0x22: {  	s5 =	sor.u32 @p0 s6, s5  }
0x23: {  	[sflag:s5] =	ssyncadd.remote.s32 @p0 $0x1;
	_ =	sdelay $0x1  }
0x24: {  	s5 =	simm.s32 @p0 $0x1B8D  }
0x25: {  	_ =	swait.eq @p0 [sflag:s5], $0x1  }
0x26: {  	[sflag:s5] =	ssyncadd.s32 @p0 $0xFFFFFFFF  }
0x27: {  	s6 =	sshll.u32 @!p0 s1, $0xE  }
0x28: {  	s6 =	sor.u32 @!p0 $0x4000, s6;
	s5 =	simm.s32 @!p0 $0x1B8D  }
0x29: {  	s4 =	sshll.u32 @!p0 s4, $0x11;
	s6 =	sadd.s32 @!p0 $0x11B8D, s6;
	_ =	swait.eq @!p0 [sflag:s5], $0x1  }
0x2a: {  	s4 =	sor.u32 @!p0 s4, s6;
	[sflag:s5] =	ssyncadd.s32 @!p0 $0xFFFFFFFF  }
0x2b: {  	s26 =	simm.s32 $0x1B8E;
	s25 =	sld [smem:$0x3FFE];
	[sflag:s4] =	ssyncadd.remote.s32 @!p0 $0x1  }
0x2c: {  	s27 =	simm.s32 $execute0_lowered;
	[smem:$0x3FD2] =	sst s26  }
0x2d: {  	s5 =	sshll.u32 s27, $0x1;
	_ =	strace $0x8000004C;
	[dreg:$0x1] =	wrdreg $0xFFFFFFFF  }
0x2e: {  	s28 =	simm.s32 $_size_execute0_lowered;
	s3 =	sadd.s32 s3, s5;
	[dreg:$0x0] =	wrdreg $0x0  }
0x2f: {  	s5 =	sshll.u32 s28, $0x1;
	[dreg:$0x2] =	wrdreg s3  }
0x30: {  	[dreg:$0x3] =	wrdreg s5  }
0x31: {  	[dreg:$0x4] =	wrdreg $0xC0  }
0x32: {  	_ =	task [dreg:s23], $0x5FFFF  }
0x33: {  	[dreg:$0x1] =	wrdreg $0xFFFFFFFF  }
0x34: {  	[dreg:$0x0] =	wrdreg $0x60  }
0x35: {  	[dreg:$0x2] =	wrdreg s25  }
0x36: {  	[dreg:$0x3] =	wrdreg $0xA  }
0x37: {  	_ =	task.clear_ibuf [dreg:s23], $0x4FFFF;
	_ =	strace $0x9000004C  }
0x38: {  	s29 =	simm.s32 $0xA;
	_ =	strace $0x8000004E  }
0x39: {  	_ =	swait.ge [sflag:s29], $0x1  }
0x3a: {  	[sflag:s29] =	ssyncadd.s32 $0xFFFFFFFF  }
0x3b: {  	_ =	strace $0x9000004E  }
0x3c: {  	_ =	sfence  }
0x3d: {  	s30 =	sld [smem:$0x0];
	_ =	sdelay $0x2  }
0x3e: {  	s31 =	sshll.u32 s1, $0xD;
	s1 =	sshrl.u32 s1, $0x2  }
0x3f: {  	s4 =	sand.u32 $0x4000, s31;
	s1 =	sadd.s32 s1, s30  }
0x40: {  	s0 =	sor.u32 s4, s0;
	s1 =	sshll.u32 s1, $0x11  }
0x41: {  	s0 =	sor.u32 s1, s0  }
0x42: {  	s0 =	sadd.s32 $0x8F2B, s0  }
0x43: {  	[sflag:s0] =	ssyncadd.remote.s32 $0x1  }
0x44: {  	_ =	sfence.sel $0xFFFF  }
0x45: {  	[dreg:$0x0] =	wrdreg $0xFFFFFFFF;
	(pc) =	sbr.abs _section_cstart, $3  }
0x46: {  	[dreg:$0x1] =	wrdreg $0xFFFFFFFF  }
0x47: {  	_ =	task.clear_ibuf [dreg:s23], $0x2FFFF;
	_ =	strace $0x9FFFFFFF  }
0x48: {  	(tm) =	ssettm $0x7FFFFFFF  }
0x49: {  	_ =	shalt  }
tec
execute0_lowered:
.L_overlay_start_1:
0x0: {  	(tag) =	ssettag $0x1  }
0x1: {  	s0 =	stileid.u32;
	s1 =	srdreg.scid  }
0x2: {  	s4 =	rddreg [dreg:$0x0];
	s5 =	simm.s32 $0x1;
	s8 =	simm.s32 $0x2  }
0x3: {  	s17 =	simm.s32 $0x0;
	s2 =	sshll.u32 s0, $0x4;
	s1 =	sshll.u32 s1, $0x8  }
0x4: {  	s9 =	simm.s32 $0x3800;
	s18 =	simm.s32 $0x0;
	s1 =	sor.u32 s2, s1  }
0x5: {  	s19 =	simm.s32 $0x0;
	s10 =	simm.s32 $0x0;
	s2 =	sand.u32 $0x180, s1  }
0x6: {  	s11 =	simm.s32 $0x0;
	s12 =	simm.s32 $0x0;
	s3 =	ssub.s32 $0x700, s2  }
0x7: {  	s15 =	simm.s32 $0x0;
	s7 =	sand.u32 $0x7, s0;
	s31 =	sand.u32 $0x180, s3  }
0x8: {  	s16 =	simm.s32 $0x0;
	s14 =	smov.u32 s7;
	p0 =	sne.s32 s31, $0x0  }
.Ltmp0:
0x9: {  	s6 =	sshrl.u32 s3, $0x9;
	s5 =	simm.s32 @!p0 $0x0;
	(pc) =	sbr.rel .LBB1_1-.Ltmp0, $4  }
0xa: {  	s1 =	rddreg [dreg:$0x1];
	_ =	strace $0x8000004D;
	s6 =	sadd.s32 s5, s6  }
0xb: {  	s13 =	smov.u32 s2;
	s5 =	simm.s32 $0x1;
	s6 =	smul.u32 $0x6, s6  }
0xc: {  	s3 =	sadd.s32 $0x1C00, s4;
	s4 =	sadd.s32 $0x151C00, s4;
	[sflag:s5] =	ssyncpa.u1 $0x0  }
0xd: {  	p0 =	por $0x0, $0x0;
	[sflag:s8] =	ssyncpa.u1 $0x0;
	s8 =	sor.u32 $0x1, s6  }
.LBB1_4:
0xe: {  	s25 =	sshll.u32 s10, $0x3;
	[tilespmem:s22+$0x2040 ss:$0x81] =	vst.msk $0xffff, v4  }
0xf: {  	s24 =	sshra.s32 s24, $0x2;
	s30 =	sand.u32 $0x7F, s10;
	p1 =	sgt.s32 s12, $0x5;
	[tilespmem:s22+$0x2850 ss:$0x81] =	vst.msk $0xffff, v3  }
0x10: {  	s27 =	sshra.s32 s12, $0x1F;
	s29 =	sshra.s32 s11, $0x1F;
	[tilespmem:s22+$0x3060 ss:$0x81] =	vst.msk $0xffff, v2;
	s25 =	sand.u32 $0xFFFFFC00, s25  }
0x11: {  	[tilespmem:s22+$0x0 ss:$0x81] =	vst.msk $0xffff, v1;
	s22 =	smov.u32 s10;
	s23 =	sadd.s32 s24, s23;
	s26 =	sshrl.u32 s25, $0x8  }
0x12: {  	s24 =	sor.u32 s30, s25;
	s25 =	smov.u32 s12;
	s26 =	smulhi.u32 $0x24924925, s26  }
0x13: {  	s27 =	sand.u32 s27, s12;
	s25 =	simm.s32 @!p1 $0x5;
	p1 =	sgt.s32 s11, $0x7  }
0x14: {  	s25 =	ssub.s32 s25, s27;
	s27 =	smov.u32 s11;
	s28 =	smulhi.u32 $0x2492493, s26  }
0x15: {  	s29 =	sand.u32 s29, s11;
	s30 =	smul.u32 $0x700, s26;
	s27 =	simm.s32 @!p1 $0x7  }
0x16: {  	v5 =	vld [tilespmem:s21+$0xFFFFFFD0];
	s31 =	sadd.s32 $0xFFFFFFFB, s25;
	s25 =	ssub.s32 $0x6, s25;
	s27 =	ssub.s32 s27, s29  }
0x17: {  	v58 =	vld [tilespmem:s21+$0xFFFFFFE0];
	p1 =	sgt.s32 s31, $0x0;
	s25 =	smul.u32 $0x70, s25;
	s31 =	sadd.s32 $0xFFFFFFF9, s27  }
0x18: {  	v59 =	vld [tilespmem:s21+$0xFFFFFFF0];
	s28 =	smul.u32 $0x70, s28;
	s27 =	ssub.s32 $0x8, s27;
	p2 =	sgt.s32 s31, $0x0  }
0x19: {  	v60 =	vld [tilespmem:s21+$0x0];
	s31 =	sshra.s32 s10, $0x1F;
	s27 =	simm.s32 @p2 $0x0;
	p2 =	sgt.s32 s10, $0x680  }
0x1a: {  	v61 =	vld [tilespmem:s21+$0x10];
	[tilespmem:s23+$0x3870 ss:$0x81] =	vst.msk $0xffff, v0;
	s24 =	ssub.s32 s24, s30;
	s29 =	sand.u32 s31, s10;
	s22 =	simm.s32 @!p2 $0x680  }
0x1b: {  	v62 =	vld [tilespmem:s21+$0x20];
	[tilespmem:s23+$0x810 ss:$0x81] =	vst.msk $0xffff, v5;
	s30 =	smul.u32 $0x31000, s12;
	s25 =	simm.s32 @p1 $0x0;
	s22 =	ssub.s32 s22, s29  }
0x1c: {  	v63 =	vld [tilespmem:s21+$0xFFFFFFC0];
	[tilespmem:s23+$0x1020 ss:$0x81] =	vst.msk $0xffff, v58;
	s28 =	ssub.s32 s26, s28;
	s31 =	smul.u32 $0x6200, s11;
	s29 =	sadd.s32 $0xFFFFF980, s22  }
0x1d: {  	[tilespmem:s23+$0x1830 ss:$0x81] =	vst.msk $0xffff, v59;
	s25 =	smul.u32 s27, s25;
	s22 =	ssub.s32 $0x700, s22;
	p1 =	sgt.s32 s29, $0x7F  }
0x1e: {  	[tilespmem:s23+$0x2040 ss:$0x81] =	vst.msk $0xffff, v60;
	s21 =	smul.u32 $0xE0, s28;
	s27 =	sadd.s32 s4, s30;
	s22 =	simm.s32 @p1 $0x0  }
0x1f: {  	[tilespmem:s23+$0x2850 ss:$0x81] =	vst.msk $0xffff, v61;
	s28 =	sadd.s32 s31, s27;
	s29 =	sand.u32 $0x7, s24;
	s22 =	smul.u32 s22, s25  }
0x20: {  	[tilespmem:s23+$0x3060 ss:$0x81] =	vst.msk $0xffff, v62;
	s21 =	sadd.s32 s21, s28;
	s24 =	sshrl.u32 s24, $0x3;
	s30 =	sshll.u32 s29, $0x12  }
0x21: {  	[tilespmem:s23+$0x0 ss:$0x81] =	vst.msk $0xffff, v63;
	s21 =	sadd.s32 s24, s21;
	s31 =	sor.u32 $0x400, s30;
	s22 =	sand.u32 $0x3FFFFFF0, s22  }
0x22: {  	[hbm4b:s21+s31] =	stream.strided.scatter [tilespmem:s20], [sflag:$0x2], s22, s9, s31, $0x20;
	[tilespmem:$0x10100] =	vst v63  }
.LBB1_5:
0x23: {  	p1 =	slt.u32 s16, $0x2  }
0x24: {  	p2 =	sgt.s32 @!p1 s19, $0x5  }
0x25: {  	s20 =	smov.u32 s19;
	s21 =	sshra.s32 @!p1 s19, $0x1F;
	p2 =	por !p2, p1  }
0x26: {  	s22 =	sshra.s32 @!p1 s18, $0x1F;
	s20 =	simm.s32 @p2 $0x5;
	p2 =	sgt.s32 @!p1 s18, $0x7  }
0x27: {  	s19 =	sand.u32 @!p1 s21, s19;
	s21 =	smov.u32 s18;
	p2 =	por !p2, p1  }
0x28: {  	s18 =	sand.u32 @!p1 s22, s18;
	s19 =	ssub.s32 @!p1 s20, s19;
	s21 =	simm.s32 @p2 $0x7  }
0x29: {  	p3 =	sgt.s32 @!p1 s17, $0x680;
	s20 =	sadd.s32 @!p1 $0xFFFFFFFB, s19;
	s18 =	ssub.s32 @!p1 s21, s18  }
0x2a: {  	p3 =	por !p3, p1;
	p2 =	sgt.s32 @!p1 s20, $0x0;
	s20 =	sadd.s32 @!p1 $0xFFFFFFF9, s18  }
0x2b: {  	s21 =	sshra.s32 @!p1 s17, $0x1F;
	p4 =	sgt.s32 @!p1 s20, $0x0;
	s20 =	smov.u32 s17  }
0x2c: {  	s19 =	ssub.s32 @!p1 $0x6, s19;
	s17 =	sand.u32 @!p1 s21, s17;
	s20 =	simm.s32 @p3 $0x680  }
0x2d: {  	s19 =	smul.u32 @!p1 $0x70, s19;
	s18 =	ssub.s32 @!p1 $0x8, s18;
	s17 =	ssub.s32 @!p1 s20, s17  }
0x2e: {  	p2 =	por !p2, p1;
	p3 =	por !p4, p1;
	s20 =	sadd.s32 @!p1 $0xFFFFF980, s17  }
0x2f: {  	s19 =	simm.s32 @!p2 $0x0;
	s18 =	simm.s32 @!p3 $0x0;
	p3 =	sgt.s32 @!p1 s20, $0x7F  }
0x30: {  	s17 =	ssub.s32 @!p1 $0x700, s17;
	s18 =	smul.u32 @!p1 s18, s19;
	p2 =	por !p3, p1  }
0x31: {  	s21 =	smov.u32 s14;
	s20 =	sadd.s32 $0x200, s13;
	s17 =	simm.s32 @!p2 $0x0  }
0x32: {  	p2 =	sgt.s32 s20, $0x6FF;
	s17 =	smul.u32 @!p1 s17, s18;
	s18 =	sadd.s32 $0x8, s14  }
0x33: {  	s21 =	smov.u32 @p2 s18  }
0x34: {  	s18 =	simm.s32 $0x1;
	p3 =	sgt.s32 s21, $0x7  }
0x35: {  	s18 =	simm.s32 @!p3 $0x0  }
0x36: {  	p0 =	por !p0, !p0;
	s22 =	simm.s32 @!p1 $0x2;
	s24 =	sadd.s32 s18, s15  }
0x37: {  	s19 =	smov.u32 s12;
	s20 =	smov.u32 @p2 s2;
	p2 =	sgt.s32 s24, $0x5  }
0x38: {  	s17 =	sand.u32 @!p1 $0x3FFFFFF0, s17;
	s24 =	simm.s32 @p2 $0x0;
	p2 =	sne.s32 s16, s8  }
.Ltmp1:
0x39: {  	s12 =	smov.u32 s15;
	_ =	swait.ge @!p1 [sflag:s22], s17;
	(pc) =	sbr.rel @!p2 .LBB1_6-.Ltmp1, $4  }
0x3a: {  	s23 =	ssub.s32 @!p1 $0x0, s17;
	s21 =	smov.u32 @p3 s7;
	s17 =	smov.u32 s10  }
0x3b: {  	s10 =	smov.u32 s13;
	s13 =	smov.u32 s20;
	[sflag:s22] =	ssyncset.done @!p1 $0x0  }
0x3c: {  	s18 =	smov.u32 s11;
	s11 =	smov.u32 s14;
	s14 =	smov.u32 s21  }
0x3d: {  	[sflag:s22] =	ssyncadd.s32 @!p1 s23;
	s16 =	sadd.s32 $0x1, s16;
	s15 =	smov.u32 s24  }
.LBB1_1:
0x3e: {  	p1 =	sge.u32 s16, s6  }
0x3f: {  	s20 =	sand.u32 @!p1 $0x1FFFFFF, s13  }
0x40: {  	s21 =	smulhi.u32 @!p1 $0x2492493, s20;
	_ =	sdelay $0x1  }
0x41: {  	s22 =	smul.u32 @!p1 $0x38000, s15;
	s21 =	sshrl.u32 @!p1 s21, $0x4  }
0x42: {  	s21 =	smul.u32 @!p1 $0x700, s21  }
0x43: {  	s31 =	sadd.s32 $0xFFFFFFFF, s16;
	s23 =	smul.u32 @!p1 $0x7000, s14  }
0x44: {  	s22 =	sadd.s32 @!p1 s3, s22;
	s20 =	ssub.s32 @!p1 s20, s21;
	s21 =	sxor.u32 @!p1 $0xFFFFFFFF, s16  }
0x45: {  	s22 =	sadd.s32 @!p1 s23, s22;
	s21 =	sshll.u32 @!p1 s21, $0xE;
	s20 =	sshll.u32 @!p1 s20, $0x4  }
0x46: {  	s21 =	sand.u32 @!p1 $0x4000, s21;
	s20 =	sadd.s32 @!p1 s20, s22;
	s22 =	simm.s32 @!p1 $0x0  }
0x47: {  	[tilespmem:s21], [sflag:$0x1] =	stream.linear.gather @!p1 [hbm4b:s20+s22], $0x4000, $0x38;
	[tilespmem:$0x10100] =	vst v63  }
0x48: {  	p1 =	sge.u32 s31, s6  }
.Ltmp2:
0x49: {  	_ = 	snop;
	(pc) =	sbr.rel @p1 .LBB1_5-.Ltmp2, $1  }
0x4a: {  	_ =	sdelay $0x3  }
0x4b: {  	s20 =	simm.s32 $0x1  }
0x4c: {  	_ =	swait.ge [sflag:s5], $0x4000;
	s20 =	simm.s32 @!p0 $0x0  }
0x4d: {  	[sflag:s5] =	ssyncset.done $0x0;
	s21 =	sshll.u32 s20, $0xE  }
0x4e: {  	[sflag:s5] =	ssyncadd.s32 $0xFFFFC000;
	s21 =	sor.u32 $0x40, s21  }
0x4f: {  	s20 =	smul.u32 $0x10200, s20;
	v0 =	vld [tilespmem:s21+$0x30]  }
0x50: {  	v1 =	vld [tilespmem:s21+$0xFFFFFFD0]  }
0x51: {  	s20 =	sshrl.u32 s20, $0x2;
	v5 =	vld [tilespmem:s21+$0xFFFFFFE0]  }
0x52: {  	v6 =	vld [tilespmem:s21+$0xFFFFFFF0];
	s23 =	sor.u32 $0x8000, s20  }
0x53: {  	s31 =	sand.u32 $0x1, s16;
	v4 =	vld [tilespmem:s21+$0x0];
	s22 =	sadd.s32 $0x0, s23  }
0x54: {  	v3 =	vld [tilespmem:s21+$0x10];
	s20 =	smul.u32 $0x10200, s31;
	[tilespmem:s22+$0x3870 ss:$0x81] =	vst.msk $0xffff, v0  }
0x55: {  	v2 =	vld [tilespmem:s21+$0x20];
	[tilespmem:s22+$0x810 ss:$0x81] =	vst.msk $0xffff, v1  }
0x56: {  	s20 =	sshrl.u32 s20, $0x2;
	v1 =	vld [tilespmem:s21+$0xFFFFFFC0];
	[tilespmem:s22+$0x1020 ss:$0x81] =	vst.msk $0xffff, v5;
	s21 =	sadd.s32 $0x80, s21  }
0x57: {  	s24 =	simm.s32 $0x4;
	s25 =	simm.s32 $0x8;
	s20 =	sor.u32 $0x8000, s20;
	[tilespmem:s22+$0x1830 ss:$0x81] =	vst.msk $0xffff, v6;
	v0 =	vld [tilespmem:s21+$0x30]  }
.LBB1_3:
0x58: {  	p1 =	sne.s32 s25, $0x1FC;
	v5 =	vld [tilespmem:s21+$0xFFFFFFD0];
	[tilespmem:s22+$0x2040 ss:$0x81] =	vst.msk $0xffff, v4  }
0x59: {  	v6 =	vld [tilespmem:s21+$0xFFFFFFE0];
	[tilespmem:s22+$0x2850 ss:$0x81] =	vst.msk $0xffff, v3  }
0x5a: {  	s26 =	sshra.s32 s24, $0x2;
	s24 =	smov.u32 s25;
	v7 =	vld [tilespmem:s21+$0xFFFFFFF0];
	[tilespmem:s22+$0x3060 ss:$0x81] =	vst.msk $0xffff, v2  }
.Ltmp3:
0x5b: {  	v4 =	vld [tilespmem:s21+$0x0];
	[tilespmem:s22+$0x0 ss:$0x81] =	vst.msk $0xffff, v1;
	s22 =	sadd.s32 s26, s23;
	(pc) =	sbr.rel @p1 .LBB1_3-.Ltmp3, $4  }
0x5c: {  	v3 =	vld [tilespmem:s21+$0x10];
	[tilespmem:s22+$0x3870 ss:$0x81] =	vst.msk $0xffff, v0  }
0x5d: {  	[tilespmem:s22+$0x810 ss:$0x81] =	vst.msk $0xffff, v5;
	v2 =	vld [tilespmem:s21+$0x20]  }
0x5e: {  	v1 =	vld [tilespmem:s21+$0xFFFFFFC0];
	[tilespmem:s22+$0x1020 ss:$0x81] =	vst.msk $0xffff, v6;
	s21 =	sadd.s32 $0x80, s21  }
0x5f: {  	s25 =	sadd.s32 $0x4, s25;
	v0 =	vld [tilespmem:s21+$0x30];
	[tilespmem:s22+$0x1830 ss:$0x81] =	vst.msk $0xffff, v7  }
.Ltmp4:
0x60: {  	_ = 	snop;
	(pc) =	sbr.rel .LBB1_4-.Ltmp4, $1  }
0x61: {  	_ =	sdelay $0x3  }
.LBB1_6:
0x62: {  	_ =	sfence.sel $0x180000  }
0x63: {  	s2 =	simm.s32 $0x1;
	[bflag:$0x0] =	sbarrier.arrive $0xFFFF  }
0x64: {  	s31 =	simm.s32 $0x2;
	[sflag:s2] =	ssyncpa.u1 $0x1  }
0x65: {  	[sflag:s31] =	ssyncpa.u1 $0x1  }
0x66: {  	p0 =	sne.s32 s0, $0x0;
	_ =	strace $0x9000004D  }
0x67: {  	s0 =	sadd.s32 @!p0 $0x100000, s1;
	[bflag:$0x2] =	sbarrier.arrive $0xFFFF  }
0x68: {  	[sflag:s0] =	ssyncadd.tile.s32 @!p0 $0x1;
	_ =	shalt  }
.Lfunc_end1:
_tile_overlayer_lowered:
.L_overlay_start_2:
0x69: {  	(tag) =	ssettag $0x2  }
0x6a: {  	s0 =	rddreg [dreg:$0x0];
	s2 =	stileid.u32  }
0x6b: {  	s1 =	rddreg [dreg:$0x1];
	p0 =	sne.s32 s2, $0x0  }
0x6c: {  	s3 =	rddreg [dreg:$0x2];
	[bflag:$0x3] =	sbarrier.arrive $0xFFFF;
	s2 =	simm.s32 @!p0 $0x1C01  }
0x6d: {  	[timem:s3], [sflag:s2] =	dma.local @!p0 [hbm:s0], s1  }
0x6e: {  	s0 =	simm.s32 @!p0 $0x1  }
0x6f: {  	_ =	swait.ge @!p0 [sflag:s0], s1  }
0x70: {  	s1 =	ssub.s32 @!p0 $0x0, s1;
	[sflag:s0] =	ssyncset.done @!p0 $0x0  }
0x71: {  	[sflag:s0] =	ssyncadd.s32 @!p0 s1  }
0x72: {  	[bflag:$0x3] =	sbarrier.arrive $0xFFFF  }
0x73: {  	_ =	shalt  }

// kernel: sparse-core-data-format-call.5.cloned.1.call-start
scs
called_computation.5_lowered:
.L_overlay_start_0:
0x0: {  	s2 =	sld [smem:$0x3FD9]  }
0x1: {  	s3 =	sld [smem:$0x3FFE];
	_ =	sdelay $0x1  }
0x2: {  	s1 =	srdreg.scid  }
0x3: {  	s0 =	sand.u32 $0x1, s1  }
0x4: {  	s18 =	sshll.u32 s0, $0xA;
	s2 =	sadd.s32 s3, s2  }
0x5: {  	s2 =	sadd.s32 s2, s18  }
0x6: {  	[smem:$0x3FC5] =	sst s2  }
0x7: {  	_ = 	snop  }
0x8: {  	s2 =	sld [smem:$0x3FC9];
	(tm) =	ssettm $0x1  }
0x9: {  	s19 =	sld [smem:$0x3FFB];
	_ =	sdelay $0x3  }
0xa: {  	_ =	strace s19  }
0xb: {  	s3 =	sld [smem:$0x3FFC];
	_ =	sdelay $0x3  }
0xc: {  	_ =	strace s3  }
0xd: {  	s3 =	sld [smem:$0x3FFD];
	_ =	sdelay $0x3  }
0xe: {  	_ =	strace s3  }
0xf: {  	_ =	strace $0x8FFFFFFF  }
0x10: {  	s20 =	sld [smem:$0x3FDB];
	_ =	sdelay $0x1  }
0x11: {  	s4 =	simm.s32 $_scs_section_size  }
0x12: {  	s5 =	simm.s32 $_size__tile_overlayer_lowered;
	s6 =	simm.s32 $_tile_overlayer_lowered  }
0x13: {  	s23 =	simm.s32 $0x1BFF;
	s22 =	sshll.u32 s6, $0x1;
	s3 =	sadd.s32 s4, s20  }
0x14: {  	s7 =	simm.s32 $0x0;
	s21 =	sshll.u32 s5, $0x1;
	s5 =	sadd.s32 s22, s3  }
0x15: {  	[timem:s7], [sflag:s23] =	dma.local [hbm:s5], s21  }
0x16: {  	_ =	swait.ge [sflag:s23], s21  }
0x17: {  	s4 =	ssub.s32 $0x0, s21;
	[sflag:s23] =	ssyncset.done $0x0  }
0x18: {  	[sflag:s23] =	ssyncadd.s32 s4;
	_ =	sdelay $0x1  }
0x19: {  	s24 =	simm.s32 $0x1B8B  }
0x1a: {  	_ =	swait.ge [sflag:s24], $0x1  }
0x1b: {  	[sflag:s24] =	ssyncset.done $0x0  }
0x1c: {  	s26 =	simm.s32 $0x1B8E;
	s25 =	sld [smem:$0x3FFE];
	[sflag:s24] =	ssyncadd.s32 $0xFFFFFFFF  }
0x1d: {  	s27 =	simm.s32 $execute0_lowered;
	[smem:$0x3FD2] =	sst s26  }
0x1e: {  	s5 =	sshll.u32 s27, $0x1;
	_ =	strace $0x80000046;
	[dreg:$0x1] =	wrdreg $0xFFFFFFFF  }
0x1f: {  	s28 =	simm.s32 $_size_execute0_lowered;
	s3 =	sadd.s32 s3, s5;
	[dreg:$0x0] =	wrdreg $0x0  }
0x20: {  	s5 =	sshll.u32 s28, $0x1;
	[dreg:$0x2] =	wrdreg s3  }
0x21: {  	[dreg:$0x3] =	wrdreg s5  }
0x22: {  	[dreg:$0x4] =	wrdreg $0xC0  }
0x23: {  	_ =	task [dreg:s7], $0x5FFFF  }
0x24: {  	[dreg:$0x1] =	wrdreg $0xFFFFFFFF  }
0x25: {  	[dreg:$0x0] =	wrdreg $0x60  }
0x26: {  	[dreg:$0x2] =	wrdreg s2  }
0x27: {  	[dreg:$0x3] =	wrdreg s25  }
0x28: {  	[dreg:$0x4] =	wrdreg $0xA  }
0x29: {  	_ =	task.clear_ibuf [dreg:s7], $0x5FFFF;
	_ =	strace $0x90000046  }
0x2a: {  	s29 =	simm.s32 $0xA;
	_ =	strace $0x80000048  }
0x2b: {  	_ =	swait.ge [sflag:s29], $0x1  }
0x2c: {  	[sflag:s29] =	ssyncadd.s32 $0xFFFFFFFF  }
0x2d: {  	_ =	strace $0x90000048  }
0x2e: {  	_ =	sfence  }
0x2f: {  	s30 =	sld [smem:$0x0];
	_ =	sdelay $0x2  }
0x30: {  	s31 =	sshll.u32 s1, $0xD;
	s1 =	sshrl.u32 s1, $0x2  }
0x31: {  	s3 =	sand.u32 $0x4000, s31;
	s1 =	sadd.s32 s1, s30  }
0x32: {  	s0 =	sor.u32 s3, s0;
	s1 =	sshll.u32 s1, $0x11  }
0x33: {  	s0 =	sor.u32 s1, s0  }
0x34: {  	s0 =	sadd.s32 $0x8F2B, s0  }
0x35: {  	[sflag:s0] =	ssyncadd.remote.s32 $0x1  }
0x36: {  	_ =	sfence.sel $0xFFFF  }
0x37: {  	[dreg:$0x0] =	wrdreg $0xFFFFFFFF;
	(pc) =	sbr.abs _section_cstart, $3  }
0x38: {  	[dreg:$0x1] =	wrdreg $0xFFFFFFFF  }
0x39: {  	_ =	task.clear_ibuf [dreg:s7], $0x2FFFF;
	_ =	strace $0x9FFFFFFF  }
0x3a: {  	(tm) =	ssettm $0x7FFFFFFF  }
0x3b: {  	_ =	shalt  }
tec
execute0_lowered:
.L_overlay_start_1:
0x0: {  	(tag) =	ssettag $0x1  }
0x1: {  	s7 =	rddreg [dreg:$0x0]  }
0x2: {  	s0 =	rddreg [dreg:$0x1]  }
0x3: {  	s1 =	srdreg.scid;
	_ =	strace $0x80000047;
	s2 =	stileid.u32  }
0x4: {  	s30 =	simm.s32 $0x1;
	s31 =	simm.s32 $0x2;
	s19 =	simm.s32 $0x0  }
0x5: {  	s22 =	simm.s32 $0x0;
	s20 =	simm.s32 $0x0;
	s21 =	simm.s32 $0x0  }
0x6: {  	s11 =	simm.s32 $0x0;
	s12 =	simm.s32 $0x0;
	s13 =	simm.s32 $0x0  }
0x7: {  	s18 =	simm.s32 $0x0;
	s14 =	simm.s32 $0x0;
	s15 =	simm.s32 $0x0  }
.Ltmp0:
0x8: {  	s0 =	sadd.s32 $0x1C00, s0;
	s29 =	sshll.u32 s1, $0x4;
	(pc) =	sbr.rel .LBB1_1-.Ltmp0, $4  }
0x9: {  	s10 =	simm.s32 $0x0;
	[dreg:$0x3] =	wrdreg s0;
	s0 =	sand.u32 $0x10, s29  }
0xa: {  	[sflag:s30] =	ssyncpa.u1 $0x0;
	s8 =	sand.u32 $0x7, s2;
	s0 =	sor.u32 s2, s0  }
0xb: {  	[sflag:s31] =	ssyncpa.u1 $0x0;
	[dreg:$0x4] =	wrdreg s8;
	s9 =	sshrl.u32 s0, $0x3  }
0xc: {  	s16 =	smov.u32 s8;
	s17 =	smov.u32 s9;
	[dreg:$0x5] =	wrdreg s9  }
.LBB1_11:
0xd: {  	s13 =	rddreg [dreg:$0x8]  }
0xe: {  	s1 =	rddreg [dreg:$0xf]  }
0xf: {  	s22 =	rddreg [dreg:$0x10]  }
0x10: {  	s11 =	rddreg [dreg:$0x6]  }
0x11: {  	s4 =	rddreg [dreg:$0x11]  }
0x12: {  	s24 =	rddreg [dreg:$0x12]  }
0x13: {  	s18 =	rddreg [dreg:$0xa]  }
0x14: {  	s12 =	rddreg [dreg:$0x7]  }
0x15: {  	s5 =	rddreg [dreg:$0x3]  }
0x16: {  	s29 =	rddreg [dreg:$0x13]  }
0x17: {  	s7 =	rddreg [dreg:$0x0]  }
0x18: {  	s8 =	rddreg [dreg:$0x4];
	p0 =	sgt.s32 s13, $0x0;
	s0 =	smov.u32 s13  }
0x19: {  	s9 =	rddreg [dreg:$0x5];
	s0 =	simm.s32 @!p0 $0x0  }
0x1a: {  	s31 =	simm.s32 $0x800;
	s17 =	rddreg [dreg:$0x9];
	s0 =	sadd.s32 s0, s1  }
0x1b: {  	s19 =	rddreg [dreg:$0xb];
	p0 =	sgt.s32 s0, $0x7F;
	s0 =	ssub.s32 $0x80, s0  }
0x1c: {  	s20 =	rddreg [dreg:$0xc];
	s25 =	smul.u32 $0x7000, s18;
	s0 =	simm.s32 @p0 $0x0  }
0x1d: {  	s21 =	rddreg [dreg:$0xd];
	s23 =	sshll.u32 s11, $0x7;
	s0 =	smul.u32 s0, s22  }
0x1e: {  	s2 =	sshll.u32 s13, $0x3;
	s26 =	smul.u32 $0x38000, s12;
	s27 =	sshrl.u32 s13, $0x3  }
0x1f: {  	s3 =	sand.u32 $0x400, s23;
	s2 =	sand.u32 $0x400, s2;
	s0 =	smul.u32 s4, s0  }
0x20: {  	s28 =	sand.u32 $0x7, s13;
	s2 =	sadd.s32 s2, s3;
	s1 =	sand.u32 $0x380, s23  }
0x21: {  	s3 =	sshll.u32 s28, $0x12;
	s1 =	sor.u32 s1, s2;
	s0 =	smul.u32 s24, s0  }
0x22: {  	s2 =	sadd.s32 s5, s25;
	s30 =	sor.u32 $0x80, s3;
	s1 =	sshrl.u32 s1, $0x3  }
0x23: {  	s2 =	sadd.s32 s26, s2;
	s4 =	sand.u32 $0xF, s27;
	s0 =	smul.u32 $0x70, s0  }
0x24: {  	s1 =	sand.u32 $0xF0, s1;
	s22 =	rddreg [dreg:$0xe];
	s2 =	sadd.s32 s4, s2  }
0x25: {  	s4 =	sor.u32 $0x8000, s29;
	s1 =	sadd.s32 s1, s2;
	s0 =	sand.u32 $0x3FFFFFF0, s0  }
0x26: {  	[hbm4b:s1+s30] =	stream.strided.scatter [tilespmem:s4], [sflag:$0x2], s0, s31, s30, $0x20;
	[tilespmem:$0x10100] =	vst v63  }
.LBB1_12:
0x27: {  	p0 =	slt.u32 s10, $0x2  }
0x28: {  	s0 =	smov.u32 s22;
	p1 =	sgt.s32 @!p0 s22, $0x5  }
0x29: {  	s1 =	sshra.s32 @!p0 s22, $0x1F;
	s2 =	sshra.s32 @!p0 s21, $0x1F;
	p3 =	sgt.s32 @!p0 s19, $0xF  }
0x2a: {  	s4 =	ssub.s32 @!p0 $0x0, s20;
	p1 =	por !p1, p0;
	s1 =	sand.u32 @!p0 s1, s22  }
0x2b: {  	s2 =	sand.u32 @!p0 s2, s21;
	p3 =	por !p3, p0;
	s0 =	simm.s32 @p1 $0x5  }
0x2c: {  	s4 =	smin.u32 @!p0 s20, s4;
	p1 =	sgt.s32 @!p0 s21, $0x7;
	s0 =	ssub.s32 @!p0 s0, s1  }
0x2d: {  	p1 =	por !p1, p0;
	s1 =	smov.u32 s21;
	s3 =	sadd.s32 @!p0 $0xFFFFFFFB, s0  }
0x2e: {  	s1 =	simm.s32 @p1 $0x7;
	s0 =	ssub.s32 @!p0 $0x6, s0;
	p1 =	sgt.s32 @!p0 s3, $0x0  }
0x2f: {  	s1 =	ssub.s32 @!p0 s1, s2;
	s3 =	sshra.s32 @!p0 s19, $0x1F;
	p1 =	por !p1, p0  }
0x30: {  	s2 =	sadd.s32 @!p0 $0xFFFFFFF9, s1;
	s1 =	ssub.s32 @!p0 $0x8, s1;
	s3 =	sand.u32 @!p0 s3, s19  }
0x31: {  	p2 =	sgt.s32 @!p0 s2, $0x0;
	s2 =	smov.u32 s19;
	s1 =	smul.u32 @!p0 $0x70, s1  }
0x32: {  	s2 =	simm.s32 @p3 $0xF;
	p3 =	sgt.s32 @!p0 s4, $0x7F;
	p2 =	por !p2, p0  }
0x33: {  	s2 =	ssub.s32 @!p0 s2, s3;
	s3 =	ssub.s32 @!p0 $0x80, s4;
	p3 =	por !p3, p0  }
0x34: {  	s1 =	simm.s32 @!p2 $0x0;
	s4 =	sadd.s32 @!p0 $0xFFFFFFF1, s2;
	s3 =	simm.s32 @!p3 $0x0  }
0x35: {  	s0 =	simm.s32 @!p1 $0x0;
	p1 =	sgt.s32 @!p0 s4, $0x0;
	s1 =	smul.u32 @!p0 s3, s1  }
0x36: {  	s3 =	sadd.s32 $0x4, s17;
	p2 =	por !p1, p0  }
0x37: {  	p1 =	sgt.s32 s3, $0xF;
	s0 =	smul.u32 @!p0 s0, s1;
	s1 =	simm.s32 $0x1  }
0x38: {  	s5 =	sadd.s32 $0x8, s16;
	s2 =	ssub.s32 @!p0 $0x10, s2;
	s1 =	simm.s32 @!p1 $0x0  }
0x39: {  	s4 =	smov.u32 s15;
	s2 =	simm.s32 @!p2 $0x0;
	s1 =	sadd.s32 s1, s14  }
0x3a: {  	s0 =	smul.u32 @!p0 s2, s0;
	s2 =	sadd.s32 $0x80, s15;
	p3 =	sgt.s32 s1, $0x5  }
0x3b: {  	s6 =	smov.u32 s16;
	s10 =	sadd.s32 $0x1, s10;
	s4 =	smov.u32 @p3 s2  }
0x3c: {  	s22 =	smov.u32 s12;
	s20 =	smov.u32 s13;
	p2 =	sgt.s32 s4, $0x6F  }
0x3d: {  	s12 =	smov.u32 s14;
	s13 =	smov.u32 s15;
	s6 =	smov.u32 @p2 s5  }
0x3e: {  	s21 =	smov.u32 s18;
	s3 =	smov.u32 @p1 s9;
	p1 =	sgt.s32 s6, $0x7  }
0x3f: {  	s18 =	smov.u32 s16;
	s6 =	smov.u32 @p1 s8;
	p1 =	sne.s32 s10, $0x1A  }
.Ltmp1:
0x40: {  	s19 =	smov.u32 s11;
	s11 =	smov.u32 s17;
	(pc) =	sbr.rel @!p1 .LBB1_13-.Ltmp1, $4  }
0x41: {  	s17 =	smov.u32 s3;
	s0 =	sand.u32 @!p0 $0x3FFFFFF0, s0;
	s2 =	simm.s32 @!p0 $0x2  }
0x42: {  	s1 =	simm.s32 @p3 $0x0;
	_ =	swait.ge @!p0 [sflag:s2], s0;
	s0 =	ssub.s32 @!p0 $0x0, s0  }
0x43: {  	s14 =	smov.u32 s1;
	[sflag:s2] =	ssyncset.done @!p0 $0x0;
	s4 =	simm.s32 @p2 $0x0  }
0x44: {  	[sflag:s2] =	ssyncadd.s32 @!p0 s0;
	s15 =	smov.u32 s4;
	s16 =	smov.u32 s6  }
.LBB1_1:
0x45: {  	p0 =	sgt.u32 s10, $0x17;
	s0 =	smov.u32 s15;
	s2 =	smov.u32 s16  }
0x46: {  	s4 =	smov.u32 s17;
	p1 =	sgt.s32 @!p0 s16, $0x7;
	p2 =	sgt.s32 @!p0 s15, $0xFFFFFFF0  }
0x47: {  	s1 =	sshra.s32 @!p0 s15, $0x1F;
	s3 =	sshra.s32 @!p0 s16, $0x1F;
	p1 =	por !p1, p0  }
0x48: {  	p2 =	por !p2, p0;
	s1 =	sand.u32 @!p0 s1, s15;
	s3 =	sand.u32 @!p0 s3, s16  }
0x49: {  	s0 =	simm.s32 @p2 $0xFFFFFFF0;
	s2 =	simm.s32 @p1 $0x7;
	p2 =	sgt.s32 @!p0 s14, $0x5  }
0x4a: {  	s0 =	ssub.s32 @!p0 s0, s1;
	s1 =	ssub.s32 @!p0 s2, s3;
	p2 =	por !p2, p0  }
0x4b: {  	s3 =	sshra.s32 @!p0 s14, $0x1F;
	s2 =	sadd.s32 @!p0 $0x10, s0;
	s1 =	sadd.s32 @!p0 $0xFFFFFFF9, s1  }
0x4c: {  	s0 =	ssub.s32 @!p0 $0x70, s0;
	p1 =	sgt.s32 @!p0 s2, $0x7F;
	s2 =	smov.u32 s14  }
0x4d: {  	s3 =	sand.u32 @!p0 s3, s14;
	p1 =	por !p1, p0;
	s2 =	simm.s32 @p2 $0x5  }
0x4e: {  	p2 =	sgt.s32 @!p0 s1, $0x0;
	s1 =	sshll.u32 @!p0 s1, $0x7;
	s0 =	simm.s32 @!p1 $0x0  }
0x4f: {  	s2 =	ssub.s32 @!p0 s2, s3;
	p1 =	sgt.s32 @!p0 s17, $0xF;
	s1 =	ssub.s32 @!p0 $0x80, s1  }
0x50: {  	p2 =	por !p2, p0;
	s3 =	sadd.s32 @!p0 $0xFFFFFFFB, s2;
	p1 =	por !p1, p0  }
0x51: {  	s4 =	simm.s32 @p1 $0xF;
	p1 =	sgt.s32 @!p0 s3, $0x0;
	s3 =	sshra.s32 @!p0 s17, $0x1F  }
0x52: {  	s2 =	ssub.s32 @!p0 $0x6, s2;
	s1 =	simm.s32 @!p2 $0x0;
	s3 =	sand.u32 @!p0 s3, s17  }
0x53: {  	s0 =	smul.u32 @!p0 s0, s1;
	p1 =	por !p1, p0;
	s3 =	ssub.s32 @!p0 s4, s3  }
0x54: {  	s2 =	simm.s32 @!p1 $0x0;
	s1 =	sadd.s32 @!p0 $0xFFFFFFF1, s3  }
0x55: {  	s4 =	sxor.u32 @!p0 $0xFFFFFFFF, s10;
	s0 =	smul.u32 @!p0 s2, s0;
	p1 =	sgt.s32 @!p0 s1, $0x0  }
0x56: {  	s2 =	smul.u32 @!p0 $0x2A000, s16;
	s1 =	ssub.s32 @!p0 $0x10, s3;
	p1 =	por !p1, p0  }
0x57: {  	s3 =	sshll.u32 @!p0 s4, $0xE;
	s4 =	smul.u32 @!p0 $0x600, s15;
	s1 =	simm.s32 @!p1 $0x0  }
0x58: {  	s5 =	sshll.u32 @!p0 s17, $0x4;
	s0 =	smul.u32 @!p0 s1, s0;
	s1 =	sadd.s32 @!p0 s7, s2  }
0x59: {  	s3 =	sand.u32 @!p0 $0x4000, s3;
	s2 =	sshll.u32 @!p0 s14, $0x8;
	s1 =	sadd.s32 @!p0 s4, s1  }
0x5a: {  	s4 =	sand.u32 @!p0 $0xF0, s5;
	s0 =	sand.u32 @!p0 $0x3FFFFF80, s0;
	s1 =	sadd.s32 @!p0 s2, s1  }
0x5b: {  	s2 =	simm.s32 @!p0 $0x80;
	s1 =	sadd.s32 @!p0 s4, s1;
	s4 =	simm.s32 @!p0 $0x3000  }
0x5c: {  	[tilespmem:s3], [sflag:$0x1] =	stream.strided.gather @!p0 [hbm4b:s1+s2], s0, s4, s2, $0x38;
	[tilespmem:$0x10100] =	vst v63  }
0x5d: {  	p0 =	seq.s32 s10, $0x0  }
0x5e: {  	p1 =	seq.s32 @!p0 s10, $0x19  }
0x5f: {  	p0 =	por p0, p1  }
.Ltmp2:
0x60: {  	_ = 	snop;
	(pc) =	sbr.rel @p0 .LBB1_12-.Ltmp2, $1  }
0x61: {  	_ =	sdelay $0x3  }
0x62: {  	[dreg:$0xe] =	wrdreg s22  }
0x63: {  	[dreg:$0xd] =	wrdreg s21  }
0x64: {  	[dreg:$0xc] =	wrdreg s20  }
0x65: {  	[dreg:$0xb] =	wrdreg s19  }
0x66: {  	[dreg:$0x9] =	wrdreg s17;
	p0 =	sgt.s32 s18, $0x7;
	s0 =	smov.u32 s18  }
0x67: {  	s1 =	sshra.s32 s18, $0x1F;
	s2 =	ssub.s32 $0x0, s13;
	s3 =	sshra.s32 s13, $0x1F  }
0x68: {  	p1 =	sgt.s32 s13, $0xFFFFFFF0;
	p2 =	sgt.s32 s12, $0x5;
	[dreg:$0xa] =	wrdreg s18  }
0x69: {  	s9 =	sshra.s32 s12, $0x1F;
	s21 =	sshra.s32 s11, $0x1F;
	[dreg:$0x8] =	wrdreg s13  }
0x6a: {  	s0 =	simm.s32 @!p0 $0x7;
	s1 =	sand.u32 s1, s18;
	s4 =	sand.u32 s2, s3  }
0x6b: {  	s2 =	smov.u32 s12;
	s3 =	sand.u32 s9, s12;
	s22 =	sand.u32 s21, s11  }
0x6c: {  	s0 =	ssub.s32 s0, s1;
	s2 =	simm.s32 @!p2 $0x5;
	[dreg:$0xf] =	wrdreg s4  }
0x6d: {  	s1 =	sadd.s32 $0xFFFFFFF9, s0;
	s5 =	ssub.s32 $0x8, s0;
	s19 =	ssub.s32 s2, s3  }
0x6e: {  	s2 =	sadd.s32 $0x80, s13;
	p0 =	sgt.s32 s1, $0x0;
	s1 =	smov.u32 s13  }
0x6f: {  	s3 =	sadd.s32 $0xFFFFFFFB, s19;
	s1 =	simm.s32 @!p1 $0xFFFFFFF0;
	s5 =	simm.s32 @p0 $0x0  }
0x70: {  	p0 =	sgt.s32 s3, $0x0;
	p1 =	sgt.s32 s11, $0xF;
	s3 =	smov.u32 s11  }
0x71: {  	s6 =	ssub.s32 $0x6, s19;
	s17 =	sadd.s32 s4, s1;
	s3 =	simm.s32 @!p1 $0xF  }
0x72: {  	s6 =	simm.s32 @p0 $0x0;
	s20 =	sadd.s32 $0x10, s17;
	s1 =	ssub.s32 s3, s22  }
0x73: {  	s0 =	ssub.s32 $0x70, s17;
	s24 =	smul.u32 s5, s6;
	s23 =	sadd.s32 $0xFFFFFFF1, s1  }
0x74: {  	s4 =	ssub.s32 $0x10, s1;
	s1 =	sadd.s32 $0x1, s18;
	p0 =	sgt.s32 s23, $0x0  }
0x75: {  	p1 =	sgt.s32 s20, $0x7F;
	s4 =	simm.s32 @p0 $0x0;
	p0 =	slt.s32 s1, $0x8  }
0x76: {  	s0 =	simm.s32 @p1 $0x0;
	s1 =	simm.s32 @!p0 $0x8;
	p0 =	slt.s32 s2, $0x70  }
0x77: {  	s26 =	ssub.s32 s1, s18;
	s2 =	simm.s32 @!p0 $0x70;
	s1 =	sadd.s32 $0x1, s12  }
0x78: {  	s27 =	ssub.s32 s2, s13;
	p1 =	slt.s32 s1, $0x6;
	p0 =	slt.s32 s26, $0x1  }
0x79: {  	s2 =	sadd.s32 $0x1, s11;
	s1 =	simm.s32 @!p1 $0x6;
	p1 =	slt.s32 @!p0 s27, $0x1  }
0x7a: {  	p2 =	slt.s32 s2, $0x10;
	s28 =	ssub.s32 s1, s12;
	p1 =	por p0, p1  }
0x7b: {  	s0 =	smul.u32 s0, s24;
	s2 =	simm.s32 @!p2 $0x10;
	p2 =	slt.s32 @!p1 s28, $0x1  }
0x7c: {  	[dreg:$0x7] =	wrdreg s12;
	s29 =	ssub.s32 s2, s11;
	p1 =	por p1, p2  }
0x7d: {  	[dreg:$0x6] =	wrdreg s11;
	s0 =	smul.u32 s4, s0;
	p2 =	slt.s32 @!p1 s29, $0x1  }
0x7e: {  	s30 =	simm.s32 $0x1;
	[dreg:$0x10] =	wrdreg s5;
	p1 =	por p1, p2  }
.Ltmp3:
0x7f: {  	[dreg:$0x11] =	wrdreg s6;
	s0 =	sshll.u32 s0, $0x7;
	(pc) =	sbr.rel @p1 .LBB1_11-.Ltmp3, $4  }
0x80: {  	[dreg:$0x12] =	wrdreg s4;
	s25 =	sand.u32 $0x3FFFFF80, s0;
	s0 =	sand.u32 $0x1, s10  }
0x81: {  	_ =	swait.ge [sflag:s30], s25;
	s31 =	smul.u32 $0x4080, s0  }
0x82: {  	s1 =	ssub.s32 $0x0, s25;
	[sflag:s30] =	ssyncset.done $0x0  }
0x83: {  	[sflag:s30] =	ssyncadd.s32 s1;
	[dreg:$0x13] =	wrdreg s31  }
0x84: {  	s30 =	sshll.u32 @!p0 s0, $0xE;
	s0 =	rddreg [dreg:$0x13]  }
0x85: {  	s31 =	sor.u32 @!p0 $0x8000, s0;
	s0 =	simm.s32 $0x0  }
.LBB1_4:
0x86: {  	s1 =	sshll.u32 s0, $0x10  }
0x87: {  	s1 =	sshra.s32 s1, $0x2  }
0x88: {  	s7 =	simm.s32 $0x0;
	s1 =	sadd.s32 s1, s30  }
.LBB1_5:
0x89: {  	s2 =	sand.u32 $0x7F, s7;
	s3 =	simm.s32 $0x0;
	s4 =	simm.s32 $0x0  }
.LBB1_6:
0x8a: {  	s5 =	sadd.s32 s7, s4  }
0x8b: {  	s5 =	sshll.u32 s5, $0x9  }
0x8c: {  	s5 =	sshra.s32 s5, $0x2  }
0x8d: {  	s5 =	sadd.s32 s5, s1  }
0x8e: {  	v0 =	vmov s5;
	_ =	sdelay $0x1  }
0x8f: {  	s6 =	sadd.s32 s0, s4  }
0x90: {  	s25 =	smul.u32 $0x10200, s6  }
0x91: {  	s6 =	sand.u32 $0x380, s3  }
0x92: {  	p0 =	sne.s32 s29, $0x1;
	s5 =	sshra.s32 s25, $0x2;
	v2 =	vld.idx.msk [tilespmem:v0+s6+$0x60 ss:$0x1], $0xffff  }
.Ltmp4:
0x93: {  	s8 =	sand.u32 $0x7, s3;
	s5 =	sadd.s32 s5, s31;
	v1 =	vld.idx.msk [tilespmem:v0+s6+$0x0 ss:$0x1], $0xffff;
	(pc) =	sbr.rel @!p0 .LBB1_8-.Ltmp4, $4  }
0x94: {  	s9 =	simm.s32 $0x1;
	s17 =	simm.s32 $0x80;
	s24 =	sadd.s32 s2, s5;
	v3 =	vld.idx.msk [tilespmem:v0+s6+$0x10 ss:$0x1], $0xffff  }
0x95: {  	s18 =	smul.u32 $0x81, s8;
	s23 =	sadd.s32 $0x810, s24;
	s25 =	sadd.s32 $0x1020, s24;
	v4 =	vld.idx.msk [tilespmem:v0+s6+$0x20 ss:$0x1], $0xffff  }
0x96: {  	s21 =	sadd.s32 $0x1830, s24;
	s22 =	sadd.s32 $0x2040, s24;
	s8 =	sadd.s32 $0x3060, s24;
	v5 =	vld.idx.msk [tilespmem:v0+s6+$0x30 ss:$0x1], $0xffff  }
0x97: {  	s5 =	sadd.s32 $0x2850, s24;
	s13 =	sadd.s32 s18, s24;
	s19 =	sadd.s32 s18, s8;
	v6 =	vld.idx.msk [tilespmem:v0+s6+$0x40 ss:$0x1], $0xffff  }
.LBB1_7:
0x98: {  	s20 =	sadd.s32 s18, s23  }
0x99: {  	v7 =	vld.idx.msk [tilespmem:v0+s6+$0x50 ss:$0x1], $0xffff;
	s6 =	sand.u32 $0x380, s17;
	[tilespmem:s19+$0x0 ss:$0x81] =	vst.msk $0xffff, v2;
	s19 =	smov.u32 s9;
	s9 =	sadd.s32 $0x1, s9  }
0x9a: {  	s11 =	sadd.s32 s18, s21;
	v2 =	vld.idx.msk [tilespmem:v0+s6+$0x60 ss:$0x1], $0xffff;
	p0 =	sne.s32 s29, s9;
	[tilespmem:s13+$0x0 ss:$0x81] =	vst.msk $0xffff, v1;
	s13 =	sadd.s32 s18, s25  }
.Ltmp5:
0x9b: {  	s12 =	sadd.s32 s18, s5;
	v1 =	vld.idx.msk [tilespmem:v0+s6+$0x0 ss:$0x1], $0xffff;
	[tilespmem:s20+$0x0 ss:$0x81] =	vst.msk $0xffff, v3;
	s20 =	sadd.s32 s18, s22;
	(pc) =	sbr.rel @p0 .LBB1_7-.Ltmp5, $4  }
0x9c: {  	s18 =	sand.u32 $0x7, s19;
	v3 =	vld.idx.msk [tilespmem:v0+s6+$0x10 ss:$0x1], $0xffff;
	[tilespmem:s13+$0x0 ss:$0x81] =	vst.msk $0xffff, v4  }
0x9d: {  	s18 =	smul.u32 $0x81, s18;
	v4 =	vld.idx.msk [tilespmem:v0+s6+$0x20 ss:$0x1], $0xffff;
	[tilespmem:s11+$0x0 ss:$0x81] =	vst.msk $0xffff, v5  }
0x9e: {  	v5 =	vld.idx.msk [tilespmem:v0+s6+$0x30 ss:$0x1], $0xffff;
	[tilespmem:s20+$0x0 ss:$0x81] =	vst.msk $0xffff, v6  }
0x9f: {  	s17 =	sadd.s32 $0x80, s17;
	s13 =	sadd.s32 s18, s24;
	s19 =	sadd.s32 s18, s8;
	v6 =	vld.idx.msk [tilespmem:v0+s6+$0x40 ss:$0x1], $0xffff;
	[tilespmem:s12+$0x0 ss:$0x81] =	vst.msk $0xffff, v7  }
.LBB1_8:
0xa0: {  	_ =	sdelay $0x2  }
0xa1: {  	[tilespmem:s19+$0x0 ss:$0x81] =	vst.msk $0xffff, v2;
	s4 =	sadd.s32 $0x1, s4  }
0xa2: {  	s8 =	sadd.s32 s18, s23;
	v0 =	vld.idx.msk [tilespmem:v0+s6+$0x50 ss:$0x1], $0xffff;
	[tilespmem:s13+$0x0 ss:$0x81] =	vst.msk $0xffff, v1;
	p0 =	sne.s32 s4, s28  }
.Ltmp6:
0xa3: {  	s23 =	sadd.s32 s18, s25;
	[tilespmem:s8+$0x0 ss:$0x81] =	vst.msk $0xffff, v3;
	(pc) =	sbr.rel @p0 .LBB1_6-.Ltmp6, $4  }
0xa4: {  	s24 =	sadd.s32 s18, s21;
	[tilespmem:s23+$0x0 ss:$0x81] =	vst.msk $0xffff, v4  }
0xa5: {  	s25 =	sadd.s32 s18, s22;
	[tilespmem:s24+$0x0 ss:$0x81] =	vst.msk $0xffff, v5  }
0xa6: {  	s5 =	sadd.s32 s18, s5;
	[tilespmem:s25+$0x0 ss:$0x81] =	vst.msk $0xffff, v6  }
0xa7: {  	[tilespmem:s5+$0x0 ss:$0x81] =	vst.msk $0xffff, v0  }
0xa8: {  	s7 =	sadd.s32 $0x1, s7  }
0xa9: {  	p0 =	sne.s32 s7, s27  }
.Ltmp7:
0xaa: {  	_ = 	snop;
	(pc) =	sbr.rel @p0 .LBB1_5-.Ltmp7, $1  }
0xab: {  	_ =	sdelay $0x3  }
0xac: {  	s0 =	sadd.s32 $0x1, s0  }
0xad: {  	p0 =	sne.s32 s0, s26  }
.Ltmp8:
0xae: {  	_ = 	snop;
	(pc) =	sbr.rel @p0 .LBB1_4-.Ltmp8, $4  }
.Ltmp9:
0xaf: {  	_ = 	snop;
	(pc) =	sbr.rel @!p0 .LBB1_11-.Ltmp9, $4  }
0xb0: {  	_ = 	snop  }
0xb1: {  	_ = 	snop  }
0xb2: {  	_ = 	snop  }
0xb3: {  	_ = 	snop  }
.LBB1_13:
0xb4: {  	_ =	sfence.sel $0x180000  }
0xb5: {  	s0 =	simm.s32 $0x1;
	[bflag:$0x0] =	sbarrier.arrive $0xFFFF  }
0xb6: {  	s30 =	simm.s32 $0x2;
	[sflag:s0] =	ssyncpa.u1 $0x1  }
0xb7: {  	[sflag:s30] =	ssyncpa.u1 $0x1  }
0xb8: {  	_ =	strace $0x90000047  }
0xb9: {  	s31 =	stileid.u32;
	[bflag:$0x2] =	sbarrier.arrive $0xFFFF  }
0xba: {  	p0 =	sne.s32 s31, $0x0;
	s0 =	rddreg [dreg:$0x2]  }
0xbb: {  	s0 =	sadd.s32 @!p0 $0x100000, s0  }
0xbc: {  	[sflag:s0] =	ssyncadd.tile.s32 @!p0 $0x1;
	_ =	shalt  }
.Lfunc_end1:
_tile_overlayer_lowered:
.L_overlay_start_2:
0xbd: {  	(tag) =	ssettag $0x2  }
0xbe: {  	s0 =	rddreg [dreg:$0x0];
	s2 =	stileid.u32  }
0xbf: {  	s1 =	rddreg [dreg:$0x1];
	p0 =	sne.s32 s2, $0x0  }
0xc0: {  	s3 =	rddreg [dreg:$0x2];
	[bflag:$0x3] =	sbarrier.arrive $0xFFFF;
	s2 =	simm.s32 @!p0 $0x1C01  }
0xc1: {  	[timem:s3], [sflag:s2] =	dma.local @!p0 [hbm:s0], s1  }
0xc2: {  	s0 =	simm.s32 @!p0 $0x1  }
0xc3: {  	_ =	swait.ge @!p0 [sflag:s0], s1  }
0xc4: {  	s1 =	ssub.s32 @!p0 $0x0, s1;
	[sflag:s0] =	ssyncset.done @!p0 $0x0  }
0xc5: {  	[sflag:s0] =	ssyncadd.s32 @!p0 s1  }
0xc6: {  	[bflag:$0x3] =	sbarrier.arrive $0xFFFF  }
0xc7: {  	_ =	shalt  }

// kernel: sparse-core-data-format-call.cloned.1.call-start
scs
called_computation_lowered:
.L_overlay_start_0:
0x0: {  	s2 =	sld [smem:$0x3FD9]  }
0x1: {  	s3 =	sld [smem:$0x3FFE];
	_ =	sdelay $0x1  }
0x2: {  	s1 =	srdreg.scid  }
0x3: {  	s0 =	sand.u32 $0x1, s1  }
0x4: {  	s18 =	sshll.u32 s0, $0xA;
	s2 =	sadd.s32 s3, s2  }
0x5: {  	s2 =	sadd.s32 s2, s18  }
0x6: {  	[smem:$0x3FC5] =	sst s2  }
0x7: {  	_ = 	snop  }
0x8: {  	s2 =	sld [smem:$0x3FD0];
	(tm) =	ssettm $0x1  }
0x9: {  	s19 =	sld [smem:$0x3FFB];
	_ =	sdelay $0x3  }
0xa: {  	_ =	strace s19  }
0xb: {  	s3 =	sld [smem:$0x3FFC];
	_ =	sdelay $0x3  }
0xc: {  	_ =	strace s3  }
0xd: {  	s3 =	sld [smem:$0x3FFD];
	_ =	sdelay $0x3  }
0xe: {  	_ =	strace s3  }
0xf: {  	_ =	strace $0x8FFFFFFF  }
0x10: {  	s20 =	sld [smem:$0x3FDB];
	_ =	sdelay $0x1  }
0x11: {  	s4 =	simm.s32 $_scs_section_size  }
0x12: {  	s5 =	simm.s32 $_size__tile_overlayer_lowered;
	s6 =	simm.s32 $_tile_overlayer_lowered  }
0x13: {  	s23 =	simm.s32 $0x1BFF;
	s22 =	sshll.u32 s6, $0x1;
	s3 =	sadd.s32 s4, s20  }
0x14: {  	s7 =	simm.s32 $0x0;
	s21 =	sshll.u32 s5, $0x1;
	s5 =	sadd.s32 s22, s3  }
0x15: {  	[timem:s7], [sflag:s23] =	dma.local [hbm:s5], s21  }
0x16: {  	_ =	swait.ge [sflag:s23], s21  }
0x17: {  	s4 =	ssub.s32 $0x0, s21;
	[sflag:s23] =	ssyncset.done $0x0  }
0x18: {  	[sflag:s23] =	ssyncadd.s32 s4;
	_ =	sdelay $0x1  }
0x19: {  	s24 =	simm.s32 $0x1B8B  }
0x1a: {  	_ =	swait.ge [sflag:s24], $0x1  }
0x1b: {  	[sflag:s24] =	ssyncset.done $0x0  }
0x1c: {  	s26 =	simm.s32 $0x1B8E;
	s25 =	sld [smem:$0x3FFE];
	[sflag:s24] =	ssyncadd.s32 $0xFFFFFFFF  }
0x1d: {  	s27 =	simm.s32 $execute0_lowered;
	[smem:$0x3FD2] =	sst s26  }
0x1e: {  	s5 =	sshll.u32 s27, $0x1;
	_ =	strace $0x80000058;
	[dreg:$0x1] =	wrdreg $0xFFFFFFFF  }
0x1f: {  	s28 =	simm.s32 $_size_execute0_lowered;
	s3 =	sadd.s32 s3, s5;
	[dreg:$0x0] =	wrdreg $0x0  }
0x20: {  	s5 =	sshll.u32 s28, $0x1;
	[dreg:$0x2] =	wrdreg s3  }
0x21: {  	[dreg:$0x3] =	wrdreg s5  }
0x22: {  	[dreg:$0x4] =	wrdreg $0xC0  }
0x23: {  	_ =	task [dreg:s7], $0x5FFFF  }
0x24: {  	[dreg:$0x1] =	wrdreg $0xFFFFFFFF  }
0x25: {  	[dreg:$0x0] =	wrdreg $0x60  }
0x26: {  	[dreg:$0x2] =	wrdreg s25  }
0x27: {  	[dreg:$0x3] =	wrdreg s2  }
0x28: {  	[dreg:$0x4] =	wrdreg $0x9  }
0x29: {  	_ =	task.clear_ibuf [dreg:s7], $0x5FFFF;
	_ =	strace $0x90000058  }
0x2a: {  	s29 =	simm.s32 $0x9;
	_ =	strace $0x8000005A  }
0x2b: {  	_ =	swait.ge [sflag:s29], $0x1  }
0x2c: {  	[sflag:s29] =	ssyncadd.s32 $0xFFFFFFFF  }
0x2d: {  	_ =	strace $0x9000005A  }
0x2e: {  	_ =	sfence  }
0x2f: {  	s30 =	sld [smem:$0x0];
	_ =	sdelay $0x2  }
0x30: {  	s31 =	sshll.u32 s1, $0xD;
	s1 =	sshrl.u32 s1, $0x2  }
0x31: {  	s3 =	sand.u32 $0x4000, s31;
	s1 =	sadd.s32 s1, s30  }
0x32: {  	s0 =	sor.u32 s3, s0;
	s1 =	sshll.u32 s1, $0x11  }
0x33: {  	s0 =	sor.u32 s1, s0  }
0x34: {  	s0 =	sadd.s32 $0x8F2B, s0  }
0x35: {  	[sflag:s0] =	ssyncadd.remote.s32 $0x1  }
0x36: {  	_ =	sfence.sel $0xFFFF  }
0x37: {  	[dreg:$0x0] =	wrdreg $0xFFFFFFFF;
	(pc) =	sbr.abs _section_cstart, $3  }
0x38: {  	[dreg:$0x1] =	wrdreg $0xFFFFFFFF  }
0x39: {  	_ =	task.clear_ibuf [dreg:s7], $0x2FFFF;
	_ =	strace $0x9FFFFFFF  }
0x3a: {  	(tm) =	ssettm $0x7FFFFFFF  }
0x3b: {  	_ =	shalt  }
tec
execute0_lowered:
.L_overlay_start_1:
0x0: {  	(tag) =	ssettag $0x1  }
0x1: {  	s0 =	rddreg [dreg:$0x0]  }
0x2: {  	s1 =	srdreg.scid;
	_ =	strace $0x80000059;
	s2 =	stileid.u32  }
0x3: {  	s4 =	simm.s32 $0x1;
	s29 =	simm.s32 $0x2;
	s26 =	simm.s32 $0x0  }
0x4: {  	p0 =	por $0x0, $0x0;
	s25 =	simm.s32 $0x0;
	s24 =	simm.s32 $0x0  }
0x5: {  	s30 =	simm.s32 $0x0;
	s31 =	simm.s32 $0x0;
	s13 =	simm.s32 $0x0  }
0x6: {  	s14 =	simm.s32 $0x0;
	s15 =	simm.s32 $0x0;
	s16 =	simm.s32 $0x0  }
0x7: {  	s17 =	simm.s32 $0x0;
	s18 =	simm.s32 $0x0;
	s8 =	sand.u32 $0x1, s1  }
0x8: {  	s22 =	simm.s32 $0x0;
	s0 =	sadd.s32 $0x1C00, s0;
	s1 =	ssub.s32 $0x10, s8  }
0x9: {  	s9 =	sand.u32 $0x7, s2;
	[dreg:$0x18] =	wrdreg s30;
	s28 =	sshrl.u32 s1, $0x1  }
0xa: {  	s2 =	sshll.u32 s2, $0x4;
	[dreg:$0x17] =	wrdreg s31;
	s3 =	sadd.s32 s8, s28  }
0xb: {  	[sflag:s4] =	ssyncpa.u1 $0x0;
	[dreg:$0x4] =	wrdreg s0;
	s3 =	smul.u32 $0xFFFFFFF4, s3  }
.Ltmp0:
0xc: {  	[dreg:$0x3] =	wrdreg s8;
	s0 =	ssub.s32 s1, s28;
	(pc) =	sbr.rel .LBB1_1-.Ltmp0, $4  }
0xd: {  	s10 =	sand.u32 $0x80, s2;
	[dreg:$0x5] =	wrdreg s9;
	s11 =	smul.u32 $0xC, s0  }
0xe: {  	s23 =	simm.s32 $0x0;
	[sflag:s29] =	ssyncpa.u1 $0x0;
	[dreg:$0x6] =	wrdreg s10  }
0xf: {  	s19 =	smov.u32 s8;
	s12 =	sadd.s32 $0xC1, s3;
	[dreg:$0x7] =	wrdreg s11  }
0x10: {  	s21 =	smov.u32 s9;
	s20 =	smov.u32 s10;
	[dreg:$0x8] =	wrdreg s12  }
.LBB1_19:
0x11: {  	s0 =	sld [smem:$0x7FD]  }
0x12: {  	s15 =	rddreg [dreg:$0xb]  }
0x13: {  	s14 =	rddreg [dreg:$0xa]  }
0x14: {  	s5 =	rddreg [dreg:$0x1a]  }
0x15: {  	s13 =	rddreg [dreg:$0x9]  }
0x16: {  	s6 =	rddreg [dreg:$0x1c]  }
0x17: {  	s7 =	rddreg [dreg:$0x19]  }
0x18: {  	s23 =	rddreg [dreg:$0x1b]  }
0x19: {  	s16 =	rddreg [dreg:$0xc]  }
0x1a: {  	s17 =	rddreg [dreg:$0xd]  }
0x1b: {  	s8 =	rddreg [dreg:$0x1]  }
0x1c: {  	s9 =	rddreg [dreg:$0x5]  }
0x1d: {  	s10 =	rddreg [dreg:$0x6]  }
0x1e: {  	s11 =	rddreg [dreg:$0x7]  }
0x1f: {  	s12 =	rddreg [dreg:$0x8]  }
0x20: {  	s18 =	rddreg [dreg:$0xe]  }
0x21: {  	s31 =	simm.s32 $0x6000;
	s19 =	rddreg [dreg:$0xf];
	s1 =	sand.u32 $0x78, s15  }
0x22: {  	p1 =	sgt.s32 s15, $0x80;
	s2 =	smov.u32 s15;
	s3 =	sshll.u32 s14, $0x8  }
0x23: {  	s4 =	sshll.u32 s15, $0x3;
	s20 =	sshll.u32 s14, $0x7;
	s24 =	smul.u32 $0xA8000, s16  }
0x24: {  	s25 =	sshll.u32 s17, $0x9;
	s26 =	smul.u32 $0xC00, s13;
	s28 =	sand.u32 $0x7, s15  }
0x25: {  	s2 =	simm.s32 @!p1 $0x80;
	s3 =	sand.u32 $0x800, s3;
	s4 =	sand.u32 $0xC00, s4  }
0x26: {  	p1 =	sgt.s32 s13, $0x60;
	s21 =	sand.u32 $0x300, s20;
	s29 =	sshll.u32 s28, $0x12  }
0x27: {  	s0 =	smul.u32 $0x4080, s0;
	s2 =	sadd.s32 s5, s2;
	s3 =	sadd.s32 s4, s3  }
0x28: {  	s4 =	smov.u32 s13;
	s30 =	sor.u32 $0x80, s29;
	s5 =	sadd.s32 $0xFFFFFF80, s2  }
0x29: {  	s4 =	simm.s32 @!p1 $0x60;
	s2 =	ssub.s32 $0x100, s2;
	s3 =	sor.u32 s21, s3  }
0x2a: {  	s21 =	rddreg [dreg:$0x11];
	p1 =	sgt.s32 s5, $0x7F;
	s4 =	sadd.s32 s6, s4  }
0x2b: {  	s5 =	sand.u32 $0x80, s20;
	s6 =	sadd.s32 s8, s25;
	s8 =	rddreg [dreg:$0x3]  }
0x2c: {  	s3 =	sshrl.u32 s3, $0x3;
	s20 =	rddreg [dreg:$0x10];
	s2 =	simm.s32 @p1 $0x0  }
0x2d: {  	s0 =	sor.u32 $0x8000, s0;
	s25 =	rddreg [dreg:$0x15];
	s2 =	smul.u32 s2, s7  }
0x2e: {  	s1 =	sor.u32 s1, s5;
	s22 =	sadd.s32 $0xFFFFFFA0, s4;
	s4 =	ssub.s32 $0xE0, s4  }
0x2f: {  	s27 =	sadd.s32 s24, s6;
	p1 =	sgt.s32 s22, $0x7F;
	s2 =	smul.u32 s23, s2  }
0x30: {  	s24 =	rddreg [dreg:$0x14];
	s1 =	sshrl.u32 s1, $0x3;
	s4 =	simm.s32 @p1 $0x0  }
0x31: {  	s22 =	rddreg [dreg:$0x12];
	s2 =	smul.u32 s4, s2;
	s4 =	sadd.s32 s26, s27  }
0x32: {  	s3 =	sand.u32 $0x1E0, s3;
	s23 =	rddreg [dreg:$0x13];
	s1 =	sadd.s32 s1, s4  }
0x33: {  	s26 =	rddreg [dreg:$0x16];
	s2 =	sand.u32 $0x3FFFFFFF, s2;
	s1 =	sadd.s32 s3, s1  }
0x34: {  	[hbm4b:s1+s30] =	stream.strided.scatter [tilespmem:s0], [sflag:$0x2], s2, s31, s30, $0x20;
	[tilespmem:$0x10100] =	vst v63  }
.LBB1_20:
0x35: {  	s2 =	rddreg [dreg:$0x18]  }
0x36: {  	p1 =	slt.u32 s23, $0x2;
	s5 =	rddreg [dreg:$0x17];
	p0 =	por !p0, !p0  }
0x37: {  	p2 =	sgt.s32 @!p1 s2, $0x7;
	s0 =	smov.u32 s2;
	s1 =	sshra.s32 @!p1 s2, $0x1F  }
0x38: {  	s3 =	smov.u32 s5;
	s4 =	sshra.s32 @!p1 s5, $0x1F;
	p2 =	por !p2, p1  }
0x39: {  	s1 =	sand.u32 @!p1 s1, s2;
	s2 =	sshra.s32 @!p1 s26, $0x1F;
	s0 =	simm.s32 @p2 $0x7  }
0x3a: {  	p2 =	sgt.s32 @!p1 s26, $0x60;
	s2 =	sand.u32 @!p1 s2, s26;
	s0 =	ssub.s32 @!p1 s0, s1  }
0x3b: {  	p2 =	por !p2, p1;
	s1 =	sadd.s32 @!p1 $0xFFFFFFF9, s0;
	s0 =	ssub.s32 @!p1 $0x8, s0  }
0x3c: {  	p3 =	sgt.s32 @!p1 s1, $0x0;
	s1 =	smov.u32 s26;
	s26 =	smov.u32 s13  }
0x3d: {  	s1 =	simm.s32 @p2 $0x60;
	p2 =	por !p3, p1;
	p3 =	sgt.s32 @!p1 s5, $0x5  }
0x3e: {  	s1 =	ssub.s32 @!p1 s1, s2;
	p3 =	por !p3, p1;
	s0 =	simm.s32 @!p2 $0x0  }
0x3f: {  	s2 =	sadd.s32 @!p1 $0xFFFFFFA0, s1;
	s3 =	simm.s32 @p3 $0x5;
	s1 =	ssub.s32 @!p1 $0xE0, s1  }
0x40: {  	p4 =	sgt.s32 @!p1 s2, $0x7F;
	s2 =	sand.u32 @!p1 s4, s5;
	s4 =	sshra.s32 @!p1 s25, $0x1F  }
0x41: {  	s5 =	smov.u32 s24;
	p3 =	por !p4, p1;
	s2 =	ssub.s32 @!p1 s3, s2  }
0x42: {  	p4 =	sgt.s32 @!p1 s24, $0x80;
	s4 =	sand.u32 @!p1 s4, s25;
	s1 =	simm.s32 @!p3 $0x0  }
0x43: {  	s3 =	sadd.s32 @!p1 $0xFFFFFFFB, s2;
	p3 =	sgt.s32 @!p1 s25, $0xF;
	p4 =	por !p4, p1  }
0x44: {  	p2 =	sgt.s32 @!p1 s3, $0x0;
	p3 =	por !p3, p1;
	s3 =	smov.u32 s25  }
0x45: {  	s2 =	ssub.s32 @!p1 $0x6, s2;
	s5 =	simm.s32 @p4 $0x80;
	s3 =	simm.s32 @p3 $0xF  }
0x46: {  	p2 =	por !p2, p1;
	s3 =	ssub.s32 @!p1 s3, s4;
	s4 =	sshra.s32 @!p1 s24, $0x1F  }
0x47: {  	s2 =	simm.s32 @!p2 $0x0;
	s4 =	sand.u32 @!p1 s4, s24;
	s6 =	sadd.s32 @!p1 $0xFFFFFFF1, s3  }
0x48: {  	s3 =	ssub.s32 @!p1 $0x10, s3;
	p2 =	sgt.s32 @!p1 s6, $0x0;
	s4 =	ssub.s32 @!p1 s5, s4  }
0x49: {  	s0 =	smul.u32 @!p1 s2, s0;
	p2 =	por !p2, p1;
	s5 =	sadd.s32 @!p1 $0xFFFFFF80, s4  }
0x4a: {  	s2 =	sadd.s32 $0x80, s18;
	s3 =	simm.s32 @!p2 $0x0;
	p2 =	sgt.s32 @!p1 s5, $0x7F  }
0x4b: {  	s6 =	smov.u32 s19;
	s4 =	ssub.s32 @!p1 $0x100, s4;
	p2 =	por !p2, p1  }
0x4c: {  	s5 =	sadd.s32 $0x2, s19;
	s4 =	simm.s32 @!p2 $0x0;
	p2 =	sgt.s32 s2, $0xDF  }
0x4d: {  	s0 =	smul.u32 @!p1 s4, s0;
	s6 =	smov.u32 @p2 s5;
	s2 =	simm.s32 @p2 $0x0  }
0x4e: {  	s4 =	sadd.s32 $0x100, s20;
	s5 =	smov.u32 s20;
	p2 =	sgt.s32 s6, $0xF  }
0x4f: {  	s0 =	smul.u32 @!p1 s3, s0;
	s5 =	smov.u32 @p2 s4;
	s6 =	smov.u32 @p2 s8  }
0x50: {  	s3 =	sadd.s32 $0x8, s21;
	s4 =	smov.u32 s21;
	p2 =	sgt.s32 s5, $0xDF  }
0x51: {  	s13 =	smov.u32 s18;
	s0 =	smul.u32 @!p1 s1, s0;
	s4 =	smov.u32 @p2 s3  }
0x52: {  	s5 =	smov.u32 @p2 s10;
	s1 =	simm.s32 $0x1;
	p2 =	sgt.s32 s4, $0x7  }
0x53: {  	s25 =	smov.u32 s14;
	s14 =	smov.u32 s19;
	s1 =	simm.s32 @!p2 $0x0  }
0x54: {  	s24 =	smov.u32 s15;
	s15 =	smov.u32 s20;
	s1 =	sadd.s32 s1, s22  }
0x55: {  	s18 =	smov.u32 s2;
	s4 =	smov.u32 @p2 s9;
	p2 =	sgt.s32 s1, $0x5  }
0x56: {  	s19 =	smov.u32 s6;
	s1 =	simm.s32 @p2 $0x0;
	p2 =	sne.s32 s23, s12  }
.Ltmp1:
0x57: {  	s3 =	simm.s32 @!p1 $0x2;
	s0 =	sand.u32 @!p1 $0x3FFFFFFF, s0;
	(pc) =	sbr.rel @!p2 .LBB1_21-.Ltmp1, $4  }
0x58: {  	s20 =	smov.u32 s5;
	_ =	swait.ge @!p1 [sflag:s3], s0;
	[dreg:$0x18] =	wrdreg s16  }
0x59: {  	s0 =	ssub.s32 @!p1 $0x0, s0;
	[dreg:$0x17] =	wrdreg s17;
	s16 =	smov.u32 s21  }
0x5a: {  	s17 =	smov.u32 s22;
	s21 =	smov.u32 s4;
	[sflag:s3] =	ssyncset.done @!p1 $0x0  }
0x5b: {  	s23 =	sadd.s32 $0x1, s23;
	[sflag:s3] =	ssyncadd.s32 @!p1 s0;
	s22 =	smov.u32 s1  }
.LBB1_1:
0x5c: {  	p1 =	sge.u32 s23, s11  }
.Ltmp2:
0x5d: {  	_ = 	snop;
	(pc) =	sbr.rel @p1 .LBB1_3-.Ltmp2, $1  }
0x5e: {  	_ =	sdelay $0x3  }
0x5f: {  	s0 =	sxor.u32 $0xFFFFFFFF, s23  }
0x60: {  	s1 =	sshll.u32 s19, $0x8;
	p1 =	sgt.s32 s22, $0x5;
	s2 =	smov.u32 s22  }
0x61: {  	s3 =	sshll.u32 s18, $0x3;
	s4 =	sshra.s32 s22, $0x1F;
	s5 =	smov.u32 s21  }
0x62: {  	s6 =	sshra.s32 s21, $0x1F;
	s31 =	sshra.s32 s20, $0x1F;
	s27 =	sshra.s32 s19, $0x1F  }
0x63: {  	s28 =	sshll.u32 s19, $0x7;
	s0 =	sshll.u32 s0, $0xE;
	s1 =	sand.u32 $0x800, s1  }
0x64: {  	s2 =	simm.s32 @!p1 $0x5;
	s4 =	sand.u32 s4, s22;
	p1 =	sgt.s32 s21, $0x7  }
0x65: {  	s29 =	sand.u32 s6, s21;
	s3 =	sand.u32 $0xC00, s3;
	s7 =	sand.u32 s31, s20  }
0x66: {  	s6 =	sand.u32 s27, s19;
	s31 =	sshra.s32 s18, $0x1F;
	s27 =	sand.u32 $0x78, s18  }
0x67: {  	s0 =	sand.u32 $0x4000, s0;
	s2 =	ssub.s32 s2, s4;
	s5 =	simm.s32 @!p1 $0x7  }
0x68: {  	s1 =	sadd.s32 s1, s3;
	s30 =	sadd.s32 $0xFFFFFFFB, s2;
	s4 =	ssub.s32 s5, s29  }
0x69: {  	s2 =	ssub.s32 $0x6, s2;
	s29 =	sand.u32 $0x300, s28;
	p1 =	sgt.s32 s30, $0x0  }
0x6a: {  	s5 =	sadd.s32 $0xFFFFFFF9, s4;
	s4 =	ssub.s32 $0x8, s4;
	s1 =	sor.u32 s29, s1  }
0x6b: {  	s2 =	simm.s32 @p1 $0x0;
	p1 =	sgt.s32 s5, $0x0;
	s5 =	smov.u32 s20  }
0x6c: {  	s1 =	sshrl.u32 s1, $0x3;
	s4 =	simm.s32 @p1 $0x0;
	p1 =	sgt.s32 s20, $0x60  }
0x6d: {  	s1 =	sand.u32 $0x1E0, s1;
	s5 =	simm.s32 @!p1 $0x60;
	s2 =	smul.u32 s2, s4  }
0x6e: {  	p1 =	sgt.s32 s19, $0xF;
	s4 =	smov.u32 s19;
	s3 =	ssub.s32 s5, s7  }
0x6f: {  	s4 =	simm.s32 @!p1 $0xF;
	s7 =	sand.u32 s31, s18;
	s5 =	sadd.s32 $0xFFFFFFA0, s3  }
0x70: {  	s4 =	ssub.s32 s4, s6;
	s3 =	ssub.s32 $0xE0, s3;
	p1 =	sgt.s32 s5, $0x7F  }
0x71: {  	s31 =	smul.u32 $0x1C000, s21;
	s30 =	sadd.s32 $0xFFFFFFF1, s4;
	s3 =	simm.s32 @p1 $0x0  }
0x72: {  	p1 =	sgt.s32 s30, $0x0;
	s2 =	smul.u32 s3, s2;
	s3 =	ssub.s32 $0x10, s4  }
0x73: {  	s4 =	smov.u32 s18;
	s3 =	simm.s32 @p1 $0x0;
	p1 =	sgt.s32 s18, $0x80  }
0x74: {  	s5 =	sand.u32 $0x80, s28;
	s30 =	smul.u32 $0xE0000, s22;
	s4 =	simm.s32 @!p1 $0x80  }
0x75: {  	s28 =	sor.u32 s27, s5;
	s2 =	smul.u32 s3, s2;
	s3 =	ssub.s32 s4, s7  }
0x76: {  	s27 =	sshll.u32 s20, $0x9;
	s7 =	rddreg [dreg:$0x4];
	s29 =	sadd.s32 $0xFFFFFF80, s3  }
0x77: {  	s3 =	ssub.s32 $0x100, s3;
	s6 =	sadd.s32 s7, s30;
	p1 =	sgt.s32 s29, $0x7F  }
0x78: {  	s4 =	sshrl.u32 s28, $0x3;
	s5 =	sadd.s32 s31, s6;
	s3 =	simm.s32 @p1 $0x0  }
0x79: {  	s28 =	sand.u32 $0x7, s18;
	s2 =	smul.u32 s3, s2;
	s3 =	sadd.s32 s27, s5  }
0x7a: {  	s29 =	sshll.u32 s28, $0x12;
	s31 =	simm.s32 $0x1000;
	s3 =	sadd.s32 s4, s3  }
0x7b: {  	s30 =	sor.u32 $0x80, s29;
	s2 =	sand.u32 $0x3FFFFFFF, s2;
	s1 =	sadd.s32 s1, s3  }
0x7c: {  	[tilespmem:s0], [sflag:$0x1] =	stream.strided.gather [hbm4b:s1+s30], s2, s31, s30, $0x38;
	[tilespmem:$0x10100] =	vst v63  }
.LBB1_3:
0x7d: {  	s0 =	sadd.s32 $0xFFFFFFFF, s23  }
0x7e: {  	p1 =	sge.u32 s0, s11  }
.Ltmp3:
0x7f: {  	_ = 	snop;
	(pc) =	sbr.rel @p1 .LBB1_20-.Ltmp3, $1  }
0x80: {  	_ =	sdelay $0x3  }
0x81: {  	[dreg:$0x16] =	wrdreg s26  }
0x82: {  	[dreg:$0x15] =	wrdreg s25  }
0x83: {  	[dreg:$0x14] =	wrdreg s24  }
0x84: {  	[dreg:$0x12] =	wrdreg s22  }
0x85: {  	[dreg:$0x11] =	wrdreg s21  }
0x86: {  	[dreg:$0x10] =	wrdreg s20  }
0x87: {  	[dreg:$0xf] =	wrdreg s19  }
0x88: {  	[dreg:$0xe] =	wrdreg s18;
	p1 =	sgt.s32 s17, $0x5  }
0x89: {  	s0 =	smov.u32 s17;
	s1 =	sshra.s32 s17, $0x1F;
	s2 =	smov.u32 s16  }
0x8a: {  	s3 =	sshra.s32 s16, $0x1F;
	s20 =	ssub.s32 $0x0, s15;
	s21 =	sshra.s32 s15, $0x1F  }
0x8b: {  	s4 =	smov.u32 s15;
	s24 =	sshra.s32 s14, $0x1F;
	[dreg:$0x9] =	wrdreg s13  }
0x8c: {  	s26 =	ssub.s32 $0x0, s13;
	s27 =	sshra.s32 s13, $0x1F;
	[dreg:$0xd] =	wrdreg s17  }
0x8d: {  	s0 =	simm.s32 @!p1 $0x5;
	s1 =	sand.u32 s1, s17;
	p1 =	sgt.s32 s16, $0x7  }
0x8e: {  	s18 =	sand.u32 s3, s16;
	s22 =	sand.u32 s20, s21;
	s2 =	simm.s32 @!p1 $0x7  }
0x8f: {  	s28 =	sand.u32 s26, s27;
	s0 =	ssub.s32 s0, s1;
	s1 =	ssub.s32 s2, s18  }
0x90: {  	s19 =	sadd.s32 $0xFFFFFFFB, s0;
	s0 =	ssub.s32 $0x6, s0;
	s2 =	sadd.s32 $0xFFFFFFF9, s1  }
0x91: {  	p1 =	sgt.s32 s19, $0x0;
	s1 =	ssub.s32 $0x8, s1;
	p2 =	sgt.s32 s2, $0x0  }
0x92: {  	s0 =	simm.s32 @p1 $0x0;
	p1 =	sgt.s32 s15, $0x60;
	s2 =	sand.u32 s24, s14  }
0x93: {  	s1 =	simm.s32 @p2 $0x0;
	s4 =	simm.s32 @!p1 $0x60;
	p1 =	sgt.s32 s14, $0xF  }
0x94: {  	p2 =	sgt.s32 s13, $0x80;
	s5 =	smul.u32 s0, s1;
	s0 =	sadd.s32 s22, s4  }
0x95: {  	s1 =	smov.u32 s14;
	s4 =	smov.u32 s13;
	s25 =	sadd.s32 $0xFFFFFFA0, s0  }
0x96: {  	s1 =	simm.s32 @!p1 $0xF;
	s0 =	ssub.s32 $0xE0, s0;
	p1 =	sgt.s32 s25, $0x7F  }
0x97: {  	s4 =	simm.s32 @!p2 $0x80;
	s1 =	ssub.s32 s1, s2;
	s0 =	simm.s32 @p1 $0x0  }
0x98: {  	[dreg:$0x19] =	wrdreg s5;
	s2 =	sadd.s32 $0xFFFFFFF1, s1;
	s0 =	smul.u32 s0, s5  }
0x99: {  	p1 =	sgt.s32 s2, $0x0;
	s5 =	ssub.s32 $0x10, s1;
	s1 =	sadd.s32 s28, s4  }
0x9a: {  	[dreg:$0xc] =	wrdreg s16;
	s5 =	simm.s32 @p1 $0x0;
	s29 =	sadd.s32 $0xFFFFFF80, s1  }
0x9b: {  	s1 =	ssub.s32 $0x100, s1;
	s0 =	smul.u32 s5, s0;
	p1 =	sgt.s32 s29, $0x7F  }
0x9c: {  	[dreg:$0xb] =	wrdreg s15;
	s2 =	sadd.s32 $0x1, s17;
	s1 =	simm.s32 @p1 $0x0  }
0x9d: {  	s3 =	sadd.s32 $0x1, s16;
	p1 =	slt.s32 s2, $0x6;
	s0 =	smul.u32 s1, s0  }
0x9e: {  	s2 =	simm.s32 @!p1 $0x6;
	p1 =	slt.s32 s3, $0x8;
	s1 =	sadd.s32 $0x80, s15  }
0x9f: {  	s2 =	ssub.s32 s2, s17;
	s3 =	simm.s32 @!p1 $0x8;
	p2 =	slt.s32 s1, $0xE0  }
0xa0: {  	s3 =	ssub.s32 s3, s16;
	[dreg:$0x1d] =	wrdreg s2;
	p1 =	slt.s32 s2, $0x1  }
0xa1: {  	s1 =	simm.s32 @!p2 $0xE0;
	s2 =	sadd.s32 $0x1, s14;
	p2 =	slt.s32 @!p1 s3, $0x1  }
0xa2: {  	s1 =	ssub.s32 s1, s15;
	p3 =	slt.s32 s2, $0x10;
	p2 =	por p1, p2  }
0xa3: {  	[dreg:$0xa] =	wrdreg s14;
	s2 =	simm.s32 @!p3 $0x10;
	p3 =	slt.s32 @!p2 s1, $0x1  }
0xa4: {  	[dreg:$0x1a] =	wrdreg s22;
	s10 =	ssub.s32 s2, s14;
	p2 =	por p2, p3  }
0xa5: {  	[dreg:$0x1c] =	wrdreg s28;
	p3 =	slt.s32 @!p2 s10, $0x1  }
0xa6: {  	[dreg:$0x1b] =	wrdreg s5;
	p2 =	por p2, p3  }
.Ltmp4:
0xa7: {  	[dreg:$0x1e] =	wrdreg s3;
	(pc) =	sbr.rel @p2 .LBB1_19-.Ltmp4, $4  }
0xa8: {  	s30 =	simm.s32 $0x1;
	s0 =	sand.u32 $0x3FFFFFFF, s0;
	[dreg:$0x1f] =	wrdreg s1  }
0xa9: {  	s31 =	sand.u32 $0x1, s23;
	_ =	swait.ge [sflag:s30], s0  }
0xaa: {  	s0 =	ssub.s32 $0x0, s0;
	[dreg:$0x13] =	wrdreg s23;
	[sflag:s30] =	ssyncset.done $0x0  }
0xab: {  	[smem:$0x7FD] =	sst s31;
	[sflag:s30] =	ssyncadd.s32 s0  }
0xac: {  	s0 =	simm.s32 $0x1  }
0xad: {  	s3 =	rddreg [dreg:$0x9];
	s0 =	simm.s32 @!p0 $0x0  }
0xae: {  	s1 =	sadd.s32 $0x80, s3;
	s0 =	smul.u32 $0x10200, s0  }
0xaf: {  	p2 =	slt.s32 s1, $0xE0  }
0xb0: {  	s1 =	simm.s32 @!p2 $0xE0;
	s2 =	sshrl.u32 s0, $0x2  }
0xb1: {  	s1 =	ssub.s32 s1, s3;
	s4 =	sadd.s32 $0xF8F0, s2  }
0xb2: {  	s5 =	sadd.s32 $0xF0E0, s2;
	s6 =	sadd.s32 $0xE8D0, s2;
	s7 =	sadd.s32 $0xE0C0, s2  }
0xb3: {  	s8 =	sadd.s32 $0xD8B0, s2;
	s9 =	sadd.s32 $0xD0A0, s2;
	s1 =	sadd.s32 $0xF, s1  }
0xb4: {  	s11 =	sadd.s32 $0xC890, s2;
	s12 =	sadd.s32 $0xC080, s2;
	s30 =	sshrl.u32 s1, $0x8  }
0xb5: {  	s13 =	sadd.s32 $0xB870, s2;
	s14 =	sadd.s32 $0xB060, s2;
	s3 =	smul.u32 $0x20400, s30  }
0xb6: {  	s15 =	sadd.s32 $0xA850, s2;
	s16 =	sadd.s32 $0xA040, s2;
	s17 =	sadd.s32 $0x9830, s2  }
0xb7: {  	s18 =	sadd.s32 $0x9020, s2;
	s19 =	sadd.s32 $0x8810, s2;
	s0 =	sadd.s32 s0, s3  }
.Ltmp5:
0xb8: {  	s3 =	sor.u32 $0x8000, s2;
	s2 =	sld [smem:$0x7FD];
	(pc) =	sbr.rel .LBB1_6-.Ltmp5, $4  }
0xb9: {  	s31 =	simm.s32 $0x0  }
0xba: {  	[smem:$0x7FC] =	sst s31;
	s21 =	sand.u32 $0xFFFFFFF0, s1;
	s25 =	sand.u32 @!p1 $0xFFFFFF00, s1  }
0xbb: {  	p2 =	sge.s32 s25, s21;
	s0 =	sshra.s32 s0, $0x2;
	s2 =	sshll.u32 @!p1 s2, $0xE  }
0xbc: {  	s0 =	sadd.s32 $0x8000, s0;
	p1 =	slt.s32 s1, $0x100;
	[smem:$0x7FB] =	sst s2  }
.LBB1_18:
0xbd: {  	s1 =	sld [smem:$0x7FC]  }
0xbe: {  	s4 =	sld [smem:$0x7F9]  }
0xbf: {  	s5 =	sld [smem:$0x7F7]  }
0xc0: {  	s6 =	sld [smem:$0x7F5]  }
0xc1: {  	s7 =	sld [smem:$0x7F3]  }
0xc2: {  	s8 =	sld [smem:$0x7F1]  }
0xc3: {  	s9 =	sld [smem:$0x7EF]  }
0xc4: {  	s11 =	sld [smem:$0x7ED]  }
0xc5: {  	s12 =	sld [smem:$0x7EB]  }
0xc6: {  	s13 =	sld [smem:$0x7E9]  }
0xc7: {  	s14 =	sld [smem:$0x7E7]  }
0xc8: {  	s15 =	sld [smem:$0x7E5]  }
0xc9: {  	s16 =	sld [smem:$0x7E3]  }
0xca: {  	s17 =	sld [smem:$0x7E1]  }
0xcb: {  	s18 =	sld [smem:$0x7DF]  }
0xcc: {  	s0 =	rddreg [dreg:$0x1d]  }
0xcd: {  	s19 =	sld [smem:$0x7DD]  }
0xce: {  	s3 =	sld [smem:$0x7DB]  }
0xcf: {  	s31 =	sld [smem:$0x7D9]  }
0xd0: {  	s1 =	sadd.s32 $0x1, s1;
	s4 =	sadd.s32 $0x81, s4;
	s5 =	sadd.s32 $0x81, s5  }
0xd1: {  	s6 =	sadd.s32 $0x81, s6;
	s7 =	sadd.s32 $0x81, s7;
	p3 =	sne.s32 s1, s0  }
.Ltmp6:
0xd2: {  	s8 =	sadd.s32 $0x81, s8;
	s9 =	sadd.s32 $0x81, s9;
	(pc) =	sbr.rel @!p3 .LBB1_19-.Ltmp6, $4  }
0xd3: {  	s11 =	sadd.s32 $0x81, s11;
	s12 =	sadd.s32 $0x81, s12;
	s13 =	sadd.s32 $0x81, s13  }
0xd4: {  	s14 =	sadd.s32 $0x81, s14;
	s15 =	sadd.s32 $0x81, s15;
	s16 =	sadd.s32 $0x81, s16  }
0xd5: {  	s17 =	sadd.s32 $0x81, s17;
	s18 =	sadd.s32 $0x81, s18;
	s19 =	sadd.s32 $0x81, s19  }
0xd6: {  	s3 =	sadd.s32 $0x81, s3;
	[smem:$0x7FC] =	sst s1;
	s0 =	sadd.s32 $0x81, s31  }
.LBB1_6:
0xd7: {  	[smem:$0x7D9] =	sst s0  }
0xd8: {  	[smem:$0x7DA] =	sst s0  }
0xd9: {  	[smem:$0x7DB] =	sst s3  }
0xda: {  	[smem:$0x7DC] =	sst s3  }
0xdb: {  	[smem:$0x7DD] =	sst s19  }
0xdc: {  	[smem:$0x7DE] =	sst s19  }
0xdd: {  	[smem:$0x7DF] =	sst s18  }
0xde: {  	[smem:$0x7E0] =	sst s18  }
0xdf: {  	[smem:$0x7E1] =	sst s17  }
0xe0: {  	[smem:$0x7E2] =	sst s17  }
0xe1: {  	[smem:$0x7E3] =	sst s16  }
0xe2: {  	[smem:$0x7E4] =	sst s16  }
0xe3: {  	[smem:$0x7E5] =	sst s15  }
0xe4: {  	[smem:$0x7E6] =	sst s15  }
0xe5: {  	[smem:$0x7E7] =	sst s14  }
0xe6: {  	[smem:$0x7E8] =	sst s14  }
0xe7: {  	[smem:$0x7E9] =	sst s13  }
0xe8: {  	[smem:$0x7EA] =	sst s13  }
0xe9: {  	[smem:$0x7EB] =	sst s12  }
0xea: {  	[smem:$0x7EC] =	sst s12  }
0xeb: {  	[smem:$0x7ED] =	sst s11  }
0xec: {  	[smem:$0x7EE] =	sst s11  }
0xed: {  	[smem:$0x7EF] =	sst s9  }
0xee: {  	[smem:$0x7F0] =	sst s9  }
0xef: {  	[smem:$0x7F1] =	sst s8  }
0xf0: {  	[smem:$0x7F2] =	sst s8  }
0xf1: {  	[smem:$0x7F3] =	sst s7  }
0xf2: {  	[smem:$0x7F4] =	sst s7  }
0xf3: {  	[smem:$0x7F5] =	sst s6  }
.Ltmp7:
0xf4: {  	[smem:$0x7F6] =	sst s6;
	(pc) =	sbr.rel .LBB1_7-.Ltmp7, $4  }
0xf5: {  	[smem:$0x7F7] =	sst s5  }
0xf6: {  	[smem:$0x7F8] =	sst s5  }
0xf7: {  	[smem:$0x7F9] =	sst s4  }
0xf8: {  	[smem:$0x7FA] =	sst s4;
	s1 =	simm.s32 $0x0  }
.LBB1_17:
0xf9: {  	s1 =	sld [smem:$0x7D7]  }
0xfa: {  	s0 =	sld [smem:$0x7FA]  }
0xfb: {  	s13 =	sld [smem:$0x7F8]  }
0xfc: {  	s14 =	sld [smem:$0x7F6]  }
0xfd: {  	s15 =	sld [smem:$0x7F4]  }
0xfe: {  	s16 =	sld [smem:$0x7F2]  }
0xff: {  	s17 =	sld [smem:$0x7F0]  }
0x100: {  	s18 =	sld [smem:$0x7EE]  }
0x101: {  	s19 =	sld [smem:$0x7EC]  }
0x102: {  	s20 =	sld [smem:$0x7EA]  }
0x103: {  	s22 =	sld [smem:$0x7E8]  }
0x104: {  	s23 =	sld [smem:$0x7E6]  }
0x105: {  	s24 =	sld [smem:$0x7E4]  }
0x106: {  	s26 =	sld [smem:$0x7E2]  }
0x107: {  	s27 =	sld [smem:$0x7E0]  }
0x108: {  	s28 =	rddreg [dreg:$0x1e]  }
0x109: {  	s29 =	sld [smem:$0x7DE]  }
0x10a: {  	s30 =	sld [smem:$0x7DC]  }
0x10b: {  	s31 =	sld [smem:$0x7DA];
	s0 =	sadd.s32 $0x4080, s0  }
0x10c: {  	[smem:$0x7FA] =	sst s0;
	s0 =	sadd.s32 $0x4080, s13  }
0x10d: {  	[smem:$0x7F8] =	sst s0;
	s0 =	sadd.s32 $0x4080, s14  }
0x10e: {  	[smem:$0x7F6] =	sst s0;
	s0 =	sadd.s32 $0x4080, s15  }
0x10f: {  	[smem:$0x7F4] =	sst s0;
	s0 =	sadd.s32 $0x4080, s16  }
0x110: {  	[smem:$0x7F2] =	sst s0;
	s0 =	sadd.s32 $0x4080, s17  }
0x111: {  	[smem:$0x7F0] =	sst s0;
	s0 =	sadd.s32 $0x4080, s18  }
0x112: {  	[smem:$0x7EE] =	sst s0;
	s0 =	sadd.s32 $0x4080, s19  }
0x113: {  	[smem:$0x7EC] =	sst s0;
	s0 =	sadd.s32 $0x4080, s20  }
0x114: {  	[smem:$0x7EA] =	sst s0;
	s0 =	sadd.s32 $0x4080, s22  }
0x115: {  	[smem:$0x7E8] =	sst s0;
	s0 =	sadd.s32 $0x4080, s23  }
0x116: {  	s1 =	sadd.s32 $0x1, s1;
	[smem:$0x7E6] =	sst s0;
	s0 =	sadd.s32 $0x4080, s24  }
0x117: {  	p3 =	sne.s32 s1, s28;
	[smem:$0x7E4] =	sst s0;
	s0 =	sadd.s32 $0x4080, s26  }
.Ltmp8:
0x118: {  	[smem:$0x7E2] =	sst s0;
	s0 =	sadd.s32 $0x4080, s27;
	(pc) =	sbr.rel @!p3 .LBB1_18-.Ltmp8, $4  }
0x119: {  	[smem:$0x7E0] =	sst s0;
	s0 =	sadd.s32 $0x4080, s29  }
0x11a: {  	[smem:$0x7DE] =	sst s0;
	s0 =	sadd.s32 $0x4080, s30  }
0x11b: {  	[smem:$0x7DC] =	sst s0;
	s0 =	sadd.s32 $0x4080, s31  }
0x11c: {  	[smem:$0x7DA] =	sst s0  }
.LBB1_7:
0x11d: {  	s0 =	sld [smem:$0x7FC];
	_ =	sdelay $0x2  }
.Ltmp9:
0x11e: {  	s31 =	sld [smem:$0x7FB];
	s0 =	sadd.s32 s0, s1;
	(pc) =	sbr.rel .LBB1_8-.Ltmp9, $4  }
0x11f: {  	s0 =	sshll.u32 s0, $0x10  }
0x120: {  	s0 =	sshra.s32 s0, $0x2  }
0x121: {  	[smem:$0x7D7] =	sst s1;
	s0 =	sadd.s32 s0, s31  }
0x122: {  	s2 =	simm.s32 $0x0;
	s1 =	simm.s32 $0x0;
	[smem:$0x7D8] =	sst s0  }
.LBB1_16:
0x123: {  	s2 =	sld [smem:$0x7D4];
	_ =	sdelay $0x2  }
0x124: {  	s0 =	rddreg [dreg:$0x1f];
	s2 =	sadd.s32 $0x1, s2  }
0x125: {  	p3 =	sne.s32 s2, s0  }
.Ltmp10:
0x126: {  	_ = 	snop;
	(pc) =	sbr.rel @!p3 .LBB1_17-.Ltmp10, $2  }
0x127: {  	s1 =	sld [smem:$0x7D5];
	_ =	sdelay $0x2  }
0x128: {  	s1 =	sadd.s32 $0x1, s1  }
.LBB1_8:
0x129: {  	[smem:$0x7D4] =	sst s2  }
0x12a: {  	s3 =	sld [smem:$0x7D8]  }
.Ltmp11:
0x12b: {  	s31 =	sld [smem:$0x7DA];
	(pc) =	sbr.rel .LBB1_9-.Ltmp11, $4  }
0x12c: {  	s0 =	sshll.u32 s2, $0x9;
	[smem:$0x7D5] =	sst s1  }
0x12d: {  	s29 =	sand.u32 $0x7F, s1;
	s12 =	simm.s32 $0x0;
	s0 =	sshra.s32 s0, $0x2  }
0x12e: {  	s30 =	sshll.u32 s29, $0x2;
	s20 =	sadd.s32 s0, s3;
	s0 =	sadd.s32 s29, s31  }
0x12f: {  	s1 =	simm.s32 $0x0;
	s17 =	sshrl.u32 s30, $0x2;
	[smem:$0x7D6] =	sst s0  }
.LBB1_15:
0x130: {  	s1 =	sadd.s32 $0x1, s1  }
0x131: {  	p3 =	sne.s32 s1, s10  }
.Ltmp12:
0x132: {  	_ = 	snop;
	(pc) =	sbr.rel @!p3 .LBB1_16-.Ltmp12, $2  }
0x133: {  	_ =	sdelay $0x2  }
0x134: {  	s12 =	sadd.s32 $0x1, s12  }
.LBB1_9:
.Ltmp13:
0x135: {  	(pc) =	sbr.rel @p1 .LBB1_12-.Ltmp13, $3  }
0x136: {  	s0 =	sand.u32 $0x7, s12  }
0x137: {  	s0 =	smul.u32 $0x204, s0;
	_ =	sdelay $0x1  }
0x138: {  	s13 =	sshll.u32 s1, $0x7;
	s26 =	sshrl.u32 s0, $0x2  }
0x139: {  	s0 =	sld [smem:$0x7FA]  }
0x13a: {  	s31 =	sld [smem:$0x7F8]  }
0x13b: {  	s2 =	sld [smem:$0x7F6]  }
0x13c: {  	s3 =	sld [smem:$0x7F4]  }
0x13d: {  	s4 =	sld [smem:$0x7F2]  }
0x13e: {  	s5 =	sld [smem:$0x7F0]  }
0x13f: {  	s6 =	sld [smem:$0x7EE]  }
0x140: {  	s7 =	sld [smem:$0x7EC]  }
0x141: {  	s22 =	sld [smem:$0x7E6]  }
0x142: {  	s14 =	sld [smem:$0x7EA]  }
0x143: {  	s19 =	sld [smem:$0x7E8];
	s9 =	sadd.s32 s26, s4;
	s4 =	sand.u32 $0x380, s13  }
0x144: {  	s11 =	sadd.s32 s26, s3;
	s3 =	sadd.s32 s26, s22;
	s22 =	sadd.s32 s4, s20  }
0x145: {  	s23 =	sld [smem:$0x7E4];
	v5 =	vld [tilespmem:s22+$0x70]  }
0x146: {  	s24 =	sld [smem:$0x7E2];
	v6 =	vld [tilespmem:s22+$0x60]  }
0x147: {  	s18 =	sadd.s32 s26, s0;
	s16 =	sadd.s32 s26, s31;
	s15 =	sadd.s32 s26, s2;
	v7 =	vld [tilespmem:s22+$0x50]  }
0x148: {  	s8 =	sadd.s32 s26, s5;
	s5 =	sadd.s32 s26, s7;
	s2 =	sld [smem:$0x7E0];
	v0 =	vld [tilespmem:s22+$0x40]  }
0x149: {  	s28 =	sadd.s32 s26, s14;
	s7 =	sld [smem:$0x7DE];
	s30 =	sadd.s32 s17, s18;
	v1 =	vld [tilespmem:s22+$0x30]  }
0x14a: {  	s27 =	sadd.s32 s26, s23;
	s14 =	sld [smem:$0x7DC];
	s23 =	sadd.s32 s17, s16;
	v2 =	vld [tilespmem:s22+$0x20];
	[tilespmem:s30+$0x0 ss:$0x81] =	vst.msk $0xffff, v5  }
0x14b: {  	s31 =	sadd.s32 s17, s15;
	v3 =	vld [tilespmem:s22+$0x10];
	[tilespmem:s23+$0x0 ss:$0x81] =	vst.msk $0xffff, v6  }
0x14c: {  	s29 =	sadd.s32 s26, s19;
	s19 =	sadd.s32 s17, s11;
	v4 =	vld [tilespmem:s22+$0x0];
	[tilespmem:s31+$0x0 ss:$0x81] =	vst.msk $0xffff, v7  }
0x14d: {  	s0 =	sadd.s32 s26, s24;
	s24 =	sadd.s32 s17, s9;
	[tilespmem:s19+$0x0 ss:$0x81] =	vst.msk $0xffff, v0  }
0x14e: {  	s6 =	sadd.s32 s26, s6;
	s30 =	sadd.s32 s17, s8;
	[tilespmem:s24+$0x0 ss:$0x81] =	vst.msk $0xffff, v1  }
0x14f: {  	p4 =	sgt.s32 s25, $0x100;
	s31 =	sadd.s32 s17, s6;
	[tilespmem:s30+$0x0 ss:$0x81] =	vst.msk $0xffff, v2  }
.Ltmp14:
0x150: {  	s14 =	sadd.s32 s26, s14;
	s19 =	sadd.s32 s17, s5;
	[tilespmem:s31+$0x0 ss:$0x81] =	vst.msk $0xffff, v3;
	(pc) =	sbr.rel @!p4 .LBB1_11-.Ltmp14, $4  }
0x151: {  	s7 =	sadd.s32 s26, s7;
	s24 =	sadd.s32 s17, s14;
	[tilespmem:s19+$0x0 ss:$0x81] =	vst.msk $0xffff, v4  }
0x152: {  	s2 =	sadd.s32 s26, s2;
	[tilespmem:s24+$0x0 ss:$0x81] =	vst.msk $0xffff, v4;
	s30 =	sadd.s32 s17, s7  }
0x153: {  	s31 =	sadd.s32 s17, s2;
	[tilespmem:s30+$0x0 ss:$0x81] =	vst.msk $0xffff, v3  }
0x154: {  	p3 =	por $0x0, $0x0;
	s4 =	sadd.s32 s17, s0;
	[tilespmem:s31+$0x0 ss:$0x81] =	vst.msk $0xffff, v2  }
0x155: {  	v2 =	vld [tilespmem:s22+$0x70];
	[tilespmem:s4+$0x0 ss:$0x81] =	vst.msk $0xffff, v1;
	s19 =	sadd.s32 s17, s27  }
0x156: {  	v4 =	vld [tilespmem:s22+$0x60];
	s23 =	sadd.s32 s17, s3;
	[tilespmem:s19+$0x0 ss:$0x81] =	vst.msk $0xffff, v0  }
0x157: {  	v3 =	vld [tilespmem:s22+$0x50];
	s24 =	sadd.s32 s17, s29;
	[tilespmem:s23+$0x0 ss:$0x81] =	vst.msk $0xffff, v7  }
0x158: {  	s18 =	sadd.s32 $0x8100, s18;
	v0 =	vld [tilespmem:s22+$0x40];
	[tilespmem:s24+$0x0 ss:$0x81] =	vst.msk $0xffff, v6;
	s19 =	sadd.s32 s17, s28  }
0x159: {  	s16 =	sadd.s32 $0x8100, s16;
	s23 =	sadd.s32 s17, s18;
	[tilespmem:s19+$0x0 ss:$0x81] =	vst.msk $0xffff, v5;
	v5 =	vld [tilespmem:s22+$0x20]  }
0x15a: {  	s15 =	sadd.s32 $0x8100, s15;
	s24 =	sadd.s32 s17, s16;
	v6 =	vld [tilespmem:s22+$0x10];
	[tilespmem:s23+$0x0 ss:$0x81] =	vst.msk $0xffff, v2  }
0x15b: {  	v1 =	vld [tilespmem:s22+$0x30];
	s23 =	sadd.s32 s17, s15;
	[tilespmem:s24+$0x0 ss:$0x81] =	vst.msk $0xffff, v4;
	s24 =	sadd.s32 $0x8100, s11  }
0x15c: {  	s30 =	sadd.s32 $0x8100, s8;
	s19 =	sadd.s32 s17, s24;
	[tilespmem:s23+$0x0 ss:$0x81] =	vst.msk $0xffff, v3  }
0x15d: {  	v7 =	vld [tilespmem:s22+$0x0];
	s8 =	sadd.s32 s17, s30;
	s11 =	sadd.s32 $0x8100, s6;
	[tilespmem:s19+$0x0 ss:$0x81] =	vst.msk $0xffff, v0  }
0x15e: {  	s31 =	sadd.s32 $0x8100, s5;
	s23 =	sadd.s32 $0x8100, s9;
	s6 =	sadd.s32 s17, s11;
	[tilespmem:s8+$0x0 ss:$0x81] =	vst.msk $0xffff, v5  }
0x15f: {  	s7 =	sadd.s32 $0x8100, s7;
	p4 =	sgt.s32 s25, $0x200;
	s9 =	sadd.s32 s17, s23;
	[tilespmem:s6+$0x0 ss:$0x81] =	vst.msk $0xffff, v6  }
.Ltmp15:
0x160: {  	s5 =	simm.s32 $0x200;
	s19 =	sadd.s32 s17, s7;
	[tilespmem:s9+$0x0 ss:$0x81] =	vst.msk $0xffff, v1;
	(pc) =	sbr.rel @!p4 .LBB1_23-.Ltmp15, $4  }
0x161: {  	s27 =	sadd.s32 $0x8100, s27;
	s8 =	sadd.s32 $0x8100, s14;
	s9 =	sadd.s32 s17, s31;
	[tilespmem:s19+$0x0 ss:$0x81] =	vst.msk $0xffff, v6  }
0x162: {  	p3 =	por $0x1, $0x1;
	s14 =	sadd.s32 s17, s8;
	[tilespmem:s9+$0x0 ss:$0x81] =	vst.msk $0xffff, v7;
	s9 =	sadd.s32 $0x8100, s2  }
0x163: {  	s6 =	sadd.s32 $0x8100, s0;
	s0 =	smov.u32 s28;
	[tilespmem:s14+$0x0 ss:$0x81] =	vst.msk $0xffff, v7;
	s2 =	sadd.s32 s17, s9  }
0x164: {  	s4 =	sadd.s32 s17, s6;
	s14 =	smov.u32 s3;
	[tilespmem:s2+$0x0 ss:$0x81] =	vst.msk $0xffff, v5;
	s2 =	smov.u32 s29  }
.LBB1_24:
0x165: {  	v5 =	vld [tilespmem:s22+$0x70];
	[tilespmem:s4+$0x0 ss:$0x81] =	vst.msk $0xffff, v1;
	s4 =	sadd.s32 s17, s27;
	s14 =	sadd.s32 $0x8100, s14  }
0x166: {  	s2 =	sadd.s32 $0x8100, s2;
	v6 =	vld [tilespmem:s22+$0x60];
	[tilespmem:s4+$0x0 ss:$0x81] =	vst.msk $0xffff, v0;
	s4 =	sadd.s32 s17, s14  }
0x167: {  	s0 =	sadd.s32 $0x8100, s0;
	[tilespmem:s4+$0x0 ss:$0x81] =	vst.msk $0xffff, v3;
	v3 =	vld [tilespmem:s22+$0x50];
	s4 =	sadd.s32 s17, s2  }
0x168: {  	s18 =	sadd.s32 $0x8100, s18;
	v0 =	vld [tilespmem:s22+$0x40];
	[tilespmem:s4+$0x0 ss:$0x81] =	vst.msk $0xffff, v4;
	s4 =	sadd.s32 s17, s0  }
0x169: {  	s16 =	sadd.s32 $0x8100, s16;
	s19 =	sadd.s32 s17, s18;
	v1 =	vld [tilespmem:s22+$0x30];
	[tilespmem:s4+$0x0 ss:$0x81] =	vst.msk $0xffff, v2  }
0x16a: {  	s15 =	sadd.s32 $0x8100, s15;
	s4 =	sadd.s32 s17, s16;
	v7 =	vld [tilespmem:s22+$0x20];
	[tilespmem:s19+$0x0 ss:$0x81] =	vst.msk $0xffff, v5;
	v2 =	vmov v5  }
0x16b: {  	s24 =	sadd.s32 $0x8100, s24;
	s19 =	sadd.s32 s17, s15;
	v5 =	vld [tilespmem:s22+$0x10];
	[tilespmem:s4+$0x0 ss:$0x81] =	vst.msk $0xffff, v6;
	v4 =	vmov v6  }
0x16c: {  	s5 =	sadd.s32 $0x100, s5;
	s23 =	sadd.s32 $0x8100, s23;
	s4 =	sadd.s32 s17, s24;
	v6 =	vld [tilespmem:s22+$0x0];
	[tilespmem:s19+$0x0 ss:$0x81] =	vst.msk $0xffff, v3  }
0x16d: {  	s30 =	sadd.s32 $0x8100, s30;
	p4 =	slt.s32 s5, s25;
	s19 =	sadd.s32 s17, s23;
	[tilespmem:s4+$0x0 ss:$0x81] =	vst.msk $0xffff, v0  }
0x16e: {  	s11 =	sadd.s32 $0x8100, s11;
	s4 =	sadd.s32 s17, s30;
	[tilespmem:s19+$0x0 ss:$0x81] =	vst.msk $0xffff, v1  }
0x16f: {  	s31 =	sadd.s32 $0x8100, s31;
	s19 =	sadd.s32 s17, s11;
	[tilespmem:s4+$0x0 ss:$0x81] =	vst.msk $0xffff, v7  }
.Ltmp16:
0x170: {  	s8 =	sadd.s32 $0x8100, s8;
	s4 =	sadd.s32 s17, s31;
	[tilespmem:s19+$0x0 ss:$0x81] =	vst.msk $0xffff, v5;
	(pc) =	sbr.rel @p4 .LBB1_24-.Ltmp16, $4  }
0x171: {  	s7 =	sadd.s32 $0x8100, s7;
	s19 =	sadd.s32 s17, s8;
	[tilespmem:s4+$0x0 ss:$0x81] =	vst.msk $0xffff, v6  }
0x172: {  	s9 =	sadd.s32 $0x8100, s9;
	s4 =	sadd.s32 s17, s7;
	[tilespmem:s19+$0x0 ss:$0x81] =	vst.msk $0xffff, v6  }
0x173: {  	s6 =	sadd.s32 $0x8100, s6;
	[tilespmem:s4+$0x0 ss:$0x81] =	vst.msk $0xffff, v5;
	s4 =	sadd.s32 s17, s9  }
0x174: {  	s27 =	sadd.s32 $0x8100, s27;
	[tilespmem:s4+$0x0 ss:$0x81] =	vst.msk $0xffff, v7;
	s4 =	sadd.s32 s17, s6  }
0x175: {  	v7 =	vmov v3;
	v6 =	vmov v4;
	v5 =	vmov v2  }
.LBB1_26:
0x176: {  	s5 =	sadd.s32 @p3 $0x8100, s14  }
0x177: {  	[tilespmem:s4+$0x0 ss:$0x81] =	vst.msk $0xffff, v1;
	s31 =	sadd.s32 s17, s27;
	s2 =	sadd.s32 @p3 $0x8100, s2;
	s3 =	smov.u32 @p3 s5  }
0x178: {  	s0 =	sadd.s32 @p3 $0x8100, s0;
	[tilespmem:s31+$0x0 ss:$0x81] =	vst.msk $0xffff, v0;
	s29 =	smov.u32 @p3 s2;
	s3 =	sadd.s32 s17, s3  }
0x179: {  	s28 =	smov.u32 @p3 s0;
	s2 =	sadd.s32 s17, s29;
	[tilespmem:s3+$0x0 ss:$0x81] =	vst.msk $0xffff, v7  }
0x17a: {  	s0 =	sadd.s32 s17, s28;
	[tilespmem:s2+$0x0 ss:$0x81] =	vst.msk $0xffff, v6  }
0x17b: {  	[tilespmem:s0+$0x0 ss:$0x81] =	vst.msk $0xffff, v5  }
.LBB1_12:
.Ltmp17:
0x17c: {  	(pc) =	sbr.rel @p2 .LBB1_15-.Ltmp17, $1  }
0x17d: {  	_ =	sdelay $0x3  }
0x17e: {  	s0 =	sand.u32 $0x380, s13  }
0x17f: {  	s2 =	sadd.s32 s0, s20  }
0x180: {  	s31 =	sld [smem:$0x7D6];
	v0 =	vmov s2;
	_ =	sdelay $0x2  }
0x181: {  	s2 =	smov.u32 s25;
	s0 =	sadd.s32 s26, s31  }
.LBB1_14:
0x182: {  	s3 =	sand.u32 $0x70, s2;
	s2 =	sadd.s32 $0x10, s2  }
0x183: {  	v1 =	vld.idx.msk [tilespmem:v0+s3+$0x0 ss:$0x1], $0xffff;
	p3 =	slt.s32 s2, s21  }
.Ltmp18:
0x184: {  	_ = 	snop;
	(pc) =	sbr.rel @p3 .LBB1_14-.Ltmp18, $2  }
0x185: {  	_ =	sdelay $0x2  }
0x186: {  	[tilespmem:s0+$0x0 ss:$0x81] =	vst.msk $0xffff, v1;
	s0 =	sadd.s32 $0x810, s0  }
.Ltmp19:
0x187: {  	_ = 	snop;
	(pc) =	sbr.rel .LBB1_15-.Ltmp19, $1  }
0x188: {  	_ =	sdelay $0x3  }
.LBB1_11:
.Ltmp20:
0x189: {  	(pc) =	sbr.rel .LBB1_26-.Ltmp20, $2  }
0x18a: {  	_ =	sdelay $0x2  }
0x18b: {  	s14 =	smov.u32 s3;
	s2 =	smov.u32 s29;
	s0 =	smov.u32 s28  }
.LBB1_23:
.Ltmp21:
0x18c: {  	(pc) =	sbr.rel .LBB1_26-.Ltmp21, $2  }
0x18d: {  	_ =	sdelay $0x2  }
0x18e: {  	s14 =	smov.u32 s3;
	s2 =	smov.u32 s29;
	v7 =	vmov v3;
	s0 =	smov.u32 s28;
	v6 =	vmov v4;
	v5 =	vmov v2  }
.LBB1_21:
0x18f: {  	_ =	sfence.sel $0x180000  }
0x190: {  	s0 =	simm.s32 $0x1;
	[bflag:$0x0] =	sbarrier.arrive $0xFFFF  }
0x191: {  	s30 =	simm.s32 $0x2;
	[sflag:s0] =	ssyncpa.u1 $0x1  }
0x192: {  	[sflag:s30] =	ssyncpa.u1 $0x1  }
0x193: {  	_ =	strace $0x90000059  }
0x194: {  	s31 =	stileid.u32;
	[bflag:$0x2] =	sbarrier.arrive $0xFFFF  }
0x195: {  	p0 =	sne.s32 s31, $0x0;
	s0 =	rddreg [dreg:$0x2]  }
0x196: {  	s0 =	sadd.s32 @!p0 $0x100000, s0  }
0x197: {  	[sflag:s0] =	ssyncadd.tile.s32 @!p0 $0x1;
	_ =	shalt  }
.Lfunc_end1:
_tile_overlayer_lowered:
.L_overlay_start_2:
0x198: {  	(tag) =	ssettag $0x2  }
0x199: {  	s0 =	rddreg [dreg:$0x0];
	s2 =	stileid.u32  }
0x19a: {  	s1 =	rddreg [dreg:$0x1];
	p0 =	sne.s32 s2, $0x0  }
0x19b: {  	s3 =	rddreg [dreg:$0x2];
	[bflag:$0x3] =	sbarrier.arrive $0xFFFF;
	s2 =	simm.s32 @!p0 $0x1C01  }
0x19c: {  	[timem:s3], [sflag:s2] =	dma.local @!p0 [hbm:s0], s1  }
0x19d: {  	s0 =	simm.s32 @!p0 $0x1  }
0x19e: {  	_ =	swait.ge @!p0 [sflag:s0], s1  }
0x19f: {  	s1 =	ssub.s32 @!p0 $0x0, s1;
	[sflag:s0] =	ssyncset.done @!p0 $0x0  }
0x1a0: {  	[sflag:s0] =	ssyncadd.s32 @!p0 s1  }
0x1a1: {  	[bflag:$0x3] =	sbarrier.arrive $0xFFFF  }
0x1a2: {  	_ =	shalt  }

</sc_bundles>
